<compile_context>
chip_gen: v7x
topology: tpu7x:2x2x1
jax: 0.10.2.dev20260603
libtpu: 0.0.44.dev20260713+nightly
codegen_flags: <defaults>
</compile_context>

<pallas_src>
import functools

import jax
import jax.numpy as jnp
from jax import lax
from jax.experimental import pallas as pl
from jax.experimental.pallas import tpu as pltpu
from jax.experimental.pallas import tpu_sc as plsc

N = 10000
E = 320000
D = 128
DH = D // 2

NC = 2
NS = 16
NW = NC * NS
CHUNK = 80
CPW = 125
E_PAD = NW * CPW * CHUNK
N_PAD = 10112
RPT = N_PAD // NS
GRP = 4
CPT = E_PAD // (NS * CHUNK)
QCPT = 50

_mesh = plsc.VectorSubcoreMesh(core_axis_name="c", subcore_axis_name="s")
_SC_PARAMS = pltpu.CompilerParams(use_tc_tiling_on_sc=False,
                                  needs_layout_passes=False)



@functools.partial(
    pl.kernel,
    out_type=jax.ShapeDtypeStruct((NC * N_PAD, 16), jnp.float32),
    mesh=_mesh,
    compiler_params=_SC_PARAMS,
    scratch_types=[
        pltpu.VMEM((CPW, CHUNK), jnp.int32),
        pltpu.VMEM((CHUNK, 16), jnp.float32),
        pltpu.SemaphoreType.DMA,
        pltpu.VMEM_SHARED((N_PAD, 16), jnp.float32),
    ],
)
def _sc_degree(dst2d, ones_hbm, zeros_hbm, deg_out, dst_idx, ones_v, sem, deg_sh):
    cid = lax.axis_index("c")
    sid = lax.axis_index("s")
    w = cid * NS + sid
    pltpu.sync_copy(zeros_hbm.at[pl.ds(sid * RPT, RPT)],
                    deg_sh.at[pl.ds(sid * RPT, RPT)])
    pltpu.sync_copy(ones_hbm, ones_v)
    pltpu.sync_copy(dst2d.at[pl.ds(w * CPW, CPW)], dst_idx)
    plsc.subcore_barrier()

    def fire(j, carry):
        pltpu.async_copy(ones_v, deg_sh.at[dst_idx.at[j]], sem, add=True)
        return carry

    lax.fori_loop(0, CPW, fire, 0)

    def drain(j, carry):
        pltpu.make_async_copy(ones_hbm, ones_v, sem).wait()
        return carry

    lax.fori_loop(0, CPW, drain, 0)
    plsc.subcore_barrier()
    pltpu.sync_copy(deg_sh.at[pl.ds(sid * RPT, RPT)],
                    deg_out.at[pl.ds(cid * N_PAD + sid * RPT, RPT)])



@functools.partial(
    pl.kernel,
    out_type=jax.ShapeDtypeStruct((N_PAD, D), jnp.float32),
    mesh=_mesh,
    compiler_params=_SC_PARAMS,
    scratch_types=(
        [pltpu.VMEM((QCPT, CHUNK), jnp.int32)] * 2
        + [pltpu.VMEM((CHUNK, DH), jnp.float32)] * (2 * GRP)
        + [pltpu.SemaphoreType.DMA] * (4 * GRP)
        + [pltpu.VMEM_SHARED((N_PAD, DH), jnp.float32)] * 2
    ),
)
def _sc_aggregate(src2d, dst2d, h_hbm, zeros_hbm, agg_out, *refs):
    src_idx, dst_idx = refs[0], refs[1]
    rows = refs[2:2 + 2 * GRP]
    gsem = refs[2 + 2 * GRP:2 + 4 * GRP]
    ssem = refs[2 + 4 * GRP:2 + 6 * GRP]
    h_sh, agg_sh = refs[2 + 6 * GRP], refs[3 + 6 * GRP]
    cid = lax.axis_index("c")
    sid = lax.axis_index("s")
    pltpu.sync_copy(h_hbm.at[pl.ds(sid * RPT, RPT), pl.ds(cid * DH, DH)],
                    h_sh.at[pl.ds(sid * RPT, RPT)])
    pltpu.sync_copy(zeros_hbm.at[pl.ds(sid * RPT, RPT)],
                    agg_sh.at[pl.ds(sid * RPT, RPT)])
    plsc.subcore_barrier()

    NGRP = QCPT // GRP + 1
    _gcnt = lambda g: GRP if g < QCPT // GRP else QCPT - GRP * (QCPT // GRP)

    def fire_gathers(g):
        h0 = (g % 2) * GRP
        for b in range(_gcnt(g)):
            pltpu.async_copy(h_sh.at[src_idx.at[GRP * g + b]],
                             rows[h0 + b], gsem[h0 + b])

    def quarter(qq, carry):
        base = sid * CPT + qq * QCPT
        pltpu.sync_copy(src2d.at[pl.ds(base, QCPT)], src_idx)
        pltpu.sync_copy(dst2d.at[pl.ds(base, QCPT)], dst_idx)
        fire_gathers(0)
        for g in range(NGRP):
            h0 = (g % 2) * GRP
            if g + 1 < NGRP:
                fire_gathers(g + 1)
            for b in range(_gcnt(g)):
                pltpu.make_async_copy(h_sh.at[src_idx.at[GRP * g + b]],
                                      rows[h0 + b], gsem[h0 + b]).wait()
            for b in range(_gcnt(g)):
                pltpu.async_copy(rows[h0 + b],
                                 agg_sh.at[dst_idx.at[GRP * g + b]],
                                 ssem[h0 + b], add=True)
            for b in range(_gcnt(g)):
                pltpu.make_async_copy(zeros_hbm.at[pl.ds(0, CHUNK)],
                                      rows[h0 + b], ssem[h0 + b]).wait()
        return carry

    lax.fori_loop(0, CPT // QCPT, quarter, 0)
    plsc.subcore_barrier()
    pltpu.sync_copy(agg_sh.at[pl.ds(sid * RPT, RPT)],
                    agg_out.at[pl.ds(sid * RPT, RPT), pl.ds(cid * DH, DH)])



def _norm_from_deg(dega, degb):
    deg = dega[:, 0:1] + degb[:, 0:1]
    return jnp.where(deg > 0.0, lax.rsqrt(jnp.maximum(deg, 1.0)), 0.0)


def _tc_scale_body(dega_ref, degb_ref, feats_ref, h_ref):
    norm = _norm_from_deg(dega_ref[...], degb_ref[...])
    h_ref[...] = feats_ref[...] * norm


def _tc_out_body(agg_ref, dega_ref, degb_ref, w_ref, b_ref, out_ref):
    norm = _norm_from_deg(dega_ref[...], degb_ref[...])
    agg = agg_ref[...] * norm
    out_ref[...] = lax.dot_general(
        agg, w_ref[...], (((1,), (1,)), ((), ())),
        preferred_element_type=jnp.float32) + b_ref[...]


_BLK = 2000


def _tc_scale(dega, degb, feats):
    return pl.pallas_call(
        _tc_scale_body,
        grid=(N // _BLK,),
        in_specs=[
            pl.BlockSpec((_BLK, 16), lambda i: (i, 0)),
            pl.BlockSpec((_BLK, 16), lambda i: (i, 0)),
            pl.BlockSpec((_BLK, D), lambda i: (i, 0)),
        ],
        out_specs=pl.BlockSpec((_BLK, D), lambda i: (i, 0)),
        out_shape=jax.ShapeDtypeStruct((N_PAD, D), jnp.float32),
    )(dega, degb, feats)


def _tc_linear(agg, dega, degb, W, b2d):
    return pl.pallas_call(
        _tc_out_body,
        grid=(N // _BLK,),
        in_specs=[
            pl.BlockSpec((_BLK, D), lambda i: (i, 0)),
            pl.BlockSpec((_BLK, 16), lambda i: (i, 0)),
            pl.BlockSpec((_BLK, 16), lambda i: (i, 0)),
            pl.BlockSpec((D, D), lambda i: (0, 0)),
            pl.BlockSpec((1, D), lambda i: (0, 0)),
        ],
        out_specs=pl.BlockSpec((_BLK, D), lambda i: (i, 0)),
        out_shape=jax.ShapeDtypeStruct((N, D), jnp.float32),
    )(agg, dega, degb, W, b2d)



def kernel(feats, edge_index, W, b):
    src2d = edge_index[0].reshape(E // CHUNK, CHUNK)
    dst2d = edge_index[1].reshape(E // CHUNK, CHUNK)
    ones16 = jnp.ones((CHUNK, 16), jnp.float32)
    zeros16 = jnp.zeros((N_PAD, 16), jnp.float32)
    zeros64 = jnp.zeros((N_PAD, DH), jnp.float32)

    deg2 = _sc_degree(dst2d, ones16, zeros16)
    dega, degb = deg2[:N_PAD], deg2[N_PAD:]

    h = _tc_scale(dega, degb, feats)

    agg = _sc_aggregate(src2d, dst2d, h, zeros64)

    out = _tc_linear(agg, dega, degb, W, b.reshape(1, D))
    return ([out], out)

# --- scband reference (transcript-rebuilt; emitter-appended) ---
"""Pipeline reference for scband-sgcn-33088428048395 (READ-ONLY COPY).

The authoritative reference and input builder live on the scoring server;
editing this copy changes nothing except your own understanding.
"""

import jax, jax.numpy as jnp
import numpy as np

N_NODES = 10000
N_EDGES = 320000
D_IN = 128
D_OUT = 128


def setup_inputs(seed: int = 0) -> dict:
    key = jax.random.key(seed)
    k1, k2, k3 = jax.random.split(key, 3)
    feats = jax.random.normal(k1, (N_NODES, D_IN), dtype=jnp.float32)
    edge_index = jax.random.randint(k2, (2, N_EDGES), 0, N_NODES, dtype=jnp.int32)
    # Linear layer params of SGConv fc (torch nn.Linear: W is [out, in], y = x W^T + b)
    W = jax.random.normal(k3, (D_OUT, D_IN), dtype=jnp.float32) * (1.0 / np.sqrt(D_IN))
    b = jnp.zeros((D_OUT,), dtype=jnp.float32)
    return {"feats": feats, "edge_index": edge_index, "W": W, "b": b}


def reference(feats, edge_index, W, b):
    # SGConv with k=1 (DGL semantics, norm='both'):
    #   norm = in_degree^{-1/2}; h = norm * (A @ (norm * x)); out = h W^T + b
    src = edge_index[0]
    dst = edge_index[1]
    N = feats.shape[0]
    ones = jnp.ones((src.shape[0],), dtype=feats.dtype)
    deg = jax.ops.segment_sum(ones, dst, num_segments=N)
    norm = jnp.where(deg > 0, jax.lax.rsqrt(jnp.maximum(deg, 1.0)), 0.0)
    h = feats * norm[:, None]
    msgs = jnp.take(h, src, axis=0)
    agg = jax.ops.segment_sum(msgs, dst, num_segments=N)
    agg = agg * norm[:, None]
    out = agg @ W.T + b
    # forward returns ([h], h)
    return ([out], out)

if __name__ == "__main__":
    import jax
    _d = setup_inputs()
    print(jax.jit(kernel)(*tuple(_d.values())))

</pallas_src>

<mosaic_0001>
#map = affine_map<(d0, d1) -> (0, 0)>
module attributes {stable_mosaic.version = 14 : i64} {
  func.func @_sc_aggregate(%arg0: i32, %arg1: i32, %arg2: memref<4000x80xi32, #tpu.memory_space<hbm>>, %arg3: memref<4000x80xi32, #tpu.memory_space<hbm>>, %arg4: memref<10112x128xf32, #tpu.memory_space<hbm>>, %arg5: memref<10112x64xf32, #tpu.memory_space<hbm>>, %arg6: memref<10112x128xf32, #tpu.memory_space<hbm>>, %arg7: memref<50x80xi32, #tpu.memory_space<vmem>>, %arg8: memref<50x80xi32, #tpu.memory_space<vmem>>, %arg9: memref<80x64xf32, #tpu.memory_space<vmem>>, %arg10: memref<80x64xf32, #tpu.memory_space<vmem>>, %arg11: memref<80x64xf32, #tpu.memory_space<vmem>>, %arg12: memref<80x64xf32, #tpu.memory_space<vmem>>, %arg13: memref<80x64xf32, #tpu.memory_space<vmem>>, %arg14: memref<80x64xf32, #tpu.memory_space<vmem>>, %arg15: memref<80x64xf32, #tpu.memory_space<vmem>>, %arg16: memref<80x64xf32, #tpu.memory_space<vmem>>, %arg17: memref<!tpu.dma_semaphore, #tpu.memory_space<semaphore_mem>>, %arg18: memref<!tpu.dma_semaphore, #tpu.memory_space<semaphore_mem>>, %arg19: memref<!tpu.dma_semaphore, #tpu.memory_space<semaphore_mem>>, %arg20: memref<!tpu.dma_semaphore, #tpu.memory_space<semaphore_mem>>, %arg21: memref<!tpu.dma_semaphore, #tpu.memory_space<semaphore_mem>>, %arg22: memref<!tpu.dma_semaphore, #tpu.memory_space<semaphore_mem>>, %arg23: memref<!tpu.dma_semaphore, #tpu.memory_space<semaphore_mem>>, %arg24: memref<!tpu.dma_semaphore, #tpu.memory_space<semaphore_mem>>, %arg25: memref<!tpu.dma_semaphore, #tpu.memory_space<semaphore_mem>>, %arg26: memref<!tpu.dma_semaphore, #tpu.memory_space<semaphore_mem>>, %arg27: memref<!tpu.dma_semaphore, #tpu.memory_space<semaphore_mem>>, %arg28: memref<!tpu.dma_semaphore, #tpu.memory_space<semaphore_mem>>, %arg29: memref<!tpu.dma_semaphore, #tpu.memory_space<semaphore_mem>>, %arg30: memref<!tpu.dma_semaphore, #tpu.memory_space<semaphore_mem>>, %arg31: memref<!tpu.dma_semaphore, #tpu.memory_space<semaphore_mem>>, %arg32: memref<!tpu.dma_semaphore, #tpu.memory_space<semaphore_mem>>, %arg33: memref<10112x64xf32, #tpu.memory_space<vmem_shared>>, %arg34: memref<10112x64xf32, #tpu.memory_space<vmem_shared>>) attributes {dimension_semantics = [#tpu.dimension_semantics<core_parallel>, #tpu.dimension_semantics<subcore_parallel>], iteration_bounds = array<i64: 2, 16>, scalar_prefetch = 0 : i64, scratch_operands = 28 : i64, tpu.core_type = #tpu.core_type<sc_vector_subcore>, window_params = [{transform_indices = #map}, {transform_indices = #map}, {transform_indices = #map}, {transform_indices = #map}, {transform_indices = #map}]} {
    %mul3A = arith.constant 632 : i32
    %mul3A_0 = arith.muli %arg1, %mul3A : i32
    %mul3A_1 = arith.constant 64 : i32
    %mul3A_2 = arith.muli %arg0, %mul3A_1 : i32
    %mul3A_3 = arith.constant 632 : i32
    %mul3A_4 = arith.muli %arg1, %mul3A_3 : i32
    "tpu.region"() ({
      %run_scoped3A = tpu.sem_alloc : memref<!tpu.dma_semaphore, #tpu.memory_space<semaphore_mem>>
      %dma_start3A = arith.constant 0 : i32
      %dma_start3A_21 = tpu.memref_slice %arg33[%mul3A_4, %dma_start3A] : memref<10112x64xf32, #tpu.memory_space<vmem_shared>> -> memref<632x64xf32, #tpu.memory_space<vmem_shared>>
      %dma_start3A_22 = tpu.memref_slice %arg4[%mul3A_0, %mul3A_2] : memref<10112x128xf32, #tpu.memory_space<hbm>> -> memref<632x64xf32, #tpu.memory_space<hbm>>
      tpu.enqueue_dma source(%dma_start3A_22 : memref<632x64xf32, #tpu.memory_space<hbm>>) target(%dma_start3A_21 : memref<632x64xf32, #tpu.memory_space<vmem_shared>>) target_semaphore(%run_scoped3A : memref<!tpu.dma_semaphore, #tpu.memory_space<semaphore_mem>>)
      %dma_wait3A = arith.constant 0 : i32
      %dma_wait3A_23 = tpu.memref_slice %arg33[%mul3A_4, %dma_wait3A] : memref<10112x64xf32, #tpu.memory_space<vmem_shared>> -> memref<632x64xf32, #tpu.memory_space<vmem_shared>>
      %dma_wait3A_24 = tpu.memref_slice %arg4[%mul3A_0, %mul3A_2] : memref<10112x128xf32, #tpu.memory_space<hbm>> -> memref<632x64xf32, #tpu.memory_space<hbm>>
      tpu.wait_dma2 semaphore(%run_scoped3A : memref<!tpu.dma_semaphore, #tpu.memory_space<semaphore_mem>>) src(%dma_wait3A_24 : memref<632x64xf32, #tpu.memory_space<hbm>>) dst(%dma_wait3A_23 : memref<632x64xf32, #tpu.memory_space<vmem_shared>>)
      tpu.yield
    }) : () -> ()
    %mul3A_5 = arith.constant 632 : i32
    %mul3A_6 = arith.muli %arg1, %mul3A_5 : i32
    %mul3A_7 = arith.constant 632 : i32
    %mul3A_8 = arith.muli %arg1, %mul3A_7 : i32
    "tpu.region"() ({
      %run_scoped3A = tpu.sem_alloc : memref<!tpu.dma_semaphore, #tpu.memory_space<semaphore_mem>>
      %dma_start3A = arith.constant 0 : i32
      %dma_start3A_21 = tpu.memref_slice %arg34[%mul3A_8, %dma_start3A] : memref<10112x64xf32, #tpu.memory_space<vmem_shared>> -> memref<632x64xf32, #tpu.memory_space<vmem_shared>>
      %dma_start3A_22 = arith.constant 0 : i32
      %dma_start3A_23 = tpu.memref_slice %arg5[%mul3A_6, %dma_start3A_22] : memref<10112x64xf32, #tpu.memory_space<hbm>> -> memref<632x64xf32, #tpu.memory_space<hbm>>
      tpu.enqueue_dma source(%dma_start3A_23 : memref<632x64xf32, #tpu.memory_space<hbm>>) target(%dma_start3A_21 : memref<632x64xf32, #tpu.memory_space<vmem_shared>>) target_semaphore(%run_scoped3A : memref<!tpu.dma_semaphore, #tpu.memory_space<semaphore_mem>>)
      %dma_wait3A = arith.constant 0 : i32
      %dma_wait3A_24 = tpu.memref_slice %arg34[%mul3A_8, %dma_wait3A] : memref<10112x64xf32, #tpu.memory_space<vmem_shared>> -> memref<632x64xf32, #tpu.memory_space<vmem_shared>>
      %dma_wait3A_25 = arith.constant 0 : i32
      %dma_wait3A_26 = tpu.memref_slice %arg5[%mul3A_6, %dma_wait3A_25] : memref<10112x64xf32, #tpu.memory_space<hbm>> -> memref<632x64xf32, #tpu.memory_space<hbm>>
      tpu.wait_dma2 semaphore(%run_scoped3A : memref<!tpu.dma_semaphore, #tpu.memory_space<semaphore_mem>>) src(%dma_wait3A_26 : memref<632x64xf32, #tpu.memory_space<hbm>>) dst(%dma_wait3A_24 : memref<632x64xf32, #tpu.memory_space<vmem_shared>>)
      tpu.yield
    }) : () -> ()
    %barrier3A = arith.constant 0 : index
    tpu.barrier barrier_id(%barrier3A)
    %scan3A = arith.constant 0 : i32
    %scan3A_9 = arith.constant 0 : i32
    %scan3A_10 = arith.constant 5 : i32
    %scan3A_11 = arith.addi %scan3A_9, %scan3A_10 : i32
    %scan3A_12 = arith.constant 1 : i32
    scf.for %scan3A_21 = %scan3A_9 to %scan3A_11 step %scan3A_12  : i32 {
      %mul3A_22 = arith.constant 250 : i32
      %mul3A_23 = arith.muli %arg1, %mul3A_22 : i32
      %mul3A_24 = arith.constant 50 : i32
      %mul3A_25 = arith.muli %scan3A_21, %mul3A_24 : i32
      %add3A = arith.addi %mul3A_23, %mul3A_25 : i32
      "tpu.region"() ({
        %run_scoped3A = tpu.sem_alloc : memref<!tpu.dma_semaphore, #tpu.memory_space<semaphore_mem>>
        %dma_start3A_1374 = arith.constant 0 : i32
        %dma_start3A_1375 = tpu.memref_slice %arg2[%add3A, %dma_start3A_1374] : memref<4000x80xi32, #tpu.memory_space<hbm>> -> memref<50x80xi32, #tpu.memory_space<hbm>>
        %dma_start3A_1376 = arith.constant 0 : i32
        %dma_start3A_1377 = tpu.memref_slice %arg2[%add3A, %dma_start3A_1376] : memref<4000x80xi32, #tpu.memory_space<hbm>> -> memref<50x80xi32, #tpu.memory_space<hbm>>
        tpu.enqueue_dma source(%dma_start3A_1377 : memref<50x80xi32, #tpu.memory_space<hbm>>) target(%arg7 : memref<50x80xi32, #tpu.memory_space<vmem>>) target_semaphore(%run_scoped3A : memref<!tpu.dma_semaphore, #tpu.memory_space<semaphore_mem>>)
        %dma_wait3A_1378 = arith.constant 0 : i32
        %dma_wait3A_1379 = tpu.memref_slice %arg2[%add3A, %dma_wait3A_1378] : memref<4000x80xi32, #tpu.memory_space<hbm>> -> memref<50x80xi32, #tpu.memory_space<hbm>>
        %dma_wait3A_1380 = arith.constant 0 : i32
        %dma_wait3A_1381 = tpu.memref_slice %arg2[%add3A, %dma_wait3A_1380] : memref<4000x80xi32, #tpu.memory_space<hbm>> -> memref<50x80xi32, #tpu.memory_space<hbm>>
        tpu.wait_dma2 semaphore(%run_scoped3A : memref<!tpu.dma_semaphore, #tpu.memory_space<semaphore_mem>>) src(%dma_wait3A_1381 : memref<50x80xi32, #tpu.memory_space<hbm>>) dst(%arg7 : memref<50x80xi32, #tpu.memory_space<vmem>>)
        tpu.yield
      }) : () -> ()
      "tpu.region"() ({
        %run_scoped3A = tpu.sem_alloc : memref<!tpu.dma_semaphore, #tpu.memory_space<semaphore_mem>>
        %dma_start3A_1374 = arith.constant 0 : i32
        %dma_start3A_1375 = tpu.memref_slice %arg3[%add3A, %dma_start3A_1374] : memref<4000x80xi32, #tpu.memory_space<hbm>> -> memref<50x80xi32, #tpu.memory_space<hbm>>
        %dma_start3A_1376 = arith.constant 0 : i32
        %dma_start3A_1377 = tpu.memref_slice %arg3[%add3A, %dma_start3A_1376] : memref<4000x80xi32, #tpu.memory_space<hbm>> -> memref<50x80xi32, #tpu.memory_space<hbm>>
        tpu.enqueue_dma source(%dma_start3A_1377 : memref<50x80xi32, #tpu.memory_space<hbm>>) target(%arg8 : memref<50x80xi32, #tpu.memory_space<vmem>>) target_semaphore(%run_scoped3A : memref<!tpu.dma_semaphore, #tpu.memory_space<semaphore_mem>>)
        %dma_wait3A_1378 = arith.constant 0 : i32
        %dma_wait3A_1379 = tpu.memref_slice %arg3[%add3A, %dma_wait3A_1378] : memref<4000x80xi32, #tpu.memory_space<hbm>> -> memref<50x80xi32, #tpu.memory_space<hbm>>
        %dma_wait3A_1380 = arith.constant 0 : i32
        %dma_wait3A_1381 = tpu.memref_slice %arg3[%add3A, %dma_wait3A_1380] : memref<4000x80xi32, #tpu.memory_space<hbm>> -> memref<50x80xi32, #tpu.memory_space<hbm>>
        tpu.wait_dma2 semaphore(%run_scoped3A : memref<!tpu.dma_semaphore, #tpu.memory_space<semaphore_mem>>) src(%dma_wait3A_1381 : memref<50x80xi32, #tpu.memory_space<hbm>>) dst(%arg8 : memref<50x80xi32, #tpu.memory_space<vmem>>)
        tpu.yield
      }) : () -> ()
      %dma_start3A = arith.constant 0 : i32
      %dma_start3A_26 = arith.constant 0 : i32
      %dma_start3A_27 = tpu.memref_slice %arg7[%dma_start3A, %dma_start3A_26] : memref<50x80xi32, #tpu.memory_space<vmem>> -> memref<1x80xi32, #tpu.memory_space<vmem>>
      %dma_start3A_28 = tpu.memref_squeeze %dma_start3A_27 : memref<1x80xi32, #tpu.memory_space<vmem>> -> memref<80xi32, #tpu.memory_space<vmem>>
      %dma_start3A_29 = arith.constant 0 : i32
      %dma_start3A_30 = arith.constant 0 : i32
      %dma_start3A_31 = tpu.memref_slice %arg33[%dma_start3A_29, %dma_start3A_30] : memref<10112x64xf32, #tpu.memory_space<vmem_shared>> -> memref<10112x64xf32, #tpu.memory_space<vmem_shared>>
      tpu.enqueue_indirect_dma source(%dma_start3A_31 : memref<10112x64xf32, #tpu.memory_space<vmem_shared>>) target(%arg9 : memref<80x64xf32, #tpu.memory_space<vmem>>) offsets(%dma_start3A_28 : memref<80xi32, #tpu.memory_space<vmem>>) semaphore(%arg17 : memref<!tpu.dma_semaphore, #tpu.memory_space<semaphore_mem>>)
      %dma_start3A_32 = arith.constant 1 : i32
      %dma_start3A_33 = arith.constant 0 : i32
      %dma_start3A_34 = tpu.memref_slice %arg7[%dma_start3A_32, %dma_start3A_33] : memref<50x80xi32, #tpu.memory_space<vmem>> -> memref<1x80xi32, #tpu.memory_space<vmem>>
      %dma_start3A_35 = tpu.memref_squeeze %dma_start3A_34 : memref<1x80xi32, #tpu.memory_space<vmem>> -> memref<80xi32, #tpu.memory_space<vmem>>
      %dma_start3A_36 = arith.constant 0 : i32
      %dma_start3A_37 = arith.constant 0 : i32
      %dma_start3A_38 = tpu.memref_slice %arg33[%dma_start3A_36, %dma_start3A_37] : memref<10112x64xf32, #tpu.memory_space<vmem_shared>> -> memref<10112x64xf32, #tpu.memory_space<vmem_shared>>
      tpu.enqueue_indirect_dma source(%dma_start3A_38 : memref<10112x64xf32, #tpu.memory_space<vmem_shared>>) target(%arg10 : memref<80x64xf32, #tpu.memory_space<vmem>>) offsets(%dma_start3A_35 : memref<80xi32, #tpu.memory_space<vmem>>) semaphore(%arg18 : memref<!tpu.dma_semaphore, #tpu.memory_space<semaphore_mem>>)
      %dma_start3A_39 = arith.constant 2 : i32
      %dma_start3A_40 = arith.constant 0 : i32
      %dma_start3A_41 = tpu.memref_slice %arg7[%dma_start3A_39, %dma_start3A_40] : memref<50x80xi32, #tpu.memory_space<vmem>> -> memref<1x80xi32, #tpu.memory_space<vmem>>
      %dma_start3A_42 = tpu.memref_squeeze %dma_start3A_41 : memref<1x80xi32, #tpu.memory_space<vmem>> -> memref<80xi32, #tpu.memory_space<vmem>>
      %dma_start3A_43 = arith.constant 0 : i32
      %dma_start3A_44 = arith.constant 0 : i32
      %dma_start3A_45 = tpu.memref_slice %arg33[%dma_start3A_43, %dma_start3A_44] : memref<10112x64xf32, #tpu.memory_space<vmem_shared>> -> memref<10112x64xf32, #tpu.memory_space<vmem_shared>>
      tpu.enqueue_indirect_dma source(%dma_start3A_45 : memref<10112x64xf32, #tpu.memory_space<vmem_shared>>) target(%arg11 : memref<80x64xf32, #tpu.memory_space<vmem>>) offsets(%dma_start3A_42 : memref<80xi32, #tpu.memory_space<vmem>>) semaphore(%arg19 : memref<!tpu.dma_semaphore, #tpu.memory_space<semaphore_mem>>)
      %dma_start3A_46 = arith.constant 3 : i32
      %dma_start3A_47 = arith.constant 0 : i32
      %dma_start3A_48 = tpu.memref_slice %arg7[%dma_start3A_46, %dma_start3A_47] : memref<50x80xi32, #tpu.memory_space<vmem>> -> memref<1x80xi32, #tpu.memory_space<vmem>>
      %dma_start3A_49 = tpu.memref_squeeze %dma_start3A_48 : memref<1x80xi32, #tpu.memory_space<vmem>> -> memref<80xi32, #tpu.memory_space<vmem>>
      %dma_start3A_50 = arith.constant 0 : i32
      %dma_start3A_51 = arith.constant 0 : i32
      %dma_start3A_52 = tpu.memref_slice %arg33[%dma_start3A_50, %dma_start3A_51] : memref<10112x64xf32, #tpu.memory_space<vmem_shared>> -> memref<10112x64xf32, #tpu.memory_space<vmem_shared>>
      tpu.enqueue_indirect_dma source(%dma_start3A_52 : memref<10112x64xf32, #tpu.memory_space<vmem_shared>>) target(%arg12 : memref<80x64xf32, #tpu.memory_space<vmem>>) offsets(%dma_start3A_49 : memref<80xi32, #tpu.memory_space<vmem>>) semaphore(%arg20 : memref<!tpu.dma_semaphore, #tpu.memory_space<semaphore_mem>>)
      %dma_start3A_53 = arith.constant 4 : i32
      %dma_start3A_54 = arith.constant 0 : i32
      %dma_start3A_55 = tpu.memref_slice %arg7[%dma_start3A_53, %dma_start3A_54] : memref<50x80xi32, #tpu.memory_space<vmem>> -> memref<1x80xi32, #tpu.memory_space<vmem>>
      %dma_start3A_56 = tpu.memref_squeeze %dma_start3A_55 : memref<1x80xi32, #tpu.memory_space<vmem>> -> memref<80xi32, #tpu.memory_space<vmem>>
      %dma_start3A_57 = arith.constant 0 : i32
      %dma_start3A_58 = arith.constant 0 : i32
      %dma_start3A_59 = tpu.memref_slice %arg33[%dma_start3A_57, %dma_start3A_58] : memref<10112x64xf32, #tpu.memory_space<vmem_shared>> -> memref<10112x64xf32, #tpu.memory_space<vmem_shared>>
      tpu.enqueue_indirect_dma source(%dma_start3A_59 : memref<10112x64xf32, #tpu.memory_space<vmem_shared>>) target(%arg13 : memref<80x64xf32, #tpu.memory_space<vmem>>) offsets(%dma_start3A_56 : memref<80xi32, #tpu.memory_space<vmem>>) semaphore(%arg21 : memref<!tpu.dma_semaphore, #tpu.memory_space<semaphore_mem>>)
      %dma_start3A_60 = arith.constant 5 : i32
      %dma_start3A_61 = arith.constant 0 : i32
      %dma_start3A_62 = tpu.memref_slice %arg7[%dma_start3A_60, %dma_start3A_61] : memref<50x80xi32, #tpu.memory_space<vmem>> -> memref<1x80xi32, #tpu.memory_space<vmem>>
      %dma_start3A_63 = tpu.memref_squeeze %dma_start3A_62 : memref<1x80xi32, #tpu.memory_space<vmem>> -> memref<80xi32, #tpu.memory_space<vmem>>
      %dma_start3A_64 = arith.constant 0 : i32
      %dma_start3A_65 = arith.constant 0 : i32
      %dma_start3A_66 = tpu.memref_slice %arg33[%dma_start3A_64, %dma_start3A_65] : memref<10112x64xf32, #tpu.memory_space<vmem_shared>> -> memref<10112x64xf32, #tpu.memory_space<vmem_shared>>
      tpu.enqueue_indirect_dma source(%dma_start3A_66 : memref<10112x64xf32, #tpu.memory_space<vmem_shared>>) target(%arg14 : memref<80x64xf32, #tpu.memory_space<vmem>>) offsets(%dma_start3A_63 : memref<80xi32, #tpu.memory_space<vmem>>) semaphore(%arg22 : memref<!tpu.dma_semaphore, #tpu.memory_space<semaphore_mem>>)
      %dma_start3A_67 = arith.constant 6 : i32
      %dma_start3A_68 = arith.constant 0 : i32
      %dma_start3A_69 = tpu.memref_slice %arg7[%dma_start3A_67, %dma_start3A_68] : memref<50x80xi32, #tpu.memory_space<vmem>> -> memref<1x80xi32, #tpu.memory_space<vmem>>
      %dma_start3A_70 = tpu.memref_squeeze %dma_start3A_69 : memref<1x80xi32, #tpu.memory_space<vmem>> -> memref<80xi32, #tpu.memory_space<vmem>>
      %dma_start3A_71 = arith.constant 0 : i32
      %dma_start3A_72 = arith.constant 0 : i32
      %dma_start3A_73 = tpu.memref_slice %arg33[%dma_start3A_71, %dma_start3A_72] : memref<10112x64xf32, #tpu.memory_space<vmem_shared>> -> memref<10112x64xf32, #tpu.memory_space<vmem_shared>>
      tpu.enqueue_indirect_dma source(%dma_start3A_73 : memref<10112x64xf32, #tpu.memory_space<vmem_shared>>) target(%arg15 : memref<80x64xf32, #tpu.memory_space<vmem>>) offsets(%dma_start3A_70 : memref<80xi32, #tpu.memory_space<vmem>>) semaphore(%arg23 : memref<!tpu.dma_semaphore, #tpu.memory_space<semaphore_mem>>)
      %dma_start3A_74 = arith.constant 7 : i32
      %dma_start3A_75 = arith.constant 0 : i32
      %dma_start3A_76 = tpu.memref_slice %arg7[%dma_start3A_74, %dma_start3A_75] : memref<50x80xi32, #tpu.memory_space<vmem>> -> memref<1x80xi32, #tpu.memory_space<vmem>>
      %dma_start3A_77 = tpu.memref_squeeze %dma_start3A_76 : memref<1x80xi32, #tpu.memory_space<vmem>> -> memref<80xi32, #tpu.memory_space<vmem>>
      %dma_start3A_78 = arith.constant 0 : i32
      %dma_start3A_79 = arith.constant 0 : i32
      %dma_start3A_80 = tpu.memref_slice %arg33[%dma_start3A_78, %dma_start3A_79] : memref<10112x64xf32, #tpu.memory_space<vmem_shared>> -> memref<10112x64xf32, #tpu.memory_space<vmem_shared>>
      tpu.enqueue_indirect_dma source(%dma_start3A_80 : memref<10112x64xf32, #tpu.memory_space<vmem_shared>>) target(%arg16 : memref<80x64xf32, #tpu.memory_space<vmem>>) offsets(%dma_start3A_77 : memref<80xi32, #tpu.memory_space<vmem>>) semaphore(%arg24 : memref<!tpu.dma_semaphore, #tpu.memory_space<semaphore_mem>>)
      %dma_wait3A = arith.constant 0 : i32
      %dma_wait3A_81 = arith.constant 0 : i32
      %dma_wait3A_82 = tpu.memref_slice %arg7[%dma_wait3A, %dma_wait3A_81] : memref<50x80xi32, #tpu.memory_space<vmem>> -> memref<1x80xi32, #tpu.memory_space<vmem>>
      %dma_wait3A_83 = tpu.memref_squeeze %dma_wait3A_82 : memref<1x80xi32, #tpu.memory_space<vmem>> -> memref<80xi32, #tpu.memory_space<vmem>>
      %dma_wait3A_84 = arith.constant 0 : i32
      %dma_wait3A_85 = arith.constant 0 : i32
      %dma_wait3A_86 = tpu.memref_slice %arg33[%dma_wait3A_84, %dma_wait3A_85] : memref<10112x64xf32, #tpu.memory_space<vmem_shared>> -> memref<10112x64xf32, #tpu.memory_space<vmem_shared>>
      tpu.wait_indirect_dma semaphore(%arg17 : memref<!tpu.dma_semaphore, #tpu.memory_space<semaphore_mem>>) src(%dma_wait3A_86 : memref<10112x64xf32, #tpu.memory_space<vmem_shared>>) dst(%arg9 : memref<80x64xf32, #tpu.memory_space<vmem>>)
      %dma_wait3A_87 = arith.constant 1 : i32
      %dma_wait3A_88 = arith.constant 0 : i32
      %dma_wait3A_89 = tpu.memref_slice %arg7[%dma_wait3A_87, %dma_wait3A_88] : memref<50x80xi32, #tpu.memory_space<vmem>> -> memref<1x80xi32, #tpu.memory_space<vmem>>
      %dma_wait3A_90 = tpu.memref_squeeze %dma_wait3A_89 : memref<1x80xi32, #tpu.memory_space<vmem>> -> memref<80xi32, #tpu.memory_space<vmem>>
      %dma_wait3A_91 = arith.constant 0 : i32
      %dma_wait3A_92 = arith.constant 0 : i32
      %dma_wait3A_93 = tpu.memref_slice %arg33[%dma_wait3A_91, %dma_wait3A_92] : memref<10112x64xf32, #tpu.memory_space<vmem_shared>> -> memref<10112x64xf32, #tpu.memory_space<vmem_shared>>
      tpu.wait_indirect_dma semaphore(%arg18 : memref<!tpu.dma_semaphore, #tpu.memory_space<semaphore_mem>>) src(%dma_wait3A_93 : memref<10112x64xf32, #tpu.memory_space<vmem_shared>>) dst(%arg10 : memref<80x64xf32, #tpu.memory_space<vmem>>)
      %dma_wait3A_94 = arith.constant 2 : i32
      %dma_wait3A_95 = arith.constant 0 : i32
      %dma_wait3A_96 = tpu.memref_slice %arg7[%dma_wait3A_94, %dma_wait3A_95] : memref<50x80xi32, #tpu.memory_space<vmem>> -> memref<1x80xi32, #tpu.memory_space<vmem>>
      %dma_wait3A_97 = tpu.memref_squeeze %dma_wait3A_96 : memref<1x80xi32, #tpu.memory_space<vmem>> -> memref<80xi32, #tpu.memory_space<vmem>>
      %dma_wait3A_98 = arith.constant 0 : i32
      %dma_wait3A_99 = arith.constant 0 : i32
      %dma_wait3A_100 = tpu.memref_slice %arg33[%dma_wait3A_98, %dma_wait3A_99] : memref<10112x64xf32, #tpu.memory_space<vmem_shared>> -> memref<10112x64xf32, #tpu.memory_space<vmem_shared>>
      tpu.wait_indirect_dma semaphore(%arg19 : memref<!tpu.dma_semaphore, #tpu.memory_space<semaphore_mem>>) src(%dma_wait3A_100 : memref<10112x64xf32, #tpu.memory_space<vmem_shared>>) dst(%arg11 : memref<80x64xf32, #tpu.memory_space<vmem>>)
      %dma_wait3A_101 = arith.constant 3 : i32
      %dma_wait3A_102 = arith.constant 0 : i32
      %dma_wait3A_103 = tpu.memref_slice %arg7[%dma_wait3A_101, %dma_wait3A_102] : memref<50x80xi32, #tpu.memory_space<vmem>> -> memref<1x80xi32, #tpu.memory_space<vmem>>
      %dma_wait3A_104 = tpu.memref_squeeze %dma_wait3A_103 : memref<1x80xi32, #tpu.memory_space<vmem>> -> memref<80xi32, #tpu.memory_space<vmem>>
      %dma_wait3A_105 = arith.constant 0 : i32
      %dma_wait3A_106 = arith.constant 0 : i32
      %dma_wait3A_107 = tpu.memref_slice %arg33[%dma_wait3A_105, %dma_wait3A_106] : memref<10112x64xf32, #tpu.memory_space<vmem_shared>> -> memref<10112x64xf32, #tpu.memory_space<vmem_shared>>
      tpu.wait_indirect_dma semaphore(%arg20 : memref<!tpu.dma_semaphore, #tpu.memory_space<semaphore_mem>>) src(%dma_wait3A_107 : memref<10112x64xf32, #tpu.memory_space<vmem_shared>>) dst(%arg12 : memref<80x64xf32, #tpu.memory_space<vmem>>)
      %dma_start3A_108 = arith.constant 0 : i32
      %dma_start3A_109 = arith.constant 0 : i32
      %dma_start3A_110 = tpu.memref_slice %arg8[%dma_start3A_108, %dma_start3A_109] : memref<50x80xi32, #tpu.memory_space<vmem>> -> memref<1x80xi32, #tpu.memory_space<vmem>>
      %dma_start3A_111 = tpu.memref_squeeze %dma_start3A_110 : memref<1x80xi32, #tpu.memory_space<vmem>> -> memref<80xi32, #tpu.memory_space<vmem>>
      %dma_start3A_112 = arith.constant 0 : i32
      %dma_start3A_113 = arith.constant 0 : i32
      %dma_start3A_114 = tpu.memref_slice %arg34[%dma_start3A_112, %dma_start3A_113] : memref<10112x64xf32, #tpu.memory_space<vmem_shared>> -> memref<10112x64xf32, #tpu.memory_space<vmem_shared>>
      tpu.enqueue_indirect_dma source(%arg9 : memref<80x64xf32, #tpu.memory_space<vmem>>) target(%dma_start3A_114 : memref<10112x64xf32, #tpu.memory_space<vmem_shared>>) offsets(%dma_start3A_111 : memref<80xi32, #tpu.memory_space<vmem>>) semaphore(%arg25 : memref<!tpu.dma_semaphore, #tpu.memory_space<semaphore_mem>>) {add = true}
      %dma_start3A_115 = arith.constant 1 : i32
      %dma_start3A_116 = arith.constant 0 : i32
      %dma_start3A_117 = tpu.memref_slice %arg8[%dma_start3A_115, %dma_start3A_116] : memref<50x80xi32, #tpu.memory_space<vmem>> -> memref<1x80xi32, #tpu.memory_space<vmem>>
      %dma_start3A_118 = tpu.memref_squeeze %dma_start3A_117 : memref<1x80xi32, #tpu.memory_space<vmem>> -> memref<80xi32, #tpu.memory_space<vmem>>
      %dma_start3A_119 = arith.constant 0 : i32
      %dma_start3A_120 = arith.constant 0 : i32
      %dma_start3A_121 = tpu.memref_slice %arg34[%dma_start3A_119, %dma_start3A_120] : memref<10112x64xf32, #tpu.memory_space<vmem_shared>> -> memref<10112x64xf32, #tpu.memory_space<vmem_shared>>
      tpu.enqueue_indirect_dma source(%arg10 : memref<80x64xf32, #tpu.memory_space<vmem>>) target(%dma_start3A_121 : memref<10112x64xf32, #tpu.memory_space<vmem_shared>>) offsets(%dma_start3A_118 : memref<80xi32, #tpu.memory_space<vmem>>) semaphore(%arg26 : memref<!tpu.dma_semaphore, #tpu.memory_space<semaphore_mem>>) {add = true}
      %dma_start3A_122 = arith.constant 2 : i32
      %dma_start3A_123 = arith.constant 0 : i32
      %dma_start3A_124 = tpu.memref_slice %arg8[%dma_start3A_122, %dma_start3A_123] : memref<50x80xi32, #tpu.memory_space<vmem>> -> memref<1x80xi32, #tpu.memory_space<vmem>>
      %dma_start3A_125 = tpu.memref_squeeze %dma_start3A_124 : memref<1x80xi32, #tpu.memory_space<vmem>> -> memref<80xi32, #tpu.memory_space<vmem>>
      %dma_start3A_126 = arith.constant 0 : i32
      %dma_start3A_127 = arith.constant 0 : i32
      %dma_start3A_128 = tpu.memref_slice %arg34[%dma_start3A_126, %dma_start3A_127] : memref<10112x64xf32, #tpu.memory_space<vmem_shared>> -> memref<10112x64xf32, #tpu.memory_space<vmem_shared>>
      tpu.enqueue_indirect_dma source(%arg11 : memref<80x64xf32, #tpu.memory_space<vmem>>) target(%dma_start3A_128 : memref<10112x64xf32, #tpu.memory_space<vmem_shared>>) offsets(%dma_start3A_125 : memref<80xi32, #tpu.memory_space<vmem>>) semaphore(%arg27 : memref<!tpu.dma_semaphore, #tpu.memory_space<semaphore_mem>>) {add = true}
      %dma_start3A_129 = arith.constant 3 : i32
      %dma_start3A_130 = arith.constant 0 : i32
      %dma_start3A_131 = tpu.memref_slice %arg8[%dma_start3A_129, %dma_start3A_130] : memref<50x80xi32, #tpu.memory_space<vmem>> -> memref<1x80xi32, #tpu.memory_space<vmem>>
      %dma_start3A_132 = tpu.memref_squeeze %dma_start3A_131 : memref<1x80xi32, #tpu.memory_space<vmem>> -> memref<80xi32, #tpu.memory_space<vmem>>
      %dma_start3A_133 = arith.constant 0 : i32
      %dma_start3A_134 = arith.constant 0 : i32
      %dma_start3A_135 = tpu.memref_slice %arg34[%dma_start3A_133, %dma_start3A_134] : memref<10112x64xf32, #tpu.memory_space<vmem_shared>> -> memref<10112x64xf32, #tpu.memory_space<vmem_shared>>
      tpu.enqueue_indirect_dma source(%arg12 : memref<80x64xf32, #tpu.memory_space<vmem>>) target(%dma_start3A_135 : memref<10112x64xf32, #tpu.memory_space<vmem_shared>>) offsets(%dma_start3A_132 : memref<80xi32, #tpu.memory_space<vmem>>) semaphore(%arg28 : memref<!tpu.dma_semaphore, #tpu.memory_space<semaphore_mem>>) {add = true}
      %dma_wait3A_136 = arith.constant 0 : i32
      %dma_wait3A_137 = arith.constant 0 : i32
      %dma_wait3A_138 = tpu.memref_slice %arg5[%dma_wait3A_136, %dma_wait3A_137] : memref<10112x64xf32, #tpu.memory_space<hbm>> -> memref<80x64xf32, #tpu.memory_space<hbm>>
      %dma_wait3A_139 = arith.constant 0 : i32
      %dma_wait3A_140 = arith.constant 0 : i32
      %dma_wait3A_141 = tpu.memref_slice %arg5[%dma_wait3A_139, %dma_wait3A_140] : memref<10112x64xf32, #tpu.memory_space<hbm>> -> memref<80x64xf32, #tpu.memory_space<hbm>>
      tpu.wait_dma2 semaphore(%arg25 : memref<!tpu.dma_semaphore, #tpu.memory_space<semaphore_mem>>) src(%dma_wait3A_141 : memref<80x64xf32, #tpu.memory_space<hbm>>) dst(%arg9 : memref<80x64xf32, #tpu.memory_space<vmem>>)
      %dma_wait3A_142 = arith.constant 0 : i32
      %dma_wait3A_143 = arith.constant 0 : i32
      %dma_wait3A_144 = tpu.memref_slice %arg5[%dma_wait3A_142, %dma_wait3A_143] : memref<10112x64xf32, #tpu.memory_space<hbm>> -> memref<80x64xf32, #tpu.memory_space<hbm>>
      %dma_wait3A_145 = arith.constant 0 : i32
      %dma_wait3A_146 = arith.constant 0 : i32
      %dma_wait3A_147 = tpu.memref_slice %arg5[%dma_wait3A_145, %dma_wait3A_146] : memref<10112x64xf32, #tpu.memory_space<hbm>> -> memref<80x64xf32, #tpu.memory_space<hbm>>
      tpu.wait_dma2 semaphore(%arg26 : memref<!tpu.dma_semaphore, #tpu.memory_space<semaphore_mem>>) src(%dma_wait3A_147 : memref<80x64xf32, #tpu.memory_space<hbm>>) dst(%arg10 : memref<80x64xf32, #tpu.memory_space<vmem>>)
      %dma_wait3A_148 = arith.constant 0 : i32
      %dma_wait3A_149 = arith.constant 0 : i32
      %dma_wait3A_150 = tpu.memref_slice %arg5[%dma_wait3A_148, %dma_wait3A_149] : memref<10112x64xf32, #tpu.memory_space<hbm>> -> memref<80x64xf32, #tpu.memory_space<hbm>>
      %dma_wait3A_151 = arith.constant 0 : i32
      %dma_wait3A_152 = arith.constant 0 : i32
      %dma_wait3A_153 = tpu.memref_slice %arg5[%dma_wait3A_151, %dma_wait3A_152] : memref<10112x64xf32, #tpu.memory_space<hbm>> -> memref<80x64xf32, #tpu.memory_space<hbm>>
      tpu.wait_dma2 semaphore(%arg27 : memref<!tpu.dma_semaphore, #tpu.memory_space<semaphore_mem>>) src(%dma_wait3A_153 : memref<80x64xf32, #tpu.memory_space<hbm>>) dst(%arg11 : memref<80x64xf32, #tpu.memory_space<vmem>>)
      %dma_wait3A_154 = arith.constant 0 : i32
      %dma_wait3A_155 = arith.constant 0 : i32
      %dma_wait3A_156 = tpu.memref_slice %arg5[%dma_wait3A_154, %dma_wait3A_155] : memref<10112x64xf32, #tpu.memory_space<hbm>> -> memref<80x64xf32, #tpu.memory_space<hbm>>
      %dma_wait3A_157 = arith.constant 0 : i32
      %dma_wait3A_158 = arith.constant 0 : i32
      %dma_wait3A_159 = tpu.memref_slice %arg5[%dma_wait3A_157, %dma_wait3A_158] : memref<10112x64xf32, #tpu.memory_space<hbm>> -> memref<80x64xf32, #tpu.memory_space<hbm>>
      tpu.wait_dma2 semaphore(%arg28 : memref<!tpu.dma_semaphore, #tpu.memory_space<semaphore_mem>>) src(%dma_wait3A_159 : memref<80x64xf32, #tpu.memory_space<hbm>>) dst(%arg12 : memref<80x64xf32, #tpu.memory_space<vmem>>)
      %dma_start3A_160 = arith.constant 8 : i32
      %dma_start3A_161 = arith.constant 0 : i32
      %dma_start3A_162 = tpu.memref_slice %arg7[%dma_start3A_160, %dma_start3A_161] : memref<50x80xi32, #tpu.memory_space<vmem>> -> memref<1x80xi32, #tpu.memory_space<vmem>>
      %dma_start3A_163 = tpu.memref_squeeze %dma_start3A_162 : memref<1x80xi32, #tpu.memory_space<vmem>> -> memref<80xi32, #tpu.memory_space<vmem>>
      %dma_start3A_164 = arith.constant 0 : i32
      %dma_start3A_165 = arith.constant 0 : i32
      %dma_start3A_166 = tpu.memref_slice %arg33[%dma_start3A_164, %dma_start3A_165] : memref<10112x64xf32, #tpu.memory_space<vmem_shared>> -> memref<10112x64xf32, #tpu.memory_space<vmem_shared>>
      tpu.enqueue_indirect_dma source(%dma_start3A_166 : memref<10112x64xf32, #tpu.memory_space<vmem_shared>>) target(%arg9 : memref<80x64xf32, #tpu.memory_space<vmem>>) offsets(%dma_start3A_163 : memref<80xi32, #tpu.memory_space<vmem>>) semaphore(%arg17 : memref<!tpu.dma_semaphore, #tpu.memory_space<semaphore_mem>>)
      %dma_start3A_167 = arith.constant 9 : i32
      %dma_start3A_168 = arith.constant 0 : i32
      %dma_start3A_169 = tpu.memref_slice %arg7[%dma_start3A_167, %dma_start3A_168] : memref<50x80xi32, #tpu.memory_space<vmem>> -> memref<1x80xi32, #tpu.memory_space<vmem>>
      %dma_start3A_170 = tpu.memref_squeeze %dma_start3A_169 : memref<1x80xi32, #tpu.memory_space<vmem>> -> memref<80xi32, #tpu.memory_space<vmem>>
      %dma_start3A_171 = arith.constant 0 : i32
      %dma_start3A_172 = arith.constant 0 : i32
      %dma_start3A_173 = tpu.memref_slice %arg33[%dma_start3A_171, %dma_start3A_172] : memref<10112x64xf32, #tpu.memory_space<vmem_shared>> -> memref<10112x64xf32, #tpu.memory_space<vmem_shared>>
      tpu.enqueue_indirect_dma source(%dma_start3A_173 : memref<10112x64xf32, #tpu.memory_space<vmem_shared>>) target(%arg10 : memref<80x64xf32, #tpu.memory_space<vmem>>) offsets(%dma_start3A_170 : memref<80xi32, #tpu.memory_space<vmem>>) semaphore(%arg18 : memref<!tpu.dma_semaphore, #tpu.memory_space<semaphore_mem>>)
      %dma_start3A_174 = arith.constant 10 : i32
      %dma_start3A_175 = arith.constant 0 : i32
      %dma_start3A_176 = tpu.memref_slice %arg7[%dma_start3A_174, %dma_start3A_175] : memref<50x80xi32, #tpu.memory_space<vmem>> -> memref<1x80xi32, #tpu.memory_space<vmem>>
      %dma_start3A_177 = tpu.memref_squeeze %dma_start3A_176 : memref<1x80xi32, #tpu.memory_space<vmem>> -> memref<80xi32, #tpu.memory_space<vmem>>
      %dma_start3A_178 = arith.constant 0 : i32
      %dma_start3A_179 = arith.constant 0 : i32
      %dma_start3A_180 = tpu.memref_slice %arg33[%dma_start3A_178, %dma_start3A_179] : memref<10112x64xf32, #tpu.memory_space<vmem_shared>> -> memref<10112x64xf32, #tpu.memory_space<vmem_shared>>
      tpu.enqueue_indirect_dma source(%dma_start3A_180 : memref<10112x64xf32, #tpu.memory_space<vmem_shared>>) target(%arg11 : memref<80x64xf32, #tpu.memory_space<vmem>>) offsets(%dma_start3A_177 : memref<80xi32, #tpu.memory_space<vmem>>) semaphore(%arg19 : memref<!tpu.dma_semaphore, #tpu.memory_space<semaphore_mem>>)
      %dma_start3A_181 = arith.constant 11 : i32
      %dma_start3A_182 = arith.constant 0 : i32
      %dma_start3A_183 = tpu.memref_slice %arg7[%dma_start3A_181, %dma_start3A_182] : memref<50x80xi32, #tpu.memory_space<vmem>> -> memref<1x80xi32, #tpu.memory_space<vmem>>
      %dma_start3A_184 = tpu.memref_squeeze %dma_start3A_183 : memref<1x80xi32, #tpu.memory_space<vmem>> -> memref<80xi32, #tpu.memory_space<vmem>>
      %dma_start3A_185 = arith.constant 0 : i32
      %dma_start3A_186 = arith.constant 0 : i32
      %dma_start3A_187 = tpu.memref_slice %arg33[%dma_start3A_185, %dma_start3A_186] : memref<10112x64xf32, #tpu.memory_space<vmem_shared>> -> memref<10112x64xf32, #tpu.memory_space<vmem_shared>>
      tpu.enqueue_indirect_dma source(%dma_start3A_187 : memref<10112x64xf32, #tpu.memory_space<vmem_shared>>) target(%arg12 : memref<80x64xf32, #tpu.memory_space<vmem>>) offsets(%dma_start3A_184 : memref<80xi32, #tpu.memory_space<vmem>>) semaphore(%arg20 : memref<!tpu.dma_semaphore, #tpu.memory_space<semaphore_mem>>)
      %dma_wait3A_188 = arith.constant 4 : i32
      %dma_wait3A_189 = arith.constant 0 : i32
      %dma_wait3A_190 = tpu.memref_slice %arg7[%dma_wait3A_188, %dma_wait3A_189] : memref<50x80xi32, #tpu.memory_space<vmem>> -> memref<1x80xi32, #tpu.memory_space<vmem>>
      %dma_wait3A_191 = tpu.memref_squeeze %dma_wait3A_190 : memref<1x80xi32, #tpu.memory_space<vmem>> -> memref<80xi32, #tpu.memory_space<vmem>>
      %dma_wait3A_192 = arith.constant 0 : i32
      %dma_wait3A_193 = arith.constant 0 : i32
      %dma_wait3A_194 = tpu.memref_slice %arg33[%dma_wait3A_192, %dma_wait3A_193] : memref<10112x64xf32, #tpu.memory_space<vmem_shared>> -> memref<10112x64xf32, #tpu.memory_space<vmem_shared>>
      tpu.wait_indirect_dma semaphore(%arg21 : memref<!tpu.dma_semaphore, #tpu.memory_space<semaphore_mem>>) src(%dma_wait3A_194 : memref<10112x64xf32, #tpu.memory_space<vmem_shared>>) dst(%arg13 : memref<80x64xf32, #tpu.memory_space<vmem>>)
      %dma_wait3A_195 = arith.constant 5 : i32
      %dma_wait3A_196 = arith.constant 0 : i32
      %dma_wait3A_197 = tpu.memref_slice %arg7[%dma_wait3A_195, %dma_wait3A_196] : memref<50x80xi32, #tpu.memory_space<vmem>> -> memref<1x80xi32, #tpu.memory_space<vmem>>
      %dma_wait3A_198 = tpu.memref_squeeze %dma_wait3A_197 : memref<1x80xi32, #tpu.memory_space<vmem>> -> memref<80xi32, #tpu.memory_space<vmem>>
      %dma_wait3A_199 = arith.constant 0 : i32
      %dma_wait3A_200 = arith.constant 0 : i32
      %dma_wait3A_201 = tpu.memref_slice %arg33[%dma_wait3A_199, %dma_wait3A_200] : memref<10112x64xf32, #tpu.memory_space<vmem_shared>> -> memref<10112x64xf32, #tpu.memory_space<vmem_shared>>
      tpu.wait_indirect_dma semaphore(%arg22 : memref<!tpu.dma_semaphore, #tpu.memory_space<semaphore_mem>>) src(%dma_wait3A_201 : memref<10112x64xf32, #tpu.memory_space<vmem_shared>>) dst(%arg14 : memref<80x64xf32, #tpu.memory_space<vmem>>)
      %dma_wait3A_202 = arith.constant 6 : i32
      %dma_wait3A_203 = arith.constant 0 : i32
      %dma_wait3A_204 = tpu.memref_slice %arg7[%dma_wait3A_202, %dma_wait3A_203] : memref<50x80xi32, #tpu.memory_space<vmem>> -> memref<1x80xi32, #tpu.memory_space<vmem>>
      %dma_wait3A_205 = tpu.memref_squeeze %dma_wait3A_204 : memref<1x80xi32, #tpu.memory_space<vmem>> -> memref<80xi32, #tpu.memory_space<vmem>>
      %dma_wait3A_206 = arith.constant 0 : i32
      %dma_wait3A_207 = arith.constant 0 : i32
      %dma_wait3A_208 = tpu.memref_slice %arg33[%dma_wait3A_206, %dma_wait3A_207] : memref<10112x64xf32, #tpu.memory_space<vmem_shared>> -> memref<10112x64xf32, #tpu.memory_space<vmem_shared>>
      tpu.wait_indirect_dma semaphore(%arg23 : memref<!tpu.dma_semaphore, #tpu.memory_space<semaphore_mem>>) src(%dma_wait3A_208 : memref<10112x64xf32, #tpu.memory_space<vmem_shared>>) dst(%arg15 : memref<80x64xf32, #tpu.memory_space<vmem>>)
      %dma_wait3A_209 = arith.constant 7 : i32
      %dma_wait3A_210 = arith.constant 0 : i32
      %dma_wait3A_211 = tpu.memref_slice %arg7[%dma_wait3A_209, %dma_wait3A_210] : memref<50x80xi32, #tpu.memory_space<vmem>> -> memref<1x80xi32, #tpu.memory_space<vmem>>
      %dma_wait3A_212 = tpu.memref_squeeze %dma_wait3A_211 : memref<1x80xi32, #tpu.memory_space<vmem>> -> memref<80xi32, #tpu.memory_space<vmem>>
      %dma_wait3A_213 = arith.constant 0 : i32
      %dma_wait3A_214 = arith.constant 0 : i32
      %dma_wait3A_215 = tpu.memref_slice %arg33[%dma_wait3A_213, %dma_wait3A_214] : memref<10112x64xf32, #tpu.memory_space<vmem_shared>> -> memref<10112x64xf32, #tpu.memory_space<vmem_shared>>
      tpu.wait_indirect_dma semaphore(%arg24 : memref<!tpu.dma_semaphore, #tpu.memory_space<semaphore_mem>>) src(%dma_wait3A_215 : memref<10112x64xf32, #tpu.memory_space<vmem_shared>>) dst(%arg16 : memref<80x64xf32, #tpu.memory_space<vmem>>)
      %dma_start3A_216 = arith.constant 4 : i32
      %dma_start3A_217 = arith.constant 0 : i32
      %dma_start3A_218 = tpu.memref_slice %arg8[%dma_start3A_216, %dma_start3A_217] : memref<50x80xi32, #tpu.memory_space<vmem>> -> memref<1x80xi32, #tpu.memory_space<vmem>>
      %dma_start3A_219 = tpu.memref_squeeze %dma_start3A_218 : memref<1x80xi32, #tpu.memory_space<vmem>> -> memref<80xi32, #tpu.memory_space<vmem>>
      %dma_start3A_220 = arith.constant 0 : i32
      %dma_start3A_221 = arith.constant 0 : i32
      %dma_start3A_222 = tpu.memref_slice %arg34[%dma_start3A_220, %dma_start3A_221] : memref<10112x64xf32, #tpu.memory_space<vmem_shared>> -> memref<10112x64xf32, #tpu.memory_space<vmem_shared>>
      tpu.enqueue_indirect_dma source(%arg13 : memref<80x64xf32, #tpu.memory_space<vmem>>) target(%dma_start3A_222 : memref<10112x64xf32, #tpu.memory_space<vmem_shared>>) offsets(%dma_start3A_219 : memref<80xi32, #tpu.memory_space<vmem>>) semaphore(%arg29 : memref<!tpu.dma_semaphore, #tpu.memory_space<semaphore_mem>>) {add = true}
      %dma_start3A_223 = arith.constant 5 : i32
      %dma_start3A_224 = arith.constant 0 : i32
      %dma_start3A_225 = tpu.memref_slice %arg8[%dma_start3A_223, %dma_start3A_224] : memref<50x80xi32, #tpu.memory_space<vmem>> -> memref<1x80xi32, #tpu.memory_space<vmem>>
      %dma_start3A_226 = tpu.memref_squeeze %dma_start3A_225 : memref<1x80xi32, #tpu.memory_space<vmem>> -> memref<80xi32, #tpu.memory_space<vmem>>
      %dma_start3A_227 = arith.constant 0 : i32
      %dma_start3A_228 = arith.constant 0 : i32
      %dma_start3A_229 = tpu.memref_slice %arg34[%dma_start3A_227, %dma_start3A_228] : memref<10112x64xf32, #tpu.memory_space<vmem_shared>> -> memref<10112x64xf32, #tpu.memory_space<vmem_shared>>
      tpu.enqueue_indirect_dma source(%arg14 : memref<80x64xf32, #tpu.memory_space<vmem>>) target(%dma_start3A_229 : memref<10112x64xf32, #tpu.memory_space<vmem_shared>>) offsets(%dma_start3A_226 : memref<80xi32, #tpu.memory_space<vmem>>) semaphore(%arg30 : memref<!tpu.dma_semaphore, #tpu.memory_space<semaphore_mem>>) {add = true}
      %dma_start3A_230 = arith.constant 6 : i32
      %dma_start3A_231 = arith.constant 0 : i32
      %dma_start3A_232 = tpu.memref_slice %arg8[%dma_start3A_230, %dma_start3A_231] : memref<50x80xi32, #tpu.memory_space<vmem>> -> memref<1x80xi32, #tpu.memory_space<vmem>>
      %dma_start3A_233 = tpu.memref_squeeze %dma_start3A_232 : memref<1x80xi32, #tpu.memory_space<vmem>> -> memref<80xi32, #tpu.memory_space<vmem>>
      %dma_start3A_234 = arith.constant 0 : i32
      %dma_start3A_235 = arith.constant 0 : i32
      %dma_start3A_236 = tpu.memref_slice %arg34[%dma_start3A_234, %dma_start3A_235] : memref<10112x64xf32, #tpu.memory_space<vmem_shared>> -> memref<10112x64xf32, #tpu.memory_space<vmem_shared>>
      tpu.enqueue_indirect_dma source(%arg15 : memref<80x64xf32, #tpu.memory_space<vmem>>) target(%dma_start3A_236 : memref<10112x64xf32, #tpu.memory_space<vmem_shared>>) offsets(%dma_start3A_233 : memref<80xi32, #tpu.memory_space<vmem>>) semaphore(%arg31 : memref<!tpu.dma_semaphore, #tpu.memory_space<semaphore_mem>>) {add = true}
      %dma_start3A_237 = arith.constant 7 : i32
      %dma_start3A_238 = arith.constant 0 : i32
      %dma_start3A_239 = tpu.memref_slice %arg8[%dma_start3A_237, %dma_start3A_238] : memref<50x80xi32, #tpu.memory_space<vmem>> -> memref<1x80xi32, #tpu.memory_space<vmem>>
      %dma_start3A_240 = tpu.memref_squeeze %dma_start3A_239 : memref<1x80xi32, #tpu.memory_space<vmem>> -> memref<80xi32, #tpu.memory_space<vmem>>
      %dma_start3A_241 = arith.constant 0 : i32
      %dma_start3A_242 = arith.constant 0 : i32
      %dma_start3A_243 = tpu.memref_slice %arg34[%dma_start3A_241, %dma_start3A_242] : memref<10112x64xf32, #tpu.memory_space<vmem_shared>> -> memref<10112x64xf32, #tpu.memory_space<vmem_shared>>
      tpu.enqueue_indirect_dma source(%arg16 : memref<80x64xf32, #tpu.memory_space<vmem>>) target(%dma_start3A_243 : memref<10112x64xf32, #tpu.memory_space<vmem_shared>>) offsets(%dma_start3A_240 : memref<80xi32, #tpu.memory_space<vmem>>) semaphore(%arg32 : memref<!tpu.dma_semaphore, #tpu.memory_space<semaphore_mem>>) {add = true}
      %dma_wait3A_244 = arith.constant 0 : i32
      %dma_wait3A_245 = arith.constant 0 : i32
      %dma_wait3A_246 = tpu.memref_slice %arg5[%dma_wait3A_244, %dma_wait3A_245] : memref<10112x64xf32, #tpu.memory_space<hbm>> -> memref<80x64xf32, #tpu.memory_space<hbm>>
      %dma_wait3A_247 = arith.constant 0 : i32
      %dma_wait3A_248 = arith.constant 0 : i32
      %dma_wait3A_249 = tpu.memref_slice %arg5[%dma_wait3A_247, %dma_wait3A_248] : memref<10112x64xf32, #tpu.memory_space<hbm>> -> memref<80x64xf32, #tpu.memory_space<hbm>>
      tpu.wait_dma2 semaphore(%arg29 : memref<!tpu.dma_semaphore, #tpu.memory_space<semaphore_mem>>) src(%dma_wait3A_249 : memref<80x64xf32, #tpu.memory_space<hbm>>) dst(%arg13 : memref<80x64xf32, #tpu.memory_space<vmem>>)
      %dma_wait3A_250 = arith.constant 0 : i32
      %dma_wait3A_251 = arith.constant 0 : i32
      %dma_wait3A_252 = tpu.memref_slice %arg5[%dma_wait3A_250, %dma_wait3A_251] : memref<10112x64xf32, #tpu.memory_space<hbm>> -> memref<80x64xf32, #tpu.memory_space<hbm>>
      %dma_wait3A_253 = arith.constant 0 : i32
      %dma_wait3A_254 = arith.constant 0 : i32
      %dma_wait3A_255 = tpu.memref_slice %arg5[%dma_wait3A_253, %dma_wait3A_254] : memref<10112x64xf32, #tpu.memory_space<hbm>> -> memref<80x64xf32, #tpu.memory_space<hbm>>
      tpu.wait_dma2 semaphore(%arg30 : memref<!tpu.dma_semaphore, #tpu.memory_space<semaphore_mem>>) src(%dma_wait3A_255 : memref<80x64xf32, #tpu.memory_space<hbm>>) dst(%arg14 : memref<80x64xf32, #tpu.memory_space<vmem>>)
      %dma_wait3A_256 = arith.constant 0 : i32
      %dma_wait3A_257 = arith.constant 0 : i32
      %dma_wait3A_258 = tpu.memref_slice %arg5[%dma_wait3A_256, %dma_wait3A_257] : memref<10112x64xf32, #tpu.memory_space<hbm>> -> memref<80x64xf32, #tpu.memory_space<hbm>>
      %dma_wait3A_259 = arith.constant 0 : i32
      %dma_wait3A_260 = arith.constant 0 : i32
      %dma_wait3A_261 = tpu.memref_slice %arg5[%dma_wait3A_259, %dma_wait3A_260] : memref<10112x64xf32, #tpu.memory_space<hbm>> -> memref<80x64xf32, #tpu.memory_space<hbm>>
      tpu.wait_dma2 semaphore(%arg31 : memref<!tpu.dma_semaphore, #tpu.memory_space<semaphore_mem>>) src(%dma_wait3A_261 : memref<80x64xf32, #tpu.memory_space<hbm>>) dst(%arg15 : memref<80x64xf32, #tpu.memory_space<vmem>>)
      %dma_wait3A_262 = arith.constant 0 : i32
      %dma_wait3A_263 = arith.constant 0 : i32
      %dma_wait3A_264 = tpu.memref_slice %arg5[%dma_wait3A_262, %dma_wait3A_263] : memref<10112x64xf32, #tpu.memory_space<hbm>> -> memref<80x64xf32, #tpu.memory_space<hbm>>
      %dma_wait3A_265 = arith.constant 0 : i32
      %dma_wait3A_266 = arith.constant 0 : i32
      %dma_wait3A_267 = tpu.memref_slice %arg5[%dma_wait3A_265, %dma_wait3A_266] : memref<10112x64xf32, #tpu.memory_space<hbm>> -> memref<80x64xf32, #tpu.memory_space<hbm>>
      tpu.wait_dma2 semaphore(%arg32 : memref<!tpu.dma_semaphore, #tpu.memory_space<semaphore_mem>>) src(%dma_wait3A_267 : memref<80x64xf32, #tpu.memory_space<hbm>>) dst(%arg16 : memref<80x64xf32, #tpu.memory_space<vmem>>)
      %dma_start3A_268 = arith.constant 12 : i32
      %dma_start3A_269 = arith.constant 0 : i32
      %dma_start3A_270 = tpu.memref_slice %arg7[%dma_start3A_268, %dma_start3A_269] : memref<50x80xi32, #tpu.memory_space<vmem>> -> memref<1x80xi32, #tpu.memory_space<vmem>>
      %dma_start3A_271 = tpu.memref_squeeze %dma_start3A_270 : memref<1x80xi32, #tpu.memory_space<vmem>> -> memref<80xi32, #tpu.memory_space<vmem>>
      %dma_start3A_272 = arith.constant 0 : i32
      %dma_start3A_273 = arith.constant 0 : i32
      %dma_start3A_274 = tpu.memref_slice %arg33[%dma_start3A_272, %dma_start3A_273] : memref<10112x64xf32, #tpu.memory_space<vmem_shared>> -> memref<10112x64xf32, #tpu.memory_space<vmem_shared>>
      tpu.enqueue_indirect_dma source(%dma_start3A_274 : memref<10112x64xf32, #tpu.memory_space<vmem_shared>>) target(%arg13 : memref<80x64xf32, #tpu.memory_space<vmem>>) offsets(%dma_start3A_271 : memref<80xi32, #tpu.memory_space<vmem>>) semaphore(%arg21 : memref<!tpu.dma_semaphore, #tpu.memory_space<semaphore_mem>>)
      %dma_start3A_275 = arith.constant 13 : i32
      %dma_start3A_276 = arith.constant 0 : i32
      %dma_start3A_277 = tpu.memref_slice %arg7[%dma_start3A_275, %dma_start3A_276] : memref<50x80xi32, #tpu.memory_space<vmem>> -> memref<1x80xi32, #tpu.memory_space<vmem>>
      %dma_start3A_278 = tpu.memref_squeeze %dma_start3A_277 : memref<1x80xi32, #tpu.memory_space<vmem>> -> memref<80xi32, #tpu.memory_space<vmem>>
      %dma_start3A_279 = arith.constant 0 : i32
      %dma_start3A_280 = arith.constant 0 : i32
      %dma_start3A_281 = tpu.memref_slice %arg33[%dma_start3A_279, %dma_start3A_280] : memref<10112x64xf32, #tpu.memory_space<vmem_shared>> -> memref<10112x64xf32, #tpu.memory_space<vmem_shared>>
      tpu.enqueue_indirect_dma source(%dma_start3A_281 : memref<10112x64xf32, #tpu.memory_space<vmem_shared>>) target(%arg14 : memref<80x64xf32, #tpu.memory_space<vmem>>) offsets(%dma_start3A_278 : memref<80xi32, #tpu.memory_space<vmem>>) semaphore(%arg22 : memref<!tpu.dma_semaphore, #tpu.memory_space<semaphore_mem>>)
      %dma_start3A_282 = arith.constant 14 : i32
      %dma_start3A_283 = arith.constant 0 : i32
      %dma_start3A_284 = tpu.memref_slice %arg7[%dma_start3A_282, %dma_start3A_283] : memref<50x80xi32, #tpu.memory_space<vmem>> -> memref<1x80xi32, #tpu.memory_space<vmem>>
      %dma_start3A_285 = tpu.memref_squeeze %dma_start3A_284 : memref<1x80xi32, #tpu.memory_space<vmem>> -> memref<80xi32, #tpu.memory_space<vmem>>
      %dma_start3A_286 = arith.constant 0 : i32
      %dma_start3A_287 = arith.constant 0 : i32
      %dma_start3A_288 = tpu.memref_slice %arg33[%dma_start3A_286, %dma_start3A_287] : memref<10112x64xf32, #tpu.memory_space<vmem_shared>> -> memref<10112x64xf32, #tpu.memory_space<vmem_shared>>
      tpu.enqueue_indirect_dma source(%dma_start3A_288 : memref<10112x64xf32, #tpu.memory_space<vmem_shared>>) target(%arg15 : memref<80x64xf32, #tpu.memory_space<vmem>>) offsets(%dma_start3A_285 : memref<80xi32, #tpu.memory_space<vmem>>) semaphore(%arg23 : memref<!tpu.dma_semaphore, #tpu.memory_space<semaphore_mem>>)
      %dma_start3A_289 = arith.constant 15 : i32
      %dma_start3A_290 = arith.constant 0 : i32
      %dma_start3A_291 = tpu.memref_slice %arg7[%dma_start3A_289, %dma_start3A_290] : memref<50x80xi32, #tpu.memory_space<vmem>> -> memref<1x80xi32, #tpu.memory_space<vmem>>
      %dma_start3A_292 = tpu.memref_squeeze %dma_start3A_291 : memref<1x80xi32, #tpu.memory_space<vmem>> -> memref<80xi32, #tpu.memory_space<vmem>>
      %dma_start3A_293 = arith.constant 0 : i32
      %dma_start3A_294 = arith.constant 0 : i32
      %dma_start3A_295 = tpu.memref_slice %arg33[%dma_start3A_293, %dma_start3A_294] : memref<10112x64xf32, #tpu.memory_space<vmem_shared>> -> memref<10112x64xf32, #tpu.memory_space<vmem_shared>>
      tpu.enqueue_indirect_dma source(%dma_start3A_295 : memref<10112x64xf32, #tpu.memory_space<vmem_shared>>) target(%arg16 : memref<80x64xf32, #tpu.memory_space<vmem>>) offsets(%dma_start3A_292 : memref<80xi32, #tpu.memory_space<vmem>>) semaphore(%arg24 : memref<!tpu.dma_semaphore, #tpu.memory_space<semaphore_mem>>)
      %dma_wait3A_296 = arith.constant 8 : i32
      %dma_wait3A_297 = arith.constant 0 : i32
      %dma_wait3A_298 = tpu.memref_slice %arg7[%dma_wait3A_296, %dma_wait3A_297] : memref<50x80xi32, #tpu.memory_space<vmem>> -> memref<1x80xi32, #tpu.memory_space<vmem>>
      %dma_wait3A_299 = tpu.memref_squeeze %dma_wait3A_298 : memref<1x80xi32, #tpu.memory_space<vmem>> -> memref<80xi32, #tpu.memory_space<vmem>>
      %dma_wait3A_300 = arith.constant 0 : i32
      %dma_wait3A_301 = arith.constant 0 : i32
      %dma_wait3A_302 = tpu.memref_slice %arg33[%dma_wait3A_300, %dma_wait3A_301] : memref<10112x64xf32, #tpu.memory_space<vmem_shared>> -> memref<10112x64xf32, #tpu.memory_space<vmem_shared>>
      tpu.wait_indirect_dma semaphore(%arg17 : memref<!tpu.dma_semaphore, #tpu.memory_space<semaphore_mem>>) src(%dma_wait3A_302 : memref<10112x64xf32, #tpu.memory_space<vmem_shared>>) dst(%arg9 : memref<80x64xf32, #tpu.memory_space<vmem>>)
      %dma_wait3A_303 = arith.constant 9 : i32
      %dma_wait3A_304 = arith.constant 0 : i32
      %dma_wait3A_305 = tpu.memref_slice %arg7[%dma_wait3A_303, %dma_wait3A_304] : memref<50x80xi32, #tpu.memory_space<vmem>> -> memref<1x80xi32, #tpu.memory_space<vmem>>
      %dma_wait3A_306 = tpu.memref_squeeze %dma_wait3A_305 : memref<1x80xi32, #tpu.memory_space<vmem>> -> memref<80xi32, #tpu.memory_space<vmem>>
      %dma_wait3A_307 = arith.constant 0 : i32
      %dma_wait3A_308 = arith.constant 0 : i32
      %dma_wait3A_309 = tpu.memref_slice %arg33[%dma_wait3A_307, %dma_wait3A_308] : memref<10112x64xf32, #tpu.memory_space<vmem_shared>> -> memref<10112x64xf32, #tpu.memory_space<vmem_shared>>
      tpu.wait_indirect_dma semaphore(%arg18 : memref<!tpu.dma_semaphore, #tpu.memory_space<semaphore_mem>>) src(%dma_wait3A_309 : memref<10112x64xf32, #tpu.memory_space<vmem_shared>>) dst(%arg10 : memref<80x64xf32, #tpu.memory_space<vmem>>)
      %dma_wait3A_310 = arith.constant 10 : i32
      %dma_wait3A_311 = arith.constant 0 : i32
      %dma_wait3A_312 = tpu.memref_slice %arg7[%dma_wait3A_310, %dma_wait3A_311] : memref<50x80xi32, #tpu.memory_space<vmem>> -> memref<1x80xi32, #tpu.memory_space<vmem>>
      %dma_wait3A_313 = tpu.memref_squeeze %dma_wait3A_312 : memref<1x80xi32, #tpu.memory_space<vmem>> -> memref<80xi32, #tpu.memory_space<vmem>>
      %dma_wait3A_314 = arith.constant 0 : i32
      %dma_wait3A_315 = arith.constant 0 : i32
      %dma_wait3A_316 = tpu.memref_slice %arg33[%dma_wait3A_314, %dma_wait3A_315] : memref<10112x64xf32, #tpu.memory_space<vmem_shared>> -> memref<10112x64xf32, #tpu.memory_space<vmem_shared>>
      tpu.wait_indirect_dma semaphore(%arg19 : memref<!tpu.dma_semaphore, #tpu.memory_space<semaphore_mem>>) src(%dma_wait3A_316 : memref<10112x64xf32, #tpu.memory_space<vmem_shared>>) dst(%arg11 : memref<80x64xf32, #tpu.memory_space<vmem>>)
      %dma_wait3A_317 = arith.constant 11 : i32
      %dma_wait3A_318 = arith.constant 0 : i32
      %dma_wait3A_319 = tpu.memref_slice %arg7[%dma_wait3A_317, %dma_wait3A_318] : memref<50x80xi32, #tpu.memory_space<vmem>> -> memref<1x80xi32, #tpu.memory_space<vmem>>
      %dma_wait3A_320 = tpu.memref_squeeze %dma_wait3A_319 : memref<1x80xi32, #tpu.memory_space<vmem>> -> memref<80xi32, #tpu.memory_space<vmem>>
      %dma_wait3A_321 = arith.constant 0 : i32
      %dma_wait3A_322 = arith.constant 0 : i32
      %dma_wait3A_323 = tpu.memref_slice %arg33[%dma_wait3A_321, %dma_wait3A_322] : memref<10112x64xf32, #tpu.memory_space<vmem_shared>> -> memref<10112x64xf32, #tpu.memory_space<vmem_shared>>
      tpu.wait_indirect_dma semaphore(%arg20 : memref<!tpu.dma_semaphore, #tpu.memory_space<semaphore_mem>>) src(%dma_wait3A_323 : memref<10112x64xf32, #tpu.memory_space<vmem_shared>>) dst(%arg12 : memref<80x64xf32, #tpu.memory_space<vmem>>)
      %dma_start3A_324 = arith.constant 8 : i32
      %dma_start3A_325 = arith.constant 0 : i32
      %dma_start3A_326 = tpu.memref_slice %arg8[%dma_start3A_324, %dma_start3A_325] : memref<50x80xi32, #tpu.memory_space<vmem>> -> memref<1x80xi32, #tpu.memory_space<vmem>>
      %dma_start3A_327 = tpu.memref_squeeze %dma_start3A_326 : memref<1x80xi32, #tpu.memory_space<vmem>> -> memref<80xi32, #tpu.memory_space<vmem>>
      %dma_start3A_328 = arith.constant 0 : i32
      %dma_start3A_329 = arith.constant 0 : i32
      %dma_start3A_330 = tpu.memref_slice %arg34[%dma_start3A_328, %dma_start3A_329] : memref<10112x64xf32, #tpu.memory_space<vmem_shared>> -> memref<10112x64xf32, #tpu.memory_space<vmem_shared>>
      tpu.enqueue_indirect_dma source(%arg9 : memref<80x64xf32, #tpu.memory_space<vmem>>) target(%dma_start3A_330 : memref<10112x64xf32, #tpu.memory_space<vmem_shared>>) offsets(%dma_start3A_327 : memref<80xi32, #tpu.memory_space<vmem>>) semaphore(%arg25 : memref<!tpu.dma_semaphore, #tpu.memory_space<semaphore_mem>>) {add = true}
      %dma_start3A_331 = arith.constant 9 : i32
      %dma_start3A_332 = arith.constant 0 : i32
      %dma_start3A_333 = tpu.memref_slice %arg8[%dma_start3A_331, %dma_start3A_332] : memref<50x80xi32, #tpu.memory_space<vmem>> -> memref<1x80xi32, #tpu.memory_space<vmem>>
      %dma_start3A_334 = tpu.memref_squeeze %dma_start3A_333 : memref<1x80xi32, #tpu.memory_space<vmem>> -> memref<80xi32, #tpu.memory_space<vmem>>
      %dma_start3A_335 = arith.constant 0 : i32
      %dma_start3A_336 = arith.constant 0 : i32
      %dma_start3A_337 = tpu.memref_slice %arg34[%dma_start3A_335, %dma_start3A_336] : memref<10112x64xf32, #tpu.memory_space<vmem_shared>> -> memref<10112x64xf32, #tpu.memory_space<vmem_shared>>
      tpu.enqueue_indirect_dma source(%arg10 : memref<80x64xf32, #tpu.memory_space<vmem>>) target(%dma_start3A_337 : memref<10112x64xf32, #tpu.memory_space<vmem_shared>>) offsets(%dma_start3A_334 : memref<80xi32, #tpu.memory_space<vmem>>) semaphore(%arg26 : memref<!tpu.dma_semaphore, #tpu.memory_space<semaphore_mem>>) {add = true}
      %dma_start3A_338 = arith.constant 10 : i32
      %dma_start3A_339 = arith.constant 0 : i32
      %dma_start3A_340 = tpu.memref_slice %arg8[%dma_start3A_338, %dma_start3A_339] : memref<50x80xi32, #tpu.memory_space<vmem>> -> memref<1x80xi32, #tpu.memory_space<vmem>>
      %dma_start3A_341 = tpu.memref_squeeze %dma_start3A_340 : memref<1x80xi32, #tpu.memory_space<vmem>> -> memref<80xi32, #tpu.memory_space<vmem>>
      %dma_start3A_342 = arith.constant 0 : i32
      %dma_start3A_343 = arith.constant 0 : i32
      %dma_start3A_344 = tpu.memref_slice %arg34[%dma_start3A_342, %dma_start3A_343] : memref<10112x64xf32, #tpu.memory_space<vmem_shared>> -> memref<10112x64xf32, #tpu.memory_space<vmem_shared>>
      tpu.enqueue_indirect_dma source(%arg11 : memref<80x64xf32, #tpu.memory_space<vmem>>) target(%dma_start3A_344 : memref<10112x64xf32, #tpu.memory_space<vmem_shared>>) offsets(%dma_start3A_341 : memref<80xi32, #tpu.memory_space<vmem>>) semaphore(%arg27 : memref<!tpu.dma_semaphore, #tpu.memory_space<semaphore_mem>>) {add = true}
      %dma_start3A_345 = arith.constant 11 : i32
      %dma_start3A_346 = arith.constant 0 : i32
      %dma_start3A_347 = tpu.memref_slice %arg8[%dma_start3A_345, %dma_start3A_346] : memref<50x80xi32, #tpu.memory_space<vmem>> -> memref<1x80xi32, #tpu.memory_space<vmem>>
      %dma_start3A_348 = tpu.memref_squeeze %dma_start3A_347 : memref<1x80xi32, #tpu.memory_space<vmem>> -> memref<80xi32, #tpu.memory_space<vmem>>
      %dma_start3A_349 = arith.constant 0 : i32
      %dma_start3A_350 = arith.constant 0 : i32
      %dma_start3A_351 = tpu.memref_slice %arg34[%dma_start3A_349, %dma_start3A_350] : memref<10112x64xf32, #tpu.memory_space<vmem_shared>> -> memref<10112x64xf32, #tpu.memory_space<vmem_shared>>
      tpu.enqueue_indirect_dma source(%arg12 : memref<80x64xf32, #tpu.memory_space<vmem>>) target(%dma_start3A_351 : memref<10112x64xf32, #tpu.memory_space<vmem_shared>>) offsets(%dma_start3A_348 : memref<80xi32, #tpu.memory_space<vmem>>) semaphore(%arg28 : memref<!tpu.dma_semaphore, #tpu.memory_space<semaphore_mem>>) {add = true}
      %dma_wait3A_352 = arith.constant 0 : i32
      %dma_wait3A_353 = arith.constant 0 : i32
      %dma_wait3A_354 = tpu.memref_slice %arg5[%dma_wait3A_352, %dma_wait3A_353] : memref<10112x64xf32, #tpu.memory_space<hbm>> -> memref<80x64xf32, #tpu.memory_space<hbm>>
      %dma_wait3A_355 = arith.constant 0 : i32
      %dma_wait3A_356 = arith.constant 0 : i32
      %dma_wait3A_357 = tpu.memref_slice %arg5[%dma_wait3A_355, %dma_wait3A_356] : memref<10112x64xf32, #tpu.memory_space<hbm>> -> memref<80x64xf32, #tpu.memory_space<hbm>>
      tpu.wait_dma2 semaphore(%arg25 : memref<!tpu.dma_semaphore, #tpu.memory_space<semaphore_mem>>) src(%dma_wait3A_357 : memref<80x64xf32, #tpu.memory_space<hbm>>) dst(%arg9 : memref<80x64xf32, #tpu.memory_space<vmem>>)
      %dma_wait3A_358 = arith.constant 0 : i32
      %dma_wait3A_359 = arith.constant 0 : i32
      %dma_wait3A_360 = tpu.memref_slice %arg5[%dma_wait3A_358, %dma_wait3A_359] : memref<10112x64xf32, #tpu.memory_space<hbm>> -> memref<80x64xf32, #tpu.memory_space<hbm>>
      %dma_wait3A_361 = arith.constant 0 : i32
      %dma_wait3A_362 = arith.constant 0 : i32
      %dma_wait3A_363 = tpu.memref_slice %arg5[%dma_wait3A_361, %dma_wait3A_362] : memref<10112x64xf32, #tpu.memory_space<hbm>> -> memref<80x64xf32, #tpu.memory_space<hbm>>
      tpu.wait_dma2 semaphore(%arg26 : memref<!tpu.dma_semaphore, #tpu.memory_space<semaphore_mem>>) src(%dma_wait3A_363 : memref<80x64xf32, #tpu.memory_space<hbm>>) dst(%arg10 : memref<80x64xf32, #tpu.memory_space<vmem>>)
      %dma_wait3A_364 = arith.constant 0 : i32
      %dma_wait3A_365 = arith.constant 0 : i32
      %dma_wait3A_366 = tpu.memref_slice %arg5[%dma_wait3A_364, %dma_wait3A_365] : memref<10112x64xf32, #tpu.memory_space<hbm>> -> memref<80x64xf32, #tpu.memory_space<hbm>>
      %dma_wait3A_367 = arith.constant 0 : i32
      %dma_wait3A_368 = arith.constant 0 : i32
      %dma_wait3A_369 = tpu.memref_slice %arg5[%dma_wait3A_367, %dma_wait3A_368] : memref<10112x64xf32, #tpu.memory_space<hbm>> -> memref<80x64xf32, #tpu.memory_space<hbm>>
      tpu.wait_dma2 semaphore(%arg27 : memref<!tpu.dma_semaphore, #tpu.memory_space<semaphore_mem>>) src(%dma_wait3A_369 : memref<80x64xf32, #tpu.memory_space<hbm>>) dst(%arg11 : memref<80x64xf32, #tpu.memory_space<vmem>>)
      %dma_wait3A_370 = arith.constant 0 : i32
      %dma_wait3A_371 = arith.constant 0 : i32
      %dma_wait3A_372 = tpu.memref_slice %arg5[%dma_wait3A_370, %dma_wait3A_371] : memref<10112x64xf32, #tpu.memory_space<hbm>> -> memref<80x64xf32, #tpu.memory_space<hbm>>
      %dma_wait3A_373 = arith.constant 0 : i32
      %dma_wait3A_374 = arith.constant 0 : i32
      %dma_wait3A_375 = tpu.memref_slice %arg5[%dma_wait3A_373, %dma_wait3A_374] : memref<10112x64xf32, #tpu.memory_space<hbm>> -> memref<80x64xf32, #tpu.memory_space<hbm>>
      tpu.wait_dma2 semaphore(%arg28 : memref<!tpu.dma_semaphore, #tpu.memory_space<semaphore_mem>>) src(%dma_wait3A_375 : memref<80x64xf32, #tpu.memory_space<hbm>>) dst(%arg12 : memref<80x64xf32, #tpu.memory_space<vmem>>)
      %dma_start3A_376 = arith.constant 16 : i32
      %dma_start3A_377 = arith.constant 0 : i32
      %dma_start3A_378 = tpu.memref_slice %arg7[%dma_start3A_376, %dma_start3A_377] : memref<50x80xi32, #tpu.memory_space<vmem>> -> memref<1x80xi32, #tpu.memory_space<vmem>>
      %dma_start3A_379 = tpu.memref_squeeze %dma_start3A_378 : memref<1x80xi32, #tpu.memory_space<vmem>> -> memref<80xi32, #tpu.memory_space<vmem>>
      %dma_start3A_380 = arith.constant 0 : i32
      %dma_start3A_381 = arith.constant 0 : i32
      %dma_start3A_382 = tpu.memref_slice %arg33[%dma_start3A_380, %dma_start3A_381] : memref<10112x64xf32, #tpu.memory_space<vmem_shared>> -> memref<10112x64xf32, #tpu.memory_space<vmem_shared>>
      tpu.enqueue_indirect_dma source(%dma_start3A_382 : memref<10112x64xf32, #tpu.memory_space<vmem_shared>>) target(%arg9 : memref<80x64xf32, #tpu.memory_space<vmem>>) offsets(%dma_start3A_379 : memref<80xi32, #tpu.memory_space<vmem>>) semaphore(%arg17 : memref<!tpu.dma_semaphore, #tpu.memory_space<semaphore_mem>>)
      %dma_start3A_383 = arith.constant 17 : i32
      %dma_start3A_384 = arith.constant 0 : i32
      %dma_start3A_385 = tpu.memref_slice %arg7[%dma_start3A_383, %dma_start3A_384] : memref<50x80xi32, #tpu.memory_space<vmem>> -> memref<1x80xi32, #tpu.memory_space<vmem>>
      %dma_start3A_386 = tpu.memref_squeeze %dma_start3A_385 : memref<1x80xi32, #tpu.memory_space<vmem>> -> memref<80xi32, #tpu.memory_space<vmem>>
      %dma_start3A_387 = arith.constant 0 : i32
      %dma_start3A_388 = arith.constant 0 : i32
      %dma_start3A_389 = tpu.memref_slice %arg33[%dma_start3A_387, %dma_start3A_388] : memref<10112x64xf32, #tpu.memory_space<vmem_shared>> -> memref<10112x64xf32, #tpu.memory_space<vmem_shared>>
      tpu.enqueue_indirect_dma source(%dma_start3A_389 : memref<10112x64xf32, #tpu.memory_space<vmem_shared>>) target(%arg10 : memref<80x64xf32, #tpu.memory_space<vmem>>) offsets(%dma_start3A_386 : memref<80xi32, #tpu.memory_space<vmem>>) semaphore(%arg18 : memref<!tpu.dma_semaphore, #tpu.memory_space<semaphore_mem>>)
      %dma_start3A_390 = arith.constant 18 : i32
      %dma_start3A_391 = arith.constant 0 : i32
      %dma_start3A_392 = tpu.memref_slice %arg7[%dma_start3A_390, %dma_start3A_391] : memref<50x80xi32, #tpu.memory_space<vmem>> -> memref<1x80xi32, #tpu.memory_space<vmem>>
      %dma_start3A_393 = tpu.memref_squeeze %dma_start3A_392 : memref<1x80xi32, #tpu.memory_space<vmem>> -> memref<80xi32, #tpu.memory_space<vmem>>
      %dma_start3A_394 = arith.constant 0 : i32
      %dma_start3A_395 = arith.constant 0 : i32
      %dma_start3A_396 = tpu.memref_slice %arg33[%dma_start3A_394, %dma_start3A_395] : memref<10112x64xf32, #tpu.memory_space<vmem_shared>> -> memref<10112x64xf32, #tpu.memory_space<vmem_shared>>
      tpu.enqueue_indirect_dma source(%dma_start3A_396 : memref<10112x64xf32, #tpu.memory_space<vmem_shared>>) target(%arg11 : memref<80x64xf32, #tpu.memory_space<vmem>>) offsets(%dma_start3A_393 : memref<80xi32, #tpu.memory_space<vmem>>) semaphore(%arg19 : memref<!tpu.dma_semaphore, #tpu.memory_space<semaphore_mem>>)
      %dma_start3A_397 = arith.constant 19 : i32
      %dma_start3A_398 = arith.constant 0 : i32
      %dma_start3A_399 = tpu.memref_slice %arg7[%dma_start3A_397, %dma_start3A_398] : memref<50x80xi32, #tpu.memory_space<vmem>> -> memref<1x80xi32, #tpu.memory_space<vmem>>
      %dma_start3A_400 = tpu.memref_squeeze %dma_start3A_399 : memref<1x80xi32, #tpu.memory_space<vmem>> -> memref<80xi32, #tpu.memory_space<vmem>>
      %dma_start3A_401 = arith.constant 0 : i32
      %dma_start3A_402 = arith.constant 0 : i32
      %dma_start3A_403 = tpu.memref_slice %arg33[%dma_start3A_401, %dma_start3A_402] : memref<10112x64xf32, #tpu.memory_space<vmem_shared>> -> memref<10112x64xf32, #tpu.memory_space<vmem_shared>>
      tpu.enqueue_indirect_dma source(%dma_start3A_403 : memref<10112x64xf32, #tpu.memory_space<vmem_shared>>) target(%arg12 : memref<80x64xf32, #tpu.memory_space<vmem>>) offsets(%dma_start3A_400 : memref<80xi32, #tpu.memory_space<vmem>>) semaphore(%arg20 : memref<!tpu.dma_semaphore, #tpu.memory_space<semaphore_mem>>)
      %dma_wait3A_404 = arith.constant 12 : i32
      %dma_wait3A_405 = arith.constant 0 : i32
      %dma_wait3A_406 = tpu.memref_slice %arg7[%dma_wait3A_404, %dma_wait3A_405] : memref<50x80xi32, #tpu.memory_space<vmem>> -> memref<1x80xi32, #tpu.memory_space<vmem>>
      %dma_wait3A_407 = tpu.memref_squeeze %dma_wait3A_406 : memref<1x80xi32, #tpu.memory_space<vmem>> -> memref<80xi32, #tpu.memory_space<vmem>>
      %dma_wait3A_408 = arith.constant 0 : i32
      %dma_wait3A_409 = arith.constant 0 : i32
      %dma_wait3A_410 = tpu.memref_slice %arg33[%dma_wait3A_408, %dma_wait3A_409] : memref<10112x64xf32, #tpu.memory_space<vmem_shared>> -> memref<10112x64xf32, #tpu.memory_space<vmem_shared>>
      tpu.wait_indirect_dma semaphore(%arg21 : memref<!tpu.dma_semaphore, #tpu.memory_space<semaphore_mem>>) src(%dma_wait3A_410 : memref<10112x64xf32, #tpu.memory_space<vmem_shared>>) dst(%arg13 : memref<80x64xf32, #tpu.memory_space<vmem>>)
      %dma_wait3A_411 = arith.constant 13 : i32
      %dma_wait3A_412 = arith.constant 0 : i32
      %dma_wait3A_413 = tpu.memref_slice %arg7[%dma_wait3A_411, %dma_wait3A_412] : memref<50x80xi32, #tpu.memory_space<vmem>> -> memref<1x80xi32, #tpu.memory_space<vmem>>
      %dma_wait3A_414 = tpu.memref_squeeze %dma_wait3A_413 : memref<1x80xi32, #tpu.memory_space<vmem>> -> memref<80xi32, #tpu.memory_space<vmem>>
      %dma_wait3A_415 = arith.constant 0 : i32
      %dma_wait3A_416 = arith.constant 0 : i32
      %dma_wait3A_417 = tpu.memref_slice %arg33[%dma_wait3A_415, %dma_wait3A_416] : memref<10112x64xf32, #tpu.memory_space<vmem_shared>> -> memref<10112x64xf32, #tpu.memory_space<vmem_shared>>
      tpu.wait_indirect_dma semaphore(%arg22 : memref<!tpu.dma_semaphore, #tpu.memory_space<semaphore_mem>>) src(%dma_wait3A_417 : memref<10112x64xf32, #tpu.memory_space<vmem_shared>>) dst(%arg14 : memref<80x64xf32, #tpu.memory_space<vmem>>)
      %dma_wait3A_418 = arith.constant 14 : i32
      %dma_wait3A_419 = arith.constant 0 : i32
      %dma_wait3A_420 = tpu.memref_slice %arg7[%dma_wait3A_418, %dma_wait3A_419] : memref<50x80xi32, #tpu.memory_space<vmem>> -> memref<1x80xi32, #tpu.memory_space<vmem>>
      %dma_wait3A_421 = tpu.memref_squeeze %dma_wait3A_420 : memref<1x80xi32, #tpu.memory_space<vmem>> -> memref<80xi32, #tpu.memory_space<vmem>>
      %dma_wait3A_422 = arith.constant 0 : i32
      %dma_wait3A_423 = arith.constant 0 : i32
      %dma_wait3A_424 = tpu.memref_slice %arg33[%dma_wait3A_422, %dma_wait3A_423] : memref<10112x64xf32, #tpu.memory_space<vmem_shared>> -> memref<10112x64xf32, #tpu.memory_space<vmem_shared>>
      tpu.wait_indirect_dma semaphore(%arg23 : memref<!tpu.dma_semaphore, #tpu.memory_space<semaphore_mem>>) src(%dma_wait3A_424 : memref<10112x64xf32, #tpu.memory_space<vmem_shared>>) dst(%arg15 : memref<80x64xf32, #tpu.memory_space<vmem>>)
      %dma_wait3A_425 = arith.constant 15 : i32
      %dma_wait3A_426 = arith.constant 0 : i32
      %dma_wait3A_427 = tpu.memref_slice %arg7[%dma_wait3A_425, %dma_wait3A_426] : memref<50x80xi32, #tpu.memory_space<vmem>> -> memref<1x80xi32, #tpu.memory_space<vmem>>
      %dma_wait3A_428 = tpu.memref_squeeze %dma_wait3A_427 : memref<1x80xi32, #tpu.memory_space<vmem>> -> memref<80xi32, #tpu.memory_space<vmem>>
      %dma_wait3A_429 = arith.constant 0 : i32
      %dma_wait3A_430 = arith.constant 0 : i32
      %dma_wait3A_431 = tpu.memref_slice %arg33[%dma_wait3A_429, %dma_wait3A_430] : memref<10112x64xf32, #tpu.memory_space<vmem_shared>> -> memref<10112x64xf32, #tpu.memory_space<vmem_shared>>
      tpu.wait_indirect_dma semaphore(%arg24 : memref<!tpu.dma_semaphore, #tpu.memory_space<semaphore_mem>>) src(%dma_wait3A_431 : memref<10112x64xf32, #tpu.memory_space<vmem_shared>>) dst(%arg16 : memref<80x64xf32, #tpu.memory_space<vmem>>)
      %dma_start3A_432 = arith.constant 12 : i32
      %dma_start3A_433 = arith.constant 0 : i32
      %dma_start3A_434 = tpu.memref_slice %arg8[%dma_start3A_432, %dma_start3A_433] : memref<50x80xi32, #tpu.memory_space<vmem>> -> memref<1x80xi32, #tpu.memory_space<vmem>>
      %dma_start3A_435 = tpu.memref_squeeze %dma_start3A_434 : memref<1x80xi32, #tpu.memory_space<vmem>> -> memref<80xi32, #tpu.memory_space<vmem>>
      %dma_start3A_436 = arith.constant 0 : i32
      %dma_start3A_437 = arith.constant 0 : i32
      %dma_start3A_438 = tpu.memref_slice %arg34[%dma_start3A_436, %dma_start3A_437] : memref<10112x64xf32, #tpu.memory_space<vmem_shared>> -> memref<10112x64xf32, #tpu.memory_space<vmem_shared>>
      tpu.enqueue_indirect_dma source(%arg13 : memref<80x64xf32, #tpu.memory_space<vmem>>) target(%dma_start3A_438 : memref<10112x64xf32, #tpu.memory_space<vmem_shared>>) offsets(%dma_start3A_435 : memref<80xi32, #tpu.memory_space<vmem>>) semaphore(%arg29 : memref<!tpu.dma_semaphore, #tpu.memory_space<semaphore_mem>>) {add = true}
      %dma_start3A_439 = arith.constant 13 : i32
      %dma_start3A_440 = arith.constant 0 : i32
      %dma_start3A_441 = tpu.memref_slice %arg8[%dma_start3A_439, %dma_start3A_440] : memref<50x80xi32, #tpu.memory_space<vmem>> -> memref<1x80xi32, #tpu.memory_space<vmem>>
      %dma_start3A_442 = tpu.memref_squeeze %dma_start3A_441 : memref<1x80xi32, #tpu.memory_space<vmem>> -> memref<80xi32, #tpu.memory_space<vmem>>
      %dma_start3A_443 = arith.constant 0 : i32
      %dma_start3A_444 = arith.constant 0 : i32
      %dma_start3A_445 = tpu.memref_slice %arg34[%dma_start3A_443, %dma_start3A_444] : memref<10112x64xf32, #tpu.memory_space<vmem_shared>> -> memref<10112x64xf32, #tpu.memory_space<vmem_shared>>
      tpu.enqueue_indirect_dma source(%arg14 : memref<80x64xf32, #tpu.memory_space<vmem>>) target(%dma_start3A_445 : memref<10112x64xf32, #tpu.memory_space<vmem_shared>>) offsets(%dma_start3A_442 : memref<80xi32, #tpu.memory_space<vmem>>) semaphore(%arg30 : memref<!tpu.dma_semaphore, #tpu.memory_space<semaphore_mem>>) {add = true}
      %dma_start3A_446 = arith.constant 14 : i32
      %dma_start3A_447 = arith.constant 0 : i32
      %dma_start3A_448 = tpu.memref_slice %arg8[%dma_start3A_446, %dma_start3A_447] : memref<50x80xi32, #tpu.memory_space<vmem>> -> memref<1x80xi32, #tpu.memory_space<vmem>>
      %dma_start3A_449 = tpu.memref_squeeze %dma_start3A_448 : memref<1x80xi32, #tpu.memory_space<vmem>> -> memref<80xi32, #tpu.memory_space<vmem>>
      %dma_start3A_450 = arith.constant 0 : i32
      %dma_start3A_451 = arith.constant 0 : i32
      %dma_start3A_452 = tpu.memref_slice %arg34[%dma_start3A_450, %dma_start3A_451] : memref<10112x64xf32, #tpu.memory_space<vmem_shared>> -> memref<10112x64xf32, #tpu.memory_space<vmem_shared>>
      tpu.enqueue_indirect_dma source(%arg15 : memref<80x64xf32, #tpu.memory_space<vmem>>) target(%dma_start3A_452 : memref<10112x64xf32, #tpu.memory_space<vmem_shared>>) offsets(%dma_start3A_449 : memref<80xi32, #tpu.memory_space<vmem>>) semaphore(%arg31 : memref<!tpu.dma_semaphore, #tpu.memory_space<semaphore_mem>>) {add = true}
      %dma_start3A_453 = arith.constant 15 : i32
      %dma_start3A_454 = arith.constant 0 : i32
      %dma_start3A_455 = tpu.memref_slice %arg8[%dma_start3A_453, %dma_start3A_454] : memref<50x80xi32, #tpu.memory_space<vmem>> -> memref<1x80xi32, #tpu.memory_space<vmem>>
      %dma_start3A_456 = tpu.memref_squeeze %dma_start3A_455 : memref<1x80xi32, #tpu.memory_space<vmem>> -> memref<80xi32, #tpu.memory_space<vmem>>
      %dma_start3A_457 = arith.constant 0 : i32
      %dma_start3A_458 = arith.constant 0 : i32
      %dma_start3A_459 = tpu.memref_slice %arg34[%dma_start3A_457, %dma_start3A_458] : memref<10112x64xf32, #tpu.memory_space<vmem_shared>> -> memref<10112x64xf32, #tpu.memory_space<vmem_shared>>
      tpu.enqueue_indirect_dma source(%arg16 : memref<80x64xf32, #tpu.memory_space<vmem>>) target(%dma_start3A_459 : memref<10112x64xf32, #tpu.memory_space<vmem_shared>>) offsets(%dma_start3A_456 : memref<80xi32, #tpu.memory_space<vmem>>) semaphore(%arg32 : memref<!tpu.dma_semaphore, #tpu.memory_space<semaphore_mem>>) {add = true}
      %dma_wait3A_460 = arith.constant 0 : i32
      %dma_wait3A_461 = arith.constant 0 : i32
      %dma_wait3A_462 = tpu.memref_slice %arg5[%dma_wait3A_460, %dma_wait3A_461] : memref<10112x64xf32, #tpu.memory_space<hbm>> -> memref<80x64xf32, #tpu.memory_space<hbm>>
      %dma_wait3A_463 = arith.constant 0 : i32
      %dma_wait3A_464 = arith.constant 0 : i32
      %dma_wait3A_465 = tpu.memref_slice %arg5[%dma_wait3A_463, %dma_wait3A_464] : memref<10112x64xf32, #tpu.memory_space<hbm>> -> memref<80x64xf32, #tpu.memory_space<hbm>>
      tpu.wait_dma2 semaphore(%arg29 : memref<!tpu.dma_semaphore, #tpu.memory_space<semaphore_mem>>) src(%dma_wait3A_465 : memref<80x64xf32, #tpu.memory_space<hbm>>) dst(%arg13 : memref<80x64xf32, #tpu.memory_space<vmem>>)
      %dma_wait3A_466 = arith.constant 0 : i32
      %dma_wait3A_467 = arith.constant 0 : i32
      %dma_wait3A_468 = tpu.memref_slice %arg5[%dma_wait3A_466, %dma_wait3A_467] : memref<10112x64xf32, #tpu.memory_space<hbm>> -> memref<80x64xf32, #tpu.memory_space<hbm>>
      %dma_wait3A_469 = arith.constant 0 : i32
      %dma_wait3A_470 = arith.constant 0 : i32
      %dma_wait3A_471 = tpu.memref_slice %arg5[%dma_wait3A_469, %dma_wait3A_470] : memref<10112x64xf32, #tpu.memory_space<hbm>> -> memref<80x64xf32, #tpu.memory_space<hbm>>
      tpu.wait_dma2 semaphore(%arg30 : memref<!tpu.dma_semaphore, #tpu.memory_space<semaphore_mem>>) src(%dma_wait3A_471 : memref<80x64xf32, #tpu.memory_space<hbm>>) dst(%arg14 : memref<80x64xf32, #tpu.memory_space<vmem>>)
      %dma_wait3A_472 = arith.constant 0 : i32
      %dma_wait3A_473 = arith.constant 0 : i32
      %dma_wait3A_474 = tpu.memref_slice %arg5[%dma_wait3A_472, %dma_wait3A_473] : memref<10112x64xf32, #tpu.memory_space<hbm>> -> memref<80x64xf32, #tpu.memory_space<hbm>>
      %dma_wait3A_475 = arith.constant 0 : i32
      %dma_wait3A_476 = arith.constant 0 : i32
      %dma_wait3A_477 = tpu.memref_slice %arg5[%dma_wait3A_475, %dma_wait3A_476] : memref<10112x64xf32, #tpu.memory_space<hbm>> -> memref<80x64xf32, #tpu.memory_space<hbm>>
      tpu.wait_dma2 semaphore(%arg31 : memref<!tpu.dma_semaphore, #tpu.memory_space<semaphore_mem>>) src(%dma_wait3A_477 : memref<80x64xf32, #tpu.memory_space<hbm>>) dst(%arg15 : memref<80x64xf32, #tpu.memory_space<vmem>>)
      %dma_wait3A_478 = arith.constant 0 : i32
      %dma_wait3A_479 = arith.constant 0 : i32
      %dma_wait3A_480 = tpu.memref_slice %arg5[%dma_wait3A_478, %dma_wait3A_479] : memref<10112x64xf32, #tpu.memory_space<hbm>> -> memref<80x64xf32, #tpu.memory_space<hbm>>
      %dma_wait3A_481 = arith.constant 0 : i32
      %dma_wait3A_482 = arith.constant 0 : i32
      %dma_wait3A_483 = tpu.memref_slice %arg5[%dma_wait3A_481, %dma_wait3A_482] : memref<10112x64xf32, #tpu.memory_space<hbm>> -> memref<80x64xf32, #tpu.memory_space<hbm>>
      tpu.wait_dma2 semaphore(%arg32 : memref<!tpu.dma_semaphore, #tpu.memory_space<semaphore_mem>>) src(%dma_wait3A_483 : memref<80x64xf32, #tpu.memory_space<hbm>>) dst(%arg16 : memref<80x64xf32, #tpu.memory_space<vmem>>)
      %dma_start3A_484 = arith.constant 20 : i32
      %dma_start3A_485 = arith.constant 0 : i32
      %dma_start3A_486 = tpu.memref_slice %arg7[%dma_start3A_484, %dma_start3A_485] : memref<50x80xi32, #tpu.memory_space<vmem>> -> memref<1x80xi32, #tpu.memory_space<vmem>>
      %dma_start3A_487 = tpu.memref_squeeze %dma_start3A_486 : memref<1x80xi32, #tpu.memory_space<vmem>> -> memref<80xi32, #tpu.memory_space<vmem>>
      %dma_start3A_488 = arith.constant 0 : i32
      %dma_start3A_489 = arith.constant 0 : i32
      %dma_start3A_490 = tpu.memref_slice %arg33[%dma_start3A_488, %dma_start3A_489] : memref<10112x64xf32, #tpu.memory_space<vmem_shared>> -> memref<10112x64xf32, #tpu.memory_space<vmem_shared>>
      tpu.enqueue_indirect_dma source(%dma_start3A_490 : memref<10112x64xf32, #tpu.memory_space<vmem_shared>>) target(%arg13 : memref<80x64xf32, #tpu.memory_space<vmem>>) offsets(%dma_start3A_487 : memref<80xi32, #tpu.memory_space<vmem>>) semaphore(%arg21 : memref<!tpu.dma_semaphore, #tpu.memory_space<semaphore_mem>>)
      %dma_start3A_491 = arith.constant 21 : i32
      %dma_start3A_492 = arith.constant 0 : i32
      %dma_start3A_493 = tpu.memref_slice %arg7[%dma_start3A_491, %dma_start3A_492] : memref<50x80xi32, #tpu.memory_space<vmem>> -> memref<1x80xi32, #tpu.memory_space<vmem>>
      %dma_start3A_494 = tpu.memref_squeeze %dma_start3A_493 : memref<1x80xi32, #tpu.memory_space<vmem>> -> memref<80xi32, #tpu.memory_space<vmem>>
      %dma_start3A_495 = arith.constant 0 : i32
      %dma_start3A_496 = arith.constant 0 : i32
      %dma_start3A_497 = tpu.memref_slice %arg33[%dma_start3A_495, %dma_start3A_496] : memref<10112x64xf32, #tpu.memory_space<vmem_shared>> -> memref<10112x64xf32, #tpu.memory_space<vmem_shared>>
      tpu.enqueue_indirect_dma source(%dma_start3A_497 : memref<10112x64xf32, #tpu.memory_space<vmem_shared>>) target(%arg14 : memref<80x64xf32, #tpu.memory_space<vmem>>) offsets(%dma_start3A_494 : memref<80xi32, #tpu.memory_space<vmem>>) semaphore(%arg22 : memref<!tpu.dma_semaphore, #tpu.memory_space<semaphore_mem>>)
      %dma_start3A_498 = arith.constant 22 : i32
      %dma_start3A_499 = arith.constant 0 : i32
      %dma_start3A_500 = tpu.memref_slice %arg7[%dma_start3A_498, %dma_start3A_499] : memref<50x80xi32, #tpu.memory_space<vmem>> -> memref<1x80xi32, #tpu.memory_space<vmem>>
      %dma_start3A_501 = tpu.memref_squeeze %dma_start3A_500 : memref<1x80xi32, #tpu.memory_space<vmem>> -> memref<80xi32, #tpu.memory_space<vmem>>
      %dma_start3A_502 = arith.constant 0 : i32
      %dma_start3A_503 = arith.constant 0 : i32
      %dma_start3A_504 = tpu.memref_slice %arg33[%dma_start3A_502, %dma_start3A_503] : memref<10112x64xf32, #tpu.memory_space<vmem_shared>> -> memref<10112x64xf32, #tpu.memory_space<vmem_shared>>
      tpu.enqueue_indirect_dma source(%dma_start3A_504 : memref<10112x64xf32, #tpu.memory_space<vmem_shared>>) target(%arg15 : memref<80x64xf32, #tpu.memory_space<vmem>>) offsets(%dma_start3A_501 : memref<80xi32, #tpu.memory_space<vmem>>) semaphore(%arg23 : memref<!tpu.dma_semaphore, #tpu.memory_space<semaphore_mem>>)
      %dma_start3A_505 = arith.constant 23 : i32
      %dma_start3A_506 = arith.constant 0 : i32
      %dma_start3A_507 = tpu.memref_slice %arg7[%dma_start3A_505, %dma_start3A_506] : memref<50x80xi32, #tpu.memory_space<vmem>> -> memref<1x80xi32, #tpu.memory_space<vmem>>
      %dma_start3A_508 = tpu.memref_squeeze %dma_start3A_507 : memref<1x80xi32, #tpu.memory_space<vmem>> -> memref<80xi32, #tpu.memory_space<vmem>>
      %dma_start3A_509 = arith.constant 0 : i32
      %dma_start3A_510 = arith.constant 0 : i32
      %dma_start3A_511 = tpu.memref_slice %arg33[%dma_start3A_509, %dma_start3A_510] : memref<10112x64xf32, #tpu.memory_space<vmem_shared>> -> memref<10112x64xf32, #tpu.memory_space<vmem_shared>>
      tpu.enqueue_indirect_dma source(%dma_start3A_511 : memref<10112x64xf32, #tpu.memory_space<vmem_shared>>) target(%arg16 : memref<80x64xf32, #tpu.memory_space<vmem>>) offsets(%dma_start3A_508 : memref<80xi32, #tpu.memory_space<vmem>>) semaphore(%arg24 : memref<!tpu.dma_semaphore, #tpu.memory_space<semaphore_mem>>)
      %dma_wait3A_512 = arith.constant 16 : i32
      %dma_wait3A_513 = arith.constant 0 : i32
      %dma_wait3A_514 = tpu.memref_slice %arg7[%dma_wait3A_512, %dma_wait3A_513] : memref<50x80xi32, #tpu.memory_space<vmem>> -> memref<1x80xi32, #tpu.memory_space<vmem>>
      %dma_wait3A_515 = tpu.memref_squeeze %dma_wait3A_514 : memref<1x80xi32, #tpu.memory_space<vmem>> -> memref<80xi32, #tpu.memory_space<vmem>>
      %dma_wait3A_516 = arith.constant 0 : i32
      %dma_wait3A_517 = arith.constant 0 : i32
      %dma_wait3A_518 = tpu.memref_slice %arg33[%dma_wait3A_516, %dma_wait3A_517] : memref<10112x64xf32, #tpu.memory_space<vmem_shared>> -> memref<10112x64xf32, #tpu.memory_space<vmem_shared>>
      tpu.wait_indirect_dma semaphore(%arg17 : memref<!tpu.dma_semaphore, #tpu.memory_space<semaphore_mem>>) src(%dma_wait3A_518 : memref<10112x64xf32, #tpu.memory_space<vmem_shared>>) dst(%arg9 : memref<80x64xf32, #tpu.memory_space<vmem>>)
      %dma_wait3A_519 = arith.constant 17 : i32
      %dma_wait3A_520 = arith.constant 0 : i32
      %dma_wait3A_521 = tpu.memref_slice %arg7[%dma_wait3A_519, %dma_wait3A_520] : memref<50x80xi32, #tpu.memory_space<vmem>> -> memref<1x80xi32, #tpu.memory_space<vmem>>
      %dma_wait3A_522 = tpu.memref_squeeze %dma_wait3A_521 : memref<1x80xi32, #tpu.memory_space<vmem>> -> memref<80xi32, #tpu.memory_space<vmem>>
      %dma_wait3A_523 = arith.constant 0 : i32
      %dma_wait3A_524 = arith.constant 0 : i32
      %dma_wait3A_525 = tpu.memref_slice %arg33[%dma_wait3A_523, %dma_wait3A_524] : memref<10112x64xf32, #tpu.memory_space<vmem_shared>> -> memref<10112x64xf32, #tpu.memory_space<vmem_shared>>
      tpu.wait_indirect_dma semaphore(%arg18 : memref<!tpu.dma_semaphore, #tpu.memory_space<semaphore_mem>>) src(%dma_wait3A_525 : memref<10112x64xf32, #tpu.memory_space<vmem_shared>>) dst(%arg10 : memref<80x64xf32, #tpu.memory_space<vmem>>)
      %dma_wait3A_526 = arith.constant 18 : i32
      %dma_wait3A_527 = arith.constant 0 : i32
      %dma_wait3A_528 = tpu.memref_slice %arg7[%dma_wait3A_526, %dma_wait3A_527] : memref<50x80xi32, #tpu.memory_space<vmem>> -> memref<1x80xi32, #tpu.memory_space<vmem>>
      %dma_wait3A_529 = tpu.memref_squeeze %dma_wait3A_528 : memref<1x80xi32, #tpu.memory_space<vmem>> -> memref<80xi32, #tpu.memory_space<vmem>>
      %dma_wait3A_530 = arith.constant 0 : i32
      %dma_wait3A_531 = arith.constant 0 : i32
      %dma_wait3A_532 = tpu.memref_slice %arg33[%dma_wait3A_530, %dma_wait3A_531] : memref<10112x64xf32, #tpu.memory_space<vmem_shared>> -> memref<10112x64xf32, #tpu.memory_space<vmem_shared>>
      tpu.wait_indirect_dma semaphore(%arg19 : memref<!tpu.dma_semaphore, #tpu.memory_space<semaphore_mem>>) src(%dma_wait3A_532 : memref<10112x64xf32, #tpu.memory_space<vmem_shared>>) dst(%arg11 : memref<80x64xf32, #tpu.memory_space<vmem>>)
      %dma_wait3A_533 = arith.constant 19 : i32
      %dma_wait3A_534 = arith.constant 0 : i32
      %dma_wait3A_535 = tpu.memref_slice %arg7[%dma_wait3A_533, %dma_wait3A_534] : memref<50x80xi32, #tpu.memory_space<vmem>> -> memref<1x80xi32, #tpu.memory_space<vmem>>
      %dma_wait3A_536 = tpu.memref_squeeze %dma_wait3A_535 : memref<1x80xi32, #tpu.memory_space<vmem>> -> memref<80xi32, #tpu.memory_space<vmem>>
      %dma_wait3A_537 = arith.constant 0 : i32
      %dma_wait3A_538 = arith.constant 0 : i32
      %dma_wait3A_539 = tpu.memref_slice %arg33[%dma_wait3A_537, %dma_wait3A_538] : memref<10112x64xf32, #tpu.memory_space<vmem_shared>> -> memref<10112x64xf32, #tpu.memory_space<vmem_shared>>
      tpu.wait_indirect_dma semaphore(%arg20 : memref<!tpu.dma_semaphore, #tpu.memory_space<semaphore_mem>>) src(%dma_wait3A_539 : memref<10112x64xf32, #tpu.memory_space<vmem_shared>>) dst(%arg12 : memref<80x64xf32, #tpu.memory_space<vmem>>)
      %dma_start3A_540 = arith.constant 16 : i32
      %dma_start3A_541 = arith.constant 0 : i32
      %dma_start3A_542 = tpu.memref_slice %arg8[%dma_start3A_540, %dma_start3A_541] : memref<50x80xi32, #tpu.memory_space<vmem>> -> memref<1x80xi32, #tpu.memory_space<vmem>>
      %dma_start3A_543 = tpu.memref_squeeze %dma_start3A_542 : memref<1x80xi32, #tpu.memory_space<vmem>> -> memref<80xi32, #tpu.memory_space<vmem>>
      %dma_start3A_544 = arith.constant 0 : i32
      %dma_start3A_545 = arith.constant 0 : i32
      %dma_start3A_546 = tpu.memref_slice %arg34[%dma_start3A_544, %dma_start3A_545] : memref<10112x64xf32, #tpu.memory_space<vmem_shared>> -> memref<10112x64xf32, #tpu.memory_space<vmem_shared>>
      tpu.enqueue_indirect_dma source(%arg9 : memref<80x64xf32, #tpu.memory_space<vmem>>) target(%dma_start3A_546 : memref<10112x64xf32, #tpu.memory_space<vmem_shared>>) offsets(%dma_start3A_543 : memref<80xi32, #tpu.memory_space<vmem>>) semaphore(%arg25 : memref<!tpu.dma_semaphore, #tpu.memory_space<semaphore_mem>>) {add = true}
      %dma_start3A_547 = arith.constant 17 : i32
      %dma_start3A_548 = arith.constant 0 : i32
      %dma_start3A_549 = tpu.memref_slice %arg8[%dma_start3A_547, %dma_start3A_548] : memref<50x80xi32, #tpu.memory_space<vmem>> -> memref<1x80xi32, #tpu.memory_space<vmem>>
      %dma_start3A_550 = tpu.memref_squeeze %dma_start3A_549 : memref<1x80xi32, #tpu.memory_space<vmem>> -> memref<80xi32, #tpu.memory_space<vmem>>
      %dma_start3A_551 = arith.constant 0 : i32
      %dma_start3A_552 = arith.constant 0 : i32
      %dma_start3A_553 = tpu.memref_slice %arg34[%dma_start3A_551, %dma_start3A_552] : memref<10112x64xf32, #tpu.memory_space<vmem_shared>> -> memref<10112x64xf32, #tpu.memory_space<vmem_shared>>
      tpu.enqueue_indirect_dma source(%arg10 : memref<80x64xf32, #tpu.memory_space<vmem>>) target(%dma_start3A_553 : memref<10112x64xf32, #tpu.memory_space<vmem_shared>>) offsets(%dma_start3A_550 : memref<80xi32, #tpu.memory_space<vmem>>) semaphore(%arg26 : memref<!tpu.dma_semaphore, #tpu.memory_space<semaphore_mem>>) {add = true}
      %dma_start3A_554 = arith.constant 18 : i32
      %dma_start3A_555 = arith.constant 0 : i32
      %dma_start3A_556 = tpu.memref_slice %arg8[%dma_start3A_554, %dma_start3A_555] : memref<50x80xi32, #tpu.memory_space<vmem>> -> memref<1x80xi32, #tpu.memory_space<vmem>>
      %dma_start3A_557 = tpu.memref_squeeze %dma_start3A_556 : memref<1x80xi32, #tpu.memory_space<vmem>> -> memref<80xi32, #tpu.memory_space<vmem>>
      %dma_start3A_558 = arith.constant 0 : i32
      %dma_start3A_559 = arith.constant 0 : i32
      %dma_start3A_560 = tpu.memref_slice %arg34[%dma_start3A_558, %dma_start3A_559] : memref<10112x64xf32, #tpu.memory_space<vmem_shared>> -> memref<10112x64xf32, #tpu.memory_space<vmem_shared>>
      tpu.enqueue_indirect_dma source(%arg11 : memref<80x64xf32, #tpu.memory_space<vmem>>) target(%dma_start3A_560 : memref<10112x64xf32, #tpu.memory_space<vmem_shared>>) offsets(%dma_start3A_557 : memref<80xi32, #tpu.memory_space<vmem>>) semaphore(%arg27 : memref<!tpu.dma_semaphore, #tpu.memory_space<semaphore_mem>>) {add = true}
      %dma_start3A_561 = arith.constant 19 : i32
      %dma_start3A_562 = arith.constant 0 : i32
      %dma_start3A_563 = tpu.memref_slice %arg8[%dma_start3A_561, %dma_start3A_562] : memref<50x80xi32, #tpu.memory_space<vmem>> -> memref<1x80xi32, #tpu.memory_space<vmem>>
      %dma_start3A_564 = tpu.memref_squeeze %dma_start3A_563 : memref<1x80xi32, #tpu.memory_space<vmem>> -> memref<80xi32, #tpu.memory_space<vmem>>
      %dma_start3A_565 = arith.constant 0 : i32
      %dma_start3A_566 = arith.constant 0 : i32
      %dma_start3A_567 = tpu.memref_slice %arg34[%dma_start3A_565, %dma_start3A_566] : memref<10112x64xf32, #tpu.memory_space<vmem_shared>> -> memref<10112x64xf32, #tpu.memory_space<vmem_shared>>
      tpu.enqueue_indirect_dma source(%arg12 : memref<80x64xf32, #tpu.memory_space<vmem>>) target(%dma_start3A_567 : memref<10112x64xf32, #tpu.memory_space<vmem_shared>>) offsets(%dma_start3A_564 : memref<80xi32, #tpu.memory_space<vmem>>) semaphore(%arg28 : memref<!tpu.dma_semaphore, #tpu.memory_space<semaphore_mem>>) {add = true}
      %dma_wait3A_568 = arith.constant 0 : i32
      %dma_wait3A_569 = arith.constant 0 : i32
      %dma_wait3A_570 = tpu.memref_slice %arg5[%dma_wait3A_568, %dma_wait3A_569] : memref<10112x64xf32, #tpu.memory_space<hbm>> -> memref<80x64xf32, #tpu.memory_space<hbm>>
      %dma_wait3A_571 = arith.constant 0 : i32
      %dma_wait3A_572 = arith.constant 0 : i32
      %dma_wait3A_573 = tpu.memref_slice %arg5[%dma_wait3A_571, %dma_wait3A_572] : memref<10112x64xf32, #tpu.memory_space<hbm>> -> memref<80x64xf32, #tpu.memory_space<hbm>>
      tpu.wait_dma2 semaphore(%arg25 : memref<!tpu.dma_semaphore, #tpu.memory_space<semaphore_mem>>) src(%dma_wait3A_573 : memref<80x64xf32, #tpu.memory_space<hbm>>) dst(%arg9 : memref<80x64xf32, #tpu.memory_space<vmem>>)
      %dma_wait3A_574 = arith.constant 0 : i32
      %dma_wait3A_575 = arith.constant 0 : i32
      %dma_wait3A_576 = tpu.memref_slice %arg5[%dma_wait3A_574, %dma_wait3A_575] : memref<10112x64xf32, #tpu.memory_space<hbm>> -> memref<80x64xf32, #tpu.memory_space<hbm>>
      %dma_wait3A_577 = arith.constant 0 : i32
      %dma_wait3A_578 = arith.constant 0 : i32
      %dma_wait3A_579 = tpu.memref_slice %arg5[%dma_wait3A_577, %dma_wait3A_578] : memref<10112x64xf32, #tpu.memory_space<hbm>> -> memref<80x64xf32, #tpu.memory_space<hbm>>
      tpu.wait_dma2 semaphore(%arg26 : memref<!tpu.dma_semaphore, #tpu.memory_space<semaphore_mem>>) src(%dma_wait3A_579 : memref<80x64xf32, #tpu.memory_space<hbm>>) dst(%arg10 : memref<80x64xf32, #tpu.memory_space<vmem>>)
      %dma_wait3A_580 = arith.constant 0 : i32
      %dma_wait3A_581 = arith.constant 0 : i32
      %dma_wait3A_582 = tpu.memref_slice %arg5[%dma_wait3A_580, %dma_wait3A_581] : memref<10112x64xf32, #tpu.memory_space<hbm>> -> memref<80x64xf32, #tpu.memory_space<hbm>>
      %dma_wait3A_583 = arith.constant 0 : i32
      %dma_wait3A_584 = arith.constant 0 : i32
      %dma_wait3A_585 = tpu.memref_slice %arg5[%dma_wait3A_583, %dma_wait3A_584] : memref<10112x64xf32, #tpu.memory_space<hbm>> -> memref<80x64xf32, #tpu.memory_space<hbm>>
      tpu.wait_dma2 semaphore(%arg27 : memref<!tpu.dma_semaphore, #tpu.memory_space<semaphore_mem>>) src(%dma_wait3A_585 : memref<80x64xf32, #tpu.memory_space<hbm>>) dst(%arg11 : memref<80x64xf32, #tpu.memory_space<vmem>>)
      %dma_wait3A_586 = arith.constant 0 : i32
      %dma_wait3A_587 = arith.constant 0 : i32
      %dma_wait3A_588 = tpu.memref_slice %arg5[%dma_wait3A_586, %dma_wait3A_587] : memref<10112x64xf32, #tpu.memory_space<hbm>> -> memref<80x64xf32, #tpu.memory_space<hbm>>
      %dma_wait3A_589 = arith.constant 0 : i32
      %dma_wait3A_590 = arith.constant 0 : i32
      %dma_wait3A_591 = tpu.memref_slice %arg5[%dma_wait3A_589, %dma_wait3A_590] : memref<10112x64xf32, #tpu.memory_space<hbm>> -> memref<80x64xf32, #tpu.memory_space<hbm>>
      tpu.wait_dma2 semaphore(%arg28 : memref<!tpu.dma_semaphore, #tpu.memory_space<semaphore_mem>>) src(%dma_wait3A_591 : memref<80x64xf32, #tpu.memory_space<hbm>>) dst(%arg12 : memref<80x64xf32, #tpu.memory_space<vmem>>)
      %dma_start3A_592 = arith.constant 24 : i32
      %dma_start3A_593 = arith.constant 0 : i32
      %dma_start3A_594 = tpu.memref_slice %arg7[%dma_start3A_592, %dma_start3A_593] : memref<50x80xi32, #tpu.memory_space<vmem>> -> memref<1x80xi32, #tpu.memory_space<vmem>>
      %dma_start3A_595 = tpu.memref_squeeze %dma_start3A_594 : memref<1x80xi32, #tpu.memory_space<vmem>> -> memref<80xi32, #tpu.memory_space<vmem>>
      %dma_start3A_596 = arith.constant 0 : i32
      %dma_start3A_597 = arith.constant 0 : i32
      %dma_start3A_598 = tpu.memref_slice %arg33[%dma_start3A_596, %dma_start3A_597] : memref<10112x64xf32, #tpu.memory_space<vmem_shared>> -> memref<10112x64xf32, #tpu.memory_space<vmem_shared>>
      tpu.enqueue_indirect_dma source(%dma_start3A_598 : memref<10112x64xf32, #tpu.memory_space<vmem_shared>>) target(%arg9 : memref<80x64xf32, #tpu.memory_space<vmem>>) offsets(%dma_start3A_595 : memref<80xi32, #tpu.memory_space<vmem>>) semaphore(%arg17 : memref<!tpu.dma_semaphore, #tpu.memory_space<semaphore_mem>>)
      %dma_start3A_599 = arith.constant 25 : i32
      %dma_start3A_600 = arith.constant 0 : i32
      %dma_start3A_601 = tpu.memref_slice %arg7[%dma_start3A_599, %dma_start3A_600] : memref<50x80xi32, #tpu.memory_space<vmem>> -> memref<1x80xi32, #tpu.memory_space<vmem>>
      %dma_start3A_602 = tpu.memref_squeeze %dma_start3A_601 : memref<1x80xi32, #tpu.memory_space<vmem>> -> memref<80xi32, #tpu.memory_space<vmem>>
      %dma_start3A_603 = arith.constant 0 : i32
      %dma_start3A_604 = arith.constant 0 : i32
      %dma_start3A_605 = tpu.memref_slice %arg33[%dma_start3A_603, %dma_start3A_604] : memref<10112x64xf32, #tpu.memory_space<vmem_shared>> -> memref<10112x64xf32, #tpu.memory_space<vmem_shared>>
      tpu.enqueue_indirect_dma source(%dma_start3A_605 : memref<10112x64xf32, #tpu.memory_space<vmem_shared>>) target(%arg10 : memref<80x64xf32, #tpu.memory_space<vmem>>) offsets(%dma_start3A_602 : memref<80xi32, #tpu.memory_space<vmem>>) semaphore(%arg18 : memref<!tpu.dma_semaphore, #tpu.memory_space<semaphore_mem>>)
      %dma_start3A_606 = arith.constant 26 : i32
      %dma_start3A_607 = arith.constant 0 : i32
      %dma_start3A_608 = tpu.memref_slice %arg7[%dma_start3A_606, %dma_start3A_607] : memref<50x80xi32, #tpu.memory_space<vmem>> -> memref<1x80xi32, #tpu.memory_space<vmem>>
      %dma_start3A_609 = tpu.memref_squeeze %dma_start3A_608 : memref<1x80xi32, #tpu.memory_space<vmem>> -> memref<80xi32, #tpu.memory_space<vmem>>
      %dma_start3A_610 = arith.constant 0 : i32
      %dma_start3A_611 = arith.constant 0 : i32
      %dma_start3A_612 = tpu.memref_slice %arg33[%dma_start3A_610, %dma_start3A_611] : memref<10112x64xf32, #tpu.memory_space<vmem_shared>> -> memref<10112x64xf32, #tpu.memory_space<vmem_shared>>
      tpu.enqueue_indirect_dma source(%dma_start3A_612 : memref<10112x64xf32, #tpu.memory_space<vmem_shared>>) target(%arg11 : memref<80x64xf32, #tpu.memory_space<vmem>>) offsets(%dma_start3A_609 : memref<80xi32, #tpu.memory_space<vmem>>) semaphore(%arg19 : memref<!tpu.dma_semaphore, #tpu.memory_space<semaphore_mem>>)
      %dma_start3A_613 = arith.constant 27 : i32
      %dma_start3A_614 = arith.constant 0 : i32
      %dma_start3A_615 = tpu.memref_slice %arg7[%dma_start3A_613, %dma_start3A_614] : memref<50x80xi32, #tpu.memory_space<vmem>> -> memref<1x80xi32, #tpu.memory_space<vmem>>
      %dma_start3A_616 = tpu.memref_squeeze %dma_start3A_615 : memref<1x80xi32, #tpu.memory_space<vmem>> -> memref<80xi32, #tpu.memory_space<vmem>>
      %dma_start3A_617 = arith.constant 0 : i32
      %dma_start3A_618 = arith.constant 0 : i32
      %dma_start3A_619 = tpu.memref_slice %arg33[%dma_start3A_617, %dma_start3A_618] : memref<10112x64xf32, #tpu.memory_space<vmem_shared>> -> memref<10112x64xf32, #tpu.memory_space<vmem_shared>>
      tpu.enqueue_indirect_dma source(%dma_start3A_619 : memref<10112x64xf32, #tpu.memory_space<vmem_shared>>) target(%arg12 : memref<80x64xf32, #tpu.memory_space<vmem>>) offsets(%dma_start3A_616 : memref<80xi32, #tpu.memory_space<vmem>>) semaphore(%arg20 : memref<!tpu.dma_semaphore, #tpu.memory_space<semaphore_mem>>)
      %dma_wait3A_620 = arith.constant 20 : i32
      %dma_wait3A_621 = arith.constant 0 : i32
      %dma_wait3A_622 = tpu.memref_slice %arg7[%dma_wait3A_620, %dma_wait3A_621] : memref<50x80xi32, #tpu.memory_space<vmem>> -> memref<1x80xi32, #tpu.memory_space<vmem>>
      %dma_wait3A_623 = tpu.memref_squeeze %dma_wait3A_622 : memref<1x80xi32, #tpu.memory_space<vmem>> -> memref<80xi32, #tpu.memory_space<vmem>>
      %dma_wait3A_624 = arith.constant 0 : i32
      %dma_wait3A_625 = arith.constant 0 : i32
      %dma_wait3A_626 = tpu.memref_slice %arg33[%dma_wait3A_624, %dma_wait3A_625] : memref<10112x64xf32, #tpu.memory_space<vmem_shared>> -> memref<10112x64xf32, #tpu.memory_space<vmem_shared>>
      tpu.wait_indirect_dma semaphore(%arg21 : memref<!tpu.dma_semaphore, #tpu.memory_space<semaphore_mem>>) src(%dma_wait3A_626 : memref<10112x64xf32, #tpu.memory_space<vmem_shared>>) dst(%arg13 : memref<80x64xf32, #tpu.memory_space<vmem>>)
      %dma_wait3A_627 = arith.constant 21 : i32
      %dma_wait3A_628 = arith.constant 0 : i32
      %dma_wait3A_629 = tpu.memref_slice %arg7[%dma_wait3A_627, %dma_wait3A_628] : memref<50x80xi32, #tpu.memory_space<vmem>> -> memref<1x80xi32, #tpu.memory_space<vmem>>
      %dma_wait3A_630 = tpu.memref_squeeze %dma_wait3A_629 : memref<1x80xi32, #tpu.memory_space<vmem>> -> memref<80xi32, #tpu.memory_space<vmem>>
      %dma_wait3A_631 = arith.constant 0 : i32
      %dma_wait3A_632 = arith.constant 0 : i32
      %dma_wait3A_633 = tpu.memref_slice %arg33[%dma_wait3A_631, %dma_wait3A_632] : memref<10112x64xf32, #tpu.memory_space<vmem_shared>> -> memref<10112x64xf32, #tpu.memory_space<vmem_shared>>
      tpu.wait_indirect_dma semaphore(%arg22 : memref<!tpu.dma_semaphore, #tpu.memory_space<semaphore_mem>>) src(%dma_wait3A_633 : memref<10112x64xf32, #tpu.memory_space<vmem_shared>>) dst(%arg14 : memref<80x64xf32, #tpu.memory_space<vmem>>)
      %dma_wait3A_634 = arith.constant 22 : i32
      %dma_wait3A_635 = arith.constant 0 : i32
      %dma_wait3A_636 = tpu.memref_slice %arg7[%dma_wait3A_634, %dma_wait3A_635] : memref<50x80xi32, #tpu.memory_space<vmem>> -> memref<1x80xi32, #tpu.memory_space<vmem>>
      %dma_wait3A_637 = tpu.memref_squeeze %dma_wait3A_636 : memref<1x80xi32, #tpu.memory_space<vmem>> -> memref<80xi32, #tpu.memory_space<vmem>>
      %dma_wait3A_638 = arith.constant 0 : i32
      %dma_wait3A_639 = arith.constant 0 : i32
      %dma_wait3A_640 = tpu.memref_slice %arg33[%dma_wait3A_638, %dma_wait3A_639] : memref<10112x64xf32, #tpu.memory_space<vmem_shared>> -> memref<10112x64xf32, #tpu.memory_space<vmem_shared>>
      tpu.wait_indirect_dma semaphore(%arg23 : memref<!tpu.dma_semaphore, #tpu.memory_space<semaphore_mem>>) src(%dma_wait3A_640 : memref<10112x64xf32, #tpu.memory_space<vmem_shared>>) dst(%arg15 : memref<80x64xf32, #tpu.memory_space<vmem>>)
      %dma_wait3A_641 = arith.constant 23 : i32
      %dma_wait3A_642 = arith.constant 0 : i32
      %dma_wait3A_643 = tpu.memref_slice %arg7[%dma_wait3A_641, %dma_wait3A_642] : memref<50x80xi32, #tpu.memory_space<vmem>> -> memref<1x80xi32, #tpu.memory_space<vmem>>
      %dma_wait3A_644 = tpu.memref_squeeze %dma_wait3A_643 : memref<1x80xi32, #tpu.memory_space<vmem>> -> memref<80xi32, #tpu.memory_space<vmem>>
      %dma_wait3A_645 = arith.constant 0 : i32
      %dma_wait3A_646 = arith.constant 0 : i32
      %dma_wait3A_647 = tpu.memref_slice %arg33[%dma_wait3A_645, %dma_wait3A_646] : memref<10112x64xf32, #tpu.memory_space<vmem_shared>> -> memref<10112x64xf32, #tpu.memory_space<vmem_shared>>
      tpu.wait_indirect_dma semaphore(%arg24 : memref<!tpu.dma_semaphore, #tpu.memory_space<semaphore_mem>>) src(%dma_wait3A_647 : memref<10112x64xf32, #tpu.memory_space<vmem_shared>>) dst(%arg16 : memref<80x64xf32, #tpu.memory_space<vmem>>)
      %dma_start3A_648 = arith.constant 20 : i32
      %dma_start3A_649 = arith.constant 0 : i32
      %dma_start3A_650 = tpu.memref_slice %arg8[%dma_start3A_648, %dma_start3A_649] : memref<50x80xi32, #tpu.memory_space<vmem>> -> memref<1x80xi32, #tpu.memory_space<vmem>>
      %dma_start3A_651 = tpu.memref_squeeze %dma_start3A_650 : memref<1x80xi32, #tpu.memory_space<vmem>> -> memref<80xi32, #tpu.memory_space<vmem>>
      %dma_start3A_652 = arith.constant 0 : i32
      %dma_start3A_653 = arith.constant 0 : i32
      %dma_start3A_654 = tpu.memref_slice %arg34[%dma_start3A_652, %dma_start3A_653] : memref<10112x64xf32, #tpu.memory_space<vmem_shared>> -> memref<10112x64xf32, #tpu.memory_space<vmem_shared>>
      tpu.enqueue_indirect_dma source(%arg13 : memref<80x64xf32, #tpu.memory_space<vmem>>) target(%dma_start3A_654 : memref<10112x64xf32, #tpu.memory_space<vmem_shared>>) offsets(%dma_start3A_651 : memref<80xi32, #tpu.memory_space<vmem>>) semaphore(%arg29 : memref<!tpu.dma_semaphore, #tpu.memory_space<semaphore_mem>>) {add = true}
      %dma_start3A_655 = arith.constant 21 : i32
      %dma_start3A_656 = arith.constant 0 : i32
      %dma_start3A_657 = tpu.memref_slice %arg8[%dma_start3A_655, %dma_start3A_656] : memref<50x80xi32, #tpu.memory_space<vmem>> -> memref<1x80xi32, #tpu.memory_space<vmem>>
      %dma_start3A_658 = tpu.memref_squeeze %dma_start3A_657 : memref<1x80xi32, #tpu.memory_space<vmem>> -> memref<80xi32, #tpu.memory_space<vmem>>
      %dma_start3A_659 = arith.constant 0 : i32
      %dma_start3A_660 = arith.constant 0 : i32
      %dma_start3A_661 = tpu.memref_slice %arg34[%dma_start3A_659, %dma_start3A_660] : memref<10112x64xf32, #tpu.memory_space<vmem_shared>> -> memref<10112x64xf32, #tpu.memory_space<vmem_shared>>
      tpu.enqueue_indirect_dma source(%arg14 : memref<80x64xf32, #tpu.memory_space<vmem>>) target(%dma_start3A_661 : memref<10112x64xf32, #tpu.memory_space<vmem_shared>>) offsets(%dma_start3A_658 : memref<80xi32, #tpu.memory_space<vmem>>) semaphore(%arg30 : memref<!tpu.dma_semaphore, #tpu.memory_space<semaphore_mem>>) {add = true}
      %dma_start3A_662 = arith.constant 22 : i32
      %dma_start3A_663 = arith.constant 0 : i32
      %dma_start3A_664 = tpu.memref_slice %arg8[%dma_start3A_662, %dma_start3A_663] : memref<50x80xi32, #tpu.memory_space<vmem>> -> memref<1x80xi32, #tpu.memory_space<vmem>>
      %dma_start3A_665 = tpu.memref_squeeze %dma_start3A_664 : memref<1x80xi32, #tpu.memory_space<vmem>> -> memref<80xi32, #tpu.memory_space<vmem>>
      %dma_start3A_666 = arith.constant 0 : i32
      %dma_start3A_667 = arith.constant 0 : i32
      %dma_start3A_668 = tpu.memref_slice %arg34[%dma_start3A_666, %dma_start3A_667] : memref<10112x64xf32, #tpu.memory_space<vmem_shared>> -> memref<10112x64xf32, #tpu.memory_space<vmem_shared>>
      tpu.enqueue_indirect_dma source(%arg15 : memref<80x64xf32, #tpu.memory_space<vmem>>) target(%dma_start3A_668 : memref<10112x64xf32, #tpu.memory_space<vmem_shared>>) offsets(%dma_start3A_665 : memref<80xi32, #tpu.memory_space<vmem>>) semaphore(%arg31 : memref<!tpu.dma_semaphore, #tpu.memory_space<semaphore_mem>>) {add = true}
      %dma_start3A_669 = arith.constant 23 : i32
      %dma_start3A_670 = arith.constant 0 : i32
      %dma_start3A_671 = tpu.memref_slice %arg8[%dma_start3A_669, %dma_start3A_670] : memref<50x80xi32, #tpu.memory_space<vmem>> -> memref<1x80xi32, #tpu.memory_space<vmem>>
      %dma_start3A_672 = tpu.memref_squeeze %dma_start3A_671 : memref<1x80xi32, #tpu.memory_space<vmem>> -> memref<80xi32, #tpu.memory_space<vmem>>
      %dma_start3A_673 = arith.constant 0 : i32
      %dma_start3A_674 = arith.constant 0 : i32
      %dma_start3A_675 = tpu.memref_slice %arg34[%dma_start3A_673, %dma_start3A_674] : memref<10112x64xf32, #tpu.memory_space<vmem_shared>> -> memref<10112x64xf32, #tpu.memory_space<vmem_shared>>
      tpu.enqueue_indirect_dma source(%arg16 : memref<80x64xf32, #tpu.memory_space<vmem>>) target(%dma_start3A_675 : memref<10112x64xf32, #tpu.memory_space<vmem_shared>>) offsets(%dma_start3A_672 : memref<80xi32, #tpu.memory_space<vmem>>) semaphore(%arg32 : memref<!tpu.dma_semaphore, #tpu.memory_space<semaphore_mem>>) {add = true}
      %dma_wait3A_676 = arith.constant 0 : i32
      %dma_wait3A_677 = arith.constant 0 : i32
      %dma_wait3A_678 = tpu.memref_slice %arg5[%dma_wait3A_676, %dma_wait3A_677] : memref<10112x64xf32, #tpu.memory_space<hbm>> -> memref<80x64xf32, #tpu.memory_space<hbm>>
      %dma_wait3A_679 = arith.constant 0 : i32
      %dma_wait3A_680 = arith.constant 0 : i32
      %dma_wait3A_681 = tpu.memref_slice %arg5[%dma_wait3A_679, %dma_wait3A_680] : memref<10112x64xf32, #tpu.memory_space<hbm>> -> memref<80x64xf32, #tpu.memory_space<hbm>>
      tpu.wait_dma2 semaphore(%arg29 : memref<!tpu.dma_semaphore, #tpu.memory_space<semaphore_mem>>) src(%dma_wait3A_681 : memref<80x64xf32, #tpu.memory_space<hbm>>) dst(%arg13 : memref<80x64xf32, #tpu.memory_space<vmem>>)
      %dma_wait3A_682 = arith.constant 0 : i32
      %dma_wait3A_683 = arith.constant 0 : i32
      %dma_wait3A_684 = tpu.memref_slice %arg5[%dma_wait3A_682, %dma_wait3A_683] : memref<10112x64xf32, #tpu.memory_space<hbm>> -> memref<80x64xf32, #tpu.memory_space<hbm>>
      %dma_wait3A_685 = arith.constant 0 : i32
      %dma_wait3A_686 = arith.constant 0 : i32
      %dma_wait3A_687 = tpu.memref_slice %arg5[%dma_wait3A_685, %dma_wait3A_686] : memref<10112x64xf32, #tpu.memory_space<hbm>> -> memref<80x64xf32, #tpu.memory_space<hbm>>
      tpu.wait_dma2 semaphore(%arg30 : memref<!tpu.dma_semaphore, #tpu.memory_space<semaphore_mem>>) src(%dma_wait3A_687 : memref<80x64xf32, #tpu.memory_space<hbm>>) dst(%arg14 : memref<80x64xf32, #tpu.memory_space<vmem>>)
      %dma_wait3A_688 = arith.constant 0 : i32
      %dma_wait3A_689 = arith.constant 0 : i32
      %dma_wait3A_690 = tpu.memref_slice %arg5[%dma_wait3A_688, %dma_wait3A_689] : memref<10112x64xf32, #tpu.memory_space<hbm>> -> memref<80x64xf32, #tpu.memory_space<hbm>>
      %dma_wait3A_691 = arith.constant 0 : i32
      %dma_wait3A_692 = arith.constant 0 : i32
      %dma_wait3A_693 = tpu.memref_slice %arg5[%dma_wait3A_691, %dma_wait3A_692] : memref<10112x64xf32, #tpu.memory_space<hbm>> -> memref<80x64xf32, #tpu.memory_space<hbm>>
      tpu.wait_dma2 semaphore(%arg31 : memref<!tpu.dma_semaphore, #tpu.memory_space<semaphore_mem>>) src(%dma_wait3A_693 : memref<80x64xf32, #tpu.memory_space<hbm>>) dst(%arg15 : memref<80x64xf32, #tpu.memory_space<vmem>>)
      %dma_wait3A_694 = arith.constant 0 : i32
      %dma_wait3A_695 = arith.constant 0 : i32
      %dma_wait3A_696 = tpu.memref_slice %arg5[%dma_wait3A_694, %dma_wait3A_695] : memref<10112x64xf32, #tpu.memory_space<hbm>> -> memref<80x64xf32, #tpu.memory_space<hbm>>
      %dma_wait3A_697 = arith.constant 0 : i32
      %dma_wait3A_698 = arith.constant 0 : i32
      %dma_wait3A_699 = tpu.memref_slice %arg5[%dma_wait3A_697, %dma_wait3A_698] : memref<10112x64xf32, #tpu.memory_space<hbm>> -> memref<80x64xf32, #tpu.memory_space<hbm>>
      tpu.wait_dma2 semaphore(%arg32 : memref<!tpu.dma_semaphore, #tpu.memory_space<semaphore_mem>>) src(%dma_wait3A_699 : memref<80x64xf32, #tpu.memory_space<hbm>>) dst(%arg16 : memref<80x64xf32, #tpu.memory_space<vmem>>)
      %dma_start3A_700 = arith.constant 28 : i32
      %dma_start3A_701 = arith.constant 0 : i32
      %dma_start3A_702 = tpu.memref_slice %arg7[%dma_start3A_700, %dma_start3A_701] : memref<50x80xi32, #tpu.memory_space<vmem>> -> memref<1x80xi32, #tpu.memory_space<vmem>>
      %dma_start3A_703 = tpu.memref_squeeze %dma_start3A_702 : memref<1x80xi32, #tpu.memory_space<vmem>> -> memref<80xi32, #tpu.memory_space<vmem>>
      %dma_start3A_704 = arith.constant 0 : i32
      %dma_start3A_705 = arith.constant 0 : i32
      %dma_start3A_706 = tpu.memref_slice %arg33[%dma_start3A_704, %dma_start3A_705] : memref<10112x64xf32, #tpu.memory_space<vmem_shared>> -> memref<10112x64xf32, #tpu.memory_space<vmem_shared>>
      tpu.enqueue_indirect_dma source(%dma_start3A_706 : memref<10112x64xf32, #tpu.memory_space<vmem_shared>>) target(%arg13 : memref<80x64xf32, #tpu.memory_space<vmem>>) offsets(%dma_start3A_703 : memref<80xi32, #tpu.memory_space<vmem>>) semaphore(%arg21 : memref<!tpu.dma_semaphore, #tpu.memory_space<semaphore_mem>>)
      %dma_start3A_707 = arith.constant 29 : i32
      %dma_start3A_708 = arith.constant 0 : i32
      %dma_start3A_709 = tpu.memref_slice %arg7[%dma_start3A_707, %dma_start3A_708] : memref<50x80xi32, #tpu.memory_space<vmem>> -> memref<1x80xi32, #tpu.memory_space<vmem>>
      %dma_start3A_710 = tpu.memref_squeeze %dma_start3A_709 : memref<1x80xi32, #tpu.memory_space<vmem>> -> memref<80xi32, #tpu.memory_space<vmem>>
      %dma_start3A_711 = arith.constant 0 : i32
      %dma_start3A_712 = arith.constant 0 : i32
      %dma_start3A_713 = tpu.memref_slice %arg33[%dma_start3A_711, %dma_start3A_712] : memref<10112x64xf32, #tpu.memory_space<vmem_shared>> -> memref<10112x64xf32, #tpu.memory_space<vmem_shared>>
      tpu.enqueue_indirect_dma source(%dma_start3A_713 : memref<10112x64xf32, #tpu.memory_space<vmem_shared>>) target(%arg14 : memref<80x64xf32, #tpu.memory_space<vmem>>) offsets(%dma_start3A_710 : memref<80xi32, #tpu.memory_space<vmem>>) semaphore(%arg22 : memref<!tpu.dma_semaphore, #tpu.memory_space<semaphore_mem>>)
      %dma_start3A_714 = arith.constant 30 : i32
      %dma_start3A_715 = arith.constant 0 : i32
      %dma_start3A_716 = tpu.memref_slice %arg7[%dma_start3A_714, %dma_start3A_715] : memref<50x80xi32, #tpu.memory_space<vmem>> -> memref<1x80xi32, #tpu.memory_space<vmem>>
      %dma_start3A_717 = tpu.memref_squeeze %dma_start3A_716 : memref<1x80xi32, #tpu.memory_space<vmem>> -> memref<80xi32, #tpu.memory_space<vmem>>
      %dma_start3A_718 = arith.constant 0 : i32
      %dma_start3A_719 = arith.constant 0 : i32
      %dma_start3A_720 = tpu.memref_slice %arg33[%dma_start3A_718, %dma_start3A_719] : memref<10112x64xf32, #tpu.memory_space<vmem_shared>> -> memref<10112x64xf32, #tpu.memory_space<vmem_shared>>
      tpu.enqueue_indirect_dma source(%dma_start3A_720 : memref<10112x64xf32, #tpu.memory_space<vmem_shared>>) target(%arg15 : memref<80x64xf32, #tpu.memory_space<vmem>>) offsets(%dma_start3A_717 : memref<80xi32, #tpu.memory_space<vmem>>) semaphore(%arg23 : memref<!tpu.dma_semaphore, #tpu.memory_space<semaphore_mem>>)
      %dma_start3A_721 = arith.constant 31 : i32
      %dma_start3A_722 = arith.constant 0 : i32
      %dma_start3A_723 = tpu.memref_slice %arg7[%dma_start3A_721, %dma_start3A_722] : memref<50x80xi32, #tpu.memory_space<vmem>> -> memref<1x80xi32, #tpu.memory_space<vmem>>
      %dma_start3A_724 = tpu.memref_squeeze %dma_start3A_723 : memref<1x80xi32, #tpu.memory_space<vmem>> -> memref<80xi32, #tpu.memory_space<vmem>>
      %dma_start3A_725 = arith.constant 0 : i32
      %dma_start3A_726 = arith.constant 0 : i32
      %dma_start3A_727 = tpu.memref_slice %arg33[%dma_start3A_725, %dma_start3A_726] : memref<10112x64xf32, #tpu.memory_space<vmem_shared>> -> memref<10112x64xf32, #tpu.memory_space<vmem_shared>>
      tpu.enqueue_indirect_dma source(%dma_start3A_727 : memref<10112x64xf32, #tpu.memory_space<vmem_shared>>) target(%arg16 : memref<80x64xf32, #tpu.memory_space<vmem>>) offsets(%dma_start3A_724 : memref<80xi32, #tpu.memory_space<vmem>>) semaphore(%arg24 : memref<!tpu.dma_semaphore, #tpu.memory_space<semaphore_mem>>)
      %dma_wait3A_728 = arith.constant 24 : i32
      %dma_wait3A_729 = arith.constant 0 : i32
      %dma_wait3A_730 = tpu.memref_slice %arg7[%dma_wait3A_728, %dma_wait3A_729] : memref<50x80xi32, #tpu.memory_space<vmem>> -> memref<1x80xi32, #tpu.memory_space<vmem>>
      %dma_wait3A_731 = tpu.memref_squeeze %dma_wait3A_730 : memref<1x80xi32, #tpu.memory_space<vmem>> -> memref<80xi32, #tpu.memory_space<vmem>>
      %dma_wait3A_732 = arith.constant 0 : i32
      %dma_wait3A_733 = arith.constant 0 : i32
      %dma_wait3A_734 = tpu.memref_slice %arg33[%dma_wait3A_732, %dma_wait3A_733] : memref<10112x64xf32, #tpu.memory_space<vmem_shared>> -> memref<10112x64xf32, #tpu.memory_space<vmem_shared>>
      tpu.wait_indirect_dma semaphore(%arg17 : memref<!tpu.dma_semaphore, #tpu.memory_space<semaphore_mem>>) src(%dma_wait3A_734 : memref<10112x64xf32, #tpu.memory_space<vmem_shared>>) dst(%arg9 : memref<80x64xf32, #tpu.memory_space<vmem>>)
      %dma_wait3A_735 = arith.constant 25 : i32
      %dma_wait3A_736 = arith.constant 0 : i32
      %dma_wait3A_737 = tpu.memref_slice %arg7[%dma_wait3A_735, %dma_wait3A_736] : memref<50x80xi32, #tpu.memory_space<vmem>> -> memref<1x80xi32, #tpu.memory_space<vmem>>
      %dma_wait3A_738 = tpu.memref_squeeze %dma_wait3A_737 : memref<1x80xi32, #tpu.memory_space<vmem>> -> memref<80xi32, #tpu.memory_space<vmem>>
      %dma_wait3A_739 = arith.constant 0 : i32
      %dma_wait3A_740 = arith.constant 0 : i32
      %dma_wait3A_741 = tpu.memref_slice %arg33[%dma_wait3A_739, %dma_wait3A_740] : memref<10112x64xf32, #tpu.memory_space<vmem_shared>> -> memref<10112x64xf32, #tpu.memory_space<vmem_shared>>
      tpu.wait_indirect_dma semaphore(%arg18 : memref<!tpu.dma_semaphore, #tpu.memory_space<semaphore_mem>>) src(%dma_wait3A_741 : memref<10112x64xf32, #tpu.memory_space<vmem_shared>>) dst(%arg10 : memref<80x64xf32, #tpu.memory_space<vmem>>)
      %dma_wait3A_742 = arith.constant 26 : i32
      %dma_wait3A_743 = arith.constant 0 : i32
      %dma_wait3A_744 = tpu.memref_slice %arg7[%dma_wait3A_742, %dma_wait3A_743] : memref<50x80xi32, #tpu.memory_space<vmem>> -> memref<1x80xi32, #tpu.memory_space<vmem>>
      %dma_wait3A_745 = tpu.memref_squeeze %dma_wait3A_744 : memref<1x80xi32, #tpu.memory_space<vmem>> -> memref<80xi32, #tpu.memory_space<vmem>>
      %dma_wait3A_746 = arith.constant 0 : i32
      %dma_wait3A_747 = arith.constant 0 : i32
      %dma_wait3A_748 = tpu.memref_slice %arg33[%dma_wait3A_746, %dma_wait3A_747] : memref<10112x64xf32, #tpu.memory_space<vmem_shared>> -> memref<10112x64xf32, #tpu.memory_space<vmem_shared>>
      tpu.wait_indirect_dma semaphore(%arg19 : memref<!tpu.dma_semaphore, #tpu.memory_space<semaphore_mem>>) src(%dma_wait3A_748 : memref<10112x64xf32, #tpu.memory_space<vmem_shared>>) dst(%arg11 : memref<80x64xf32, #tpu.memory_space<vmem>>)
      %dma_wait3A_749 = arith.constant 27 : i32
      %dma_wait3A_750 = arith.constant 0 : i32
      %dma_wait3A_751 = tpu.memref_slice %arg7[%dma_wait3A_749, %dma_wait3A_750] : memref<50x80xi32, #tpu.memory_space<vmem>> -> memref<1x80xi32, #tpu.memory_space<vmem>>
      %dma_wait3A_752 = tpu.memref_squeeze %dma_wait3A_751 : memref<1x80xi32, #tpu.memory_space<vmem>> -> memref<80xi32, #tpu.memory_space<vmem>>
      %dma_wait3A_753 = arith.constant 0 : i32
      %dma_wait3A_754 = arith.constant 0 : i32
      %dma_wait3A_755 = tpu.memref_slice %arg33[%dma_wait3A_753, %dma_wait3A_754] : memref<10112x64xf32, #tpu.memory_space<vmem_shared>> -> memref<10112x64xf32, #tpu.memory_space<vmem_shared>>
      tpu.wait_indirect_dma semaphore(%arg20 : memref<!tpu.dma_semaphore, #tpu.memory_space<semaphore_mem>>) src(%dma_wait3A_755 : memref<10112x64xf32, #tpu.memory_space<vmem_shared>>) dst(%arg12 : memref<80x64xf32, #tpu.memory_space<vmem>>)
      %dma_start3A_756 = arith.constant 24 : i32
      %dma_start3A_757 = arith.constant 0 : i32
      %dma_start3A_758 = tpu.memref_slice %arg8[%dma_start3A_756, %dma_start3A_757] : memref<50x80xi32, #tpu.memory_space<vmem>> -> memref<1x80xi32, #tpu.memory_space<vmem>>
      %dma_start3A_759 = tpu.memref_squeeze %dma_start3A_758 : memref<1x80xi32, #tpu.memory_space<vmem>> -> memref<80xi32, #tpu.memory_space<vmem>>
      %dma_start3A_760 = arith.constant 0 : i32
      %dma_start3A_761 = arith.constant 0 : i32
      %dma_start3A_762 = tpu.memref_slice %arg34[%dma_start3A_760, %dma_start3A_761] : memref<10112x64xf32, #tpu.memory_space<vmem_shared>> -> memref<10112x64xf32, #tpu.memory_space<vmem_shared>>
      tpu.enqueue_indirect_dma source(%arg9 : memref<80x64xf32, #tpu.memory_space<vmem>>) target(%dma_start3A_762 : memref<10112x64xf32, #tpu.memory_space<vmem_shared>>) offsets(%dma_start3A_759 : memref<80xi32, #tpu.memory_space<vmem>>) semaphore(%arg25 : memref<!tpu.dma_semaphore, #tpu.memory_space<semaphore_mem>>) {add = true}
      %dma_start3A_763 = arith.constant 25 : i32
      %dma_start3A_764 = arith.constant 0 : i32
      %dma_start3A_765 = tpu.memref_slice %arg8[%dma_start3A_763, %dma_start3A_764] : memref<50x80xi32, #tpu.memory_space<vmem>> -> memref<1x80xi32, #tpu.memory_space<vmem>>
      %dma_start3A_766 = tpu.memref_squeeze %dma_start3A_765 : memref<1x80xi32, #tpu.memory_space<vmem>> -> memref<80xi32, #tpu.memory_space<vmem>>
      %dma_start3A_767 = arith.constant 0 : i32
      %dma_start3A_768 = arith.constant 0 : i32
      %dma_start3A_769 = tpu.memref_slice %arg34[%dma_start3A_767, %dma_start3A_768] : memref<10112x64xf32, #tpu.memory_space<vmem_shared>> -> memref<10112x64xf32, #tpu.memory_space<vmem_shared>>
      tpu.enqueue_indirect_dma source(%arg10 : memref<80x64xf32, #tpu.memory_space<vmem>>) target(%dma_start3A_769 : memref<10112x64xf32, #tpu.memory_space<vmem_shared>>) offsets(%dma_start3A_766 : memref<80xi32, #tpu.memory_space<vmem>>) semaphore(%arg26 : memref<!tpu.dma_semaphore, #tpu.memory_space<semaphore_mem>>) {add = true}
      %dma_start3A_770 = arith.constant 26 : i32
      %dma_start3A_771 = arith.constant 0 : i32
      %dma_start3A_772 = tpu.memref_slice %arg8[%dma_start3A_770, %dma_start3A_771] : memref<50x80xi32, #tpu.memory_space<vmem>> -> memref<1x80xi32, #tpu.memory_space<vmem>>
      %dma_start3A_773 = tpu.memref_squeeze %dma_start3A_772 : memref<1x80xi32, #tpu.memory_space<vmem>> -> memref<80xi32, #tpu.memory_space<vmem>>
      %dma_start3A_774 = arith.constant 0 : i32
      %dma_start3A_775 = arith.constant 0 : i32
      %dma_start3A_776 = tpu.memref_slice %arg34[%dma_start3A_774, %dma_start3A_775] : memref<10112x64xf32, #tpu.memory_space<vmem_shared>> -> memref<10112x64xf32, #tpu.memory_space<vmem_shared>>
      tpu.enqueue_indirect_dma source(%arg11 : memref<80x64xf32, #tpu.memory_space<vmem>>) target(%dma_start3A_776 : memref<10112x64xf32, #tpu.memory_space<vmem_shared>>) offsets(%dma_start3A_773 : memref<80xi32, #tpu.memory_space<vmem>>) semaphore(%arg27 : memref<!tpu.dma_semaphore, #tpu.memory_space<semaphore_mem>>) {add = true}
      %dma_start3A_777 = arith.constant 27 : i32
      %dma_start3A_778 = arith.constant 0 : i32
      %dma_start3A_779 = tpu.memref_slice %arg8[%dma_start3A_777, %dma_start3A_778] : memref<50x80xi32, #tpu.memory_space<vmem>> -> memref<1x80xi32, #tpu.memory_space<vmem>>
      %dma_start3A_780 = tpu.memref_squeeze %dma_start3A_779 : memref<1x80xi32, #tpu.memory_space<vmem>> -> memref<80xi32, #tpu.memory_space<vmem>>
      %dma_start3A_781 = arith.constant 0 : i32
      %dma_start3A_782 = arith.constant 0 : i32
      %dma_start3A_783 = tpu.memref_slice %arg34[%dma_start3A_781, %dma_start3A_782] : memref<10112x64xf32, #tpu.memory_space<vmem_shared>> -> memref<10112x64xf32, #tpu.memory_space<vmem_shared>>
      tpu.enqueue_indirect_dma source(%arg12 : memref<80x64xf32, #tpu.memory_space<vmem>>) target(%dma_start3A_783 : memref<10112x64xf32, #tpu.memory_space<vmem_shared>>) offsets(%dma_start3A_780 : memref<80xi32, #tpu.memory_space<vmem>>) semaphore(%arg28 : memref<!tpu.dma_semaphore, #tpu.memory_space<semaphore_mem>>) {add = true}
      %dma_wait3A_784 = arith.constant 0 : i32
      %dma_wait3A_785 = arith.constant 0 : i32
      %dma_wait3A_786 = tpu.memref_slice %arg5[%dma_wait3A_784, %dma_wait3A_785] : memref<10112x64xf32, #tpu.memory_space<hbm>> -> memref<80x64xf32, #tpu.memory_space<hbm>>
      %dma_wait3A_787 = arith.constant 0 : i32
      %dma_wait3A_788 = arith.constant 0 : i32
      %dma_wait3A_789 = tpu.memref_slice %arg5[%dma_wait3A_787, %dma_wait3A_788] : memref<10112x64xf32, #tpu.memory_space<hbm>> -> memref<80x64xf32, #tpu.memory_space<hbm>>
      tpu.wait_dma2 semaphore(%arg25 : memref<!tpu.dma_semaphore, #tpu.memory_space<semaphore_mem>>) src(%dma_wait3A_789 : memref<80x64xf32, #tpu.memory_space<hbm>>) dst(%arg9 : memref<80x64xf32, #tpu.memory_space<vmem>>)
      %dma_wait3A_790 = arith.constant 0 : i32
      %dma_wait3A_791 = arith.constant 0 : i32
      %dma_wait3A_792 = tpu.memref_slice %arg5[%dma_wait3A_790, %dma_wait3A_791] : memref<10112x64xf32, #tpu.memory_space<hbm>> -> memref<80x64xf32, #tpu.memory_space<hbm>>
      %dma_wait3A_793 = arith.constant 0 : i32
      %dma_wait3A_794 = arith.constant 0 : i32
      %dma_wait3A_795 = tpu.memref_slice %arg5[%dma_wait3A_793, %dma_wait3A_794] : memref<10112x64xf32, #tpu.memory_space<hbm>> -> memref<80x64xf32, #tpu.memory_space<hbm>>
      tpu.wait_dma2 semaphore(%arg26 : memref<!tpu.dma_semaphore, #tpu.memory_space<semaphore_mem>>) src(%dma_wait3A_795 : memref<80x64xf32, #tpu.memory_space<hbm>>) dst(%arg10 : memref<80x64xf32, #tpu.memory_space<vmem>>)
      %dma_wait3A_796 = arith.constant 0 : i32
      %dma_wait3A_797 = arith.constant 0 : i32
      %dma_wait3A_798 = tpu.memref_slice %arg5[%dma_wait3A_796, %dma_wait3A_797] : memref<10112x64xf32, #tpu.memory_space<hbm>> -> memref<80x64xf32, #tpu.memory_space<hbm>>
      %dma_wait3A_799 = arith.constant 0 : i32
      %dma_wait3A_800 = arith.constant 0 : i32
      %dma_wait3A_801 = tpu.memref_slice %arg5[%dma_wait3A_799, %dma_wait3A_800] : memref<10112x64xf32, #tpu.memory_space<hbm>> -> memref<80x64xf32, #tpu.memory_space<hbm>>
      tpu.wait_dma2 semaphore(%arg27 : memref<!tpu.dma_semaphore, #tpu.memory_space<semaphore_mem>>) src(%dma_wait3A_801 : memref<80x64xf32, #tpu.memory_space<hbm>>) dst(%arg11 : memref<80x64xf32, #tpu.memory_space<vmem>>)
      %dma_wait3A_802 = arith.constant 0 : i32
      %dma_wait3A_803 = arith.constant 0 : i32
      %dma_wait3A_804 = tpu.memref_slice %arg5[%dma_wait3A_802, %dma_wait3A_803] : memref<10112x64xf32, #tpu.memory_space<hbm>> -> memref<80x64xf32, #tpu.memory_space<hbm>>
      %dma_wait3A_805 = arith.constant 0 : i32
      %dma_wait3A_806 = arith.constant 0 : i32
      %dma_wait3A_807 = tpu.memref_slice %arg5[%dma_wait3A_805, %dma_wait3A_806] : memref<10112x64xf32, #tpu.memory_space<hbm>> -> memref<80x64xf32, #tpu.memory_space<hbm>>
      tpu.wait_dma2 semaphore(%arg28 : memref<!tpu.dma_semaphore, #tpu.memory_space<semaphore_mem>>) src(%dma_wait3A_807 : memref<80x64xf32, #tpu.memory_space<hbm>>) dst(%arg12 : memref<80x64xf32, #tpu.memory_space<vmem>>)
      %dma_start3A_808 = arith.constant 32 : i32
      %dma_start3A_809 = arith.constant 0 : i32
      %dma_start3A_810 = tpu.memref_slice %arg7[%dma_start3A_808, %dma_start3A_809] : memref<50x80xi32, #tpu.memory_space<vmem>> -> memref<1x80xi32, #tpu.memory_space<vmem>>
      %dma_start3A_811 = tpu.memref_squeeze %dma_start3A_810 : memref<1x80xi32, #tpu.memory_space<vmem>> -> memref<80xi32, #tpu.memory_space<vmem>>
      %dma_start3A_812 = arith.constant 0 : i32
      %dma_start3A_813 = arith.constant 0 : i32
      %dma_start3A_814 = tpu.memref_slice %arg33[%dma_start3A_812, %dma_start3A_813] : memref<10112x64xf32, #tpu.memory_space<vmem_shared>> -> memref<10112x64xf32, #tpu.memory_space<vmem_shared>>
      tpu.enqueue_indirect_dma source(%dma_start3A_814 : memref<10112x64xf32, #tpu.memory_space<vmem_shared>>) target(%arg9 : memref<80x64xf32, #tpu.memory_space<vmem>>) offsets(%dma_start3A_811 : memref<80xi32, #tpu.memory_space<vmem>>) semaphore(%arg17 : memref<!tpu.dma_semaphore, #tpu.memory_space<semaphore_mem>>)
      %dma_start3A_815 = arith.constant 33 : i32
      %dma_start3A_816 = arith.constant 0 : i32
      %dma_start3A_817 = tpu.memref_slice %arg7[%dma_start3A_815, %dma_start3A_816] : memref<50x80xi32, #tpu.memory_space<vmem>> -> memref<1x80xi32, #tpu.memory_space<vmem>>
      %dma_start3A_818 = tpu.memref_squeeze %dma_start3A_817 : memref<1x80xi32, #tpu.memory_space<vmem>> -> memref<80xi32, #tpu.memory_space<vmem>>
      %dma_start3A_819 = arith.constant 0 : i32
      %dma_start3A_820 = arith.constant 0 : i32
      %dma_start3A_821 = tpu.memref_slice %arg33[%dma_start3A_819, %dma_start3A_820] : memref<10112x64xf32, #tpu.memory_space<vmem_shared>> -> memref<10112x64xf32, #tpu.memory_space<vmem_shared>>
      tpu.enqueue_indirect_dma source(%dma_start3A_821 : memref<10112x64xf32, #tpu.memory_space<vmem_shared>>) target(%arg10 : memref<80x64xf32, #tpu.memory_space<vmem>>) offsets(%dma_start3A_818 : memref<80xi32, #tpu.memory_space<vmem>>) semaphore(%arg18 : memref<!tpu.dma_semaphore, #tpu.memory_space<semaphore_mem>>)
      %dma_start3A_822 = arith.constant 34 : i32
      %dma_start3A_823 = arith.constant 0 : i32
      %dma_start3A_824 = tpu.memref_slice %arg7[%dma_start3A_822, %dma_start3A_823] : memref<50x80xi32, #tpu.memory_space<vmem>> -> memref<1x80xi32, #tpu.memory_space<vmem>>
      %dma_start3A_825 = tpu.memref_squeeze %dma_start3A_824 : memref<1x80xi32, #tpu.memory_space<vmem>> -> memref<80xi32, #tpu.memory_space<vmem>>
      %dma_start3A_826 = arith.constant 0 : i32
      %dma_start3A_827 = arith.constant 0 : i32
      %dma_start3A_828 = tpu.memref_slice %arg33[%dma_start3A_826, %dma_start3A_827] : memref<10112x64xf32, #tpu.memory_space<vmem_shared>> -> memref<10112x64xf32, #tpu.memory_space<vmem_shared>>
      tpu.enqueue_indirect_dma source(%dma_start3A_828 : memref<10112x64xf32, #tpu.memory_space<vmem_shared>>) target(%arg11 : memref<80x64xf32, #tpu.memory_space<vmem>>) offsets(%dma_start3A_825 : memref<80xi32, #tpu.memory_space<vmem>>) semaphore(%arg19 : memref<!tpu.dma_semaphore, #tpu.memory_space<semaphore_mem>>)
      %dma_start3A_829 = arith.constant 35 : i32
      %dma_start3A_830 = arith.constant 0 : i32
      %dma_start3A_831 = tpu.memref_slice %arg7[%dma_start3A_829, %dma_start3A_830] : memref<50x80xi32, #tpu.memory_space<vmem>> -> memref<1x80xi32, #tpu.memory_space<vmem>>
      %dma_start3A_832 = tpu.memref_squeeze %dma_start3A_831 : memref<1x80xi32, #tpu.memory_space<vmem>> -> memref<80xi32, #tpu.memory_space<vmem>>
      %dma_start3A_833 = arith.constant 0 : i32
      %dma_start3A_834 = arith.constant 0 : i32
      %dma_start3A_835 = tpu.memref_slice %arg33[%dma_start3A_833, %dma_start3A_834] : memref<10112x64xf32, #tpu.memory_space<vmem_shared>> -> memref<10112x64xf32, #tpu.memory_space<vmem_shared>>
      tpu.enqueue_indirect_dma source(%dma_start3A_835 : memref<10112x64xf32, #tpu.memory_space<vmem_shared>>) target(%arg12 : memref<80x64xf32, #tpu.memory_space<vmem>>) offsets(%dma_start3A_832 : memref<80xi32, #tpu.memory_space<vmem>>) semaphore(%arg20 : memref<!tpu.dma_semaphore, #tpu.memory_space<semaphore_mem>>)
      %dma_wait3A_836 = arith.constant 28 : i32
      %dma_wait3A_837 = arith.constant 0 : i32
      %dma_wait3A_838 = tpu.memref_slice %arg7[%dma_wait3A_836, %dma_wait3A_837] : memref<50x80xi32, #tpu.memory_space<vmem>> -> memref<1x80xi32, #tpu.memory_space<vmem>>
      %dma_wait3A_839 = tpu.memref_squeeze %dma_wait3A_838 : memref<1x80xi32, #tpu.memory_space<vmem>> -> memref<80xi32, #tpu.memory_space<vmem>>
      %dma_wait3A_840 = arith.constant 0 : i32
      %dma_wait3A_841 = arith.constant 0 : i32
      %dma_wait3A_842 = tpu.memref_slice %arg33[%dma_wait3A_840, %dma_wait3A_841] : memref<10112x64xf32, #tpu.memory_space<vmem_shared>> -> memref<10112x64xf32, #tpu.memory_space<vmem_shared>>
      tpu.wait_indirect_dma semaphore(%arg21 : memref<!tpu.dma_semaphore, #tpu.memory_space<semaphore_mem>>) src(%dma_wait3A_842 : memref<10112x64xf32, #tpu.memory_space<vmem_shared>>) dst(%arg13 : memref<80x64xf32, #tpu.memory_space<vmem>>)
      %dma_wait3A_843 = arith.constant 29 : i32
      %dma_wait3A_844 = arith.constant 0 : i32
      %dma_wait3A_845 = tpu.memref_slice %arg7[%dma_wait3A_843, %dma_wait3A_844] : memref<50x80xi32, #tpu.memory_space<vmem>> -> memref<1x80xi32, #tpu.memory_space<vmem>>
      %dma_wait3A_846 = tpu.memref_squeeze %dma_wait3A_845 : memref<1x80xi32, #tpu.memory_space<vmem>> -> memref<80xi32, #tpu.memory_space<vmem>>
      %dma_wait3A_847 = arith.constant 0 : i32
      %dma_wait3A_848 = arith.constant 0 : i32
      %dma_wait3A_849 = tpu.memref_slice %arg33[%dma_wait3A_847, %dma_wait3A_848] : memref<10112x64xf32, #tpu.memory_space<vmem_shared>> -> memref<10112x64xf32, #tpu.memory_space<vmem_shared>>
      tpu.wait_indirect_dma semaphore(%arg22 : memref<!tpu.dma_semaphore, #tpu.memory_space<semaphore_mem>>) src(%dma_wait3A_849 : memref<10112x64xf32, #tpu.memory_space<vmem_shared>>) dst(%arg14 : memref<80x64xf32, #tpu.memory_space<vmem>>)
      %dma_wait3A_850 = arith.constant 30 : i32
      %dma_wait3A_851 = arith.constant 0 : i32
      %dma_wait3A_852 = tpu.memref_slice %arg7[%dma_wait3A_850, %dma_wait3A_851] : memref<50x80xi32, #tpu.memory_space<vmem>> -> memref<1x80xi32, #tpu.memory_space<vmem>>
      %dma_wait3A_853 = tpu.memref_squeeze %dma_wait3A_852 : memref<1x80xi32, #tpu.memory_space<vmem>> -> memref<80xi32, #tpu.memory_space<vmem>>
      %dma_wait3A_854 = arith.constant 0 : i32
      %dma_wait3A_855 = arith.constant 0 : i32
      %dma_wait3A_856 = tpu.memref_slice %arg33[%dma_wait3A_854, %dma_wait3A_855] : memref<10112x64xf32, #tpu.memory_space<vmem_shared>> -> memref<10112x64xf32, #tpu.memory_space<vmem_shared>>
      tpu.wait_indirect_dma semaphore(%arg23 : memref<!tpu.dma_semaphore, #tpu.memory_space<semaphore_mem>>) src(%dma_wait3A_856 : memref<10112x64xf32, #tpu.memory_space<vmem_shared>>) dst(%arg15 : memref<80x64xf32, #tpu.memory_space<vmem>>)
      %dma_wait3A_857 = arith.constant 31 : i32
      %dma_wait3A_858 = arith.constant 0 : i32
      %dma_wait3A_859 = tpu.memref_slice %arg7[%dma_wait3A_857, %dma_wait3A_858] : memref<50x80xi32, #tpu.memory_space<vmem>> -> memref<1x80xi32, #tpu.memory_space<vmem>>
      %dma_wait3A_860 = tpu.memref_squeeze %dma_wait3A_859 : memref<1x80xi32, #tpu.memory_space<vmem>> -> memref<80xi32, #tpu.memory_space<vmem>>
      %dma_wait3A_861 = arith.constant 0 : i32
      %dma_wait3A_862 = arith.constant 0 : i32
      %dma_wait3A_863 = tpu.memref_slice %arg33[%dma_wait3A_861, %dma_wait3A_862] : memref<10112x64xf32, #tpu.memory_space<vmem_shared>> -> memref<10112x64xf32, #tpu.memory_space<vmem_shared>>
      tpu.wait_indirect_dma semaphore(%arg24 : memref<!tpu.dma_semaphore, #tpu.memory_space<semaphore_mem>>) src(%dma_wait3A_863 : memref<10112x64xf32, #tpu.memory_space<vmem_shared>>) dst(%arg16 : memref<80x64xf32, #tpu.memory_space<vmem>>)
      %dma_start3A_864 = arith.constant 28 : i32
      %dma_start3A_865 = arith.constant 0 : i32
      %dma_start3A_866 = tpu.memref_slice %arg8[%dma_start3A_864, %dma_start3A_865] : memref<50x80xi32, #tpu.memory_space<vmem>> -> memref<1x80xi32, #tpu.memory_space<vmem>>
      %dma_start3A_867 = tpu.memref_squeeze %dma_start3A_866 : memref<1x80xi32, #tpu.memory_space<vmem>> -> memref<80xi32, #tpu.memory_space<vmem>>
      %dma_start3A_868 = arith.constant 0 : i32
      %dma_start3A_869 = arith.constant 0 : i32
      %dma_start3A_870 = tpu.memref_slice %arg34[%dma_start3A_868, %dma_start3A_869] : memref<10112x64xf32, #tpu.memory_space<vmem_shared>> -> memref<10112x64xf32, #tpu.memory_space<vmem_shared>>
      tpu.enqueue_indirect_dma source(%arg13 : memref<80x64xf32, #tpu.memory_space<vmem>>) target(%dma_start3A_870 : memref<10112x64xf32, #tpu.memory_space<vmem_shared>>) offsets(%dma_start3A_867 : memref<80xi32, #tpu.memory_space<vmem>>) semaphore(%arg29 : memref<!tpu.dma_semaphore, #tpu.memory_space<semaphore_mem>>) {add = true}
      %dma_start3A_871 = arith.constant 29 : i32
      %dma_start3A_872 = arith.constant 0 : i32
      %dma_start3A_873 = tpu.memref_slice %arg8[%dma_start3A_871, %dma_start3A_872] : memref<50x80xi32, #tpu.memory_space<vmem>> -> memref<1x80xi32, #tpu.memory_space<vmem>>
      %dma_start3A_874 = tpu.memref_squeeze %dma_start3A_873 : memref<1x80xi32, #tpu.memory_space<vmem>> -> memref<80xi32, #tpu.memory_space<vmem>>
      %dma_start3A_875 = arith.constant 0 : i32
      %dma_start3A_876 = arith.constant 0 : i32
      %dma_start3A_877 = tpu.memref_slice %arg34[%dma_start3A_875, %dma_start3A_876] : memref<10112x64xf32, #tpu.memory_space<vmem_shared>> -> memref<10112x64xf32, #tpu.memory_space<vmem_shared>>
      tpu.enqueue_indirect_dma source(%arg14 : memref<80x64xf32, #tpu.memory_space<vmem>>) target(%dma_start3A_877 : memref<10112x64xf32, #tpu.memory_space<vmem_shared>>) offsets(%dma_start3A_874 : memref<80xi32, #tpu.memory_space<vmem>>) semaphore(%arg30 : memref<!tpu.dma_semaphore, #tpu.memory_space<semaphore_mem>>) {add = true}
      %dma_start3A_878 = arith.constant 30 : i32
      %dma_start3A_879 = arith.constant 0 : i32
      %dma_start3A_880 = tpu.memref_slice %arg8[%dma_start3A_878, %dma_start3A_879] : memref<50x80xi32, #tpu.memory_space<vmem>> -> memref<1x80xi32, #tpu.memory_space<vmem>>
      %dma_start3A_881 = tpu.memref_squeeze %dma_start3A_880 : memref<1x80xi32, #tpu.memory_space<vmem>> -> memref<80xi32, #tpu.memory_space<vmem>>
      %dma_start3A_882 = arith.constant 0 : i32
      %dma_start3A_883 = arith.constant 0 : i32
      %dma_start3A_884 = tpu.memref_slice %arg34[%dma_start3A_882, %dma_start3A_883] : memref<10112x64xf32, #tpu.memory_space<vmem_shared>> -> memref<10112x64xf32, #tpu.memory_space<vmem_shared>>
      tpu.enqueue_indirect_dma source(%arg15 : memref<80x64xf32, #tpu.memory_space<vmem>>) target(%dma_start3A_884 : memref<10112x64xf32, #tpu.memory_space<vmem_shared>>) offsets(%dma_start3A_881 : memref<80xi32, #tpu.memory_space<vmem>>) semaphore(%arg31 : memref<!tpu.dma_semaphore, #tpu.memory_space<semaphore_mem>>) {add = true}
      %dma_start3A_885 = arith.constant 31 : i32
      %dma_start3A_886 = arith.constant 0 : i32
      %dma_start3A_887 = tpu.memref_slice %arg8[%dma_start3A_885, %dma_start3A_886] : memref<50x80xi32, #tpu.memory_space<vmem>> -> memref<1x80xi32, #tpu.memory_space<vmem>>
      %dma_start3A_888 = tpu.memref_squeeze %dma_start3A_887 : memref<1x80xi32, #tpu.memory_space<vmem>> -> memref<80xi32, #tpu.memory_space<vmem>>
      %dma_start3A_889 = arith.constant 0 : i32
      %dma_start3A_890 = arith.constant 0 : i32
      %dma_start3A_891 = tpu.memref_slice %arg34[%dma_start3A_889, %dma_start3A_890] : memref<10112x64xf32, #tpu.memory_space<vmem_shared>> -> memref<10112x64xf32, #tpu.memory_space<vmem_shared>>
      tpu.enqueue_indirect_dma source(%arg16 : memref<80x64xf32, #tpu.memory_space<vmem>>) target(%dma_start3A_891 : memref<10112x64xf32, #tpu.memory_space<vmem_shared>>) offsets(%dma_start3A_888 : memref<80xi32, #tpu.memory_space<vmem>>) semaphore(%arg32 : memref<!tpu.dma_semaphore, #tpu.memory_space<semaphore_mem>>) {add = true}
      %dma_wait3A_892 = arith.constant 0 : i32
      %dma_wait3A_893 = arith.constant 0 : i32
      %dma_wait3A_894 = tpu.memref_slice %arg5[%dma_wait3A_892, %dma_wait3A_893] : memref<10112x64xf32, #tpu.memory_space<hbm>> -> memref<80x64xf32, #tpu.memory_space<hbm>>
      %dma_wait3A_895 = arith.constant 0 : i32
      %dma_wait3A_896 = arith.constant 0 : i32
      %dma_wait3A_897 = tpu.memref_slice %arg5[%dma_wait3A_895, %dma_wait3A_896] : memref<10112x64xf32, #tpu.memory_space<hbm>> -> memref<80x64xf32, #tpu.memory_space<hbm>>
      tpu.wait_dma2 semaphore(%arg29 : memref<!tpu.dma_semaphore, #tpu.memory_space<semaphore_mem>>) src(%dma_wait3A_897 : memref<80x64xf32, #tpu.memory_space<hbm>>) dst(%arg13 : memref<80x64xf32, #tpu.memory_space<vmem>>)
      %dma_wait3A_898 = arith.constant 0 : i32
      %dma_wait3A_899 = arith.constant 0 : i32
      %dma_wait3A_900 = tpu.memref_slice %arg5[%dma_wait3A_898, %dma_wait3A_899] : memref<10112x64xf32, #tpu.memory_space<hbm>> -> memref<80x64xf32, #tpu.memory_space<hbm>>
      %dma_wait3A_901 = arith.constant 0 : i32
      %dma_wait3A_902 = arith.constant 0 : i32
      %dma_wait3A_903 = tpu.memref_slice %arg5[%dma_wait3A_901, %dma_wait3A_902] : memref<10112x64xf32, #tpu.memory_space<hbm>> -> memref<80x64xf32, #tpu.memory_space<hbm>>
      tpu.wait_dma2 semaphore(%arg30 : memref<!tpu.dma_semaphore, #tpu.memory_space<semaphore_mem>>) src(%dma_wait3A_903 : memref<80x64xf32, #tpu.memory_space<hbm>>) dst(%arg14 : memref<80x64xf32, #tpu.memory_space<vmem>>)
      %dma_wait3A_904 = arith.constant 0 : i32
      %dma_wait3A_905 = arith.constant 0 : i32
      %dma_wait3A_906 = tpu.memref_slice %arg5[%dma_wait3A_904, %dma_wait3A_905] : memref<10112x64xf32, #tpu.memory_space<hbm>> -> memref<80x64xf32, #tpu.memory_space<hbm>>
      %dma_wait3A_907 = arith.constant 0 : i32
      %dma_wait3A_908 = arith.constant 0 : i32
      %dma_wait3A_909 = tpu.memref_slice %arg5[%dma_wait3A_907, %dma_wait3A_908] : memref<10112x64xf32, #tpu.memory_space<hbm>> -> memref<80x64xf32, #tpu.memory_space<hbm>>
      tpu.wait_dma2 semaphore(%arg31 : memref<!tpu.dma_semaphore, #tpu.memory_space<semaphore_mem>>) src(%dma_wait3A_909 : memref<80x64xf32, #tpu.memory_space<hbm>>) dst(%arg15 : memref<80x64xf32, #tpu.memory_space<vmem>>)
      %dma_wait3A_910 = arith.constant 0 : i32
      %dma_wait3A_911 = arith.constant 0 : i32
      %dma_wait3A_912 = tpu.memref_slice %arg5[%dma_wait3A_910, %dma_wait3A_911] : memref<10112x64xf32, #tpu.memory_space<hbm>> -> memref<80x64xf32, #tpu.memory_space<hbm>>
      %dma_wait3A_913 = arith.constant 0 : i32
      %dma_wait3A_914 = arith.constant 0 : i32
      %dma_wait3A_915 = tpu.memref_slice %arg5[%dma_wait3A_913, %dma_wait3A_914] : memref<10112x64xf32, #tpu.memory_space<hbm>> -> memref<80x64xf32, #tpu.memory_space<hbm>>
      tpu.wait_dma2 semaphore(%arg32 : memref<!tpu.dma_semaphore, #tpu.memory_space<semaphore_mem>>) src(%dma_wait3A_915 : memref<80x64xf32, #tpu.memory_space<hbm>>) dst(%arg16 : memref<80x64xf32, #tpu.memory_space<vmem>>)
      %dma_start3A_916 = arith.constant 36 : i32
      %dma_start3A_917 = arith.constant 0 : i32
      %dma_start3A_918 = tpu.memref_slice %arg7[%dma_start3A_916, %dma_start3A_917] : memref<50x80xi32, #tpu.memory_space<vmem>> -> memref<1x80xi32, #tpu.memory_space<vmem>>
      %dma_start3A_919 = tpu.memref_squeeze %dma_start3A_918 : memref<1x80xi32, #tpu.memory_space<vmem>> -> memref<80xi32, #tpu.memory_space<vmem>>
      %dma_start3A_920 = arith.constant 0 : i32
      %dma_start3A_921 = arith.constant 0 : i32
      %dma_start3A_922 = tpu.memref_slice %arg33[%dma_start3A_920, %dma_start3A_921] : memref<10112x64xf32, #tpu.memory_space<vmem_shared>> -> memref<10112x64xf32, #tpu.memory_space<vmem_shared>>
      tpu.enqueue_indirect_dma source(%dma_start3A_922 : memref<10112x64xf32, #tpu.memory_space<vmem_shared>>) target(%arg13 : memref<80x64xf32, #tpu.memory_space<vmem>>) offsets(%dma_start3A_919 : memref<80xi32, #tpu.memory_space<vmem>>) semaphore(%arg21 : memref<!tpu.dma_semaphore, #tpu.memory_space<semaphore_mem>>)
      %dma_start3A_923 = arith.constant 37 : i32
      %dma_start3A_924 = arith.constant 0 : i32
      %dma_start3A_925 = tpu.memref_slice %arg7[%dma_start3A_923, %dma_start3A_924] : memref<50x80xi32, #tpu.memory_space<vmem>> -> memref<1x80xi32, #tpu.memory_space<vmem>>
      %dma_start3A_926 = tpu.memref_squeeze %dma_start3A_925 : memref<1x80xi32, #tpu.memory_space<vmem>> -> memref<80xi32, #tpu.memory_space<vmem>>
      %dma_start3A_927 = arith.constant 0 : i32
      %dma_start3A_928 = arith.constant 0 : i32
      %dma_start3A_929 = tpu.memref_slice %arg33[%dma_start3A_927, %dma_start3A_928] : memref<10112x64xf32, #tpu.memory_space<vmem_shared>> -> memref<10112x64xf32, #tpu.memory_space<vmem_shared>>
      tpu.enqueue_indirect_dma source(%dma_start3A_929 : memref<10112x64xf32, #tpu.memory_space<vmem_shared>>) target(%arg14 : memref<80x64xf32, #tpu.memory_space<vmem>>) offsets(%dma_start3A_926 : memref<80xi32, #tpu.memory_space<vmem>>) semaphore(%arg22 : memref<!tpu.dma_semaphore, #tpu.memory_space<semaphore_mem>>)
      %dma_start3A_930 = arith.constant 38 : i32
      %dma_start3A_931 = arith.constant 0 : i32
      %dma_start3A_932 = tpu.memref_slice %arg7[%dma_start3A_930, %dma_start3A_931] : memref<50x80xi32, #tpu.memory_space<vmem>> -> memref<1x80xi32, #tpu.memory_space<vmem>>
      %dma_start3A_933 = tpu.memref_squeeze %dma_start3A_932 : memref<1x80xi32, #tpu.memory_space<vmem>> -> memref<80xi32, #tpu.memory_space<vmem>>
      %dma_start3A_934 = arith.constant 0 : i32
      %dma_start3A_935 = arith.constant 0 : i32
      %dma_start3A_936 = tpu.memref_slice %arg33[%dma_start3A_934, %dma_start3A_935] : memref<10112x64xf32, #tpu.memory_space<vmem_shared>> -> memref<10112x64xf32, #tpu.memory_space<vmem_shared>>
      tpu.enqueue_indirect_dma source(%dma_start3A_936 : memref<10112x64xf32, #tpu.memory_space<vmem_shared>>) target(%arg15 : memref<80x64xf32, #tpu.memory_space<vmem>>) offsets(%dma_start3A_933 : memref<80xi32, #tpu.memory_space<vmem>>) semaphore(%arg23 : memref<!tpu.dma_semaphore, #tpu.memory_space<semaphore_mem>>)
      %dma_start3A_937 = arith.constant 39 : i32
      %dma_start3A_938 = arith.constant 0 : i32
      %dma_start3A_939 = tpu.memref_slice %arg7[%dma_start3A_937, %dma_start3A_938] : memref<50x80xi32, #tpu.memory_space<vmem>> -> memref<1x80xi32, #tpu.memory_space<vmem>>
      %dma_start3A_940 = tpu.memref_squeeze %dma_start3A_939 : memref<1x80xi32, #tpu.memory_space<vmem>> -> memref<80xi32, #tpu.memory_space<vmem>>
      %dma_start3A_941 = arith.constant 0 : i32
      %dma_start3A_942 = arith.constant 0 : i32
      %dma_start3A_943 = tpu.memref_slice %arg33[%dma_start3A_941, %dma_start3A_942] : memref<10112x64xf32, #tpu.memory_space<vmem_shared>> -> memref<10112x64xf32, #tpu.memory_space<vmem_shared>>
      tpu.enqueue_indirect_dma source(%dma_start3A_943 : memref<10112x64xf32, #tpu.memory_space<vmem_shared>>) target(%arg16 : memref<80x64xf32, #tpu.memory_space<vmem>>) offsets(%dma_start3A_940 : memref<80xi32, #tpu.memory_space<vmem>>) semaphore(%arg24 : memref<!tpu.dma_semaphore, #tpu.memory_space<semaphore_mem>>)
      %dma_wait3A_944 = arith.constant 32 : i32
      %dma_wait3A_945 = arith.constant 0 : i32
      %dma_wait3A_946 = tpu.memref_slice %arg7[%dma_wait3A_944, %dma_wait3A_945] : memref<50x80xi32, #tpu.memory_space<vmem>> -> memref<1x80xi32, #tpu.memory_space<vmem>>
      %dma_wait3A_947 = tpu.memref_squeeze %dma_wait3A_946 : memref<1x80xi32, #tpu.memory_space<vmem>> -> memref<80xi32, #tpu.memory_space<vmem>>
      %dma_wait3A_948 = arith.constant 0 : i32
      %dma_wait3A_949 = arith.constant 0 : i32
      %dma_wait3A_950 = tpu.memref_slice %arg33[%dma_wait3A_948, %dma_wait3A_949] : memref<10112x64xf32, #tpu.memory_space<vmem_shared>> -> memref<10112x64xf32, #tpu.memory_space<vmem_shared>>
      tpu.wait_indirect_dma semaphore(%arg17 : memref<!tpu.dma_semaphore, #tpu.memory_space<semaphore_mem>>) src(%dma_wait3A_950 : memref<10112x64xf32, #tpu.memory_space<vmem_shared>>) dst(%arg9 : memref<80x64xf32, #tpu.memory_space<vmem>>)
      %dma_wait3A_951 = arith.constant 33 : i32
      %dma_wait3A_952 = arith.constant 0 : i32
      %dma_wait3A_953 = tpu.memref_slice %arg7[%dma_wait3A_951, %dma_wait3A_952] : memref<50x80xi32, #tpu.memory_space<vmem>> -> memref<1x80xi32, #tpu.memory_space<vmem>>
      %dma_wait3A_954 = tpu.memref_squeeze %dma_wait3A_953 : memref<1x80xi32, #tpu.memory_space<vmem>> -> memref<80xi32, #tpu.memory_space<vmem>>
      %dma_wait3A_955 = arith.constant 0 : i32
      %dma_wait3A_956 = arith.constant 0 : i32
      %dma_wait3A_957 = tpu.memref_slice %arg33[%dma_wait3A_955, %dma_wait3A_956] : memref<10112x64xf32, #tpu.memory_space<vmem_shared>> -> memref<10112x64xf32, #tpu.memory_space<vmem_shared>>
      tpu.wait_indirect_dma semaphore(%arg18 : memref<!tpu.dma_semaphore, #tpu.memory_space<semaphore_mem>>) src(%dma_wait3A_957 : memref<10112x64xf32, #tpu.memory_space<vmem_shared>>) dst(%arg10 : memref<80x64xf32, #tpu.memory_space<vmem>>)
      %dma_wait3A_958 = arith.constant 34 : i32
      %dma_wait3A_959 = arith.constant 0 : i32
      %dma_wait3A_960 = tpu.memref_slice %arg7[%dma_wait3A_958, %dma_wait3A_959] : memref<50x80xi32, #tpu.memory_space<vmem>> -> memref<1x80xi32, #tpu.memory_space<vmem>>
      %dma_wait3A_961 = tpu.memref_squeeze %dma_wait3A_960 : memref<1x80xi32, #tpu.memory_space<vmem>> -> memref<80xi32, #tpu.memory_space<vmem>>
      %dma_wait3A_962 = arith.constant 0 : i32
      %dma_wait3A_963 = arith.constant 0 : i32
      %dma_wait3A_964 = tpu.memref_slice %arg33[%dma_wait3A_962, %dma_wait3A_963] : memref<10112x64xf32, #tpu.memory_space<vmem_shared>> -> memref<10112x64xf32, #tpu.memory_space<vmem_shared>>
      tpu.wait_indirect_dma semaphore(%arg19 : memref<!tpu.dma_semaphore, #tpu.memory_space<semaphore_mem>>) src(%dma_wait3A_964 : memref<10112x64xf32, #tpu.memory_space<vmem_shared>>) dst(%arg11 : memref<80x64xf32, #tpu.memory_space<vmem>>)
      %dma_wait3A_965 = arith.constant 35 : i32
      %dma_wait3A_966 = arith.constant 0 : i32
      %dma_wait3A_967 = tpu.memref_slice %arg7[%dma_wait3A_965, %dma_wait3A_966] : memref<50x80xi32, #tpu.memory_space<vmem>> -> memref<1x80xi32, #tpu.memory_space<vmem>>
      %dma_wait3A_968 = tpu.memref_squeeze %dma_wait3A_967 : memref<1x80xi32, #tpu.memory_space<vmem>> -> memref<80xi32, #tpu.memory_space<vmem>>
      %dma_wait3A_969 = arith.constant 0 : i32
      %dma_wait3A_970 = arith.constant 0 : i32
      %dma_wait3A_971 = tpu.memref_slice %arg33[%dma_wait3A_969, %dma_wait3A_970] : memref<10112x64xf32, #tpu.memory_space<vmem_shared>> -> memref<10112x64xf32, #tpu.memory_space<vmem_shared>>
      tpu.wait_indirect_dma semaphore(%arg20 : memref<!tpu.dma_semaphore, #tpu.memory_space<semaphore_mem>>) src(%dma_wait3A_971 : memref<10112x64xf32, #tpu.memory_space<vmem_shared>>) dst(%arg12 : memref<80x64xf32, #tpu.memory_space<vmem>>)
      %dma_start3A_972 = arith.constant 32 : i32
      %dma_start3A_973 = arith.constant 0 : i32
      %dma_start3A_974 = tpu.memref_slice %arg8[%dma_start3A_972, %dma_start3A_973] : memref<50x80xi32, #tpu.memory_space<vmem>> -> memref<1x80xi32, #tpu.memory_space<vmem>>
      %dma_start3A_975 = tpu.memref_squeeze %dma_start3A_974 : memref<1x80xi32, #tpu.memory_space<vmem>> -> memref<80xi32, #tpu.memory_space<vmem>>
      %dma_start3A_976 = arith.constant 0 : i32
      %dma_start3A_977 = arith.constant 0 : i32
      %dma_start3A_978 = tpu.memref_slice %arg34[%dma_start3A_976, %dma_start3A_977] : memref<10112x64xf32, #tpu.memory_space<vmem_shared>> -> memref<10112x64xf32, #tpu.memory_space<vmem_shared>>
      tpu.enqueue_indirect_dma source(%arg9 : memref<80x64xf32, #tpu.memory_space<vmem>>) target(%dma_start3A_978 : memref<10112x64xf32, #tpu.memory_space<vmem_shared>>) offsets(%dma_start3A_975 : memref<80xi32, #tpu.memory_space<vmem>>) semaphore(%arg25 : memref<!tpu.dma_semaphore, #tpu.memory_space<semaphore_mem>>) {add = true}
      %dma_start3A_979 = arith.constant 33 : i32
      %dma_start3A_980 = arith.constant 0 : i32
      %dma_start3A_981 = tpu.memref_slice %arg8[%dma_start3A_979, %dma_start3A_980] : memref<50x80xi32, #tpu.memory_space<vmem>> -> memref<1x80xi32, #tpu.memory_space<vmem>>
      %dma_start3A_982 = tpu.memref_squeeze %dma_start3A_981 : memref<1x80xi32, #tpu.memory_space<vmem>> -> memref<80xi32, #tpu.memory_space<vmem>>
      %dma_start3A_983 = arith.constant 0 : i32
      %dma_start3A_984 = arith.constant 0 : i32
      %dma_start3A_985 = tpu.memref_slice %arg34[%dma_start3A_983, %dma_start3A_984] : memref<10112x64xf32, #tpu.memory_space<vmem_shared>> -> memref<10112x64xf32, #tpu.memory_space<vmem_shared>>
      tpu.enqueue_indirect_dma source(%arg10 : memref<80x64xf32, #tpu.memory_space<vmem>>) target(%dma_start3A_985 : memref<10112x64xf32, #tpu.memory_space<vmem_shared>>) offsets(%dma_start3A_982 : memref<80xi32, #tpu.memory_space<vmem>>) semaphore(%arg26 : memref<!tpu.dma_semaphore, #tpu.memory_space<semaphore_mem>>) {add = true}
      %dma_start3A_986 = arith.constant 34 : i32
      %dma_start3A_987 = arith.constant 0 : i32
      %dma_start3A_988 = tpu.memref_slice %arg8[%dma_start3A_986, %dma_start3A_987] : memref<50x80xi32, #tpu.memory_space<vmem>> -> memref<1x80xi32, #tpu.memory_space<vmem>>
      %dma_start3A_989 = tpu.memref_squeeze %dma_start3A_988 : memref<1x80xi32, #tpu.memory_space<vmem>> -> memref<80xi32, #tpu.memory_space<vmem>>
      %dma_start3A_990 = arith.constant 0 : i32
      %dma_start3A_991 = arith.constant 0 : i32
      %dma_start3A_992 = tpu.memref_slice %arg34[%dma_start3A_990, %dma_start3A_991] : memref<10112x64xf32, #tpu.memory_space<vmem_shared>> -> memref<10112x64xf32, #tpu.memory_space<vmem_shared>>
      tpu.enqueue_indirect_dma source(%arg11 : memref<80x64xf32, #tpu.memory_space<vmem>>) target(%dma_start3A_992 : memref<10112x64xf32, #tpu.memory_space<vmem_shared>>) offsets(%dma_start3A_989 : memref<80xi32, #tpu.memory_space<vmem>>) semaphore(%arg27 : memref<!tpu.dma_semaphore, #tpu.memory_space<semaphore_mem>>) {add = true}
      %dma_start3A_993 = arith.constant 35 : i32
      %dma_start3A_994 = arith.constant 0 : i32
      %dma_start3A_995 = tpu.memref_slice %arg8[%dma_start3A_993, %dma_start3A_994] : memref<50x80xi32, #tpu.memory_space<vmem>> -> memref<1x80xi32, #tpu.memory_space<vmem>>
      %dma_start3A_996 = tpu.memref_squeeze %dma_start3A_995 : memref<1x80xi32, #tpu.memory_space<vmem>> -> memref<80xi32, #tpu.memory_space<vmem>>
      %dma_start3A_997 = arith.constant 0 : i32
      %dma_start3A_998 = arith.constant 0 : i32
      %dma_start3A_999 = tpu.memref_slice %arg34[%dma_start3A_997, %dma_start3A_998] : memref<10112x64xf32, #tpu.memory_space<vmem_shared>> -> memref<10112x64xf32, #tpu.memory_space<vmem_shared>>
      tpu.enqueue_indirect_dma source(%arg12 : memref<80x64xf32, #tpu.memory_space<vmem>>) target(%dma_start3A_999 : memref<10112x64xf32, #tpu.memory_space<vmem_shared>>) offsets(%dma_start3A_996 : memref<80xi32, #tpu.memory_space<vmem>>) semaphore(%arg28 : memref<!tpu.dma_semaphore, #tpu.memory_space<semaphore_mem>>) {add = true}
      %dma_wait3A_1000 = arith.constant 0 : i32
      %dma_wait3A_1001 = arith.constant 0 : i32
      %dma_wait3A_1002 = tpu.memref_slice %arg5[%dma_wait3A_1000, %dma_wait3A_1001] : memref<10112x64xf32, #tpu.memory_space<hbm>> -> memref<80x64xf32, #tpu.memory_space<hbm>>
      %dma_wait3A_1003 = arith.constant 0 : i32
      %dma_wait3A_1004 = arith.constant 0 : i32
      %dma_wait3A_1005 = tpu.memref_slice %arg5[%dma_wait3A_1003, %dma_wait3A_1004] : memref<10112x64xf32, #tpu.memory_space<hbm>> -> memref<80x64xf32, #tpu.memory_space<hbm>>
      tpu.wait_dma2 semaphore(%arg25 : memref<!tpu.dma_semaphore, #tpu.memory_space<semaphore_mem>>) src(%dma_wait3A_1005 : memref<80x64xf32, #tpu.memory_space<hbm>>) dst(%arg9 : memref<80x64xf32, #tpu.memory_space<vmem>>)
      %dma_wait3A_1006 = arith.constant 0 : i32
      %dma_wait3A_1007 = arith.constant 0 : i32
      %dma_wait3A_1008 = tpu.memref_slice %arg5[%dma_wait3A_1006, %dma_wait3A_1007] : memref<10112x64xf32, #tpu.memory_space<hbm>> -> memref<80x64xf32, #tpu.memory_space<hbm>>
      %dma_wait3A_1009 = arith.constant 0 : i32
      %dma_wait3A_1010 = arith.constant 0 : i32
      %dma_wait3A_1011 = tpu.memref_slice %arg5[%dma_wait3A_1009, %dma_wait3A_1010] : memref<10112x64xf32, #tpu.memory_space<hbm>> -> memref<80x64xf32, #tpu.memory_space<hbm>>
      tpu.wait_dma2 semaphore(%arg26 : memref<!tpu.dma_semaphore, #tpu.memory_space<semaphore_mem>>) src(%dma_wait3A_1011 : memref<80x64xf32, #tpu.memory_space<hbm>>) dst(%arg10 : memref<80x64xf32, #tpu.memory_space<vmem>>)
      %dma_wait3A_1012 = arith.constant 0 : i32
      %dma_wait3A_1013 = arith.constant 0 : i32
      %dma_wait3A_1014 = tpu.memref_slice %arg5[%dma_wait3A_1012, %dma_wait3A_1013] : memref<10112x64xf32, #tpu.memory_space<hbm>> -> memref<80x64xf32, #tpu.memory_space<hbm>>
      %dma_wait3A_1015 = arith.constant 0 : i32
      %dma_wait3A_1016 = arith.constant 0 : i32
      %dma_wait3A_1017 = tpu.memref_slice %arg5[%dma_wait3A_1015, %dma_wait3A_1016] : memref<10112x64xf32, #tpu.memory_space<hbm>> -> memref<80x64xf32, #tpu.memory_space<hbm>>
      tpu.wait_dma2 semaphore(%arg27 : memref<!tpu.dma_semaphore, #tpu.memory_space<semaphore_mem>>) src(%dma_wait3A_1017 : memref<80x64xf32, #tpu.memory_space<hbm>>) dst(%arg11 : memref<80x64xf32, #tpu.memory_space<vmem>>)
      %dma_wait3A_1018 = arith.constant 0 : i32
      %dma_wait3A_1019 = arith.constant 0 : i32
      %dma_wait3A_1020 = tpu.memref_slice %arg5[%dma_wait3A_1018, %dma_wait3A_1019] : memref<10112x64xf32, #tpu.memory_space<hbm>> -> memref<80x64xf32, #tpu.memory_space<hbm>>
      %dma_wait3A_1021 = arith.constant 0 : i32
      %dma_wait3A_1022 = arith.constant 0 : i32
      %dma_wait3A_1023 = tpu.memref_slice %arg5[%dma_wait3A_1021, %dma_wait3A_1022] : memref<10112x64xf32, #tpu.memory_space<hbm>> -> memref<80x64xf32, #tpu.memory_space<hbm>>
      tpu.wait_dma2 semaphore(%arg28 : memref<!tpu.dma_semaphore, #tpu.memory_space<semaphore_mem>>) src(%dma_wait3A_1023 : memref<80x64xf32, #tpu.memory_space<hbm>>) dst(%arg12 : memref<80x64xf32, #tpu.memory_space<vmem>>)
      %dma_start3A_1024 = arith.constant 40 : i32
      %dma_start3A_1025 = arith.constant 0 : i32
      %dma_start3A_1026 = tpu.memref_slice %arg7[%dma_start3A_1024, %dma_start3A_1025] : memref<50x80xi32, #tpu.memory_space<vmem>> -> memref<1x80xi32, #tpu.memory_space<vmem>>
      %dma_start3A_1027 = tpu.memref_squeeze %dma_start3A_1026 : memref<1x80xi32, #tpu.memory_space<vmem>> -> memref<80xi32, #tpu.memory_space<vmem>>
      %dma_start3A_1028 = arith.constant 0 : i32
      %dma_start3A_1029 = arith.constant 0 : i32
      %dma_start3A_1030 = tpu.memref_slice %arg33[%dma_start3A_1028, %dma_start3A_1029] : memref<10112x64xf32, #tpu.memory_space<vmem_shared>> -> memref<10112x64xf32, #tpu.memory_space<vmem_shared>>
      tpu.enqueue_indirect_dma source(%dma_start3A_1030 : memref<10112x64xf32, #tpu.memory_space<vmem_shared>>) target(%arg9 : memref<80x64xf32, #tpu.memory_space<vmem>>) offsets(%dma_start3A_1027 : memref<80xi32, #tpu.memory_space<vmem>>) semaphore(%arg17 : memref<!tpu.dma_semaphore, #tpu.memory_space<semaphore_mem>>)
      %dma_start3A_1031 = arith.constant 41 : i32
      %dma_start3A_1032 = arith.constant 0 : i32
      %dma_start3A_1033 = tpu.memref_slice %arg7[%dma_start3A_1031, %dma_start3A_1032] : memref<50x80xi32, #tpu.memory_space<vmem>> -> memref<1x80xi32, #tpu.memory_space<vmem>>
      %dma_start3A_1034 = tpu.memref_squeeze %dma_start3A_1033 : memref<1x80xi32, #tpu.memory_space<vmem>> -> memref<80xi32, #tpu.memory_space<vmem>>
      %dma_start3A_1035 = arith.constant 0 : i32
      %dma_start3A_1036 = arith.constant 0 : i32
      %dma_start3A_1037 = tpu.memref_slice %arg33[%dma_start3A_1035, %dma_start3A_1036] : memref<10112x64xf32, #tpu.memory_space<vmem_shared>> -> memref<10112x64xf32, #tpu.memory_space<vmem_shared>>
      tpu.enqueue_indirect_dma source(%dma_start3A_1037 : memref<10112x64xf32, #tpu.memory_space<vmem_shared>>) target(%arg10 : memref<80x64xf32, #tpu.memory_space<vmem>>) offsets(%dma_start3A_1034 : memref<80xi32, #tpu.memory_space<vmem>>) semaphore(%arg18 : memref<!tpu.dma_semaphore, #tpu.memory_space<semaphore_mem>>)
      %dma_start3A_1038 = arith.constant 42 : i32
      %dma_start3A_1039 = arith.constant 0 : i32
      %dma_start3A_1040 = tpu.memref_slice %arg7[%dma_start3A_1038, %dma_start3A_1039] : memref<50x80xi32, #tpu.memory_space<vmem>> -> memref<1x80xi32, #tpu.memory_space<vmem>>
      %dma_start3A_1041 = tpu.memref_squeeze %dma_start3A_1040 : memref<1x80xi32, #tpu.memory_space<vmem>> -> memref<80xi32, #tpu.memory_space<vmem>>
      %dma_start3A_1042 = arith.constant 0 : i32
      %dma_start3A_1043 = arith.constant 0 : i32
      %dma_start3A_1044 = tpu.memref_slice %arg33[%dma_start3A_1042, %dma_start3A_1043] : memref<10112x64xf32, #tpu.memory_space<vmem_shared>> -> memref<10112x64xf32, #tpu.memory_space<vmem_shared>>
      tpu.enqueue_indirect_dma source(%dma_start3A_1044 : memref<10112x64xf32, #tpu.memory_space<vmem_shared>>) target(%arg11 : memref<80x64xf32, #tpu.memory_space<vmem>>) offsets(%dma_start3A_1041 : memref<80xi32, #tpu.memory_space<vmem>>) semaphore(%arg19 : memref<!tpu.dma_semaphore, #tpu.memory_space<semaphore_mem>>)
      %dma_start3A_1045 = arith.constant 43 : i32
      %dma_start3A_1046 = arith.constant 0 : i32
      %dma_start3A_1047 = tpu.memref_slice %arg7[%dma_start3A_1045, %dma_start3A_1046] : memref<50x80xi32, #tpu.memory_space<vmem>> -> memref<1x80xi32, #tpu.memory_space<vmem>>
      %dma_start3A_1048 = tpu.memref_squeeze %dma_start3A_1047 : memref<1x80xi32, #tpu.memory_space<vmem>> -> memref<80xi32, #tpu.memory_space<vmem>>
      %dma_start3A_1049 = arith.constant 0 : i32
      %dma_start3A_1050 = arith.constant 0 : i32
      %dma_start3A_1051 = tpu.memref_slice %arg33[%dma_start3A_1049, %dma_start3A_1050] : memref<10112x64xf32, #tpu.memory_space<vmem_shared>> -> memref<10112x64xf32, #tpu.memory_space<vmem_shared>>
      tpu.enqueue_indirect_dma source(%dma_start3A_1051 : memref<10112x64xf32, #tpu.memory_space<vmem_shared>>) target(%arg12 : memref<80x64xf32, #tpu.memory_space<vmem>>) offsets(%dma_start3A_1048 : memref<80xi32, #tpu.memory_space<vmem>>) semaphore(%arg20 : memref<!tpu.dma_semaphore, #tpu.memory_space<semaphore_mem>>)
      %dma_wait3A_1052 = arith.constant 36 : i32
      %dma_wait3A_1053 = arith.constant 0 : i32
      %dma_wait3A_1054 = tpu.memref_slice %arg7[%dma_wait3A_1052, %dma_wait3A_1053] : memref<50x80xi32, #tpu.memory_space<vmem>> -> memref<1x80xi32, #tpu.memory_space<vmem>>
      %dma_wait3A_1055 = tpu.memref_squeeze %dma_wait3A_1054 : memref<1x80xi32, #tpu.memory_space<vmem>> -> memref<80xi32, #tpu.memory_space<vmem>>
      %dma_wait3A_1056 = arith.constant 0 : i32
      %dma_wait3A_1057 = arith.constant 0 : i32
      %dma_wait3A_1058 = tpu.memref_slice %arg33[%dma_wait3A_1056, %dma_wait3A_1057] : memref<10112x64xf32, #tpu.memory_space<vmem_shared>> -> memref<10112x64xf32, #tpu.memory_space<vmem_shared>>
      tpu.wait_indirect_dma semaphore(%arg21 : memref<!tpu.dma_semaphore, #tpu.memory_space<semaphore_mem>>) src(%dma_wait3A_1058 : memref<10112x64xf32, #tpu.memory_space<vmem_shared>>) dst(%arg13 : memref<80x64xf32, #tpu.memory_space<vmem>>)
      %dma_wait3A_1059 = arith.constant 37 : i32
      %dma_wait3A_1060 = arith.constant 0 : i32
      %dma_wait3A_1061 = tpu.memref_slice %arg7[%dma_wait3A_1059, %dma_wait3A_1060] : memref<50x80xi32, #tpu.memory_space<vmem>> -> memref<1x80xi32, #tpu.memory_space<vmem>>
      %dma_wait3A_1062 = tpu.memref_squeeze %dma_wait3A_1061 : memref<1x80xi32, #tpu.memory_space<vmem>> -> memref<80xi32, #tpu.memory_space<vmem>>
      %dma_wait3A_1063 = arith.constant 0 : i32
      %dma_wait3A_1064 = arith.constant 0 : i32
      %dma_wait3A_1065 = tpu.memref_slice %arg33[%dma_wait3A_1063, %dma_wait3A_1064] : memref<10112x64xf32, #tpu.memory_space<vmem_shared>> -> memref<10112x64xf32, #tpu.memory_space<vmem_shared>>
      tpu.wait_indirect_dma semaphore(%arg22 : memref<!tpu.dma_semaphore, #tpu.memory_space<semaphore_mem>>) src(%dma_wait3A_1065 : memref<10112x64xf32, #tpu.memory_space<vmem_shared>>) dst(%arg14 : memref<80x64xf32, #tpu.memory_space<vmem>>)
      %dma_wait3A_1066 = arith.constant 38 : i32
      %dma_wait3A_1067 = arith.constant 0 : i32
      %dma_wait3A_1068 = tpu.memref_slice %arg7[%dma_wait3A_1066, %dma_wait3A_1067] : memref<50x80xi32, #tpu.memory_space<vmem>> -> memref<1x80xi32, #tpu.memory_space<vmem>>
      %dma_wait3A_1069 = tpu.memref_squeeze %dma_wait3A_1068 : memref<1x80xi32, #tpu.memory_space<vmem>> -> memref<80xi32, #tpu.memory_space<vmem>>
      %dma_wait3A_1070 = arith.constant 0 : i32
      %dma_wait3A_1071 = arith.constant 0 : i32
      %dma_wait3A_1072 = tpu.memref_slice %arg33[%dma_wait3A_1070, %dma_wait3A_1071] : memref<10112x64xf32, #tpu.memory_space<vmem_shared>> -> memref<10112x64xf32, #tpu.memory_space<vmem_shared>>
      tpu.wait_indirect_dma semaphore(%arg23 : memref<!tpu.dma_semaphore, #tpu.memory_space<semaphore_mem>>) src(%dma_wait3A_1072 : memref<10112x64xf32, #tpu.memory_space<vmem_shared>>) dst(%arg15 : memref<80x64xf32, #tpu.memory_space<vmem>>)
      %dma_wait3A_1073 = arith.constant 39 : i32
      %dma_wait3A_1074 = arith.constant 0 : i32
      %dma_wait3A_1075 = tpu.memref_slice %arg7[%dma_wait3A_1073, %dma_wait3A_1074] : memref<50x80xi32, #tpu.memory_space<vmem>> -> memref<1x80xi32, #tpu.memory_space<vmem>>
      %dma_wait3A_1076 = tpu.memref_squeeze %dma_wait3A_1075 : memref<1x80xi32, #tpu.memory_space<vmem>> -> memref<80xi32, #tpu.memory_space<vmem>>
      %dma_wait3A_1077 = arith.constant 0 : i32
      %dma_wait3A_1078 = arith.constant 0 : i32
      %dma_wait3A_1079 = tpu.memref_slice %arg33[%dma_wait3A_1077, %dma_wait3A_1078] : memref<10112x64xf32, #tpu.memory_space<vmem_shared>> -> memref<10112x64xf32, #tpu.memory_space<vmem_shared>>
      tpu.wait_indirect_dma semaphore(%arg24 : memref<!tpu.dma_semaphore, #tpu.memory_space<semaphore_mem>>) src(%dma_wait3A_1079 : memref<10112x64xf32, #tpu.memory_space<vmem_shared>>) dst(%arg16 : memref<80x64xf32, #tpu.memory_space<vmem>>)
      %dma_start3A_1080 = arith.constant 36 : i32
      %dma_start3A_1081 = arith.constant 0 : i32
      %dma_start3A_1082 = tpu.memref_slice %arg8[%dma_start3A_1080, %dma_start3A_1081] : memref<50x80xi32, #tpu.memory_space<vmem>> -> memref<1x80xi32, #tpu.memory_space<vmem>>
      %dma_start3A_1083 = tpu.memref_squeeze %dma_start3A_1082 : memref<1x80xi32, #tpu.memory_space<vmem>> -> memref<80xi32, #tpu.memory_space<vmem>>
      %dma_start3A_1084 = arith.constant 0 : i32
      %dma_start3A_1085 = arith.constant 0 : i32
      %dma_start3A_1086 = tpu.memref_slice %arg34[%dma_start3A_1084, %dma_start3A_1085] : memref<10112x64xf32, #tpu.memory_space<vmem_shared>> -> memref<10112x64xf32, #tpu.memory_space<vmem_shared>>
      tpu.enqueue_indirect_dma source(%arg13 : memref<80x64xf32, #tpu.memory_space<vmem>>) target(%dma_start3A_1086 : memref<10112x64xf32, #tpu.memory_space<vmem_shared>>) offsets(%dma_start3A_1083 : memref<80xi32, #tpu.memory_space<vmem>>) semaphore(%arg29 : memref<!tpu.dma_semaphore, #tpu.memory_space<semaphore_mem>>) {add = true}
      %dma_start3A_1087 = arith.constant 37 : i32
      %dma_start3A_1088 = arith.constant 0 : i32
      %dma_start3A_1089 = tpu.memref_slice %arg8[%dma_start3A_1087, %dma_start3A_1088] : memref<50x80xi32, #tpu.memory_space<vmem>> -> memref<1x80xi32, #tpu.memory_space<vmem>>
      %dma_start3A_1090 = tpu.memref_squeeze %dma_start3A_1089 : memref<1x80xi32, #tpu.memory_space<vmem>> -> memref<80xi32, #tpu.memory_space<vmem>>
      %dma_start3A_1091 = arith.constant 0 : i32
      %dma_start3A_1092 = arith.constant 0 : i32
      %dma_start3A_1093 = tpu.memref_slice %arg34[%dma_start3A_1091, %dma_start3A_1092] : memref<10112x64xf32, #tpu.memory_space<vmem_shared>> -> memref<10112x64xf32, #tpu.memory_space<vmem_shared>>
      tpu.enqueue_indirect_dma source(%arg14 : memref<80x64xf32, #tpu.memory_space<vmem>>) target(%dma_start3A_1093 : memref<10112x64xf32, #tpu.memory_space<vmem_shared>>) offsets(%dma_start3A_1090 : memref<80xi32, #tpu.memory_space<vmem>>) semaphore(%arg30 : memref<!tpu.dma_semaphore, #tpu.memory_space<semaphore_mem>>) {add = true}
      %dma_start3A_1094 = arith.constant 38 : i32
      %dma_start3A_1095 = arith.constant 0 : i32
      %dma_start3A_1096 = tpu.memref_slice %arg8[%dma_start3A_1094, %dma_start3A_1095] : memref<50x80xi32, #tpu.memory_space<vmem>> -> memref<1x80xi32, #tpu.memory_space<vmem>>
      %dma_start3A_1097 = tpu.memref_squeeze %dma_start3A_1096 : memref<1x80xi32, #tpu.memory_space<vmem>> -> memref<80xi32, #tpu.memory_space<vmem>>
      %dma_start3A_1098 = arith.constant 0 : i32
      %dma_start3A_1099 = arith.constant 0 : i32
      %dma_start3A_1100 = tpu.memref_slice %arg34[%dma_start3A_1098, %dma_start3A_1099] : memref<10112x64xf32, #tpu.memory_space<vmem_shared>> -> memref<10112x64xf32, #tpu.memory_space<vmem_shared>>
      tpu.enqueue_indirect_dma source(%arg15 : memref<80x64xf32, #tpu.memory_space<vmem>>) target(%dma_start3A_1100 : memref<10112x64xf32, #tpu.memory_space<vmem_shared>>) offsets(%dma_start3A_1097 : memref<80xi32, #tpu.memory_space<vmem>>) semaphore(%arg31 : memref<!tpu.dma_semaphore, #tpu.memory_space<semaphore_mem>>) {add = true}
      %dma_start3A_1101 = arith.constant 39 : i32
      %dma_start3A_1102 = arith.constant 0 : i32
      %dma_start3A_1103 = tpu.memref_slice %arg8[%dma_start3A_1101, %dma_start3A_1102] : memref<50x80xi32, #tpu.memory_space<vmem>> -> memref<1x80xi32, #tpu.memory_space<vmem>>
      %dma_start3A_1104 = tpu.memref_squeeze %dma_start3A_1103 : memref<1x80xi32, #tpu.memory_space<vmem>> -> memref<80xi32, #tpu.memory_space<vmem>>
      %dma_start3A_1105 = arith.constant 0 : i32
      %dma_start3A_1106 = arith.constant 0 : i32
      %dma_start3A_1107 = tpu.memref_slice %arg34[%dma_start3A_1105, %dma_start3A_1106] : memref<10112x64xf32, #tpu.memory_space<vmem_shared>> -> memref<10112x64xf32, #tpu.memory_space<vmem_shared>>
      tpu.enqueue_indirect_dma source(%arg16 : memref<80x64xf32, #tpu.memory_space<vmem>>) target(%dma_start3A_1107 : memref<10112x64xf32, #tpu.memory_space<vmem_shared>>) offsets(%dma_start3A_1104 : memref<80xi32, #tpu.memory_space<vmem>>) semaphore(%arg32 : memref<!tpu.dma_semaphore, #tpu.memory_space<semaphore_mem>>) {add = true}
      %dma_wait3A_1108 = arith.constant 0 : i32
      %dma_wait3A_1109 = arith.constant 0 : i32
      %dma_wait3A_1110 = tpu.memref_slice %arg5[%dma_wait3A_1108, %dma_wait3A_1109] : memref<10112x64xf32, #tpu.memory_space<hbm>> -> memref<80x64xf32, #tpu.memory_space<hbm>>
      %dma_wait3A_1111 = arith.constant 0 : i32
      %dma_wait3A_1112 = arith.constant 0 : i32
      %dma_wait3A_1113 = tpu.memref_slice %arg5[%dma_wait3A_1111, %dma_wait3A_1112] : memref<10112x64xf32, #tpu.memory_space<hbm>> -> memref<80x64xf32, #tpu.memory_space<hbm>>
      tpu.wait_dma2 semaphore(%arg29 : memref<!tpu.dma_semaphore, #tpu.memory_space<semaphore_mem>>) src(%dma_wait3A_1113 : memref<80x64xf32, #tpu.memory_space<hbm>>) dst(%arg13 : memref<80x64xf32, #tpu.memory_space<vmem>>)
      %dma_wait3A_1114 = arith.constant 0 : i32
      %dma_wait3A_1115 = arith.constant 0 : i32
      %dma_wait3A_1116 = tpu.memref_slice %arg5[%dma_wait3A_1114, %dma_wait3A_1115] : memref<10112x64xf32, #tpu.memory_space<hbm>> -> memref<80x64xf32, #tpu.memory_space<hbm>>
      %dma_wait3A_1117 = arith.constant 0 : i32
      %dma_wait3A_1118 = arith.constant 0 : i32
      %dma_wait3A_1119 = tpu.memref_slice %arg5[%dma_wait3A_1117, %dma_wait3A_1118] : memref<10112x64xf32, #tpu.memory_space<hbm>> -> memref<80x64xf32, #tpu.memory_space<hbm>>
      tpu.wait_dma2 semaphore(%arg30 : memref<!tpu.dma_semaphore, #tpu.memory_space<semaphore_mem>>) src(%dma_wait3A_1119 : memref<80x64xf32, #tpu.memory_space<hbm>>) dst(%arg14 : memref<80x64xf32, #tpu.memory_space<vmem>>)
      %dma_wait3A_1120 = arith.constant 0 : i32
      %dma_wait3A_1121 = arith.constant 0 : i32
      %dma_wait3A_1122 = tpu.memref_slice %arg5[%dma_wait3A_1120, %dma_wait3A_1121] : memref<10112x64xf32, #tpu.memory_space<hbm>> -> memref<80x64xf32, #tpu.memory_space<hbm>>
      %dma_wait3A_1123 = arith.constant 0 : i32
      %dma_wait3A_1124 = arith.constant 0 : i32
      %dma_wait3A_1125 = tpu.memref_slice %arg5[%dma_wait3A_1123, %dma_wait3A_1124] : memref<10112x64xf32, #tpu.memory_space<hbm>> -> memref<80x64xf32, #tpu.memory_space<hbm>>
      tpu.wait_dma2 semaphore(%arg31 : memref<!tpu.dma_semaphore, #tpu.memory_space<semaphore_mem>>) src(%dma_wait3A_1125 : memref<80x64xf32, #tpu.memory_space<hbm>>) dst(%arg15 : memref<80x64xf32, #tpu.memory_space<vmem>>)
      %dma_wait3A_1126 = arith.constant 0 : i32
      %dma_wait3A_1127 = arith.constant 0 : i32
      %dma_wait3A_1128 = tpu.memref_slice %arg5[%dma_wait3A_1126, %dma_wait3A_1127] : memref<10112x64xf32, #tpu.memory_space<hbm>> -> memref<80x64xf32, #tpu.memory_space<hbm>>
      %dma_wait3A_1129 = arith.constant 0 : i32
      %dma_wait3A_1130 = arith.constant 0 : i32
      %dma_wait3A_1131 = tpu.memref_slice %arg5[%dma_wait3A_1129, %dma_wait3A_1130] : memref<10112x64xf32, #tpu.memory_space<hbm>> -> memref<80x64xf32, #tpu.memory_space<hbm>>
      tpu.wait_dma2 semaphore(%arg32 : memref<!tpu.dma_semaphore, #tpu.memory_space<semaphore_mem>>) src(%dma_wait3A_1131 : memref<80x64xf32, #tpu.memory_space<hbm>>) dst(%arg16 : memref<80x64xf32, #tpu.memory_space<vmem>>)
      %dma_start3A_1132 = arith.constant 44 : i32
      %dma_start3A_1133 = arith.constant 0 : i32
      %dma_start3A_1134 = tpu.memref_slice %arg7[%dma_start3A_1132, %dma_start3A_1133] : memref<50x80xi32, #tpu.memory_space<vmem>> -> memref<1x80xi32, #tpu.memory_space<vmem>>
      %dma_start3A_1135 = tpu.memref_squeeze %dma_start3A_1134 : memref<1x80xi32, #tpu.memory_space<vmem>> -> memref<80xi32, #tpu.memory_space<vmem>>
      %dma_start3A_1136 = arith.constant 0 : i32
      %dma_start3A_1137 = arith.constant 0 : i32
      %dma_start3A_1138 = tpu.memref_slice %arg33[%dma_start3A_1136, %dma_start3A_1137] : memref<10112x64xf32, #tpu.memory_space<vmem_shared>> -> memref<10112x64xf32, #tpu.memory_space<vmem_shared>>
      tpu.enqueue_indirect_dma source(%dma_start3A_1138 : memref<10112x64xf32, #tpu.memory_space<vmem_shared>>) target(%arg13 : memref<80x64xf32, #tpu.memory_space<vmem>>) offsets(%dma_start3A_1135 : memref<80xi32, #tpu.memory_space<vmem>>) semaphore(%arg21 : memref<!tpu.dma_semaphore, #tpu.memory_space<semaphore_mem>>)
      %dma_start3A_1139 = arith.constant 45 : i32
      %dma_start3A_1140 = arith.constant 0 : i32
      %dma_start3A_1141 = tpu.memref_slice %arg7[%dma_start3A_1139, %dma_start3A_1140] : memref<50x80xi32, #tpu.memory_space<vmem>> -> memref<1x80xi32, #tpu.memory_space<vmem>>
      %dma_start3A_1142 = tpu.memref_squeeze %dma_start3A_1141 : memref<1x80xi32, #tpu.memory_space<vmem>> -> memref<80xi32, #tpu.memory_space<vmem>>
      %dma_start3A_1143 = arith.constant 0 : i32
      %dma_start3A_1144 = arith.constant 0 : i32
      %dma_start3A_1145 = tpu.memref_slice %arg33[%dma_start3A_1143, %dma_start3A_1144] : memref<10112x64xf32, #tpu.memory_space<vmem_shared>> -> memref<10112x64xf32, #tpu.memory_space<vmem_shared>>
      tpu.enqueue_indirect_dma source(%dma_start3A_1145 : memref<10112x64xf32, #tpu.memory_space<vmem_shared>>) target(%arg14 : memref<80x64xf32, #tpu.memory_space<vmem>>) offsets(%dma_start3A_1142 : memref<80xi32, #tpu.memory_space<vmem>>) semaphore(%arg22 : memref<!tpu.dma_semaphore, #tpu.memory_space<semaphore_mem>>)
      %dma_start3A_1146 = arith.constant 46 : i32
      %dma_start3A_1147 = arith.constant 0 : i32
      %dma_start3A_1148 = tpu.memref_slice %arg7[%dma_start3A_1146, %dma_start3A_1147] : memref<50x80xi32, #tpu.memory_space<vmem>> -> memref<1x80xi32, #tpu.memory_space<vmem>>
      %dma_start3A_1149 = tpu.memref_squeeze %dma_start3A_1148 : memref<1x80xi32, #tpu.memory_space<vmem>> -> memref<80xi32, #tpu.memory_space<vmem>>
      %dma_start3A_1150 = arith.constant 0 : i32
      %dma_start3A_1151 = arith.constant 0 : i32
      %dma_start3A_1152 = tpu.memref_slice %arg33[%dma_start3A_1150, %dma_start3A_1151] : memref<10112x64xf32, #tpu.memory_space<vmem_shared>> -> memref<10112x64xf32, #tpu.memory_space<vmem_shared>>
      tpu.enqueue_indirect_dma source(%dma_start3A_1152 : memref<10112x64xf32, #tpu.memory_space<vmem_shared>>) target(%arg15 : memref<80x64xf32, #tpu.memory_space<vmem>>) offsets(%dma_start3A_1149 : memref<80xi32, #tpu.memory_space<vmem>>) semaphore(%arg23 : memref<!tpu.dma_semaphore, #tpu.memory_space<semaphore_mem>>)
      %dma_start3A_1153 = arith.constant 47 : i32
      %dma_start3A_1154 = arith.constant 0 : i32
      %dma_start3A_1155 = tpu.memref_slice %arg7[%dma_start3A_1153, %dma_start3A_1154] : memref<50x80xi32, #tpu.memory_space<vmem>> -> memref<1x80xi32, #tpu.memory_space<vmem>>
      %dma_start3A_1156 = tpu.memref_squeeze %dma_start3A_1155 : memref<1x80xi32, #tpu.memory_space<vmem>> -> memref<80xi32, #tpu.memory_space<vmem>>
      %dma_start3A_1157 = arith.constant 0 : i32
      %dma_start3A_1158 = arith.constant 0 : i32
      %dma_start3A_1159 = tpu.memref_slice %arg33[%dma_start3A_1157, %dma_start3A_1158] : memref<10112x64xf32, #tpu.memory_space<vmem_shared>> -> memref<10112x64xf32, #tpu.memory_space<vmem_shared>>
      tpu.enqueue_indirect_dma source(%dma_start3A_1159 : memref<10112x64xf32, #tpu.memory_space<vmem_shared>>) target(%arg16 : memref<80x64xf32, #tpu.memory_space<vmem>>) offsets(%dma_start3A_1156 : memref<80xi32, #tpu.memory_space<vmem>>) semaphore(%arg24 : memref<!tpu.dma_semaphore, #tpu.memory_space<semaphore_mem>>)
      %dma_wait3A_1160 = arith.constant 40 : i32
      %dma_wait3A_1161 = arith.constant 0 : i32
      %dma_wait3A_1162 = tpu.memref_slice %arg7[%dma_wait3A_1160, %dma_wait3A_1161] : memref<50x80xi32, #tpu.memory_space<vmem>> -> memref<1x80xi32, #tpu.memory_space<vmem>>
      %dma_wait3A_1163 = tpu.memref_squeeze %dma_wait3A_1162 : memref<1x80xi32, #tpu.memory_space<vmem>> -> memref<80xi32, #tpu.memory_space<vmem>>
      %dma_wait3A_1164 = arith.constant 0 : i32
      %dma_wait3A_1165 = arith.constant 0 : i32
      %dma_wait3A_1166 = tpu.memref_slice %arg33[%dma_wait3A_1164, %dma_wait3A_1165] : memref<10112x64xf32, #tpu.memory_space<vmem_shared>> -> memref<10112x64xf32, #tpu.memory_space<vmem_shared>>
      tpu.wait_indirect_dma semaphore(%arg17 : memref<!tpu.dma_semaphore, #tpu.memory_space<semaphore_mem>>) src(%dma_wait3A_1166 : memref<10112x64xf32, #tpu.memory_space<vmem_shared>>) dst(%arg9 : memref<80x64xf32, #tpu.memory_space<vmem>>)
      %dma_wait3A_1167 = arith.constant 41 : i32
      %dma_wait3A_1168 = arith.constant 0 : i32
      %dma_wait3A_1169 = tpu.memref_slice %arg7[%dma_wait3A_1167, %dma_wait3A_1168] : memref<50x80xi32, #tpu.memory_space<vmem>> -> memref<1x80xi32, #tpu.memory_space<vmem>>
      %dma_wait3A_1170 = tpu.memref_squeeze %dma_wait3A_1169 : memref<1x80xi32, #tpu.memory_space<vmem>> -> memref<80xi32, #tpu.memory_space<vmem>>
      %dma_wait3A_1171 = arith.constant 0 : i32
      %dma_wait3A_1172 = arith.constant 0 : i32
      %dma_wait3A_1173 = tpu.memref_slice %arg33[%dma_wait3A_1171, %dma_wait3A_1172] : memref<10112x64xf32, #tpu.memory_space<vmem_shared>> -> memref<10112x64xf32, #tpu.memory_space<vmem_shared>>
      tpu.wait_indirect_dma semaphore(%arg18 : memref<!tpu.dma_semaphore, #tpu.memory_space<semaphore_mem>>) src(%dma_wait3A_1173 : memref<10112x64xf32, #tpu.memory_space<vmem_shared>>) dst(%arg10 : memref<80x64xf32, #tpu.memory_space<vmem>>)
      %dma_wait3A_1174 = arith.constant 42 : i32
      %dma_wait3A_1175 = arith.constant 0 : i32
      %dma_wait3A_1176 = tpu.memref_slice %arg7[%dma_wait3A_1174, %dma_wait3A_1175] : memref<50x80xi32, #tpu.memory_space<vmem>> -> memref<1x80xi32, #tpu.memory_space<vmem>>
      %dma_wait3A_1177 = tpu.memref_squeeze %dma_wait3A_1176 : memref<1x80xi32, #tpu.memory_space<vmem>> -> memref<80xi32, #tpu.memory_space<vmem>>
      %dma_wait3A_1178 = arith.constant 0 : i32
      %dma_wait3A_1179 = arith.constant 0 : i32
      %dma_wait3A_1180 = tpu.memref_slice %arg33[%dma_wait3A_1178, %dma_wait3A_1179] : memref<10112x64xf32, #tpu.memory_space<vmem_shared>> -> memref<10112x64xf32, #tpu.memory_space<vmem_shared>>
      tpu.wait_indirect_dma semaphore(%arg19 : memref<!tpu.dma_semaphore, #tpu.memory_space<semaphore_mem>>) src(%dma_wait3A_1180 : memref<10112x64xf32, #tpu.memory_space<vmem_shared>>) dst(%arg11 : memref<80x64xf32, #tpu.memory_space<vmem>>)
      %dma_wait3A_1181 = arith.constant 43 : i32
      %dma_wait3A_1182 = arith.constant 0 : i32
      %dma_wait3A_1183 = tpu.memref_slice %arg7[%dma_wait3A_1181, %dma_wait3A_1182] : memref<50x80xi32, #tpu.memory_space<vmem>> -> memref<1x80xi32, #tpu.memory_space<vmem>>
      %dma_wait3A_1184 = tpu.memref_squeeze %dma_wait3A_1183 : memref<1x80xi32, #tpu.memory_space<vmem>> -> memref<80xi32, #tpu.memory_space<vmem>>
      %dma_wait3A_1185 = arith.constant 0 : i32
      %dma_wait3A_1186 = arith.constant 0 : i32
      %dma_wait3A_1187 = tpu.memref_slice %arg33[%dma_wait3A_1185, %dma_wait3A_1186] : memref<10112x64xf32, #tpu.memory_space<vmem_shared>> -> memref<10112x64xf32, #tpu.memory_space<vmem_shared>>
      tpu.wait_indirect_dma semaphore(%arg20 : memref<!tpu.dma_semaphore, #tpu.memory_space<semaphore_mem>>) src(%dma_wait3A_1187 : memref<10112x64xf32, #tpu.memory_space<vmem_shared>>) dst(%arg12 : memref<80x64xf32, #tpu.memory_space<vmem>>)
      %dma_start3A_1188 = arith.constant 40 : i32
      %dma_start3A_1189 = arith.constant 0 : i32
      %dma_start3A_1190 = tpu.memref_slice %arg8[%dma_start3A_1188, %dma_start3A_1189] : memref<50x80xi32, #tpu.memory_space<vmem>> -> memref<1x80xi32, #tpu.memory_space<vmem>>
      %dma_start3A_1191 = tpu.memref_squeeze %dma_start3A_1190 : memref<1x80xi32, #tpu.memory_space<vmem>> -> memref<80xi32, #tpu.memory_space<vmem>>
      %dma_start3A_1192 = arith.constant 0 : i32
      %dma_start3A_1193 = arith.constant 0 : i32
      %dma_start3A_1194 = tpu.memref_slice %arg34[%dma_start3A_1192, %dma_start3A_1193] : memref<10112x64xf32, #tpu.memory_space<vmem_shared>> -> memref<10112x64xf32, #tpu.memory_space<vmem_shared>>
      tpu.enqueue_indirect_dma source(%arg9 : memref<80x64xf32, #tpu.memory_space<vmem>>) target(%dma_start3A_1194 : memref<10112x64xf32, #tpu.memory_space<vmem_shared>>) offsets(%dma_start3A_1191 : memref<80xi32, #tpu.memory_space<vmem>>) semaphore(%arg25 : memref<!tpu.dma_semaphore, #tpu.memory_space<semaphore_mem>>) {add = true}
      %dma_start3A_1195 = arith.constant 41 : i32
      %dma_start3A_1196 = arith.constant 0 : i32
      %dma_start3A_1197 = tpu.memref_slice %arg8[%dma_start3A_1195, %dma_start3A_1196] : memref<50x80xi32, #tpu.memory_space<vmem>> -> memref<1x80xi32, #tpu.memory_space<vmem>>
      %dma_start3A_1198 = tpu.memref_squeeze %dma_start3A_1197 : memref<1x80xi32, #tpu.memory_space<vmem>> -> memref<80xi32, #tpu.memory_space<vmem>>
      %dma_start3A_1199 = arith.constant 0 : i32
      %dma_start3A_1200 = arith.constant 0 : i32
      %dma_start3A_1201 = tpu.memref_slice %arg34[%dma_start3A_1199, %dma_start3A_1200] : memref<10112x64xf32, #tpu.memory_space<vmem_shared>> -> memref<10112x64xf32, #tpu.memory_space<vmem_shared>>
      tpu.enqueue_indirect_dma source(%arg10 : memref<80x64xf32, #tpu.memory_space<vmem>>) target(%dma_start3A_1201 : memref<10112x64xf32, #tpu.memory_space<vmem_shared>>) offsets(%dma_start3A_1198 : memref<80xi32, #tpu.memory_space<vmem>>) semaphore(%arg26 : memref<!tpu.dma_semaphore, #tpu.memory_space<semaphore_mem>>) {add = true}
      %dma_start3A_1202 = arith.constant 42 : i32
      %dma_start3A_1203 = arith.constant 0 : i32
      %dma_start3A_1204 = tpu.memref_slice %arg8[%dma_start3A_1202, %dma_start3A_1203] : memref<50x80xi32, #tpu.memory_space<vmem>> -> memref<1x80xi32, #tpu.memory_space<vmem>>
      %dma_start3A_1205 = tpu.memref_squeeze %dma_start3A_1204 : memref<1x80xi32, #tpu.memory_space<vmem>> -> memref<80xi32, #tpu.memory_space<vmem>>
      %dma_start3A_1206 = arith.constant 0 : i32
      %dma_start3A_1207 = arith.constant 0 : i32
      %dma_start3A_1208 = tpu.memref_slice %arg34[%dma_start3A_1206, %dma_start3A_1207] : memref<10112x64xf32, #tpu.memory_space<vmem_shared>> -> memref<10112x64xf32, #tpu.memory_space<vmem_shared>>
      tpu.enqueue_indirect_dma source(%arg11 : memref<80x64xf32, #tpu.memory_space<vmem>>) target(%dma_start3A_1208 : memref<10112x64xf32, #tpu.memory_space<vmem_shared>>) offsets(%dma_start3A_1205 : memref<80xi32, #tpu.memory_space<vmem>>) semaphore(%arg27 : memref<!tpu.dma_semaphore, #tpu.memory_space<semaphore_mem>>) {add = true}
      %dma_start3A_1209 = arith.constant 43 : i32
      %dma_start3A_1210 = arith.constant 0 : i32
      %dma_start3A_1211 = tpu.memref_slice %arg8[%dma_start3A_1209, %dma_start3A_1210] : memref<50x80xi32, #tpu.memory_space<vmem>> -> memref<1x80xi32, #tpu.memory_space<vmem>>
      %dma_start3A_1212 = tpu.memref_squeeze %dma_start3A_1211 : memref<1x80xi32, #tpu.memory_space<vmem>> -> memref<80xi32, #tpu.memory_space<vmem>>
      %dma_start3A_1213 = arith.constant 0 : i32
      %dma_start3A_1214 = arith.constant 0 : i32
      %dma_start3A_1215 = tpu.memref_slice %arg34[%dma_start3A_1213, %dma_start3A_1214] : memref<10112x64xf32, #tpu.memory_space<vmem_shared>> -> memref<10112x64xf32, #tpu.memory_space<vmem_shared>>
      tpu.enqueue_indirect_dma source(%arg12 : memref<80x64xf32, #tpu.memory_space<vmem>>) target(%dma_start3A_1215 : memref<10112x64xf32, #tpu.memory_space<vmem_shared>>) offsets(%dma_start3A_1212 : memref<80xi32, #tpu.memory_space<vmem>>) semaphore(%arg28 : memref<!tpu.dma_semaphore, #tpu.memory_space<semaphore_mem>>) {add = true}
      %dma_wait3A_1216 = arith.constant 0 : i32
      %dma_wait3A_1217 = arith.constant 0 : i32
      %dma_wait3A_1218 = tpu.memref_slice %arg5[%dma_wait3A_1216, %dma_wait3A_1217] : memref<10112x64xf32, #tpu.memory_space<hbm>> -> memref<80x64xf32, #tpu.memory_space<hbm>>
      %dma_wait3A_1219 = arith.constant 0 : i32
      %dma_wait3A_1220 = arith.constant 0 : i32
      %dma_wait3A_1221 = tpu.memref_slice %arg5[%dma_wait3A_1219, %dma_wait3A_1220] : memref<10112x64xf32, #tpu.memory_space<hbm>> -> memref<80x64xf32, #tpu.memory_space<hbm>>
      tpu.wait_dma2 semaphore(%arg25 : memref<!tpu.dma_semaphore, #tpu.memory_space<semaphore_mem>>) src(%dma_wait3A_1221 : memref<80x64xf32, #tpu.memory_space<hbm>>) dst(%arg9 : memref<80x64xf32, #tpu.memory_space<vmem>>)
      %dma_wait3A_1222 = arith.constant 0 : i32
      %dma_wait3A_1223 = arith.constant 0 : i32
      %dma_wait3A_1224 = tpu.memref_slice %arg5[%dma_wait3A_1222, %dma_wait3A_1223] : memref<10112x64xf32, #tpu.memory_space<hbm>> -> memref<80x64xf32, #tpu.memory_space<hbm>>
      %dma_wait3A_1225 = arith.constant 0 : i32
      %dma_wait3A_1226 = arith.constant 0 : i32
      %dma_wait3A_1227 = tpu.memref_slice %arg5[%dma_wait3A_1225, %dma_wait3A_1226] : memref<10112x64xf32, #tpu.memory_space<hbm>> -> memref<80x64xf32, #tpu.memory_space<hbm>>
      tpu.wait_dma2 semaphore(%arg26 : memref<!tpu.dma_semaphore, #tpu.memory_space<semaphore_mem>>) src(%dma_wait3A_1227 : memref<80x64xf32, #tpu.memory_space<hbm>>) dst(%arg10 : memref<80x64xf32, #tpu.memory_space<vmem>>)
      %dma_wait3A_1228 = arith.constant 0 : i32
      %dma_wait3A_1229 = arith.constant 0 : i32
      %dma_wait3A_1230 = tpu.memref_slice %arg5[%dma_wait3A_1228, %dma_wait3A_1229] : memref<10112x64xf32, #tpu.memory_space<hbm>> -> memref<80x64xf32, #tpu.memory_space<hbm>>
      %dma_wait3A_1231 = arith.constant 0 : i32
      %dma_wait3A_1232 = arith.constant 0 : i32
      %dma_wait3A_1233 = tpu.memref_slice %arg5[%dma_wait3A_1231, %dma_wait3A_1232] : memref<10112x64xf32, #tpu.memory_space<hbm>> -> memref<80x64xf32, #tpu.memory_space<hbm>>
      tpu.wait_dma2 semaphore(%arg27 : memref<!tpu.dma_semaphore, #tpu.memory_space<semaphore_mem>>) src(%dma_wait3A_1233 : memref<80x64xf32, #tpu.memory_space<hbm>>) dst(%arg11 : memref<80x64xf32, #tpu.memory_space<vmem>>)
      %dma_wait3A_1234 = arith.constant 0 : i32
      %dma_wait3A_1235 = arith.constant 0 : i32
      %dma_wait3A_1236 = tpu.memref_slice %arg5[%dma_wait3A_1234, %dma_wait3A_1235] : memref<10112x64xf32, #tpu.memory_space<hbm>> -> memref<80x64xf32, #tpu.memory_space<hbm>>
      %dma_wait3A_1237 = arith.constant 0 : i32
      %dma_wait3A_1238 = arith.constant 0 : i32
      %dma_wait3A_1239 = tpu.memref_slice %arg5[%dma_wait3A_1237, %dma_wait3A_1238] : memref<10112x64xf32, #tpu.memory_space<hbm>> -> memref<80x64xf32, #tpu.memory_space<hbm>>
      tpu.wait_dma2 semaphore(%arg28 : memref<!tpu.dma_semaphore, #tpu.memory_space<semaphore_mem>>) src(%dma_wait3A_1239 : memref<80x64xf32, #tpu.memory_space<hbm>>) dst(%arg12 : memref<80x64xf32, #tpu.memory_space<vmem>>)
      %dma_start3A_1240 = arith.constant 48 : i32
      %dma_start3A_1241 = arith.constant 0 : i32
      %dma_start3A_1242 = tpu.memref_slice %arg7[%dma_start3A_1240, %dma_start3A_1241] : memref<50x80xi32, #tpu.memory_space<vmem>> -> memref<1x80xi32, #tpu.memory_space<vmem>>
      %dma_start3A_1243 = tpu.memref_squeeze %dma_start3A_1242 : memref<1x80xi32, #tpu.memory_space<vmem>> -> memref<80xi32, #tpu.memory_space<vmem>>
      %dma_start3A_1244 = arith.constant 0 : i32
      %dma_start3A_1245 = arith.constant 0 : i32
      %dma_start3A_1246 = tpu.memref_slice %arg33[%dma_start3A_1244, %dma_start3A_1245] : memref<10112x64xf32, #tpu.memory_space<vmem_shared>> -> memref<10112x64xf32, #tpu.memory_space<vmem_shared>>
      tpu.enqueue_indirect_dma source(%dma_start3A_1246 : memref<10112x64xf32, #tpu.memory_space<vmem_shared>>) target(%arg9 : memref<80x64xf32, #tpu.memory_space<vmem>>) offsets(%dma_start3A_1243 : memref<80xi32, #tpu.memory_space<vmem>>) semaphore(%arg17 : memref<!tpu.dma_semaphore, #tpu.memory_space<semaphore_mem>>)
      %dma_start3A_1247 = arith.constant 49 : i32
      %dma_start3A_1248 = arith.constant 0 : i32
      %dma_start3A_1249 = tpu.memref_slice %arg7[%dma_start3A_1247, %dma_start3A_1248] : memref<50x80xi32, #tpu.memory_space<vmem>> -> memref<1x80xi32, #tpu.memory_space<vmem>>
      %dma_start3A_1250 = tpu.memref_squeeze %dma_start3A_1249 : memref<1x80xi32, #tpu.memory_space<vmem>> -> memref<80xi32, #tpu.memory_space<vmem>>
      %dma_start3A_1251 = arith.constant 0 : i32
      %dma_start3A_1252 = arith.constant 0 : i32
      %dma_start3A_1253 = tpu.memref_slice %arg33[%dma_start3A_1251, %dma_start3A_1252] : memref<10112x64xf32, #tpu.memory_space<vmem_shared>> -> memref<10112x64xf32, #tpu.memory_space<vmem_shared>>
      tpu.enqueue_indirect_dma source(%dma_start3A_1253 : memref<10112x64xf32, #tpu.memory_space<vmem_shared>>) target(%arg10 : memref<80x64xf32, #tpu.memory_space<vmem>>) offsets(%dma_start3A_1250 : memref<80xi32, #tpu.memory_space<vmem>>) semaphore(%arg18 : memref<!tpu.dma_semaphore, #tpu.memory_space<semaphore_mem>>)
      %dma_wait3A_1254 = arith.constant 44 : i32
      %dma_wait3A_1255 = arith.constant 0 : i32
      %dma_wait3A_1256 = tpu.memref_slice %arg7[%dma_wait3A_1254, %dma_wait3A_1255] : memref<50x80xi32, #tpu.memory_space<vmem>> -> memref<1x80xi32, #tpu.memory_space<vmem>>
      %dma_wait3A_1257 = tpu.memref_squeeze %dma_wait3A_1256 : memref<1x80xi32, #tpu.memory_space<vmem>> -> memref<80xi32, #tpu.memory_space<vmem>>
      %dma_wait3A_1258 = arith.constant 0 : i32
      %dma_wait3A_1259 = arith.constant 0 : i32
      %dma_wait3A_1260 = tpu.memref_slice %arg33[%dma_wait3A_1258, %dma_wait3A_1259] : memref<10112x64xf32, #tpu.memory_space<vmem_shared>> -> memref<10112x64xf32, #tpu.memory_space<vmem_shared>>
      tpu.wait_indirect_dma semaphore(%arg21 : memref<!tpu.dma_semaphore, #tpu.memory_space<semaphore_mem>>) src(%dma_wait3A_1260 : memref<10112x64xf32, #tpu.memory_space<vmem_shared>>) dst(%arg13 : memref<80x64xf32, #tpu.memory_space<vmem>>)
      %dma_wait3A_1261 = arith.constant 45 : i32
      %dma_wait3A_1262 = arith.constant 0 : i32
      %dma_wait3A_1263 = tpu.memref_slice %arg7[%dma_wait3A_1261, %dma_wait3A_1262] : memref<50x80xi32, #tpu.memory_space<vmem>> -> memref<1x80xi32, #tpu.memory_space<vmem>>
      %dma_wait3A_1264 = tpu.memref_squeeze %dma_wait3A_1263 : memref<1x80xi32, #tpu.memory_space<vmem>> -> memref<80xi32, #tpu.memory_space<vmem>>
      %dma_wait3A_1265 = arith.constant 0 : i32
      %dma_wait3A_1266 = arith.constant 0 : i32
      %dma_wait3A_1267 = tpu.memref_slice %arg33[%dma_wait3A_1265, %dma_wait3A_1266] : memref<10112x64xf32, #tpu.memory_space<vmem_shared>> -> memref<10112x64xf32, #tpu.memory_space<vmem_shared>>
      tpu.wait_indirect_dma semaphore(%arg22 : memref<!tpu.dma_semaphore, #tpu.memory_space<semaphore_mem>>) src(%dma_wait3A_1267 : memref<10112x64xf32, #tpu.memory_space<vmem_shared>>) dst(%arg14 : memref<80x64xf32, #tpu.memory_space<vmem>>)
      %dma_wait3A_1268 = arith.constant 46 : i32
      %dma_wait3A_1269 = arith.constant 0 : i32
      %dma_wait3A_1270 = tpu.memref_slice %arg7[%dma_wait3A_1268, %dma_wait3A_1269] : memref<50x80xi32, #tpu.memory_space<vmem>> -> memref<1x80xi32, #tpu.memory_space<vmem>>
      %dma_wait3A_1271 = tpu.memref_squeeze %dma_wait3A_1270 : memref<1x80xi32, #tpu.memory_space<vmem>> -> memref<80xi32, #tpu.memory_space<vmem>>
      %dma_wait3A_1272 = arith.constant 0 : i32
      %dma_wait3A_1273 = arith.constant 0 : i32
      %dma_wait3A_1274 = tpu.memref_slice %arg33[%dma_wait3A_1272, %dma_wait3A_1273] : memref<10112x64xf32, #tpu.memory_space<vmem_shared>> -> memref<10112x64xf32, #tpu.memory_space<vmem_shared>>
      tpu.wait_indirect_dma semaphore(%arg23 : memref<!tpu.dma_semaphore, #tpu.memory_space<semaphore_mem>>) src(%dma_wait3A_1274 : memref<10112x64xf32, #tpu.memory_space<vmem_shared>>) dst(%arg15 : memref<80x64xf32, #tpu.memory_space<vmem>>)
      %dma_wait3A_1275 = arith.constant 47 : i32
      %dma_wait3A_1276 = arith.constant 0 : i32
      %dma_wait3A_1277 = tpu.memref_slice %arg7[%dma_wait3A_1275, %dma_wait3A_1276] : memref<50x80xi32, #tpu.memory_space<vmem>> -> memref<1x80xi32, #tpu.memory_space<vmem>>
      %dma_wait3A_1278 = tpu.memref_squeeze %dma_wait3A_1277 : memref<1x80xi32, #tpu.memory_space<vmem>> -> memref<80xi32, #tpu.memory_space<vmem>>
      %dma_wait3A_1279 = arith.constant 0 : i32
      %dma_wait3A_1280 = arith.constant 0 : i32
      %dma_wait3A_1281 = tpu.memref_slice %arg33[%dma_wait3A_1279, %dma_wait3A_1280] : memref<10112x64xf32, #tpu.memory_space<vmem_shared>> -> memref<10112x64xf32, #tpu.memory_space<vmem_shared>>
      tpu.wait_indirect_dma semaphore(%arg24 : memref<!tpu.dma_semaphore, #tpu.memory_space<semaphore_mem>>) src(%dma_wait3A_1281 : memref<10112x64xf32, #tpu.memory_space<vmem_shared>>) dst(%arg16 : memref<80x64xf32, #tpu.memory_space<vmem>>)
      %dma_start3A_1282 = arith.constant 44 : i32
      %dma_start3A_1283 = arith.constant 0 : i32
      %dma_start3A_1284 = tpu.memref_slice %arg8[%dma_start3A_1282, %dma_start3A_1283] : memref<50x80xi32, #tpu.memory_space<vmem>> -> memref<1x80xi32, #tpu.memory_space<vmem>>
      %dma_start3A_1285 = tpu.memref_squeeze %dma_start3A_1284 : memref<1x80xi32, #tpu.memory_space<vmem>> -> memref<80xi32, #tpu.memory_space<vmem>>
      %dma_start3A_1286 = arith.constant 0 : i32
      %dma_start3A_1287 = arith.constant 0 : i32
      %dma_start3A_1288 = tpu.memref_slice %arg34[%dma_start3A_1286, %dma_start3A_1287] : memref<10112x64xf32, #tpu.memory_space<vmem_shared>> -> memref<10112x64xf32, #tpu.memory_space<vmem_shared>>
      tpu.enqueue_indirect_dma source(%arg13 : memref<80x64xf32, #tpu.memory_space<vmem>>) target(%dma_start3A_1288 : memref<10112x64xf32, #tpu.memory_space<vmem_shared>>) offsets(%dma_start3A_1285 : memref<80xi32, #tpu.memory_space<vmem>>) semaphore(%arg29 : memref<!tpu.dma_semaphore, #tpu.memory_space<semaphore_mem>>) {add = true}
      %dma_start3A_1289 = arith.constant 45 : i32
      %dma_start3A_1290 = arith.constant 0 : i32
      %dma_start3A_1291 = tpu.memref_slice %arg8[%dma_start3A_1289, %dma_start3A_1290] : memref<50x80xi32, #tpu.memory_space<vmem>> -> memref<1x80xi32, #tpu.memory_space<vmem>>
      %dma_start3A_1292 = tpu.memref_squeeze %dma_start3A_1291 : memref<1x80xi32, #tpu.memory_space<vmem>> -> memref<80xi32, #tpu.memory_space<vmem>>
      %dma_start3A_1293 = arith.constant 0 : i32
      %dma_start3A_1294 = arith.constant 0 : i32
      %dma_start3A_1295 = tpu.memref_slice %arg34[%dma_start3A_1293, %dma_start3A_1294] : memref<10112x64xf32, #tpu.memory_space<vmem_shared>> -> memref<10112x64xf32, #tpu.memory_space<vmem_shared>>
      tpu.enqueue_indirect_dma source(%arg14 : memref<80x64xf32, #tpu.memory_space<vmem>>) target(%dma_start3A_1295 : memref<10112x64xf32, #tpu.memory_space<vmem_shared>>) offsets(%dma_start3A_1292 : memref<80xi32, #tpu.memory_space<vmem>>) semaphore(%arg30 : memref<!tpu.dma_semaphore, #tpu.memory_space<semaphore_mem>>) {add = true}
      %dma_start3A_1296 = arith.constant 46 : i32
      %dma_start3A_1297 = arith.constant 0 : i32
      %dma_start3A_1298 = tpu.memref_slice %arg8[%dma_start3A_1296, %dma_start3A_1297] : memref<50x80xi32, #tpu.memory_space<vmem>> -> memref<1x80xi32, #tpu.memory_space<vmem>>
      %dma_start3A_1299 = tpu.memref_squeeze %dma_start3A_1298 : memref<1x80xi32, #tpu.memory_space<vmem>> -> memref<80xi32, #tpu.memory_space<vmem>>
      %dma_start3A_1300 = arith.constant 0 : i32
      %dma_start3A_1301 = arith.constant 0 : i32
      %dma_start3A_1302 = tpu.memref_slice %arg34[%dma_start3A_1300, %dma_start3A_1301] : memref<10112x64xf32, #tpu.memory_space<vmem_shared>> -> memref<10112x64xf32, #tpu.memory_space<vmem_shared>>
      tpu.enqueue_indirect_dma source(%arg15 : memref<80x64xf32, #tpu.memory_space<vmem>>) target(%dma_start3A_1302 : memref<10112x64xf32, #tpu.memory_space<vmem_shared>>) offsets(%dma_start3A_1299 : memref<80xi32, #tpu.memory_space<vmem>>) semaphore(%arg31 : memref<!tpu.dma_semaphore, #tpu.memory_space<semaphore_mem>>) {add = true}
      %dma_start3A_1303 = arith.constant 47 : i32
      %dma_start3A_1304 = arith.constant 0 : i32
      %dma_start3A_1305 = tpu.memref_slice %arg8[%dma_start3A_1303, %dma_start3A_1304] : memref<50x80xi32, #tpu.memory_space<vmem>> -> memref<1x80xi32, #tpu.memory_space<vmem>>
      %dma_start3A_1306 = tpu.memref_squeeze %dma_start3A_1305 : memref<1x80xi32, #tpu.memory_space<vmem>> -> memref<80xi32, #tpu.memory_space<vmem>>
      %dma_start3A_1307 = arith.constant 0 : i32
      %dma_start3A_1308 = arith.constant 0 : i32
      %dma_start3A_1309 = tpu.memref_slice %arg34[%dma_start3A_1307, %dma_start3A_1308] : memref<10112x64xf32, #tpu.memory_space<vmem_shared>> -> memref<10112x64xf32, #tpu.memory_space<vmem_shared>>
      tpu.enqueue_indirect_dma source(%arg16 : memref<80x64xf32, #tpu.memory_space<vmem>>) target(%dma_start3A_1309 : memref<10112x64xf32, #tpu.memory_space<vmem_shared>>) offsets(%dma_start3A_1306 : memref<80xi32, #tpu.memory_space<vmem>>) semaphore(%arg32 : memref<!tpu.dma_semaphore, #tpu.memory_space<semaphore_mem>>) {add = true}
      %dma_wait3A_1310 = arith.constant 0 : i32
      %dma_wait3A_1311 = arith.constant 0 : i32
      %dma_wait3A_1312 = tpu.memref_slice %arg5[%dma_wait3A_1310, %dma_wait3A_1311] : memref<10112x64xf32, #tpu.memory_space<hbm>> -> memref<80x64xf32, #tpu.memory_space<hbm>>
      %dma_wait3A_1313 = arith.constant 0 : i32
      %dma_wait3A_1314 = arith.constant 0 : i32
      %dma_wait3A_1315 = tpu.memref_slice %arg5[%dma_wait3A_1313, %dma_wait3A_1314] : memref<10112x64xf32, #tpu.memory_space<hbm>> -> memref<80x64xf32, #tpu.memory_space<hbm>>
      tpu.wait_dma2 semaphore(%arg29 : memref<!tpu.dma_semaphore, #tpu.memory_space<semaphore_mem>>) src(%dma_wait3A_1315 : memref<80x64xf32, #tpu.memory_space<hbm>>) dst(%arg13 : memref<80x64xf32, #tpu.memory_space<vmem>>)
      %dma_wait3A_1316 = arith.constant 0 : i32
      %dma_wait3A_1317 = arith.constant 0 : i32
      %dma_wait3A_1318 = tpu.memref_slice %arg5[%dma_wait3A_1316, %dma_wait3A_1317] : memref<10112x64xf32, #tpu.memory_space<hbm>> -> memref<80x64xf32, #tpu.memory_space<hbm>>
      %dma_wait3A_1319 = arith.constant 0 : i32
      %dma_wait3A_1320 = arith.constant 0 : i32
      %dma_wait3A_1321 = tpu.memref_slice %arg5[%dma_wait3A_1319, %dma_wait3A_1320] : memref<10112x64xf32, #tpu.memory_space<hbm>> -> memref<80x64xf32, #tpu.memory_space<hbm>>
      tpu.wait_dma2 semaphore(%arg30 : memref<!tpu.dma_semaphore, #tpu.memory_space<semaphore_mem>>) src(%dma_wait3A_1321 : memref<80x64xf32, #tpu.memory_space<hbm>>) dst(%arg14 : memref<80x64xf32, #tpu.memory_space<vmem>>)
      %dma_wait3A_1322 = arith.constant 0 : i32
      %dma_wait3A_1323 = arith.constant 0 : i32
      %dma_wait3A_1324 = tpu.memref_slice %arg5[%dma_wait3A_1322, %dma_wait3A_1323] : memref<10112x64xf32, #tpu.memory_space<hbm>> -> memref<80x64xf32, #tpu.memory_space<hbm>>
      %dma_wait3A_1325 = arith.constant 0 : i32
      %dma_wait3A_1326 = arith.constant 0 : i32
      %dma_wait3A_1327 = tpu.memref_slice %arg5[%dma_wait3A_1325, %dma_wait3A_1326] : memref<10112x64xf32, #tpu.memory_space<hbm>> -> memref<80x64xf32, #tpu.memory_space<hbm>>
      tpu.wait_dma2 semaphore(%arg31 : memref<!tpu.dma_semaphore, #tpu.memory_space<semaphore_mem>>) src(%dma_wait3A_1327 : memref<80x64xf32, #tpu.memory_space<hbm>>) dst(%arg15 : memref<80x64xf32, #tpu.memory_space<vmem>>)
      %dma_wait3A_1328 = arith.constant 0 : i32
      %dma_wait3A_1329 = arith.constant 0 : i32
      %dma_wait3A_1330 = tpu.memref_slice %arg5[%dma_wait3A_1328, %dma_wait3A_1329] : memref<10112x64xf32, #tpu.memory_space<hbm>> -> memref<80x64xf32, #tpu.memory_space<hbm>>
      %dma_wait3A_1331 = arith.constant 0 : i32
      %dma_wait3A_1332 = arith.constant 0 : i32
      %dma_wait3A_1333 = tpu.memref_slice %arg5[%dma_wait3A_1331, %dma_wait3A_1332] : memref<10112x64xf32, #tpu.memory_space<hbm>> -> memref<80x64xf32, #tpu.memory_space<hbm>>
      tpu.wait_dma2 semaphore(%arg32 : memref<!tpu.dma_semaphore, #tpu.memory_space<semaphore_mem>>) src(%dma_wait3A_1333 : memref<80x64xf32, #tpu.memory_space<hbm>>) dst(%arg16 : memref<80x64xf32, #tpu.memory_space<vmem>>)
      %dma_wait3A_1334 = arith.constant 48 : i32
      %dma_wait3A_1335 = arith.constant 0 : i32
      %dma_wait3A_1336 = tpu.memref_slice %arg7[%dma_wait3A_1334, %dma_wait3A_1335] : memref<50x80xi32, #tpu.memory_space<vmem>> -> memref<1x80xi32, #tpu.memory_space<vmem>>
      %dma_wait3A_1337 = tpu.memref_squeeze %dma_wait3A_1336 : memref<1x80xi32, #tpu.memory_space<vmem>> -> memref<80xi32, #tpu.memory_space<vmem>>
      %dma_wait3A_1338 = arith.constant 0 : i32
      %dma_wait3A_1339 = arith.constant 0 : i32
      %dma_wait3A_1340 = tpu.memref_slice %arg33[%dma_wait3A_1338, %dma_wait3A_1339] : memref<10112x64xf32, #tpu.memory_space<vmem_shared>> -> memref<10112x64xf32, #tpu.memory_space<vmem_shared>>
      tpu.wait_indirect_dma semaphore(%arg17 : memref<!tpu.dma_semaphore, #tpu.memory_space<semaphore_mem>>) src(%dma_wait3A_1340 : memref<10112x64xf32, #tpu.memory_space<vmem_shared>>) dst(%arg9 : memref<80x64xf32, #tpu.memory_space<vmem>>)
      %dma_wait3A_1341 = arith.constant 49 : i32
      %dma_wait3A_1342 = arith.constant 0 : i32
      %dma_wait3A_1343 = tpu.memref_slice %arg7[%dma_wait3A_1341, %dma_wait3A_1342] : memref<50x80xi32, #tpu.memory_space<vmem>> -> memref<1x80xi32, #tpu.memory_space<vmem>>
      %dma_wait3A_1344 = tpu.memref_squeeze %dma_wait3A_1343 : memref<1x80xi32, #tpu.memory_space<vmem>> -> memref<80xi32, #tpu.memory_space<vmem>>
      %dma_wait3A_1345 = arith.constant 0 : i32
      %dma_wait3A_1346 = arith.constant 0 : i32
      %dma_wait3A_1347 = tpu.memref_slice %arg33[%dma_wait3A_1345, %dma_wait3A_1346] : memref<10112x64xf32, #tpu.memory_space<vmem_shared>> -> memref<10112x64xf32, #tpu.memory_space<vmem_shared>>
      tpu.wait_indirect_dma semaphore(%arg18 : memref<!tpu.dma_semaphore, #tpu.memory_space<semaphore_mem>>) src(%dma_wait3A_1347 : memref<10112x64xf32, #tpu.memory_space<vmem_shared>>) dst(%arg10 : memref<80x64xf32, #tpu.memory_space<vmem>>)
      %dma_start3A_1348 = arith.constant 48 : i32
      %dma_start3A_1349 = arith.constant 0 : i32
      %dma_start3A_1350 = tpu.memref_slice %arg8[%dma_start3A_1348, %dma_start3A_1349] : memref<50x80xi32, #tpu.memory_space<vmem>> -> memref<1x80xi32, #tpu.memory_space<vmem>>
      %dma_start3A_1351 = tpu.memref_squeeze %dma_start3A_1350 : memref<1x80xi32, #tpu.memory_space<vmem>> -> memref<80xi32, #tpu.memory_space<vmem>>
      %dma_start3A_1352 = arith.constant 0 : i32
      %dma_start3A_1353 = arith.constant 0 : i32
      %dma_start3A_1354 = tpu.memref_slice %arg34[%dma_start3A_1352, %dma_start3A_1353] : memref<10112x64xf32, #tpu.memory_space<vmem_shared>> -> memref<10112x64xf32, #tpu.memory_space<vmem_shared>>
      tpu.enqueue_indirect_dma source(%arg9 : memref<80x64xf32, #tpu.memory_space<vmem>>) target(%dma_start3A_1354 : memref<10112x64xf32, #tpu.memory_space<vmem_shared>>) offsets(%dma_start3A_1351 : memref<80xi32, #tpu.memory_space<vmem>>) semaphore(%arg25 : memref<!tpu.dma_semaphore, #tpu.memory_space<semaphore_mem>>) {add = true}
      %dma_start3A_1355 = arith.constant 49 : i32
      %dma_start3A_1356 = arith.constant 0 : i32
      %dma_start3A_1357 = tpu.memref_slice %arg8[%dma_start3A_1355, %dma_start3A_1356] : memref<50x80xi32, #tpu.memory_space<vmem>> -> memref<1x80xi32, #tpu.memory_space<vmem>>
      %dma_start3A_1358 = tpu.memref_squeeze %dma_start3A_1357 : memref<1x80xi32, #tpu.memory_space<vmem>> -> memref<80xi32, #tpu.memory_space<vmem>>
      %dma_start3A_1359 = arith.constant 0 : i32
      %dma_start3A_1360 = arith.constant 0 : i32
      %dma_start3A_1361 = tpu.memref_slice %arg34[%dma_start3A_1359, %dma_start3A_1360] : memref<10112x64xf32, #tpu.memory_space<vmem_shared>> -> memref<10112x64xf32, #tpu.memory_space<vmem_shared>>
      tpu.enqueue_indirect_dma source(%arg10 : memref<80x64xf32, #tpu.memory_space<vmem>>) target(%dma_start3A_1361 : memref<10112x64xf32, #tpu.memory_space<vmem_shared>>) offsets(%dma_start3A_1358 : memref<80xi32, #tpu.memory_space<vmem>>) semaphore(%arg26 : memref<!tpu.dma_semaphore, #tpu.memory_space<semaphore_mem>>) {add = true}
      %dma_wait3A_1362 = arith.constant 0 : i32
      %dma_wait3A_1363 = arith.constant 0 : i32
      %dma_wait3A_1364 = tpu.memref_slice %arg5[%dma_wait3A_1362, %dma_wait3A_1363] : memref<10112x64xf32, #tpu.memory_space<hbm>> -> memref<80x64xf32, #tpu.memory_space<hbm>>
      %dma_wait3A_1365 = arith.constant 0 : i32
      %dma_wait3A_1366 = arith.constant 0 : i32
      %dma_wait3A_1367 = tpu.memref_slice %arg5[%dma_wait3A_1365, %dma_wait3A_1366] : memref<10112x64xf32, #tpu.memory_space<hbm>> -> memref<80x64xf32, #tpu.memory_space<hbm>>
      tpu.wait_dma2 semaphore(%arg25 : memref<!tpu.dma_semaphore, #tpu.memory_space<semaphore_mem>>) src(%dma_wait3A_1367 : memref<80x64xf32, #tpu.memory_space<hbm>>) dst(%arg9 : memref<80x64xf32, #tpu.memory_space<vmem>>)
      %dma_wait3A_1368 = arith.constant 0 : i32
      %dma_wait3A_1369 = arith.constant 0 : i32
      %dma_wait3A_1370 = tpu.memref_slice %arg5[%dma_wait3A_1368, %dma_wait3A_1369] : memref<10112x64xf32, #tpu.memory_space<hbm>> -> memref<80x64xf32, #tpu.memory_space<hbm>>
      %dma_wait3A_1371 = arith.constant 0 : i32
      %dma_wait3A_1372 = arith.constant 0 : i32
      %dma_wait3A_1373 = tpu.memref_slice %arg5[%dma_wait3A_1371, %dma_wait3A_1372] : memref<10112x64xf32, #tpu.memory_space<hbm>> -> memref<80x64xf32, #tpu.memory_space<hbm>>
      tpu.wait_dma2 semaphore(%arg26 : memref<!tpu.dma_semaphore, #tpu.memory_space<semaphore_mem>>) src(%dma_wait3A_1373 : memref<80x64xf32, #tpu.memory_space<hbm>>) dst(%arg10 : memref<80x64xf32, #tpu.memory_space<vmem>>)
    }
    %scan3A_13 = arith.constant 5 : i32
    %barrier3A_14 = arith.constant 0 : index
    tpu.barrier barrier_id(%barrier3A_14)
    %mul3A_15 = arith.constant 632 : i32
    %mul3A_16 = arith.muli %arg1, %mul3A_15 : i32
    %mul3A_17 = arith.constant 632 : i32
    %mul3A_18 = arith.muli %arg1, %mul3A_17 : i32
    %mul3A_19 = arith.constant 64 : i32
    %mul3A_20 = arith.muli %arg0, %mul3A_19 : i32
    "tpu.region"() ({
      %run_scoped3A = tpu.sem_alloc : memref<!tpu.dma_semaphore, #tpu.memory_space<semaphore_mem>>
      %dma_start3A = tpu.memref_slice %arg6[%mul3A_18, %mul3A_20] : memref<10112x128xf32, #tpu.memory_space<hbm>> -> memref<632x64xf32, #tpu.memory_space<hbm>>
      %dma_start3A_21 = arith.constant 0 : i32
      %dma_start3A_22 = tpu.memref_slice %arg34[%mul3A_16, %dma_start3A_21] : memref<10112x64xf32, #tpu.memory_space<vmem_shared>> -> memref<632x64xf32, #tpu.memory_space<vmem_shared>>
      tpu.enqueue_dma source(%dma_start3A_22 : memref<632x64xf32, #tpu.memory_space<vmem_shared>>) target(%dma_start3A : memref<632x64xf32, #tpu.memory_space<hbm>>) target_semaphore(%run_scoped3A : memref<!tpu.dma_semaphore, #tpu.memory_space<semaphore_mem>>)
      %dma_wait3A = tpu.memref_slice %arg6[%mul3A_18, %mul3A_20] : memref<10112x128xf32, #tpu.memory_space<hbm>> -> memref<632x64xf32, #tpu.memory_space<hbm>>
      %dma_wait3A_23 = arith.constant 0 : i32
      %dma_wait3A_24 = tpu.memref_slice %arg34[%mul3A_16, %dma_wait3A_23] : memref<10112x64xf32, #tpu.memory_space<vmem_shared>> -> memref<632x64xf32, #tpu.memory_space<vmem_shared>>
      tpu.wait_dma2 semaphore(%run_scoped3A : memref<!tpu.dma_semaphore, #tpu.memory_space<semaphore_mem>>) src(%dma_wait3A_24 : memref<632x64xf32, #tpu.memory_space<vmem_shared>>) dst(%dma_wait3A : memref<632x64xf32, #tpu.memory_space<hbm>>)
      tpu.yield
    }) : () -> ()
    return
  }
}

#map = affine_map<(d0, d1) -> (0, 0)>
module attributes {stable_mosaic.version = 14 : i64} {
  func.func @_sc_degree(%arg0: i32, %arg1: i32, %arg2: memref<4000x80xi32, #tpu.memory_space<hbm>>, %arg3: memref<80x16xf32, #tpu.memory_space<hbm>>, %arg4: memref<10112x16xf32, #tpu.memory_space<hbm>>, %arg5: memref<20224x16xf32, #tpu.memory_space<hbm>>, %arg6: memref<125x80xi32, #tpu.memory_space<vmem>>, %arg7: memref<80x16xf32, #tpu.memory_space<vmem>>, %arg8: memref<!tpu.dma_semaphore, #tpu.memory_space<semaphore_mem>>, %arg9: memref<10112x16xf32, #tpu.memory_space<vmem_shared>>) attributes {dimension_semantics = [#tpu.dimension_semantics<core_parallel>, #tpu.dimension_semantics<subcore_parallel>], iteration_bounds = array<i64: 2, 16>, scalar_prefetch = 0 : i64, scratch_operands = 4 : i64, tpu.core_type = #tpu.core_type<sc_vector_subcore>, window_params = [{transform_indices = #map}, {transform_indices = #map}, {transform_indices = #map}, {transform_indices = #map}]} {
    %mul3A = arith.constant 16 : i32
    %mul3A_0 = arith.muli %arg0, %mul3A : i32
    %add3A = arith.addi %mul3A_0, %arg1 : i32
    %mul3A_1 = arith.constant 632 : i32
    %mul3A_2 = arith.muli %arg1, %mul3A_1 : i32
    %mul3A_3 = arith.constant 632 : i32
    %mul3A_4 = arith.muli %arg1, %mul3A_3 : i32
    "tpu.region"() ({
      %run_scoped3A = tpu.sem_alloc : memref<!tpu.dma_semaphore, #tpu.memory_space<semaphore_mem>>
      %dma_start3A = arith.constant 0 : i32
      %dma_start3A_26 = tpu.memref_slice %arg9[%mul3A_4, %dma_start3A] : memref<10112x16xf32, #tpu.memory_space<vmem_shared>> -> memref<632x16xf32, #tpu.memory_space<vmem_shared>>
      %dma_start3A_27 = arith.constant 0 : i32
      %dma_start3A_28 = tpu.memref_slice %arg4[%mul3A_2, %dma_start3A_27] : memref<10112x16xf32, #tpu.memory_space<hbm>> -> memref<632x16xf32, #tpu.memory_space<hbm>>
      tpu.enqueue_dma source(%dma_start3A_28 : memref<632x16xf32, #tpu.memory_space<hbm>>) target(%dma_start3A_26 : memref<632x16xf32, #tpu.memory_space<vmem_shared>>) target_semaphore(%run_scoped3A : memref<!tpu.dma_semaphore, #tpu.memory_space<semaphore_mem>>)
      %dma_wait3A = arith.constant 0 : i32
      %dma_wait3A_29 = tpu.memref_slice %arg9[%mul3A_4, %dma_wait3A] : memref<10112x16xf32, #tpu.memory_space<vmem_shared>> -> memref<632x16xf32, #tpu.memory_space<vmem_shared>>
      %dma_wait3A_30 = arith.constant 0 : i32
      %dma_wait3A_31 = tpu.memref_slice %arg4[%mul3A_2, %dma_wait3A_30] : memref<10112x16xf32, #tpu.memory_space<hbm>> -> memref<632x16xf32, #tpu.memory_space<hbm>>
      tpu.wait_dma2 semaphore(%run_scoped3A : memref<!tpu.dma_semaphore, #tpu.memory_space<semaphore_mem>>) src(%dma_wait3A_31 : memref<632x16xf32, #tpu.memory_space<hbm>>) dst(%dma_wait3A_29 : memref<632x16xf32, #tpu.memory_space<vmem_shared>>)
      tpu.yield
    }) : () -> ()
    "tpu.region"() ({
      %run_scoped3A = tpu.sem_alloc : memref<!tpu.dma_semaphore, #tpu.memory_space<semaphore_mem>>
      tpu.enqueue_dma source(%arg3 : memref<80x16xf32, #tpu.memory_space<hbm>>) target(%arg7 : memref<80x16xf32, #tpu.memory_space<vmem>>) target_semaphore(%run_scoped3A : memref<!tpu.dma_semaphore, #tpu.memory_space<semaphore_mem>>)
      tpu.wait_dma2 semaphore(%run_scoped3A : memref<!tpu.dma_semaphore, #tpu.memory_space<semaphore_mem>>) src(%arg3 : memref<80x16xf32, #tpu.memory_space<hbm>>) dst(%arg7 : memref<80x16xf32, #tpu.memory_space<vmem>>)
      tpu.yield
    }) : () -> ()
    %mul3A_5 = arith.constant 125 : i32
    %mul3A_6 = arith.muli %add3A, %mul3A_5 : i32
    "tpu.region"() ({
      %run_scoped3A = tpu.sem_alloc : memref<!tpu.dma_semaphore, #tpu.memory_space<semaphore_mem>>
      %dma_start3A = arith.constant 0 : i32
      %dma_start3A_26 = tpu.memref_slice %arg2[%mul3A_6, %dma_start3A] : memref<4000x80xi32, #tpu.memory_space<hbm>> -> memref<125x80xi32, #tpu.memory_space<hbm>>
      %dma_start3A_27 = arith.constant 0 : i32
      %dma_start3A_28 = tpu.memref_slice %arg2[%mul3A_6, %dma_start3A_27] : memref<4000x80xi32, #tpu.memory_space<hbm>> -> memref<125x80xi32, #tpu.memory_space<hbm>>
      tpu.enqueue_dma source(%dma_start3A_28 : memref<125x80xi32, #tpu.memory_space<hbm>>) target(%arg6 : memref<125x80xi32, #tpu.memory_space<vmem>>) target_semaphore(%run_scoped3A : memref<!tpu.dma_semaphore, #tpu.memory_space<semaphore_mem>>)
      %dma_wait3A = arith.constant 0 : i32
      %dma_wait3A_29 = tpu.memref_slice %arg2[%mul3A_6, %dma_wait3A] : memref<4000x80xi32, #tpu.memory_space<hbm>> -> memref<125x80xi32, #tpu.memory_space<hbm>>
      %dma_wait3A_30 = arith.constant 0 : i32
      %dma_wait3A_31 = tpu.memref_slice %arg2[%mul3A_6, %dma_wait3A_30] : memref<4000x80xi32, #tpu.memory_space<hbm>> -> memref<125x80xi32, #tpu.memory_space<hbm>>
      tpu.wait_dma2 semaphore(%run_scoped3A : memref<!tpu.dma_semaphore, #tpu.memory_space<semaphore_mem>>) src(%dma_wait3A_31 : memref<125x80xi32, #tpu.memory_space<hbm>>) dst(%arg6 : memref<125x80xi32, #tpu.memory_space<vmem>>)
      tpu.yield
    }) : () -> ()
    %barrier3A = arith.constant 0 : index
    tpu.barrier barrier_id(%barrier3A)
    %scan3A = arith.constant 0 : i32
    %scan3A_7 = arith.constant 0 : i32
    %scan3A_8 = arith.constant 125 : i32
    %scan3A_9 = arith.addi %scan3A_7, %scan3A_8 : i32
    %scan3A_10 = arith.constant 1 : i32
    scf.for %scan3A_26 = %scan3A_7 to %scan3A_9 step %scan3A_10  : i32 {
      %dma_start3A = arith.constant 0 : i32
      %dma_start3A_27 = tpu.memref_slice %arg6[%scan3A_26, %dma_start3A] : memref<125x80xi32, #tpu.memory_space<vmem>> -> memref<1x80xi32, #tpu.memory_space<vmem>>
      %dma_start3A_28 = tpu.memref_squeeze %dma_start3A_27 : memref<1x80xi32, #tpu.memory_space<vmem>> -> memref<80xi32, #tpu.memory_space<vmem>>
      %dma_start3A_29 = arith.constant 0 : i32
      %dma_start3A_30 = arith.constant 0 : i32
      %dma_start3A_31 = tpu.memref_slice %arg9[%dma_start3A_29, %dma_start3A_30] : memref<10112x16xf32, #tpu.memory_space<vmem_shared>> -> memref<10112x16xf32, #tpu.memory_space<vmem_shared>>
      tpu.enqueue_indirect_dma source(%arg7 : memref<80x16xf32, #tpu.memory_space<vmem>>) target(%dma_start3A_31 : memref<10112x16xf32, #tpu.memory_space<vmem_shared>>) offsets(%dma_start3A_28 : memref<80xi32, #tpu.memory_space<vmem>>) semaphore(%arg8 : memref<!tpu.dma_semaphore, #tpu.memory_space<semaphore_mem>>) {add = true}
    }
    %scan3A_11 = arith.constant 125 : i32
    %scan3A_12 = arith.constant 0 : i32
    %scan3A_13 = arith.constant 0 : i32
    %scan3A_14 = arith.constant 125 : i32
    %scan3A_15 = arith.addi %scan3A_13, %scan3A_14 : i32
    %scan3A_16 = arith.constant 1 : i32
    scf.for %scan3A_26 = %scan3A_13 to %scan3A_15 step %scan3A_16  : i32 {
      tpu.wait_dma2 semaphore(%arg8 : memref<!tpu.dma_semaphore, #tpu.memory_space<semaphore_mem>>) src(%arg3 : memref<80x16xf32, #tpu.memory_space<hbm>>) dst(%arg7 : memref<80x16xf32, #tpu.memory_space<vmem>>)
    }
    %scan3A_17 = arith.constant 125 : i32
    %barrier3A_18 = arith.constant 0 : index
    tpu.barrier barrier_id(%barrier3A_18)
    %mul3A_19 = arith.constant 632 : i32
    %mul3A_20 = arith.muli %arg1, %mul3A_19 : i32
    %mul3A_21 = arith.constant 10112 : i32
    %mul3A_22 = arith.muli %arg0, %mul3A_21 : i32
    %mul3A_23 = arith.constant 632 : i32
    %mul3A_24 = arith.muli %arg1, %mul3A_23 : i32
    %add3A_25 = arith.addi %mul3A_22, %mul3A_24 : i32
    "tpu.region"() ({
      %run_scoped3A = tpu.sem_alloc : memref<!tpu.dma_semaphore, #tpu.memory_space<semaphore_mem>>
      %dma_start3A = arith.constant 0 : i32
      %dma_start3A_26 = tpu.memref_slice %arg5[%add3A_25, %dma_start3A] : memref<20224x16xf32, #tpu.memory_space<hbm>> -> memref<632x16xf32, #tpu.memory_space<hbm>>
      %dma_start3A_27 = arith.constant 0 : i32
      %dma_start3A_28 = tpu.memref_slice %arg9[%mul3A_20, %dma_start3A_27] : memref<10112x16xf32, #tpu.memory_space<vmem_shared>> -> memref<632x16xf32, #tpu.memory_space<vmem_shared>>
      tpu.enqueue_dma source(%dma_start3A_28 : memref<632x16xf32, #tpu.memory_space<vmem_shared>>) target(%dma_start3A_26 : memref<632x16xf32, #tpu.memory_space<hbm>>) target_semaphore(%run_scoped3A : memref<!tpu.dma_semaphore, #tpu.memory_space<semaphore_mem>>)
      %dma_wait3A = arith.constant 0 : i32
      %dma_wait3A_29 = tpu.memref_slice %arg5[%add3A_25, %dma_wait3A] : memref<20224x16xf32, #tpu.memory_space<hbm>> -> memref<632x16xf32, #tpu.memory_space<hbm>>
      %dma_wait3A_30 = arith.constant 0 : i32
      %dma_wait3A_31 = tpu.memref_slice %arg9[%mul3A_20, %dma_wait3A_30] : memref<10112x16xf32, #tpu.memory_space<vmem_shared>> -> memref<632x16xf32, #tpu.memory_space<vmem_shared>>
      tpu.wait_dma2 semaphore(%run_scoped3A : memref<!tpu.dma_semaphore, #tpu.memory_space<semaphore_mem>>) src(%dma_wait3A_31 : memref<632x16xf32, #tpu.memory_space<vmem_shared>>) dst(%dma_wait3A_29 : memref<632x16xf32, #tpu.memory_space<hbm>>)
      tpu.yield
    }) : () -> ()
    return
  }
}

module attributes {stable_mosaic.version = 14 : i64} {
  func.func @_tc_scale_body(%arg0: i32, %arg1: memref<2000x16xf32, #tpu.memory_space<vmem>>, %arg2: memref<2000x16xf32, #tpu.memory_space<vmem>>, %arg3: memref<2000x128xf32, #tpu.memory_space<vmem>>, %arg4: memref<2000x128xf32, #tpu.memory_space<vmem>>) attributes {dimension_semantics = [#tpu.dimension_semantics<arbitrary>], iteration_bounds = array<i64: 5>, scalar_prefetch = 0 : i64, scratch_operands = 0 : i64, tpu.core_type = #tpu.core_type<tc>, window_params = [{transform_indices = @transform_0, window_bounds = array<i64: 2000, 16>}, {transform_indices = @transform_1, window_bounds = array<i64: 2000, 16>}, {transform_indices = @transform_2, window_bounds = array<i64: 2000, 128>}, {transform_indices = @transform_3, window_bounds = array<i64: 2000, 128>}]} {
    %get3A = arith.constant 0 : index
    %get3A_0 = arith.constant 0 : index
    %get3A_1 = vector.load %arg1[%get3A, %get3A_0] : memref<2000x16xf32, #tpu.memory_space<vmem>>, vector<2000x16xf32>
    %get3A_2 = arith.constant 0 : index
    %get3A_3 = arith.constant 0 : index
    %get3A_4 = vector.load %arg2[%get3A_2, %get3A_3] : memref<2000x16xf32, #tpu.memory_space<vmem>>, vector<2000x16xf32>
    %slice3A = vector.extract_strided_slice %get3A_1 {offsets = [0, 0], sizes = [2000, 1], strides = [1, 1]} : vector<2000x16xf32> to vector<2000x1xf32>
    %slice3A_5 = vector.extract_strided_slice %get3A_4 {offsets = [0, 0], sizes = [2000, 1], strides = [1, 1]} : vector<2000x16xf32> to vector<2000x1xf32>
    %add3A = arith.addf %slice3A, %slice3A_5 : vector<2000x1xf32>
    %gt3A = arith.constant 0.000000e+00 : f32
    %gt3A_6 = vector.broadcast %gt3A : f32 to vector<2000x1xf32>
    %gt3A_7 = arith.cmpf ogt, %add3A, %gt3A_6 : vector<2000x1xf32>
    %max3A = arith.constant 1.000000e+00 : f32
    %max3A_8 = vector.broadcast %max3A : f32 to vector<2000x1xf32>
    %max3A_9 = arith.maximumf %add3A, %max3A_8 : vector<2000x1xf32>
    %rsqrt3A = math.rsqrt %max3A_9 : vector<2000x1xf32>
    %jit3A = arith.constant 0.000000e+00 : f32
    %broadcast_in_dim3A = vector.broadcast %jit3A : f32 to vector<2000x1xf32>
    %select_n3A = arith.select %gt3A_7, %rsqrt3A, %broadcast_in_dim3A : vector<2000x1xi1>, vector<2000x1xf32>
    %get3A_10 = arith.constant 0 : index
    %get3A_11 = arith.constant 0 : index
    %get3A_12 = vector.load %arg3[%get3A_10, %get3A_11] : memref<2000x128xf32, #tpu.memory_space<vmem>>, vector<2000x128xf32>
    %mul3A = vector.broadcast %select_n3A : vector<2000x1xf32> to vector<2000x128xf32>
    %mul3A_13 = arith.mulf %get3A_12, %mul3A : vector<2000x128xf32>
    %swap3A = arith.constant 0 : index
    %swap3A_14 = arith.constant 0 : index
    %swap3A_15 = vector.load %arg4[%swap3A, %swap3A_14] : memref<2000x128xf32, #tpu.memory_space<vmem>>, vector<2000x128xf32>
    tpu.vector_store %arg4[%swap3A, %swap3A_14], %mul3A_13 {strides = array<i32>} : memref<2000x128xf32, #tpu.memory_space<vmem>>, vector<2000x128xf32>,
    return
  }
  func.func @transform_0(%arg0: i32) -> (i32, i32) {
    %c0_i32 = arith.constant 0 : i32
    %c0_i32_0 = arith.constant 0 : i32
    return %arg0, %c0_i32 : i32, i32
  }
  func.func @transform_1(%arg0: i32) -> (i32, i32) {
    %c0_i32 = arith.constant 0 : i32
    %c0_i32_0 = arith.constant 0 : i32
    return %arg0, %c0_i32 : i32, i32
  }
  func.func @transform_2(%arg0: i32) -> (i32, i32) {
    %c0_i32 = arith.constant 0 : i32
    %c0_i32_0 = arith.constant 0 : i32
    return %arg0, %c0_i32 : i32, i32
  }
  func.func @transform_3(%arg0: i32) -> (i32, i32) {
    %c0_i32 = arith.constant 0 : i32
    %c0_i32_0 = arith.constant 0 : i32
    return %arg0, %c0_i32 : i32, i32
  }
}

module attributes {stable_mosaic.version = 14 : i64} {
  func.func @_tc_out_body(%arg0: i32, %arg1: memref<2000x128xf32, #tpu.memory_space<vmem>>, %arg2: memref<2000x16xf32, #tpu.memory_space<vmem>>, %arg3: memref<2000x16xf32, #tpu.memory_space<vmem>>, %arg4: memref<128x128xf32, #tpu.memory_space<vmem>>, %arg5: memref<1x128xf32, #tpu.memory_space<vmem>>, %arg6: memref<2000x128xf32, #tpu.memory_space<vmem>>) attributes {dimension_semantics = [#tpu.dimension_semantics<arbitrary>], iteration_bounds = array<i64: 5>, scalar_prefetch = 0 : i64, scratch_operands = 0 : i64, tpu.core_type = #tpu.core_type<tc>, window_params = [{transform_indices = @transform_0, window_bounds = array<i64: 2000, 128>}, {transform_indices = @transform_1, window_bounds = array<i64: 2000, 16>}, {transform_indices = @transform_2, window_bounds = array<i64: 2000, 16>}, {pipeline_mode = #tpu.pipeline_mode<synchronous>, transform_indices = @transform_3, window_bounds = array<i64: 128, 128>}, {pipeline_mode = #tpu.pipeline_mode<synchronous>, transform_indices = @transform_4, window_bounds = array<i64: 1, 128>}, {transform_indices = @transform_5, window_bounds = array<i64: 2000, 128>}]} {
    %get3A = arith.constant 0 : index
    %get3A_0 = arith.constant 0 : index
    %get3A_1 = vector.load %arg2[%get3A, %get3A_0] : memref<2000x16xf32, #tpu.memory_space<vmem>>, vector<2000x16xf32>
    %get3A_2 = arith.constant 0 : index
    %get3A_3 = arith.constant 0 : index
    %get3A_4 = vector.load %arg3[%get3A_2, %get3A_3] : memref<2000x16xf32, #tpu.memory_space<vmem>>, vector<2000x16xf32>
    %slice3A = vector.extract_strided_slice %get3A_1 {offsets = [0, 0], sizes = [2000, 1], strides = [1, 1]} : vector<2000x16xf32> to vector<2000x1xf32>
    %slice3A_5 = vector.extract_strided_slice %get3A_4 {offsets = [0, 0], sizes = [2000, 1], strides = [1, 1]} : vector<2000x16xf32> to vector<2000x1xf32>
    %add3A = arith.addf %slice3A, %slice3A_5 : vector<2000x1xf32>
    %gt3A = arith.constant 0.000000e+00 : f32
    %gt3A_6 = vector.broadcast %gt3A : f32 to vector<2000x1xf32>
    %gt3A_7 = arith.cmpf ogt, %add3A, %gt3A_6 : vector<2000x1xf32>
    %max3A = arith.constant 1.000000e+00 : f32
    %max3A_8 = vector.broadcast %max3A : f32 to vector<2000x1xf32>
    %max3A_9 = arith.maximumf %add3A, %max3A_8 : vector<2000x1xf32>
    %rsqrt3A = math.rsqrt %max3A_9 : vector<2000x1xf32>
    %jit3A = arith.constant 0.000000e+00 : f32
    %broadcast_in_dim3A = vector.broadcast %jit3A : f32 to vector<2000x1xf32>
    %select_n3A = arith.select %gt3A_7, %rsqrt3A, %broadcast_in_dim3A : vector<2000x1xi1>, vector<2000x1xf32>
    %get3A_10 = arith.constant 0 : index
    %get3A_11 = arith.constant 0 : index
    %get3A_12 = vector.load %arg1[%get3A_10, %get3A_11] : memref<2000x128xf32, #tpu.memory_space<vmem>>, vector<2000x128xf32>
    %mul3A = vector.broadcast %select_n3A : vector<2000x1xf32> to vector<2000x128xf32>
    %mul3A_13 = arith.mulf %get3A_12, %mul3A : vector<2000x128xf32>
    %get3A_14 = arith.constant 0 : index
    %get3A_15 = arith.constant 0 : index
    %get3A_16 = vector.load %arg4[%get3A_14, %get3A_15] : memref<128x128xf32, #tpu.memory_space<vmem>>, vector<128x128xf32>
    %dot_general3A = arith.constant dense<0.000000e+00> : vector<2000x128xf32>
    %dot_general3A_17 = tpu.matmul %mul3A_13, %get3A_16, %dot_general3A {dimension_numbers = #tpu.dot_dimension_numbers<[1], [1], [0], [0], [0, 0, 1, 0], [], []>, transpose_lhs_hint = false} : vector<2000x128xf32>, vector<128x128xf32>, vector<2000x128xf32> -> vector<2000x128xf32>
    %get3A_18 = arith.constant 0 : index
    %get3A_19 = arith.constant 0 : index
    %get3A_20 = vector.load %arg5[%get3A_18, %get3A_19] : memref<1x128xf32, #tpu.memory_space<vmem>>, vector<1x128xf32>
    %add3A_21 = vector.broadcast %get3A_20 : vector<1x128xf32> to vector<2000x128xf32>
    %add3A_22 = arith.addf %dot_general3A_17, %add3A_21 : vector<2000x128xf32>
    %swap3A = arith.constant 0 : index
    %swap3A_23 = arith.constant 0 : index
    %swap3A_24 = vector.load %arg6[%swap3A, %swap3A_23] : memref<2000x128xf32, #tpu.memory_space<vmem>>, vector<2000x128xf32>
    tpu.vector_store %arg6[%swap3A, %swap3A_23], %add3A_22 {strides = array<i32>} : memref<2000x128xf32, #tpu.memory_space<vmem>>, vector<2000x128xf32>,
    return
  }
  func.func @transform_0(%arg0: i32) -> (i32, i32) {
    %c0_i32 = arith.constant 0 : i32
    %c0_i32_0 = arith.constant 0 : i32
    return %arg0, %c0_i32 : i32, i32
  }
  func.func @transform_1(%arg0: i32) -> (i32, i32) {
    %c0_i32 = arith.constant 0 : i32
    %c0_i32_0 = arith.constant 0 : i32
    return %arg0, %c0_i32 : i32, i32
  }
  func.func @transform_2(%arg0: i32) -> (i32, i32) {
    %c0_i32 = arith.constant 0 : i32
    %c0_i32_0 = arith.constant 0 : i32
    return %arg0, %c0_i32 : i32, i32
  }
  func.func @transform_3(%arg0: i32) -> (i32, i32) {
    %c0_i32 = arith.constant 0 : i32
    %c0_i32_0 = arith.constant 0 : i32
    %c0_i32_1 = arith.constant 0 : i32
    return %c0_i32, %c0_i32_0 : i32, i32
  }
  func.func @transform_4(%arg0: i32) -> (i32, i32) {
    %c0_i32 = arith.constant 0 : i32
    %c0_i32_0 = arith.constant 0 : i32
    %c0_i32_1 = arith.constant 0 : i32
    return %c0_i32, %c0_i32_0 : i32, i32
  }
  func.func @transform_5(%arg0: i32) -> (i32, i32) {
    %c0_i32 = arith.constant 0 : i32
    %c0_i32_0 = arith.constant 0 : i32
    return %arg0, %c0_i32 : i32, i32
  }
}

</mosaic_0001>

<sc_bundles>
// kernel: kernel.6.cloned.1.call-start
scs
__scs_entry_jumppad:
0x0: {  	(pc) =	sbr.rel $0x88, $3  }
0x1: {  	(tag) =	ssettag $0x0;
	lr =	simm.s32 $0x1  }
0x2: {  	[smem:$0x3F9D] =	sst lr;
	_ =	strace $0xD0000000  }
0x3: {  	_ = 	snop  }
0x4: {  	_ = 	snop  }
0x5: {  	_ = 	snop  }
0x6: {  	_ = 	snop  }
0x7: {  	_ = 	snop  }
__scs_overlays_trampoline_lowered:
0x8: {  	[smem:$0x3FAC] =	sst s0  }
0x9: {  	[smem:$0x3FAD] =	sst s1  }
0xa: {  	[smem:$0x3FAE] =	sst s2  }
0xb: {  	[smem:$0x3FAF] =	sst s3  }
0xc: {  	[smem:$0x3FB0] =	sst s4  }
0xd: {  	[smem:$0x3FB1] =	sst s5  }
0xe: {  	[smem:$0x3FB2] =	sst s6  }
0xf: {  	[smem:$0x3FB3] =	sst s7  }
0x10: {  	[smem:$0x3FB4] =	sst s8  }
0x11: {  	[smem:$0x3FB5] =	sst s9;
	s0 =	simm.s32 @!p0 $0x0  }
0x12: {  	s1 =	sld [smem:$0x3F9B];
	s0 =	simm.s32 @p0 $0x1  }
0x13: {  	[smem:$0x3FB6] =	sst s0;
	s0 =	simm.s32 @!p1 $0x0  }
0x14: {  	s2 =	sld [smem:$0x3F9A];
	s0 =	simm.s32 @p1 $0x1  }
0x15: {  	[smem:$0x3FB7] =	sst s0;
	s0 =	simm.s32 @!p2 $0x0  }
0x16: {  	s3 =	sld [smem:$0x3FDB];
	s0 =	simm.s32 @p2 $0x1  }
0x17: {  	s4 =	simm.s32 $0x1BF5;
	[smem:$0x3FB9] =	sst s0  }
0x18: {  	s0 =	sld [smem:$0x3F9C];
	_ =	swait.ge [sflag:s4], $0x0  }
0x19: {  	s7 =	sld [smem:$0x3F9D]  }
0x1a: {  	s8 =	sadd.s32 $0xFFFFE003, lr  }
0x1b: {  	s9 =	sadd.s32 $0xFFFFFEF7, lr;
	s5 =	simm.s32 $0xFFFFFFFF;
	p2 =	slt.u32 s8, $0xFFFFF086  }
0x1c: {  	p1 =	slt.u32 s9, $0xF7A;
	s5 =	simm.s32 @!p2 $0x0  }
0x1d: {  	s5 =	simm.s32 @p1 $0x1;
	p0 =	seq.s32 s7, s2  }
0x1e: {  	s7 =	smul.u32 @!p0 $0xF7A, s2;
	p2 =	seq.s32 @!p0 s5, $0x0  }
0x1f: {  	s9 =	smul.u32 $0xF7A, s1;
	s8 =	simm.s32 @!p0 $0x1BF5;
	p2 =	por !p2, p0  }
0x20: {  	[sflag:s8] =	ssyncset.s32 @!p0 $0xFFFFF086;
	s6 =	sadd.s32 @!p0 s3, s7;
	s7 =	simm.s32 @!p0 $0x108  }
0x21: {  	s3 =	sadd.s32 s3, s9;
	s6 =	sadd.s32 @!p0 $0x88, s6;
	s7 =	simm.s32 @p2 $0x1082  }
0x22: {  	[simem:s7], [sflag:s8] =	dma.local @!p0 [hbm:s6], $0xF7A  }
0x23: {  	s9 =	sor.u32 $0xD0000000, s2;
	s6 =	simm.s32 $0x108;
	_ =	swait.ge @!p0 [sflag:s8], $0x0  }
0x24: {  	s3 =	sadd.s32 $0x88, s3;
	s6 =	simm.s32 @!p1 $0x1082;
	[sflag:s4] =	ssyncset.s32 $0xFFFFF086  }
0x25: {  	[simem:s6], [sflag:s4] =	dma.local [hbm:s3], $0xF7A  }
0x26: {  	[smem:$0x3F9D] =	sst s1;
	(tag) =	ssettag s2;
	_ =	strace s9  }
0x27: {  	s1 =	sld [smem:$0x3FAD]  }
0x28: {  	s2 =	sld [smem:$0x3FAE]  }
0x29: {  	s4 =	sld [smem:$0x3FB0]  }
0x2a: {  	p0 =	seq.s32 s5, $0x0;
	s5 =	sld [smem:$0x3FB1]  }
0x2b: {  	s6 =	sld [smem:$0x3FB2]  }
0x2c: {  	s7 =	sld [smem:$0x3FB3]  }
0x2d: {  	s3 =	simm.s32 $0x108;
	s8 =	sld [smem:$0x3FB4]  }
0x2e: {  	s3 =	simm.s32 @!p0 $0x1082;
	s9 =	sld [smem:$0x3FB5]  }
0x2f: {  	lr =	sadd.s32 s0, s3;
	s0 =	sld [smem:$0x3FAC]  }
0x30: {  	s3 =	sld [smem:$0x3FAF]  }
0x31: {  	[smem:$0x3FB8] =	sst s10  }
0x32: {  	s10 =	sld [smem:$0x3FB6];
	_ =	sdelay $0x3  }
0x33: {  	p0 =	seq.s32 s10, $0x1;
	s10 =	sld [smem:$0x3FB8];
	_ =	sdelay $0x3  }
0x34: {  	[smem:$0x3FB8] =	sst s10  }
0x35: {  	s10 =	sld [smem:$0x3FB7];
	_ =	sdelay $0x3  }
0x36: {  	p1 =	seq.s32 s10, $0x1;
	s10 =	sld [smem:$0x3FB8];
	_ =	sdelay $0x3  }
0x37: {  	[smem:$0x3FB8] =	sst s10  }
0x38: {  	s10 =	sld [smem:$0x3FB9]  }
0x39: {  	_ = 	snop;
	(pc) =	sbr.ind lr, $3  }
0x3a: {  	_ = 	snop  }
0x3b: {  	_ = 	snop  }
0x3c: {  	p2 =	seq.s32 s10, $0x1;
	s10 =	sld [smem:$0x3FB8]  }
0x3d: {  	_ =	shalt  }
0x3e: {  	_ =	shalt  }
0x3f: {  	_ =	shalt  }
0x40: {  	_ =	shalt  }
0x41: {  	_ =	shalt  }
0x42: {  	_ =	shalt  }
0x43: {  	_ =	shalt  }
0x44: {  	_ =	shalt  }
0x45: {  	_ =	shalt  }
0x46: {  	_ =	shalt  }
0x47: {  	_ =	shalt  }
0x48: {  	_ =	shalt  }
0x49: {  	_ =	shalt  }
0x4a: {  	_ =	shalt  }
0x4b: {  	_ =	shalt  }
0x4c: {  	_ =	shalt  }
0x4d: {  	_ =	shalt  }
0x4e: {  	_ =	shalt  }
0x4f: {  	_ =	shalt  }
0x50: {  	_ =	shalt  }
0x51: {  	_ =	shalt  }
0x52: {  	_ =	shalt  }
0x53: {  	_ =	shalt  }
0x54: {  	_ =	shalt  }
0x55: {  	_ =	shalt  }
0x56: {  	_ =	shalt  }
0x57: {  	_ =	shalt  }
0x58: {  	_ =	shalt  }
0x59: {  	_ =	shalt  }
0x5a: {  	_ =	shalt  }
0x5b: {  	_ =	shalt  }
0x5c: {  	_ =	shalt  }
0x5d: {  	_ =	shalt  }
0x5e: {  	_ =	shalt  }
0x5f: {  	_ =	shalt  }
0x60: {  	_ =	shalt  }
0x61: {  	_ =	shalt  }
0x62: {  	_ =	shalt  }
0x63: {  	_ =	shalt  }
0x64: {  	_ =	shalt  }
0x65: {  	_ =	shalt  }
0x66: {  	_ =	shalt  }
0x67: {  	_ =	shalt  }
0x68: {  	_ =	shalt  }
0x69: {  	_ =	shalt  }
0x6a: {  	_ =	shalt  }
0x6b: {  	_ =	shalt  }
0x6c: {  	_ =	shalt  }
0x6d: {  	_ =	shalt  }
0x6e: {  	_ =	shalt  }
0x6f: {  	_ =	shalt  }
0x70: {  	_ =	shalt  }
0x71: {  	_ =	shalt  }
0x72: {  	_ =	shalt  }
0x73: {  	_ =	shalt  }
0x74: {  	_ =	shalt  }
0x75: {  	_ =	shalt  }
0x76: {  	_ =	shalt  }
0x77: {  	_ =	shalt  }
0x78: {  	_ =	shalt  }
0x79: {  	_ =	shalt  }
0x7a: {  	_ =	shalt  }
0x7b: {  	_ =	shalt  }
0x7c: {  	_ =	shalt  }
0x7d: {  	_ =	shalt  }
0x7e: {  	_ =	shalt  }
0x7f: {  	_ =	shalt  }
0x80: {  	_ =	shalt  }
0x81: {  	_ =	shalt  }
0x82: {  	_ =	shalt  }
0x83: {  	_ =	shalt  }
0x84: {  	_ =	shalt  }
0x85: {  	_ =	shalt  }
0x86: {  	_ =	shalt  }
0x87: {  	_ =	shalt  }
.Lfunc_end0:
.L_simem_size_0:
called_computation_lowered:
.L_overlay_start_0:
0x88: {  	s2 =	sld [smem:$0x3FD9]  }
0x89: {  	s3 =	sld [smem:$0x3FFE];
	_ =	sdelay $0x1  }
0x8a: {  	s1 =	srdreg.scid  }
0x8b: {  	s0 =	sand.u32 $0x1, s1  }
0x8c: {  	s14 =	sshll.u32 s0, $0xA;
	s2 =	sadd.s32 s3, s2  }
0x8d: {  	s2 =	sadd.s32 s2, s14  }
0x8e: {  	[smem:$0x3FC4] =	sst s2  }
0x8f: {  	_ = 	snop  }
0x90: {  	s2 =	sld [smem:$0x3FD0];
	_ =	sdelay $0x2  }
0x91: {  	s15 =	simm.s32 $0xA;
	s4 =	simm.s32 $0x10  }
0x92: {  	[smem:s4], [sflag:s15] =	dma.local [hbm:s2], $0x1  }
0x93: {  	_ =	swait.eq [sflag:s15], $0x1  }
0x94: {  	[sflag:s15] =	ssyncset.done $0x0  }
0x95: {  	s16 =	sld [smem:$0x10];
	[sflag:s15] =	ssyncadd.s32 $0xFFFFFFFF  }
0x96: {  	s17 =	sld [smem:$0x11];
	(tm) =	ssettm $0x1  }
0x97: {  	s18 =	sld [smem:$0x3FFB];
	_ =	sdelay $0x3  }
0x98: {  	_ =	strace s18  }
0x99: {  	s4 =	sld [smem:$0x3FFC];
	_ =	sdelay $0x3  }
0x9a: {  	_ =	strace s4  }
0x9b: {  	s4 =	sld [smem:$0x3FFD];
	_ =	sdelay $0x3  }
0x9c: {  	_ =	strace s4  }
0x9d: {  	_ =	strace $0x8FFFFFFF  }
0x9e: {  	s19 =	sld [smem:$0x3FDB];
	_ =	sdelay $0x1  }
0x9f: {  	s5 =	simm.s32 $_scs_section_size  }
0xa0: {  	s6 =	simm.s32 $_size__tile_overlayer_lowered;
	s7 =	simm.s32 $_tile_overlayer_lowered  }
0xa1: {  	s22 =	simm.s32 $0x1BFF;
	s21 =	sshll.u32 s7, $0x1;
	s4 =	sadd.s32 s5, s19  }
0xa2: {  	s8 =	simm.s32 $0x0;
	s20 =	sshll.u32 s6, $0x1;
	s6 =	sadd.s32 s21, s4  }
0xa3: {  	[timem:s8], [sflag:s22] =	dma.local [hbm:s6], s20  }
0xa4: {  	_ =	swait.ge [sflag:s22], s20  }
0xa5: {  	s5 =	ssub.s32 $0x0, s20;
	[sflag:s22] =	ssyncset.done $0x0  }
0xa6: {  	[sflag:s22] =	ssyncadd.s32 s5;
	_ =	sdelay $0x1  }
0xa7: {  	s23 =	simm.s32 $0x1B8B  }
0xa8: {  	_ =	swait.ge [sflag:s23], $0x1  }
0xa9: {  	[sflag:s23] =	ssyncset.done $0x0  }
0xaa: {  	s25 =	simm.s32 $0x1B8E;
	s24 =	sld [smem:$0x3FFE];
	[sflag:s23] =	ssyncadd.s32 $0xFFFFFFFF  }
0xab: {  	s26 =	simm.s32 $execute0_lowered;
	[smem:$0x3FD2] =	sst s25  }
0xac: {  	s6 =	sshll.u32 s26, $0x1;
	_ =	strace $0x80000046;
	[dreg:$0x1] =	wrdreg $0xFFFFFFFF  }
0xad: {  	s28 =	simm.s32 $_size_execute0_lowered;
	s4 =	sadd.s32 s4, s6;
	[dreg:$0x0] =	wrdreg $0x0  }
0xae: {  	s6 =	sshll.u32 s28, $0x1;
	[dreg:$0x2] =	wrdreg s4  }
0xaf: {  	[dreg:$0x3] =	wrdreg s6  }
0xb0: {  	[dreg:$0x4] =	wrdreg $0xC0  }
0xb1: {  	_ =	task [dreg:s8], $0x5FFFF  }
0xb2: {  	[dreg:$0x1] =	wrdreg $0xFFFFFFFF  }
0xb3: {  	[dreg:$0x0] =	wrdreg $0x60  }
0xb4: {  	[dreg:$0x2] =	wrdreg s16  }
0xb5: {  	[dreg:$0x3] =	wrdreg s24  }
0xb6: {  	[dreg:$0x4] =	wrdreg s17  }
0xb7: {  	[dreg:$0x5] =	wrdreg $0x2C100  }
0xb8: {  	[dreg:$0x6] =	wrdreg $0x9  }
0xb9: {  	_ =	task.clear_ibuf [dreg:s8], $0x7FFFF;
	_ =	strace $0x90000046  }
0xba: {  	s29 =	simm.s32 $0x9;
	_ =	strace $0x80000048  }
0xbb: {  	_ =	swait.ge [sflag:s29], $0x1  }
0xbc: {  	[sflag:s29] =	ssyncadd.s32 $0xFFFFFFFF  }
0xbd: {  	_ =	strace $0x90000048  }
0xbe: {  	_ =	sfence  }
0xbf: {  	s30 =	sld [smem:$0x0];
	_ =	sdelay $0x2  }
0xc0: {  	s31 =	sshll.u32 s1, $0xD;
	s1 =	sshrl.u32 s1, $0x2  }
0xc1: {  	s3 =	sand.u32 $0x4000, s31;
	s1 =	sadd.s32 s1, s30  }
0xc2: {  	s0 =	sor.u32 s3, s0;
	s1 =	sshll.u32 s1, $0x11  }
0xc3: {  	s0 =	sor.u32 s1, s0  }
0xc4: {  	s0 =	sadd.s32 $0x8F2B, s0  }
0xc5: {  	[sflag:s0] =	ssyncadd.remote.s32 $0x1  }
0xc6: {  	_ =	sfence.sel $0xFFFF  }
0xc7: {  	[dreg:$0x0] =	wrdreg $0xFFFFFFFF;
	(pc) =	sbr.abs _section_cstart, $3  }
0xc8: {  	[dreg:$0x1] =	wrdreg $0xFFFFFFFF  }
0xc9: {  	_ =	task.clear_ibuf [dreg:s8], $0x2FFFF;
	_ =	strace $0x9FFFFFFF  }
0xca: {  	(tm) =	ssettm $0x7FFFFFFF  }
0xcb: {  	_ =	shalt  }
tec
execute0_lowered:
.L_overlay_start_1:
0x0: {  	(tag) =	ssettag $0x1  }
0x1: {  	s7 =	rddreg [dreg:$0x0]  }
0x2: {  	s5 =	rddreg [dreg:$0x1]  }
0x3: {  	s8 =	rddreg [dreg:$0x2]  }
0x4: {  	s2 =	rddreg [dreg:$0x3]  }
0x5: {  	s1 =	stileid.u32;
	s0 =	rddreg [dreg:$0x4];
	s3 =	simm.s32 $0x0  }
0x6: {  	s4 =	srdreg.scid;
	s14 =	simm.s32 $0x1;
	s15 =	simm.s32 $0x0  }
0x7: {  	s6 =	smul.u32 $0x2780, s1;
	[smem:$0x7FF] =	sst s3;
	s10 =	sand.u32 $0x1, s4  }
0x8: {  	s4 =	sadd.s32 $0xB000, s5;
	s12 =	smul.u32 $0x4F0, s1;
	s31 =	sshll.u32 s1, $0x6  }
0x9: {  	_ =	strace $0x80000047;
	s28 =	ssub.s32 $0x2, s10;
	s13 =	sshll.u32 s10, $0x4  }
0xa: {  	s10 =	smul.u32 $0x4F00, s10;
	s9 =	sshrl.u32 s6, $0x3;
	s11 =	sshrl.u32 s28, $0x1  }
0xb: {  	s29 =	sor.u32 s1, s13;
	s30 =	sadd.s32 s6, s2;
	s6 =	sor.u32 $0x1C02, s31  }
0xc: {  	s13 =	simm.s32 $0x50;
	s5 =	sadd.s32 s9, s5;
	s9 =	ssub.s32 s28, s11  }
0xd: {  	s11 =	smul.u32 $0x4E2, s29;
	s10 =	sadd.s32 s12, s10;
	s12 =	simm.s32 $0x2710  }
0xe: {  	s5 =	sadd.s32 $0xB200, s5;
	s8 =	sadd.s32 s8, s10;
	s9 =	smax.u32 s9, $0x1  }
0xf: {  	s10 =	sshrl.u32 s30, $0x3;
	s7 =	sadd.s32 s7, s11;
	s11 =	simm.s32 $0x2  }
.LBB2_1:
0x10: {  	[spmem:s10], [sflag:s6] =	dma.local [hbm:s5], $0x4F0  }
0x11: {  	_ =	swait.ge [sflag:s11], $0x4F0  }
0x12: {  	[sflag:s11] =	ssyncset.done $0x0  }
0x13: {  	[sflag:s11] =	ssyncadd.s32 $0xFFFFFB10  }
0x14: {  	[tilespmem:s12], [sflag:$0x2] =	stream.linear.gather [hbm4b:s4+s3], $0x500, $0x38;
	[tilespmem:$0x5390] =	vst v63  }
0x15: {  	_ =	swait.ge [sflag:s11], $0x500  }
0x16: {  	[sflag:s11] =	ssyncset.done $0x0  }
0x17: {  	[sflag:s11] =	ssyncadd.s32 $0xFFFFFB00  }
0x18: {  	[tilespmem:s3], [sflag:$0x2] =	stream.linear.gather [hbm4b:s7+s3], $0x2710, $0x38;
	[tilespmem:$0x5390] =	vst v63  }
0x19: {  	_ =	swait.ge [sflag:s11], $0x2710  }
0x1a: {  	[sflag:s11] =	ssyncset.done $0x0  }
0x1b: {  	[sflag:s11] =	ssyncadd.s32 $0xFFFFD8F0  }
0x1c: {  	s16 =	simm.s32 $0x0;
	[bflag:$0x0] =	sbarrier.arrive $0xFFFF  }
.LBB2_2:
0x1d: {  	p0 =	sne.s32 s16, $0x9B00  }
.Ltmp0:
0x1e: {  	_ = 	snop;
	(pc) =	sbr.rel @p0 .LBB2_2-.Ltmp0, $3  }
0x1f: {  	_ =	sdelay $0x1  }
0x20: {  	s17 =	sshra.s32 s16, $0x2;
	s16 =	sadd.s32 $0x140, s16  }
0x21: {  	[spmem:s2] =	stream.indirect.scatter.add.f32 [tilespmem:s12], [sflag:$0x1], $0x10, s17, s13, $0xb8;
	[tilespmem:$0x5390] =	vst v63  }
0x22: {  	_ =	swait.ge [sflag:s14], $0x500  }
0x23: {  	s16 =	simm.s32 $0x7C;
	[sflag:s14] =	ssyncset.done $0x0  }
.LBB2_4:
0x24: {  	p0 =	sne.s32 s16, $0x1;
	s16 =	sadd.s32 $0xFFFFFFFF, s16;
	[sflag:s14] =	ssyncadd.s32 $0xFFFFFB00  }
.Ltmp1:
0x25: {  	(pc) =	sbr.rel @p0 .LBB2_4-.Ltmp1, $3  }
0x26: {  	_ =	sdelay $0x1  }
0x27: {  	_ =	swait.ge [sflag:s14], $0x500  }
0x28: {  	[sflag:s14] =	ssyncset.done $0x0  }
0x29: {  	s15 =	sadd.s32 $0x1, s15  }
0x2a: {  	[sflag:s14] =	ssyncadd.s32 $0xFFFFFB00;
	p0 =	sne.s32 s15, s9  }
.Ltmp2:
0x2b: {  	[bflag:$0x0] =	sbarrier.arrive $0xFFFF;
	(pc) =	sbr.rel @p0 .LBB2_1-.Ltmp2, $4  }
0x2c: {  	[hbm:s8], [sflag:s6] =	dma.local [spmem:s10], $0x4F0  }
0x2d: {  	_ =	swait.ge [sflag:s11], $0x4F0  }
0x2e: {  	[sflag:s11] =	ssyncset.done $0x0  }
0x2f: {  	[sflag:s11] =	ssyncadd.s32 $0xFFFFFB10  }
0x30: {  	_ =	sfence.sel $0x180000  }
0x31: {  	[bflag:$0x0] =	sbarrier.arrive $0xFFFF  }
0x32: {  	p0 =	sne.s32 s1, $0x0;
	_ =	strace $0x90000047  }
0x33: {  	s0 =	sadd.s32 @!p0 $0x100000, s0;
	[bflag:$0x2] =	sbarrier.arrive $0xFFFF  }
0x34: {  	[sflag:s0] =	ssyncadd.tile.s32 @!p0 $0x1;
	_ =	shalt  }
.Lfunc_end2:
_tile_overlayer_lowered:
.L_overlay_start_2:
0x35: {  	(tag) =	ssettag $0x2  }
0x36: {  	s0 =	rddreg [dreg:$0x0];
	s2 =	stileid.u32  }
0x37: {  	s1 =	rddreg [dreg:$0x1];
	p0 =	sne.s32 s2, $0x0  }
0x38: {  	s3 =	rddreg [dreg:$0x2];
	[bflag:$0x3] =	sbarrier.arrive $0xFFFF;
	s2 =	simm.s32 @!p0 $0x1C02  }
0x39: {  	[timem:s3], [sflag:s2] =	dma.local @!p0 [hbm:s0], s1  }
0x3a: {  	s0 =	simm.s32 @!p0 $0x2  }
0x3b: {  	_ =	swait.ge @!p0 [sflag:s0], s1  }
0x3c: {  	s1 =	ssub.s32 @!p0 $0x0, s1;
	[sflag:s0] =	ssyncset.done @!p0 $0x0  }
0x3d: {  	[sflag:s0] =	ssyncadd.s32 @!p0 s1  }
0x3e: {  	[bflag:$0x3] =	sbarrier.arrive $0xFFFF  }
0x3f: {  	_ =	shalt  }

// kernel: kernel.9.cloned.1.call-start
scs
__scs_entry_jumppad:
0x0: {  	(pc) =	sbr.rel $0x88, $3  }
0x1: {  	(tag) =	ssettag $0x0;
	lr =	simm.s32 $0x1  }
0x2: {  	[smem:$0x3F9D] =	sst lr;
	_ =	strace $0xD0000000  }
0x3: {  	_ = 	snop  }
0x4: {  	_ = 	snop  }
0x5: {  	_ = 	snop  }
0x6: {  	_ = 	snop  }
0x7: {  	_ = 	snop  }
__scs_overlays_trampoline_lowered:
0x8: {  	[smem:$0x3FAC] =	sst s0  }
0x9: {  	[smem:$0x3FAD] =	sst s1  }
0xa: {  	[smem:$0x3FAE] =	sst s2  }
0xb: {  	[smem:$0x3FAF] =	sst s3  }
0xc: {  	[smem:$0x3FB0] =	sst s4  }
0xd: {  	[smem:$0x3FB1] =	sst s5  }
0xe: {  	[smem:$0x3FB2] =	sst s6  }
0xf: {  	[smem:$0x3FB3] =	sst s7  }
0x10: {  	[smem:$0x3FB4] =	sst s8  }
0x11: {  	[smem:$0x3FB5] =	sst s9;
	s0 =	simm.s32 @!p0 $0x0  }
0x12: {  	s1 =	sld [smem:$0x3F9B];
	s0 =	simm.s32 @p0 $0x1  }
0x13: {  	[smem:$0x3FB6] =	sst s0;
	s0 =	simm.s32 @!p1 $0x0  }
0x14: {  	s2 =	sld [smem:$0x3F9A];
	s0 =	simm.s32 @p1 $0x1  }
0x15: {  	[smem:$0x3FB7] =	sst s0;
	s0 =	simm.s32 @!p2 $0x0  }
0x16: {  	s3 =	sld [smem:$0x3FDB];
	s0 =	simm.s32 @p2 $0x1  }
0x17: {  	s4 =	simm.s32 $0x1BF5;
	[smem:$0x3FB9] =	sst s0  }
0x18: {  	s0 =	sld [smem:$0x3F9C];
	_ =	swait.ge [sflag:s4], $0x0  }
0x19: {  	s7 =	sld [smem:$0x3F9D]  }
0x1a: {  	s8 =	sadd.s32 $0xFFFFE003, lr  }
0x1b: {  	s9 =	sadd.s32 $0xFFFFFEF7, lr;
	s5 =	simm.s32 $0xFFFFFFFF;
	p2 =	slt.u32 s8, $0xFFFFF086  }
0x1c: {  	p1 =	slt.u32 s9, $0xF7A;
	s5 =	simm.s32 @!p2 $0x0  }
0x1d: {  	s5 =	simm.s32 @p1 $0x1;
	p0 =	seq.s32 s7, s2  }
0x1e: {  	s7 =	smul.u32 @!p0 $0xF7A, s2;
	p2 =	seq.s32 @!p0 s5, $0x0  }
0x1f: {  	s9 =	smul.u32 $0xF7A, s1;
	s8 =	simm.s32 @!p0 $0x1BF5;
	p2 =	por !p2, p0  }
0x20: {  	[sflag:s8] =	ssyncset.s32 @!p0 $0xFFFFF086;
	s6 =	sadd.s32 @!p0 s3, s7;
	s7 =	simm.s32 @!p0 $0x108  }
0x21: {  	s3 =	sadd.s32 s3, s9;
	s6 =	sadd.s32 @!p0 $0x88, s6;
	s7 =	simm.s32 @p2 $0x1082  }
0x22: {  	[simem:s7], [sflag:s8] =	dma.local @!p0 [hbm:s6], $0xF7A  }
0x23: {  	s9 =	sor.u32 $0xD0000000, s2;
	s6 =	simm.s32 $0x108;
	_ =	swait.ge @!p0 [sflag:s8], $0x0  }
0x24: {  	s3 =	sadd.s32 $0x88, s3;
	s6 =	simm.s32 @!p1 $0x1082;
	[sflag:s4] =	ssyncset.s32 $0xFFFFF086  }
0x25: {  	[simem:s6], [sflag:s4] =	dma.local [hbm:s3], $0xF7A  }
0x26: {  	[smem:$0x3F9D] =	sst s1;
	(tag) =	ssettag s2;
	_ =	strace s9  }
0x27: {  	s1 =	sld [smem:$0x3FAD]  }
0x28: {  	s2 =	sld [smem:$0x3FAE]  }
0x29: {  	s4 =	sld [smem:$0x3FB0]  }
0x2a: {  	p0 =	seq.s32 s5, $0x0;
	s5 =	sld [smem:$0x3FB1]  }
0x2b: {  	s6 =	sld [smem:$0x3FB2]  }
0x2c: {  	s7 =	sld [smem:$0x3FB3]  }
0x2d: {  	s3 =	simm.s32 $0x108;
	s8 =	sld [smem:$0x3FB4]  }
0x2e: {  	s3 =	simm.s32 @!p0 $0x1082;
	s9 =	sld [smem:$0x3FB5]  }
0x2f: {  	lr =	sadd.s32 s0, s3;
	s0 =	sld [smem:$0x3FAC]  }
0x30: {  	s3 =	sld [smem:$0x3FAF]  }
0x31: {  	[smem:$0x3FB8] =	sst s10  }
0x32: {  	s10 =	sld [smem:$0x3FB6];
	_ =	sdelay $0x3  }
0x33: {  	p0 =	seq.s32 s10, $0x1;
	s10 =	sld [smem:$0x3FB8];
	_ =	sdelay $0x3  }
0x34: {  	[smem:$0x3FB8] =	sst s10  }
0x35: {  	s10 =	sld [smem:$0x3FB7];
	_ =	sdelay $0x3  }
0x36: {  	p1 =	seq.s32 s10, $0x1;
	s10 =	sld [smem:$0x3FB8];
	_ =	sdelay $0x3  }
0x37: {  	[smem:$0x3FB8] =	sst s10  }
0x38: {  	s10 =	sld [smem:$0x3FB9]  }
0x39: {  	_ = 	snop;
	(pc) =	sbr.ind lr, $3  }
0x3a: {  	_ = 	snop  }
0x3b: {  	_ = 	snop  }
0x3c: {  	p2 =	seq.s32 s10, $0x1;
	s10 =	sld [smem:$0x3FB8]  }
0x3d: {  	_ =	shalt  }
0x3e: {  	_ =	shalt  }
0x3f: {  	_ =	shalt  }
0x40: {  	_ =	shalt  }
0x41: {  	_ =	shalt  }
0x42: {  	_ =	shalt  }
0x43: {  	_ =	shalt  }
0x44: {  	_ =	shalt  }
0x45: {  	_ =	shalt  }
0x46: {  	_ =	shalt  }
0x47: {  	_ =	shalt  }
0x48: {  	_ =	shalt  }
0x49: {  	_ =	shalt  }
0x4a: {  	_ =	shalt  }
0x4b: {  	_ =	shalt  }
0x4c: {  	_ =	shalt  }
0x4d: {  	_ =	shalt  }
0x4e: {  	_ =	shalt  }
0x4f: {  	_ =	shalt  }
0x50: {  	_ =	shalt  }
0x51: {  	_ =	shalt  }
0x52: {  	_ =	shalt  }
0x53: {  	_ =	shalt  }
0x54: {  	_ =	shalt  }
0x55: {  	_ =	shalt  }
0x56: {  	_ =	shalt  }
0x57: {  	_ =	shalt  }
0x58: {  	_ =	shalt  }
0x59: {  	_ =	shalt  }
0x5a: {  	_ =	shalt  }
0x5b: {  	_ =	shalt  }
0x5c: {  	_ =	shalt  }
0x5d: {  	_ =	shalt  }
0x5e: {  	_ =	shalt  }
0x5f: {  	_ =	shalt  }
0x60: {  	_ =	shalt  }
0x61: {  	_ =	shalt  }
0x62: {  	_ =	shalt  }
0x63: {  	_ =	shalt  }
0x64: {  	_ =	shalt  }
0x65: {  	_ =	shalt  }
0x66: {  	_ =	shalt  }
0x67: {  	_ =	shalt  }
0x68: {  	_ =	shalt  }
0x69: {  	_ =	shalt  }
0x6a: {  	_ =	shalt  }
0x6b: {  	_ =	shalt  }
0x6c: {  	_ =	shalt  }
0x6d: {  	_ =	shalt  }
0x6e: {  	_ =	shalt  }
0x6f: {  	_ =	shalt  }
0x70: {  	_ =	shalt  }
0x71: {  	_ =	shalt  }
0x72: {  	_ =	shalt  }
0x73: {  	_ =	shalt  }
0x74: {  	_ =	shalt  }
0x75: {  	_ =	shalt  }
0x76: {  	_ =	shalt  }
0x77: {  	_ =	shalt  }
0x78: {  	_ =	shalt  }
0x79: {  	_ =	shalt  }
0x7a: {  	_ =	shalt  }
0x7b: {  	_ =	shalt  }
0x7c: {  	_ =	shalt  }
0x7d: {  	_ =	shalt  }
0x7e: {  	_ =	shalt  }
0x7f: {  	_ =	shalt  }
0x80: {  	_ =	shalt  }
0x81: {  	_ =	shalt  }
0x82: {  	_ =	shalt  }
0x83: {  	_ =	shalt  }
0x84: {  	_ =	shalt  }
0x85: {  	_ =	shalt  }
0x86: {  	_ =	shalt  }
0x87: {  	_ =	shalt  }
.Lfunc_end0:
.L_simem_size_0:
called_computation.1_lowered:
.L_overlay_start_0:
0x88: {  	s2 =	sld [smem:$0x3FD9]  }
0x89: {  	s3 =	sld [smem:$0x3FFE];
	_ =	sdelay $0x1  }
0x8a: {  	s1 =	srdreg.scid  }
0x8b: {  	s0 =	sand.u32 $0x1, s1  }
0x8c: {  	s14 =	sshll.u32 s0, $0xA;
	s2 =	sadd.s32 s3, s2  }
0x8d: {  	s2 =	sadd.s32 s2, s14  }
0x8e: {  	[smem:$0x3FC4] =	sst s2  }
0x8f: {  	_ = 	snop  }
0x90: {  	s2 =	sld [smem:$0x3FD0];
	_ =	sdelay $0x2  }
0x91: {  	s15 =	simm.s32 $0xA;
	s4 =	simm.s32 $0x10  }
0x92: {  	[smem:s4], [sflag:s15] =	dma.local [hbm:s2], $0x1  }
0x93: {  	_ =	swait.eq [sflag:s15], $0x1  }
0x94: {  	[sflag:s15] =	ssyncset.done $0x0  }
0x95: {  	s16 =	sld [smem:$0x10];
	[sflag:s15] =	ssyncadd.s32 $0xFFFFFFFF  }
0x96: {  	s17 =	sld [smem:$0x11];
	(tm) =	ssettm $0x1  }
0x97: {  	s18 =	sld [smem:$0x3FFB];
	_ =	sdelay $0x3  }
0x98: {  	_ =	strace s18  }
0x99: {  	s4 =	sld [smem:$0x3FFC];
	_ =	sdelay $0x3  }
0x9a: {  	_ =	strace s4  }
0x9b: {  	s4 =	sld [smem:$0x3FFD];
	_ =	sdelay $0x3  }
0x9c: {  	_ =	strace s4  }
0x9d: {  	_ =	strace $0x8FFFFFFF  }
0x9e: {  	s19 =	sld [smem:$0x3FDB];
	_ =	sdelay $0x1  }
0x9f: {  	s5 =	simm.s32 $_scs_section_size  }
0xa0: {  	s6 =	simm.s32 $_size__tile_overlayer_lowered;
	s7 =	simm.s32 $_tile_overlayer_lowered  }
0xa1: {  	s22 =	simm.s32 $0x1BFF;
	s21 =	sshll.u32 s7, $0x1;
	s4 =	sadd.s32 s5, s19  }
0xa2: {  	s8 =	simm.s32 $0x0;
	s20 =	sshll.u32 s6, $0x1;
	s6 =	sadd.s32 s21, s4  }
0xa3: {  	[timem:s8], [sflag:s22] =	dma.local [hbm:s6], s20  }
0xa4: {  	_ =	swait.ge [sflag:s22], s20  }
0xa5: {  	s5 =	ssub.s32 $0x0, s20;
	[sflag:s22] =	ssyncset.done $0x0  }
0xa6: {  	[sflag:s22] =	ssyncadd.s32 s5;
	_ =	sdelay $0x1  }
0xa7: {  	s23 =	simm.s32 $0x1B8B  }
0xa8: {  	_ =	swait.ge [sflag:s23], $0x1  }
0xa9: {  	[sflag:s23] =	ssyncset.done $0x0  }
0xaa: {  	s25 =	simm.s32 $0x1B8E;
	s24 =	sld [smem:$0x3FFE];
	[sflag:s23] =	ssyncadd.s32 $0xFFFFFFFF  }
0xab: {  	s26 =	simm.s32 $execute0_lowered;
	[smem:$0x3FD2] =	sst s25  }
0xac: {  	s6 =	sshll.u32 s26, $0x1;
	_ =	strace $0x80000049;
	[dreg:$0x1] =	wrdreg $0xFFFFFFFF  }
0xad: {  	s28 =	simm.s32 $_size_execute0_lowered;
	s4 =	sadd.s32 s4, s6;
	[dreg:$0x0] =	wrdreg $0x0  }
0xae: {  	s6 =	sshll.u32 s28, $0x1;
	[dreg:$0x2] =	wrdreg s4  }
0xaf: {  	[dreg:$0x3] =	wrdreg s6  }
0xb0: {  	[dreg:$0x4] =	wrdreg $0xC0  }
0xb1: {  	_ =	task [dreg:s8], $0x5FFFF  }
0xb2: {  	[dreg:$0x1] =	wrdreg $0xFFFFFFFF  }
0xb3: {  	[dreg:$0x0] =	wrdreg $0x60  }
0xb4: {  	[dreg:$0x2] =	wrdreg s24  }
0xb5: {  	[dreg:$0x3] =	wrdreg s16  }
0xb6: {  	[dreg:$0x4] =	wrdreg s17  }
0xb7: {  	[dreg:$0x5] =	wrdreg $0xBF400  }
0xb8: {  	[dreg:$0x6] =	wrdreg $0x15D400  }
0xb9: {  	[dreg:$0x7] =	wrdreg $0x9  }
0xba: {  	_ =	task.clear_ibuf [dreg:s8], $0x8FFFF;
	_ =	strace $0x90000049  }
0xbb: {  	s29 =	simm.s32 $0x9;
	_ =	strace $0x8000004B  }
0xbc: {  	_ =	swait.ge [sflag:s29], $0x1  }
0xbd: {  	[sflag:s29] =	ssyncadd.s32 $0xFFFFFFFF  }
0xbe: {  	_ =	strace $0x9000004B  }
0xbf: {  	_ =	sfence  }
0xc0: {  	s30 =	sld [smem:$0x0];
	_ =	sdelay $0x2  }
0xc1: {  	s31 =	sshll.u32 s1, $0xD;
	s1 =	sshrl.u32 s1, $0x2  }
0xc2: {  	s3 =	sand.u32 $0x4000, s31;
	s1 =	sadd.s32 s1, s30  }
0xc3: {  	s0 =	sor.u32 s3, s0;
	s1 =	sshll.u32 s1, $0x11  }
0xc4: {  	s0 =	sor.u32 s1, s0  }
0xc5: {  	s0 =	sadd.s32 $0x8F2B, s0  }
0xc6: {  	[sflag:s0] =	ssyncadd.remote.s32 $0x1  }
0xc7: {  	_ =	sfence.sel $0xFFFF  }
0xc8: {  	[dreg:$0x0] =	wrdreg $0xFFFFFFFF;
	(pc) =	sbr.abs _section_cstart, $3  }
0xc9: {  	[dreg:$0x1] =	wrdreg $0xFFFFFFFF  }
0xca: {  	_ =	task.clear_ibuf [dreg:s8], $0x2FFFF;
	_ =	strace $0x9FFFFFFF  }
0xcb: {  	(tm) =	ssettm $0x7FFFFFFF  }
tec
execute0_lowered:
.L_overlay_start_1:
0x0: {  	(tag) =	ssettag $0x1  }
0x1: {  	s1 =	rddreg [dreg:$0x0]  }
0x2: {  	s4 =	rddreg [dreg:$0x1]  }
0x3: {  	s0 =	rddreg [dreg:$0x2]  }
0x4: {  	s2 =	rddreg [dreg:$0x3]  }
0x5: {  	s3 =	rddreg [dreg:$0x4];
	s6 =	simm.s32 $0x0  }
0x6: {  	s21 =	simm.s32 $0xA0;
	[smem:$0x7FF] =	sst s6  }
0x7: {  	s22 =	simm.s32 $0xF0;
	_ =	strace $0x8000004A;
	[dreg:$0x8] =	wrdreg s21  }
0x8: {  	s23 =	simm.s32 $0x140;
	[dreg:$0x9] =	wrdreg s22  }
0x9: {  	s24 =	simm.s32 $0x190;
	[dreg:$0xa] =	wrdreg s23  }
0xa: {  	s25 =	simm.s32 $0x1E0;
	[dreg:$0xb] =	wrdreg s24  }
0xb: {  	s26 =	simm.s32 $0x230;
	[dreg:$0xc] =	wrdreg s25  }
0xc: {  	s7 =	simm.s32 $0x1090;
	[dreg:$0xd] =	wrdreg s26  }
0xd: {  	s9 =	simm.s32 $0x280;
	[dreg:$0x10] =	wrdreg s7  }
0xe: {  	s10 =	simm.s32 $0x2D0;
	[dreg:$0x11] =	wrdreg s9  }
0xf: {  	s11 =	simm.s32 $0x320;
	[dreg:$0x12] =	wrdreg s10  }
0x10: {  	s12 =	simm.s32 $0x370;
	[dreg:$0x13] =	wrdreg s11  }
0x11: {  	s13 =	simm.s32 $0x10E0;
	[dreg:$0x14] =	wrdreg s12  }
0x12: {  	s14 =	simm.s32 $0x1130;
	[dreg:$0x15] =	wrdreg s13  }
0x13: {  	s15 =	simm.s32 $0x1180;
	[dreg:$0x16] =	wrdreg s14  }
0x14: {  	s16 =	simm.s32 $0x11D0;
	[dreg:$0x17] =	wrdreg s15  }
0x15: {  	s17 =	simm.s32 $0x3C0;
	[dreg:$0x18] =	wrdreg s16  }
0x16: {  	s18 =	simm.s32 $0x410;
	[dreg:$0x19] =	wrdreg s17  }
0x17: {  	s19 =	simm.s32 $0x460;
	[dreg:$0x1a] =	wrdreg s18  }
0x18: {  	[dreg:$0x1b] =	wrdreg s19;
	s21 =	simm.s32 $0x1220  }
0x19: {  	s22 =	simm.s32 $0x1270;
	[dreg:$0x1d] =	wrdreg s21  }
0x1a: {  	s23 =	simm.s32 $0x12C0;
	[dreg:$0x1e] =	wrdreg s22  }
0x1b: {  	s24 =	simm.s32 $0x1310;
	[dreg:$0x1f] =	wrdreg s23  }
0x1c: {  	s25 =	simm.s32 $0x500;
	[smem:$0x7AE] =	sst s24  }
0x1d: {  	s26 =	simm.s32 $0x550;
	[smem:$0x7AF] =	sst s25  }
0x1e: {  	s7 =	simm.s32 $0x1360;
	[smem:$0x7B0] =	sst s26  }
0x1f: {  	s9 =	simm.s32 $0x13B0;
	[smem:$0x7B3] =	sst s7  }
0x20: {  	s10 =	simm.s32 $0x1400;
	[smem:$0x7B4] =	sst s9  }
0x21: {  	s11 =	simm.s32 $0x1450;
	[smem:$0x7B5] =	sst s10  }
0x22: {  	s12 =	simm.s32 $0x640;
	[smem:$0x7B6] =	sst s11  }
0x23: {  	s13 =	simm.s32 $0x690;
	[smem:$0x7B7] =	sst s12  }
0x24: {  	s14 =	simm.s32 $0x6E0;
	[smem:$0x7B8] =	sst s13  }
0x25: {  	s15 =	simm.s32 $0x730;
	[smem:$0x7B9] =	sst s14  }
0x26: {  	s16 =	simm.s32 $0x14A0;
	[smem:$0x7BA] =	sst s15  }
0x27: {  	s8 =	stileid.u32;
	s17 =	simm.s32 $0x14F0;
	[smem:$0x7BB] =	sst s16  }
0x28: {  	s5 =	smul.u32 $0x9C4, s8;
	s18 =	simm.s32 $0x1540;
	[smem:$0x7BC] =	sst s17  }
0x29: {  	s19 =	simm.s32 $0x1590;
	[smem:$0x7BD] =	sst s18  }
0x2a: {  	s4 =	sadd.s32 s5, s4;
	[smem:$0x7BE] =	sst s19  }
0x2b: {  	s20 =	sadd.s32 s5, s1;
	s5 =	simm.s32 $0xFF0;
	[dreg:$0x7] =	wrdreg s4  }
0x2c: {  	s21 =	simm.s32 $0x7D0;
	[dreg:$0xe] =	wrdreg s5  }
0x2d: {  	s22 =	simm.s32 $0x820;
	[smem:$0x7C0] =	sst s21  }
0x2e: {  	s23 =	simm.s32 $0x870;
	[smem:$0x7C1] =	sst s22  }
0x2f: {  	s24 =	simm.s32 $0x15E0;
	[smem:$0x7C2] =	sst s23  }
0x30: {  	s25 =	simm.s32 $0x1630;
	[smem:$0x7C3] =	sst s24  }
0x31: {  	s26 =	simm.s32 $0x1680;
	[smem:$0x7C4] =	sst s25  }
0x32: {  	s7 =	simm.s32 $0x910;
	[smem:$0x7C5] =	sst s26  }
0x33: {  	s9 =	simm.s32 $0x960;
	[smem:$0x7C8] =	sst s7  }
0x34: {  	s10 =	simm.s32 $0x9B0;
	[smem:$0x7C9] =	sst s9  }
0x35: {  	s11 =	simm.s32 $0x1720;
	[smem:$0x7CA] =	sst s10  }
0x36: {  	s12 =	simm.s32 $0x1770;
	[smem:$0x7CB] =	sst s11  }
0x37: {  	s13 =	simm.s32 $0x17C0;
	[smem:$0x7CC] =	sst s12  }
0x38: {  	s14 =	simm.s32 $0x1810;
	[smem:$0x7CD] =	sst s13  }
0x39: {  	s15 =	simm.s32 $0xA00;
	[smem:$0x7CE] =	sst s14  }
0x3a: {  	s16 =	simm.s32 $0xA50;
	[smem:$0x7CF] =	sst s15  }
0x3b: {  	s17 =	simm.s32 $0xAA0;
	[smem:$0x7D0] =	sst s16  }
0x3c: {  	s18 =	simm.s32 $0xAF0;
	[smem:$0x7D1] =	sst s17  }
0x3d: {  	s19 =	simm.s32 $0x1860;
	[smem:$0x7D2] =	sst s18  }
0x3e: {  	s6 =	sadd.s32 $0x1200, s20;
	[smem:$0x7D3] =	sst s19  }
0x3f: {  	s20 =	simm.s32 $0x4B0;
	[dreg:$0x6] =	wrdreg s6  }
0x40: {  	s5 =	simm.s32 $0x5A0;
	[dreg:$0x1c] =	wrdreg s20  }
0x41: {  	s21 =	simm.s32 $0x1900;
	[smem:$0x7B1] =	sst s5  }
0x42: {  	s23 =	simm.s32 $0x1950;
	[smem:$0x7D5] =	sst s21  }
0x43: {  	s24 =	simm.s32 $0xB40;
	[smem:$0x7D6] =	sst s23  }
0x44: {  	s26 =	simm.s32 $0xB90;
	[smem:$0x7D7] =	sst s24  }
0x45: {  	s9 =	simm.s32 $0xBE0;
	[smem:$0x7D8] =	sst s26  }
0x46: {  	s10 =	simm.s32 $0xC30;
	[smem:$0x7D9] =	sst s9  }
0x47: {  	s11 =	simm.s32 $0x19A0;
	[smem:$0x7DA] =	sst s10  }
0x48: {  	s12 =	simm.s32 $0x19F0;
	[smem:$0x7DB] =	sst s11  }
0x49: {  	s13 =	simm.s32 $0x1A40;
	[smem:$0x7DC] =	sst s12  }
0x4a: {  	s15 =	simm.s32 $0x1A90;
	[smem:$0x7DD] =	sst s13  }
0x4b: {  	s17 =	simm.s32 $0xC80;
	[smem:$0x7DE] =	sst s15  }
0x4c: {  	s18 =	simm.s32 $0xCD0;
	[smem:$0x7DF] =	sst s17  }
0x4d: {  	s4 =	simm.s32 $0xDC0;
	[smem:$0x7E0] =	sst s18  }
0x4e: {  	s6 =	simm.s32 $0x1040;
	[smem:$0x7EA] =	sst s4  }
0x4f: {  	s20 =	simm.s32 $0x780;
	[dreg:$0xf] =	wrdreg s6  }
0x50: {  	s5 =	simm.s32 $0x16D0;
	[smem:$0x7BF] =	sst s20  }
0x51: {  	s21 =	simm.s32 $0xD70;
	[smem:$0x7C6] =	sst s5  }
0x52: {  	s28 =	simm.s32 $0x3;
	s23 =	simm.s32 $0x1B30;
	[smem:$0x7E3] =	sst s21  }
0x53: {  	s29 =	simm.s32 $0x4;
	s26 =	simm.s32 $0x1BD0;
	[smem:$0x7E5] =	sst s23  }
0x54: {  	s30 =	simm.s32 $0x9;
	s10 =	simm.s32 $0xE60;
	[smem:$0x7E8] =	sst s26  }
0x55: {  	s31 =	simm.s32 $0xA;
	s12 =	simm.s32 $0xEB0;
	[smem:$0x7EE] =	sst s10  }
0x56: {  	s22 =	srdreg.scid;
	s13 =	simm.s32 $0x1C20;
	[smem:$0x7EF] =	sst s12  }
0x57: {  	s25 =	smul.u32 $0x13C00, s8;
	s15 =	simm.s32 $0x1C70;
	[smem:$0x7F0] =	sst s13  }
0x58: {  	s16 =	smul.u32 $0x9E00, s8;
	s17 =	simm.s32 $0x1D10;
	[smem:$0x7F1] =	sst s15  }
0x59: {  	s8 =	sshll.u32 s8, $0x6;
	s18 =	simm.s32 $0xF00;
	[smem:$0x7F3] =	sst s17  }
0x5a: {  	s6 =	simm.s32 $0x5F0;
	s20 =	simm.s32 $0x18B0;
	[smem:$0x7F4] =	sst s18  }
0x5b: {  	s5 =	sand.u32 $0x1, s22;
	s19 =	sadd.s32 s16, s2;
	[smem:$0x7B2] =	sst s6  }
0x5c: {  	s22 =	simm.s32 $0x1AE0;
	s24 =	sadd.s32 s16, s3;
	[smem:$0x7D4] =	sst s20  }
0x5d: {  	s13 =	simm.s32 $0x10;
	s21 =	simm.s32 $0x1D60;
	[smem:$0x7E4] =	sst s22  }
0x5e: {  	s17 =	simm.s32 $0x50;
	s23 =	simm.s32 $0x1E00;
	[smem:$0x7F6] =	sst s21  }
0x5f: {  	s26 =	simm.s32 $0x1EF0;
	s10 =	simm.s32 $0xE;
	[smem:$0x7F8] =	sst s23  }
0x60: {  	s15 =	simm.s32 $0xF;
	s6 =	simm.s32 $0x8C0;
	[smem:$0x7FB] =	sst s26  }
0x61: {  	s7 =	sshll.u32 s5, $0x6;
	s20 =	simm.s32 $0xD20;
	[smem:$0x7C7] =	sst s6  }
0x62: {  	s5 =	ssub.s32 $0x2, s5;
	s11 =	sshrl.u32 s19, $0x3;
	[smem:$0x7E2] =	sst s20  }
0x63: {  	s19 =	simm.s32 $0xF50;
	s22 =	simm.s32 $0x1DB0;
	[smem:$0x7ED] =	sst s11  }
0x64: {  	s26 =	simm.s32 $0x2;
	s6 =	sor.u32 s7, s25;
	[smem:$0x7F5] =	sst s19  }
0x65: {  	s14 =	sshrl.u32 s5, $0x1;
	s25 =	simm.s32 $0x1B80;
	[smem:$0x7F7] =	sst s22  }
0x66: {  	s7 =	sshrl.u32 s16, $0x3;
	s16 =	simm.s32 $0x1CC0;
	[smem:$0x7E6] =	sst s25  }
0x67: {  	s20 =	sshrl.u32 s24, $0x3;
	s24 =	simm.s32 $0x1E50;
	[smem:$0x7F2] =	sst s16  }
0x68: {  	s11 =	simm.s32 $0x1;
	s6 =	sshrl.u32 s6, $0x3;
	[smem:$0x7F9] =	sst s24  }
0x69: {  	s5 =	ssub.s32 s5, s14;
	s0 =	sadd.s32 s0, s7;
	[smem:$0x7FD] =	sst s20  }
0x6a: {  	s14 =	sor.u32 $0x1C11, s8;
	s7 =	simm.s32 $0xE10;
	[smem:$0x7E7] =	sst s0  }
0x6b: {  	s25 =	simm.s32 $0x1EA0;
	s8 =	simm.s32 $0x7;
	[smem:$0x7EC] =	sst s7  }
0x6c: {  	s1 =	sadd.s32 s6, s1;
	[smem:$0x7FA] =	sst s25;
	s0 =	simm.s32 $0xC  }
0x6d: {  	s7 =	simm.s32 $0x6;
	[smem:$0x7FC] =	sst s14;
	s9 =	sadd.s32 $0xB000, s1  }
0x6e: {  	s6 =	simm.s32 $0x0;
	s1 =	sadd.s32 $0x32800, s1;
	[smem:$0x7E1] =	sst s9  }
0x6f: {  	[smem:$0x7E9] =	sst s1;
	s9 =	smax.u32 s5, $0x1;
	s1 =	simm.s32 $0xB  }
0x70: {  	s5 =	simm.s32 $0x5;
	[smem:$0x7EB] =	sst s9;
	s9 =	simm.s32 $0xD  }
.LBB2_1:
0x71: {  	s4 =	sld [smem:$0x7E1]  }
0x72: {  	s25 =	sld [smem:$0x7ED];
	_ =	sdelay $0x1  }
0x73: {  	[smem:$0x7AD] =	sst s6;
	s24 =	simm.s32 $0x8;
	s16 =	simm.s32 $0x11  }
0x74: {  	[spmem:s25@s24], [sflag:s14] =	dma.strided [hbm:s4@s13], $0x13C0, s11, $0x8   }
0x75: {  	_ =	swait.ge [sflag:s16], $0x13C0  }
0x76: {  	s12 =	sld [smem:$0x7E7]  }
0x77: {  	[sflag:s16] =	ssyncset.done $0x0  }
0x78: {  	[sflag:s16] =	ssyncadd.s32 $0xFFFFEC40  }
0x79: {  	[spmem:s20], [sflag:s14] =	dma.local [hbm:s12], $0x13C0  }
0x7a: {  	_ =	swait.ge [sflag:s16], $0x13C0  }
0x7b: {  	[sflag:s16] =	ssyncset.done $0x0  }
0x7c: {  	[sflag:s16] =	ssyncadd.s32 $0xFFFFEC40  }
0x7d: {  	[bflag:$0x0] =	sbarrier.arrive $0xFFFF  }
0x7e: {  	s14 =	rddreg [dreg:$0x6]  }
0x7f: {  	s18 =	simm.s32 $0x0;
	s4 =	sadd.s32 $0x0, s14  }
0x80: {  	[tilespmem:s18], [sflag:$0x11] =	stream.linear.gather [hbm4b:s4+s18], $0xFA0, $0x38;
	[tilespmem:$0x1FB40] =	vst v63  }
0x81: {  	_ =	swait.ge [sflag:s16], $0xFA0  }
0x82: {  	s20 =	rddreg [dreg:$0x7];
	[sflag:s16] =	ssyncset.done $0x0  }
0x83: {  	s14 =	simm.s32 $0xFA0;
	[sflag:s16] =	ssyncadd.s32 $0xFFFFF060;
	s4 =	sadd.s32 $0x0, s20  }
0x84: {  	[tilespmem:s14], [sflag:$0x11] =	stream.linear.gather [hbm4b:s4+s18], $0xFA0, $0x38;
	[tilespmem:$0x1FB40] =	vst v63  }
0x85: {  	_ =	swait.ge [sflag:s16], $0xFA0  }
0x86: {  	[sflag:s16] =	ssyncset.done $0x0  }
0x87: {  	s19 =	simm.s32 $0x1F40;
	[sflag:s16] =	ssyncadd.s32 $0xFFFFF060  }
0x88: {  	[tilespmem:s19], [sflag:$0x1] =	stream.indirect.gather [spmem:s2], $0x40, s18, s17, $0xb8;
	[tilespmem:$0x1FB40] =	vst v63  }
0x89: {  	s12 =	simm.s32 $0x3340  }
0x8a: {  	[tilespmem:s12], [sflag:$0x2] =	stream.indirect.gather [spmem:s2], $0x40, s17, s17, $0xb8;
	[tilespmem:$0x1FB40] =	vst v63  }
0x8b: {  	s21 =	rddreg [dreg:$0x8];
	s16 =	simm.s32 $0x4740  }
0x8c: {  	[tilespmem:s16], [sflag:$0x3] =	stream.indirect.gather [spmem:s2], $0x40, s21, s17, $0xb8;
	[tilespmem:$0x1FB40] =	vst v63  }
0x8d: {  	s20 =	simm.s32 $0x5B40;
	s22 =	rddreg [dreg:$0x9]  }
0x8e: {  	[tilespmem:s20], [sflag:$0x4] =	stream.indirect.gather [spmem:s2], $0x40, s22, s17, $0xb8;
	[tilespmem:$0x1FB40] =	vst v63  }
0x8f: {  	s23 =	rddreg [dreg:$0xa];
	s21 =	simm.s32 $0x6F40  }
0x90: {  	[tilespmem:s21], [sflag:$0x5] =	stream.indirect.gather [spmem:s2], $0x40, s23, s17, $0xb8;
	[tilespmem:$0x1FB40] =	vst v63  }
0x91: {  	s25 =	rddreg [dreg:$0xb];
	s22 =	simm.s32 $0x8340  }
0x92: {  	[tilespmem:s22], [sflag:$0x6] =	stream.indirect.gather [spmem:s2], $0x40, s25, s17, $0xb8;
	[tilespmem:$0x1FB40] =	vst v63  }
0x93: {  	s18 =	rddreg [dreg:$0xc];
	s23 =	simm.s32 $0x9740  }
0x94: {  	[tilespmem:s23], [sflag:$0x7] =	stream.indirect.gather [spmem:s2], $0x40, s18, s17, $0xb8;
	[tilespmem:$0x1FB40] =	vst v63  }
0x95: {  	s25 =	rddreg [dreg:$0xd];
	s18 =	simm.s32 $0xAB40  }
0x96: {  	[tilespmem:s18], [sflag:$0x8] =	stream.indirect.gather [spmem:s2], $0x40, s25, s17, $0xb8;
	[tilespmem:$0x1FB40] =	vst v63  }
0x97: {  	_ =	swait.ge [sflag:s11], $0x1400  }
0x98: {  	[sflag:s11] =	ssyncset.done $0x0  }
0x99: {  	[sflag:s11] =	ssyncadd.s32 $0xFFFFEC00  }
0x9a: {  	_ =	swait.ge [sflag:s26], $0x1400  }
0x9b: {  	[sflag:s26] =	ssyncset.done $0x0  }
0x9c: {  	[sflag:s26] =	ssyncadd.s32 $0xFFFFEC00  }
0x9d: {  	_ =	swait.ge [sflag:s28], $0x1400  }
0x9e: {  	[sflag:s28] =	ssyncset.done $0x0  }
0x9f: {  	[sflag:s28] =	ssyncadd.s32 $0xFFFFEC00  }
0xa0: {  	_ =	swait.ge [sflag:s29], $0x1400  }
0xa1: {  	[sflag:s29] =	ssyncset.done $0x0  }
0xa2: {  	[sflag:s29] =	ssyncadd.s32 $0xFFFFEC00  }
0xa3: {  	[spmem:s3] =	stream.indirect.scatter.add.f32 [tilespmem:s19], [sflag:$0x9], $0x40, s14, s17, $0xb8;
	[tilespmem:$0x1FB40] =	vst v63  }
0xa4: {  	s6 =	rddreg [dreg:$0xe]  }
0xa5: {  	[spmem:s3] =	stream.indirect.scatter.add.f32 [tilespmem:s12], [sflag:$0xA], $0x40, s6, s17, $0xb8;
	[tilespmem:$0x1FB40] =	vst v63  }
0xa6: {  	s14 =	rddreg [dreg:$0xf]  }
0xa7: {  	[spmem:s3] =	stream.indirect.scatter.add.f32 [tilespmem:s16], [sflag:$0xB], $0x40, s14, s17, $0xb8;
	[tilespmem:$0x1FB40] =	vst v63  }
0xa8: {  	s25 =	rddreg [dreg:$0x10]  }
0xa9: {  	[spmem:s3] =	stream.indirect.scatter.add.f32 [tilespmem:s20], [sflag:$0xC], $0x40, s25, s17, $0xb8;
	[tilespmem:$0x1FB40] =	vst v63  }
0xaa: {  	_ =	swait.ge [sflag:s30], $0x1400  }
0xab: {  	[sflag:s30] =	ssyncset.done $0x0  }
0xac: {  	[sflag:s30] =	ssyncadd.s32 $0xFFFFEC00  }
0xad: {  	_ =	swait.ge [sflag:s31], $0x1400  }
0xae: {  	[sflag:s31] =	ssyncset.done $0x0  }
0xaf: {  	[sflag:s31] =	ssyncadd.s32 $0xFFFFEC00  }
0xb0: {  	_ =	swait.ge [sflag:s1], $0x1400  }
0xb1: {  	[sflag:s1] =	ssyncset.done $0x0  }
0xb2: {  	[sflag:s1] =	ssyncadd.s32 $0xFFFFEC00  }
0xb3: {  	_ =	swait.ge [sflag:s0], $0x1400  }
0xb4: {  	[sflag:s0] =	ssyncset.done $0x0  }
0xb5: {  	s14 =	rddreg [dreg:$0x11];
	[sflag:s0] =	ssyncadd.s32 $0xFFFFEC00  }
0xb6: {  	[tilespmem:s19], [sflag:$0x1] =	stream.indirect.gather [spmem:s2], $0x40, s14, s17, $0xb8;
	[tilespmem:$0x1FB40] =	vst v63  }
0xb7: {  	s25 =	rddreg [dreg:$0x12]  }
0xb8: {  	[tilespmem:s12], [sflag:$0x2] =	stream.indirect.gather [spmem:s2], $0x40, s25, s17, $0xb8;
	[tilespmem:$0x1FB40] =	vst v63  }
0xb9: {  	s14 =	rddreg [dreg:$0x13]  }
0xba: {  	[tilespmem:s16], [sflag:$0x3] =	stream.indirect.gather [spmem:s2], $0x40, s14, s17, $0xb8;
	[tilespmem:$0x1FB40] =	vst v63  }
0xbb: {  	s25 =	rddreg [dreg:$0x14]  }
0xbc: {  	[tilespmem:s20], [sflag:$0x4] =	stream.indirect.gather [spmem:s2], $0x40, s25, s17, $0xb8;
	[tilespmem:$0x1FB40] =	vst v63  }
0xbd: {  	_ =	swait.ge [sflag:s5], $0x1400  }
0xbe: {  	[sflag:s5] =	ssyncset.done $0x0  }
0xbf: {  	[sflag:s5] =	ssyncadd.s32 $0xFFFFEC00  }
0xc0: {  	_ =	swait.ge [sflag:s7], $0x1400  }
0xc1: {  	[sflag:s7] =	ssyncset.done $0x0  }
0xc2: {  	[sflag:s7] =	ssyncadd.s32 $0xFFFFEC00  }
0xc3: {  	_ =	swait.ge [sflag:s8], $0x1400  }
0xc4: {  	[sflag:s8] =	ssyncset.done $0x0  }
0xc5: {  	[sflag:s8] =	ssyncadd.s32 $0xFFFFEC00  }
0xc6: {  	_ =	swait.ge [sflag:s24], $0x1400  }
0xc7: {  	[sflag:s24] =	ssyncset.done $0x0  }
0xc8: {  	s14 =	rddreg [dreg:$0x15];
	[sflag:s24] =	ssyncadd.s32 $0xFFFFEC00  }
0xc9: {  	[spmem:s3] =	stream.indirect.scatter.add.f32 [tilespmem:s21], [sflag:$0xD], $0x40, s14, s17, $0xb8;
	[tilespmem:$0x1FB40] =	vst v63  }
0xca: {  	s25 =	rddreg [dreg:$0x16]  }
0xcb: {  	[spmem:s3] =	stream.indirect.scatter.add.f32 [tilespmem:s22], [sflag:$0xE], $0x40, s25, s17, $0xb8;
	[tilespmem:$0x1FB40] =	vst v63  }
0xcc: {  	s14 =	rddreg [dreg:$0x17]  }
0xcd: {  	[spmem:s3] =	stream.indirect.scatter.add.f32 [tilespmem:s23], [sflag:$0xF], $0x40, s14, s17, $0xb8;
	[tilespmem:$0x1FB40] =	vst v63  }
0xce: {  	s25 =	rddreg [dreg:$0x18]  }
0xcf: {  	[spmem:s3] =	stream.indirect.scatter.add.f32 [tilespmem:s18], [sflag:$0x10], $0x40, s25, s17, $0xb8;
	[tilespmem:$0x1FB40] =	vst v63  }
0xd0: {  	_ =	swait.ge [sflag:s9], $0x1400  }
0xd1: {  	[sflag:s9] =	ssyncset.done $0x0  }
0xd2: {  	[sflag:s9] =	ssyncadd.s32 $0xFFFFEC00  }
0xd3: {  	_ =	swait.ge [sflag:s10], $0x1400  }
0xd4: {  	[sflag:s10] =	ssyncset.done $0x0  }
0xd5: {  	[sflag:s10] =	ssyncadd.s32 $0xFFFFEC00  }
0xd6: {  	_ =	swait.ge [sflag:s15], $0x1400  }
0xd7: {  	[sflag:s15] =	ssyncset.done $0x0  }
0xd8: {  	[sflag:s15] =	ssyncadd.s32 $0xFFFFEC00  }
0xd9: {  	_ =	swait.ge [sflag:s13], $0x1400  }
0xda: {  	[sflag:s13] =	ssyncset.done $0x0  }
0xdb: {  	s14 =	rddreg [dreg:$0x19];
	[sflag:s13] =	ssyncadd.s32 $0xFFFFEC00  }
0xdc: {  	[tilespmem:s21], [sflag:$0x5] =	stream.indirect.gather [spmem:s2], $0x40, s14, s17, $0xb8;
	[tilespmem:$0x1FB40] =	vst v63  }
0xdd: {  	s25 =	rddreg [dreg:$0x1a]  }
0xde: {  	[tilespmem:s22], [sflag:$0x6] =	stream.indirect.gather [spmem:s2], $0x40, s25, s17, $0xb8;
	[tilespmem:$0x1FB40] =	vst v63  }
0xdf: {  	s14 =	rddreg [dreg:$0x1b]  }
0xe0: {  	[tilespmem:s23], [sflag:$0x7] =	stream.indirect.gather [spmem:s2], $0x40, s14, s17, $0xb8;
	[tilespmem:$0x1FB40] =	vst v63  }
0xe1: {  	s25 =	rddreg [dreg:$0x1c]  }
0xe2: {  	[tilespmem:s18], [sflag:$0x8] =	stream.indirect.gather [spmem:s2], $0x40, s25, s17, $0xb8;
	[tilespmem:$0x1FB40] =	vst v63  }
0xe3: {  	_ =	swait.ge [sflag:s11], $0x1400  }
0xe4: {  	[sflag:s11] =	ssyncset.done $0x0  }
0xe5: {  	[sflag:s11] =	ssyncadd.s32 $0xFFFFEC00  }
0xe6: {  	_ =	swait.ge [sflag:s26], $0x1400  }
0xe7: {  	[sflag:s26] =	ssyncset.done $0x0  }
0xe8: {  	[sflag:s26] =	ssyncadd.s32 $0xFFFFEC00  }
0xe9: {  	_ =	swait.ge [sflag:s28], $0x1400  }
0xea: {  	[sflag:s28] =	ssyncset.done $0x0  }
0xeb: {  	[sflag:s28] =	ssyncadd.s32 $0xFFFFEC00  }
0xec: {  	_ =	swait.ge [sflag:s29], $0x1400  }
0xed: {  	s14 =	rddreg [dreg:$0x1d];
	[sflag:s29] =	ssyncset.done $0x0  }
0xee: {  	s25 =	rddreg [dreg:$0x1e];
	[sflag:s29] =	ssyncadd.s32 $0xFFFFEC00  }
0xef: {  	[spmem:s3] =	stream.indirect.scatter.add.f32 [tilespmem:s19], [sflag:$0x9], $0x40, s14, s17, $0xb8;
	[tilespmem:$0x1FB40] =	vst v63  }
0xf0: {  	s14 =	rddreg [dreg:$0x1f]  }
0xf1: {  	[spmem:s3] =	stream.indirect.scatter.add.f32 [tilespmem:s12], [sflag:$0xA], $0x40, s25, s17, $0xb8;
	[tilespmem:$0x1FB40] =	vst v63  }
0xf2: {  	s25 =	sld [smem:$0x7AE]  }
0xf3: {  	[spmem:s3] =	stream.indirect.scatter.add.f32 [tilespmem:s16], [sflag:$0xB], $0x40, s14, s17, $0xb8;
	[tilespmem:$0x1FB40] =	vst v63  }
0xf4: {  	_ = 	snop  }
0xf5: {  	[spmem:s3] =	stream.indirect.scatter.add.f32 [tilespmem:s20], [sflag:$0xC], $0x40, s25, s17, $0xb8;
	[tilespmem:$0x1FB40] =	vst v63  }
0xf6: {  	_ =	swait.ge [sflag:s30], $0x1400  }
0xf7: {  	[sflag:s30] =	ssyncset.done $0x0  }
0xf8: {  	[sflag:s30] =	ssyncadd.s32 $0xFFFFEC00  }
0xf9: {  	_ =	swait.ge [sflag:s31], $0x1400  }
0xfa: {  	[sflag:s31] =	ssyncset.done $0x0  }
0xfb: {  	[sflag:s31] =	ssyncadd.s32 $0xFFFFEC00  }
0xfc: {  	_ =	swait.ge [sflag:s1], $0x1400  }
0xfd: {  	[sflag:s1] =	ssyncset.done $0x0  }
0xfe: {  	[sflag:s1] =	ssyncadd.s32 $0xFFFFEC00  }
0xff: {  	_ =	swait.ge [sflag:s0], $0x1400  }
0x100: {  	s14 =	sld [smem:$0x7AF]  }
0x101: {  	[sflag:s0] =	ssyncset.done $0x0  }
0x102: {  	s25 =	sld [smem:$0x7B0];
	[sflag:s0] =	ssyncadd.s32 $0xFFFFEC00  }
0x103: {  	[tilespmem:s19], [sflag:$0x1] =	stream.indirect.gather [spmem:s2], $0x40, s14, s17, $0xb8;
	[tilespmem:$0x1FB40] =	vst v63  }
0x104: {  	s14 =	sld [smem:$0x7B1]  }
0x105: {  	[tilespmem:s12], [sflag:$0x2] =	stream.indirect.gather [spmem:s2], $0x40, s25, s17, $0xb8;
	[tilespmem:$0x1FB40] =	vst v63  }
0x106: {  	s25 =	sld [smem:$0x7B2]  }
0x107: {  	[tilespmem:s16], [sflag:$0x3] =	stream.indirect.gather [spmem:s2], $0x40, s14, s17, $0xb8;
	[tilespmem:$0x1FB40] =	vst v63  }
0x108: {  	_ = 	snop  }
0x109: {  	[tilespmem:s20], [sflag:$0x4] =	stream.indirect.gather [spmem:s2], $0x40, s25, s17, $0xb8;
	[tilespmem:$0x1FB40] =	vst v63  }
0x10a: {  	_ =	swait.ge [sflag:s5], $0x1400  }
0x10b: {  	[sflag:s5] =	ssyncset.done $0x0  }
0x10c: {  	[sflag:s5] =	ssyncadd.s32 $0xFFFFEC00  }
0x10d: {  	_ =	swait.ge [sflag:s7], $0x1400  }
0x10e: {  	[sflag:s7] =	ssyncset.done $0x0  }
0x10f: {  	[sflag:s7] =	ssyncadd.s32 $0xFFFFEC00  }
0x110: {  	_ =	swait.ge [sflag:s8], $0x1400  }
0x111: {  	[sflag:s8] =	ssyncset.done $0x0  }
0x112: {  	[sflag:s8] =	ssyncadd.s32 $0xFFFFEC00  }
0x113: {  	_ =	swait.ge [sflag:s24], $0x1400  }
0x114: {  	s14 =	sld [smem:$0x7B3]  }
0x115: {  	[sflag:s24] =	ssyncset.done $0x0  }
0x116: {  	s25 =	sld [smem:$0x7B4];
	[sflag:s24] =	ssyncadd.s32 $0xFFFFEC00  }
0x117: {  	[spmem:s3] =	stream.indirect.scatter.add.f32 [tilespmem:s21], [sflag:$0xD], $0x40, s14, s17, $0xb8;
	[tilespmem:$0x1FB40] =	vst v63  }
0x118: {  	s14 =	sld [smem:$0x7B5]  }
0x119: {  	[spmem:s3] =	stream.indirect.scatter.add.f32 [tilespmem:s22], [sflag:$0xE], $0x40, s25, s17, $0xb8;
	[tilespmem:$0x1FB40] =	vst v63  }
0x11a: {  	s25 =	sld [smem:$0x7B6]  }
0x11b: {  	[spmem:s3] =	stream.indirect.scatter.add.f32 [tilespmem:s23], [sflag:$0xF], $0x40, s14, s17, $0xb8;
	[tilespmem:$0x1FB40] =	vst v63  }
0x11c: {  	_ = 	snop  }
0x11d: {  	[spmem:s3] =	stream.indirect.scatter.add.f32 [tilespmem:s18], [sflag:$0x10], $0x40, s25, s17, $0xb8;
	[tilespmem:$0x1FB40] =	vst v63  }
0x11e: {  	_ =	swait.ge [sflag:s9], $0x1400  }
0x11f: {  	[sflag:s9] =	ssyncset.done $0x0  }
0x120: {  	[sflag:s9] =	ssyncadd.s32 $0xFFFFEC00  }
0x121: {  	_ =	swait.ge [sflag:s10], $0x1400  }
0x122: {  	[sflag:s10] =	ssyncset.done $0x0  }
0x123: {  	[sflag:s10] =	ssyncadd.s32 $0xFFFFEC00  }
0x124: {  	_ =	swait.ge [sflag:s15], $0x1400  }
0x125: {  	[sflag:s15] =	ssyncset.done $0x0  }
0x126: {  	[sflag:s15] =	ssyncadd.s32 $0xFFFFEC00  }
0x127: {  	_ =	swait.ge [sflag:s13], $0x1400  }
0x128: {  	s14 =	sld [smem:$0x7B7]  }
0x129: {  	[sflag:s13] =	ssyncset.done $0x0  }
0x12a: {  	s25 =	sld [smem:$0x7B8];
	[sflag:s13] =	ssyncadd.s32 $0xFFFFEC00  }
0x12b: {  	[tilespmem:s21], [sflag:$0x5] =	stream.indirect.gather [spmem:s2], $0x40, s14, s17, $0xb8;
	[tilespmem:$0x1FB40] =	vst v63  }
0x12c: {  	s14 =	sld [smem:$0x7B9]  }
0x12d: {  	[tilespmem:s22], [sflag:$0x6] =	stream.indirect.gather [spmem:s2], $0x40, s25, s17, $0xb8;
	[tilespmem:$0x1FB40] =	vst v63  }
0x12e: {  	s25 =	sld [smem:$0x7BA]  }
0x12f: {  	[tilespmem:s23], [sflag:$0x7] =	stream.indirect.gather [spmem:s2], $0x40, s14, s17, $0xb8;
	[tilespmem:$0x1FB40] =	vst v63  }
0x130: {  	_ = 	snop  }
0x131: {  	[tilespmem:s18], [sflag:$0x8] =	stream.indirect.gather [spmem:s2], $0x40, s25, s17, $0xb8;
	[tilespmem:$0x1FB40] =	vst v63  }
0x132: {  	_ =	swait.ge [sflag:s11], $0x1400  }
0x133: {  	[sflag:s11] =	ssyncset.done $0x0  }
0x134: {  	[sflag:s11] =	ssyncadd.s32 $0xFFFFEC00  }
0x135: {  	_ =	swait.ge [sflag:s26], $0x1400  }
0x136: {  	[sflag:s26] =	ssyncset.done $0x0  }
0x137: {  	[sflag:s26] =	ssyncadd.s32 $0xFFFFEC00  }
0x138: {  	_ =	swait.ge [sflag:s28], $0x1400  }
0x139: {  	[sflag:s28] =	ssyncset.done $0x0  }
0x13a: {  	[sflag:s28] =	ssyncadd.s32 $0xFFFFEC00  }
0x13b: {  	_ =	swait.ge [sflag:s29], $0x1400  }
0x13c: {  	s14 =	sld [smem:$0x7BB]  }
0x13d: {  	[sflag:s29] =	ssyncset.done $0x0  }
0x13e: {  	s25 =	sld [smem:$0x7BC];
	[sflag:s29] =	ssyncadd.s32 $0xFFFFEC00  }
0x13f: {  	[spmem:s3] =	stream.indirect.scatter.add.f32 [tilespmem:s19], [sflag:$0x9], $0x40, s14, s17, $0xb8;
	[tilespmem:$0x1FB40] =	vst v63  }
0x140: {  	s14 =	sld [smem:$0x7BD]  }
0x141: {  	[spmem:s3] =	stream.indirect.scatter.add.f32 [tilespmem:s12], [sflag:$0xA], $0x40, s25, s17, $0xb8;
	[tilespmem:$0x1FB40] =	vst v63  }
0x142: {  	s25 =	sld [smem:$0x7BE]  }
0x143: {  	[spmem:s3] =	stream.indirect.scatter.add.f32 [tilespmem:s16], [sflag:$0xB], $0x40, s14, s17, $0xb8;
	[tilespmem:$0x1FB40] =	vst v63  }
0x144: {  	_ = 	snop  }
0x145: {  	[spmem:s3] =	stream.indirect.scatter.add.f32 [tilespmem:s20], [sflag:$0xC], $0x40, s25, s17, $0xb8;
	[tilespmem:$0x1FB40] =	vst v63  }
0x146: {  	_ =	swait.ge [sflag:s30], $0x1400  }
0x147: {  	[sflag:s30] =	ssyncset.done $0x0  }
0x148: {  	[sflag:s30] =	ssyncadd.s32 $0xFFFFEC00  }
0x149: {  	_ =	swait.ge [sflag:s31], $0x1400  }
0x14a: {  	[sflag:s31] =	ssyncset.done $0x0  }
0x14b: {  	[sflag:s31] =	ssyncadd.s32 $0xFFFFEC00  }
0x14c: {  	_ =	swait.ge [sflag:s1], $0x1400  }
0x14d: {  	[sflag:s1] =	ssyncset.done $0x0  }
0x14e: {  	[sflag:s1] =	ssyncadd.s32 $0xFFFFEC00  }
0x14f: {  	_ =	swait.ge [sflag:s0], $0x1400  }
0x150: {  	s14 =	sld [smem:$0x7BF]  }
0x151: {  	[sflag:s0] =	ssyncset.done $0x0  }
0x152: {  	s25 =	sld [smem:$0x7C0];
	[sflag:s0] =	ssyncadd.s32 $0xFFFFEC00  }
0x153: {  	[tilespmem:s19], [sflag:$0x1] =	stream.indirect.gather [spmem:s2], $0x40, s14, s17, $0xb8;
	[tilespmem:$0x1FB40] =	vst v63  }
0x154: {  	s14 =	sld [smem:$0x7C1]  }
0x155: {  	[tilespmem:s12], [sflag:$0x2] =	stream.indirect.gather [spmem:s2], $0x40, s25, s17, $0xb8;
	[tilespmem:$0x1FB40] =	vst v63  }
0x156: {  	s25 =	sld [smem:$0x7C2]  }
0x157: {  	[tilespmem:s16], [sflag:$0x3] =	stream.indirect.gather [spmem:s2], $0x40, s14, s17, $0xb8;
	[tilespmem:$0x1FB40] =	vst v63  }
0x158: {  	_ = 	snop  }
0x159: {  	[tilespmem:s20], [sflag:$0x4] =	stream.indirect.gather [spmem:s2], $0x40, s25, s17, $0xb8;
	[tilespmem:$0x1FB40] =	vst v63  }
0x15a: {  	_ =	swait.ge [sflag:s5], $0x1400  }
0x15b: {  	[sflag:s5] =	ssyncset.done $0x0  }
0x15c: {  	[sflag:s5] =	ssyncadd.s32 $0xFFFFEC00  }
0x15d: {  	_ =	swait.ge [sflag:s7], $0x1400  }
0x15e: {  	[sflag:s7] =	ssyncset.done $0x0  }
0x15f: {  	[sflag:s7] =	ssyncadd.s32 $0xFFFFEC00  }
0x160: {  	_ =	swait.ge [sflag:s8], $0x1400  }
0x161: {  	[sflag:s8] =	ssyncset.done $0x0  }
0x162: {  	[sflag:s8] =	ssyncadd.s32 $0xFFFFEC00  }
0x163: {  	_ =	swait.ge [sflag:s24], $0x1400  }
0x164: {  	s14 =	sld [smem:$0x7C3]  }
0x165: {  	[sflag:s24] =	ssyncset.done $0x0  }
0x166: {  	s25 =	sld [smem:$0x7C4];
	[sflag:s24] =	ssyncadd.s32 $0xFFFFEC00  }
0x167: {  	[spmem:s3] =	stream.indirect.scatter.add.f32 [tilespmem:s21], [sflag:$0xD], $0x40, s14, s17, $0xb8;
	[tilespmem:$0x1FB40] =	vst v63  }
0x168: {  	s14 =	sld [smem:$0x7C5]  }
0x169: {  	[spmem:s3] =	stream.indirect.scatter.add.f32 [tilespmem:s22], [sflag:$0xE], $0x40, s25, s17, $0xb8;
	[tilespmem:$0x1FB40] =	vst v63  }
0x16a: {  	s25 =	sld [smem:$0x7C6]  }
0x16b: {  	[spmem:s3] =	stream.indirect.scatter.add.f32 [tilespmem:s23], [sflag:$0xF], $0x40, s14, s17, $0xb8;
	[tilespmem:$0x1FB40] =	vst v63  }
0x16c: {  	_ = 	snop  }
0x16d: {  	[spmem:s3] =	stream.indirect.scatter.add.f32 [tilespmem:s18], [sflag:$0x10], $0x40, s25, s17, $0xb8;
	[tilespmem:$0x1FB40] =	vst v63  }
0x16e: {  	_ =	swait.ge [sflag:s9], $0x1400  }
0x16f: {  	[sflag:s9] =	ssyncset.done $0x0  }
0x170: {  	[sflag:s9] =	ssyncadd.s32 $0xFFFFEC00  }
0x171: {  	_ =	swait.ge [sflag:s10], $0x1400  }
0x172: {  	[sflag:s10] =	ssyncset.done $0x0  }
0x173: {  	[sflag:s10] =	ssyncadd.s32 $0xFFFFEC00  }
0x174: {  	_ =	swait.ge [sflag:s15], $0x1400  }
0x175: {  	[sflag:s15] =	ssyncset.done $0x0  }
0x176: {  	[sflag:s15] =	ssyncadd.s32 $0xFFFFEC00  }
0x177: {  	_ =	swait.ge [sflag:s13], $0x1400  }
0x178: {  	s14 =	sld [smem:$0x7C7]  }
0x179: {  	[sflag:s13] =	ssyncset.done $0x0  }
0x17a: {  	s25 =	sld [smem:$0x7C8];
	[sflag:s13] =	ssyncadd.s32 $0xFFFFEC00  }
0x17b: {  	[tilespmem:s21], [sflag:$0x5] =	stream.indirect.gather [spmem:s2], $0x40, s14, s17, $0xb8;
	[tilespmem:$0x1FB40] =	vst v63  }
0x17c: {  	s14 =	sld [smem:$0x7C9]  }
0x17d: {  	[tilespmem:s22], [sflag:$0x6] =	stream.indirect.gather [spmem:s2], $0x40, s25, s17, $0xb8;
	[tilespmem:$0x1FB40] =	vst v63  }
0x17e: {  	s25 =	sld [smem:$0x7CA]  }
0x17f: {  	[tilespmem:s23], [sflag:$0x7] =	stream.indirect.gather [spmem:s2], $0x40, s14, s17, $0xb8;
	[tilespmem:$0x1FB40] =	vst v63  }
0x180: {  	_ = 	snop  }
0x181: {  	[tilespmem:s18], [sflag:$0x8] =	stream.indirect.gather [spmem:s2], $0x40, s25, s17, $0xb8;
	[tilespmem:$0x1FB40] =	vst v63  }
0x182: {  	_ =	swait.ge [sflag:s11], $0x1400  }
0x183: {  	[sflag:s11] =	ssyncset.done $0x0  }
0x184: {  	[sflag:s11] =	ssyncadd.s32 $0xFFFFEC00  }
0x185: {  	_ =	swait.ge [sflag:s26], $0x1400  }
0x186: {  	[sflag:s26] =	ssyncset.done $0x0  }
0x187: {  	[sflag:s26] =	ssyncadd.s32 $0xFFFFEC00  }
0x188: {  	_ =	swait.ge [sflag:s28], $0x1400  }
0x189: {  	[sflag:s28] =	ssyncset.done $0x0  }
0x18a: {  	[sflag:s28] =	ssyncadd.s32 $0xFFFFEC00  }
0x18b: {  	_ =	swait.ge [sflag:s29], $0x1400  }
0x18c: {  	s14 =	sld [smem:$0x7CB]  }
0x18d: {  	[sflag:s29] =	ssyncset.done $0x0  }
0x18e: {  	s25 =	sld [smem:$0x7CC];
	[sflag:s29] =	ssyncadd.s32 $0xFFFFEC00  }
0x18f: {  	[spmem:s3] =	stream.indirect.scatter.add.f32 [tilespmem:s19], [sflag:$0x9], $0x40, s14, s17, $0xb8;
	[tilespmem:$0x1FB40] =	vst v63  }
0x190: {  	s14 =	sld [smem:$0x7CD]  }
0x191: {  	[spmem:s3] =	stream.indirect.scatter.add.f32 [tilespmem:s12], [sflag:$0xA], $0x40, s25, s17, $0xb8;
	[tilespmem:$0x1FB40] =	vst v63  }
0x192: {  	s25 =	sld [smem:$0x7CE]  }
0x193: {  	[spmem:s3] =	stream.indirect.scatter.add.f32 [tilespmem:s16], [sflag:$0xB], $0x40, s14, s17, $0xb8;
	[tilespmem:$0x1FB40] =	vst v63  }
0x194: {  	_ = 	snop  }
0x195: {  	[spmem:s3] =	stream.indirect.scatter.add.f32 [tilespmem:s20], [sflag:$0xC], $0x40, s25, s17, $0xb8;
	[tilespmem:$0x1FB40] =	vst v63  }
0x196: {  	_ =	swait.ge [sflag:s30], $0x1400  }
0x197: {  	[sflag:s30] =	ssyncset.done $0x0  }
0x198: {  	[sflag:s30] =	ssyncadd.s32 $0xFFFFEC00  }
0x199: {  	_ =	swait.ge [sflag:s31], $0x1400  }
0x19a: {  	[sflag:s31] =	ssyncset.done $0x0  }
0x19b: {  	[sflag:s31] =	ssyncadd.s32 $0xFFFFEC00  }
0x19c: {  	_ =	swait.ge [sflag:s1], $0x1400  }
0x19d: {  	[sflag:s1] =	ssyncset.done $0x0  }
0x19e: {  	[sflag:s1] =	ssyncadd.s32 $0xFFFFEC00  }
0x19f: {  	_ =	swait.ge [sflag:s0], $0x1400  }
0x1a0: {  	s14 =	sld [smem:$0x7CF]  }
0x1a1: {  	[sflag:s0] =	ssyncset.done $0x0  }
0x1a2: {  	s25 =	sld [smem:$0x7D0];
	[sflag:s0] =	ssyncadd.s32 $0xFFFFEC00  }
0x1a3: {  	[tilespmem:s19], [sflag:$0x1] =	stream.indirect.gather [spmem:s2], $0x40, s14, s17, $0xb8;
	[tilespmem:$0x1FB40] =	vst v63  }
0x1a4: {  	s14 =	sld [smem:$0x7D1]  }
0x1a5: {  	[tilespmem:s12], [sflag:$0x2] =	stream.indirect.gather [spmem:s2], $0x40, s25, s17, $0xb8;
	[tilespmem:$0x1FB40] =	vst v63  }
0x1a6: {  	s25 =	sld [smem:$0x7D2]  }
0x1a7: {  	[tilespmem:s16], [sflag:$0x3] =	stream.indirect.gather [spmem:s2], $0x40, s14, s17, $0xb8;
	[tilespmem:$0x1FB40] =	vst v63  }
0x1a8: {  	_ = 	snop  }
0x1a9: {  	[tilespmem:s20], [sflag:$0x4] =	stream.indirect.gather [spmem:s2], $0x40, s25, s17, $0xb8;
	[tilespmem:$0x1FB40] =	vst v63  }
0x1aa: {  	_ =	swait.ge [sflag:s5], $0x1400  }
0x1ab: {  	[sflag:s5] =	ssyncset.done $0x0  }
0x1ac: {  	[sflag:s5] =	ssyncadd.s32 $0xFFFFEC00  }
0x1ad: {  	_ =	swait.ge [sflag:s7], $0x1400  }
0x1ae: {  	[sflag:s7] =	ssyncset.done $0x0  }
0x1af: {  	[sflag:s7] =	ssyncadd.s32 $0xFFFFEC00  }
0x1b0: {  	_ =	swait.ge [sflag:s8], $0x1400  }
0x1b1: {  	[sflag:s8] =	ssyncset.done $0x0  }
0x1b2: {  	[sflag:s8] =	ssyncadd.s32 $0xFFFFEC00  }
0x1b3: {  	_ =	swait.ge [sflag:s24], $0x1400  }
0x1b4: {  	s14 =	sld [smem:$0x7D3]  }
0x1b5: {  	[sflag:s24] =	ssyncset.done $0x0  }
0x1b6: {  	s25 =	sld [smem:$0x7D4];
	[sflag:s24] =	ssyncadd.s32 $0xFFFFEC00  }
0x1b7: {  	[spmem:s3] =	stream.indirect.scatter.add.f32 [tilespmem:s21], [sflag:$0xD], $0x40, s14, s17, $0xb8;
	[tilespmem:$0x1FB40] =	vst v63  }
0x1b8: {  	s14 =	sld [smem:$0x7D5]  }
0x1b9: {  	[spmem:s3] =	stream.indirect.scatter.add.f32 [tilespmem:s22], [sflag:$0xE], $0x40, s25, s17, $0xb8;
	[tilespmem:$0x1FB40] =	vst v63  }
0x1ba: {  	s25 =	sld [smem:$0x7D6]  }
0x1bb: {  	[spmem:s3] =	stream.indirect.scatter.add.f32 [tilespmem:s23], [sflag:$0xF], $0x40, s14, s17, $0xb8;
	[tilespmem:$0x1FB40] =	vst v63  }
0x1bc: {  	_ = 	snop  }
0x1bd: {  	[spmem:s3] =	stream.indirect.scatter.add.f32 [tilespmem:s18], [sflag:$0x10], $0x40, s25, s17, $0xb8;
	[tilespmem:$0x1FB40] =	vst v63  }
0x1be: {  	_ =	swait.ge [sflag:s9], $0x1400  }
0x1bf: {  	[sflag:s9] =	ssyncset.done $0x0  }
0x1c0: {  	[sflag:s9] =	ssyncadd.s32 $0xFFFFEC00  }
0x1c1: {  	_ =	swait.ge [sflag:s10], $0x1400  }
0x1c2: {  	[sflag:s10] =	ssyncset.done $0x0  }
0x1c3: {  	[sflag:s10] =	ssyncadd.s32 $0xFFFFEC00  }
0x1c4: {  	_ =	swait.ge [sflag:s15], $0x1400  }
0x1c5: {  	[sflag:s15] =	ssyncset.done $0x0  }
0x1c6: {  	[sflag:s15] =	ssyncadd.s32 $0xFFFFEC00  }
0x1c7: {  	_ =	swait.ge [sflag:s13], $0x1400  }
0x1c8: {  	s14 =	sld [smem:$0x7D7]  }
0x1c9: {  	[sflag:s13] =	ssyncset.done $0x0  }
0x1ca: {  	s25 =	sld [smem:$0x7D8];
	[sflag:s13] =	ssyncadd.s32 $0xFFFFEC00  }
0x1cb: {  	[tilespmem:s21], [sflag:$0x5] =	stream.indirect.gather [spmem:s2], $0x40, s14, s17, $0xb8;
	[tilespmem:$0x1FB40] =	vst v63  }
0x1cc: {  	s14 =	sld [smem:$0x7D9]  }
0x1cd: {  	[tilespmem:s22], [sflag:$0x6] =	stream.indirect.gather [spmem:s2], $0x40, s25, s17, $0xb8;
	[tilespmem:$0x1FB40] =	vst v63  }
0x1ce: {  	s25 =	sld [smem:$0x7DA]  }
0x1cf: {  	[tilespmem:s23], [sflag:$0x7] =	stream.indirect.gather [spmem:s2], $0x40, s14, s17, $0xb8;
	[tilespmem:$0x1FB40] =	vst v63  }
0x1d0: {  	_ = 	snop  }
0x1d1: {  	[tilespmem:s18], [sflag:$0x8] =	stream.indirect.gather [spmem:s2], $0x40, s25, s17, $0xb8;
	[tilespmem:$0x1FB40] =	vst v63  }
0x1d2: {  	_ =	swait.ge [sflag:s11], $0x1400  }
0x1d3: {  	[sflag:s11] =	ssyncset.done $0x0  }
0x1d4: {  	[sflag:s11] =	ssyncadd.s32 $0xFFFFEC00  }
0x1d5: {  	_ =	swait.ge [sflag:s26], $0x1400  }
0x1d6: {  	[sflag:s26] =	ssyncset.done $0x0  }
0x1d7: {  	[sflag:s26] =	ssyncadd.s32 $0xFFFFEC00  }
0x1d8: {  	_ =	swait.ge [sflag:s28], $0x1400  }
0x1d9: {  	[sflag:s28] =	ssyncset.done $0x0  }
0x1da: {  	[sflag:s28] =	ssyncadd.s32 $0xFFFFEC00  }
0x1db: {  	_ =	swait.ge [sflag:s29], $0x1400  }
0x1dc: {  	s14 =	sld [smem:$0x7DB]  }
0x1dd: {  	[sflag:s29] =	ssyncset.done $0x0  }
0x1de: {  	s25 =	sld [smem:$0x7DC];
	[sflag:s29] =	ssyncadd.s32 $0xFFFFEC00  }
0x1df: {  	[spmem:s3] =	stream.indirect.scatter.add.f32 [tilespmem:s19], [sflag:$0x9], $0x40, s14, s17, $0xb8;
	[tilespmem:$0x1FB40] =	vst v63  }
0x1e0: {  	s14 =	sld [smem:$0x7DD]  }
0x1e1: {  	[spmem:s3] =	stream.indirect.scatter.add.f32 [tilespmem:s12], [sflag:$0xA], $0x40, s25, s17, $0xb8;
	[tilespmem:$0x1FB40] =	vst v63  }
0x1e2: {  	s25 =	sld [smem:$0x7DE]  }
0x1e3: {  	[spmem:s3] =	stream.indirect.scatter.add.f32 [tilespmem:s16], [sflag:$0xB], $0x40, s14, s17, $0xb8;
	[tilespmem:$0x1FB40] =	vst v63  }
0x1e4: {  	_ = 	snop  }
0x1e5: {  	[spmem:s3] =	stream.indirect.scatter.add.f32 [tilespmem:s20], [sflag:$0xC], $0x40, s25, s17, $0xb8;
	[tilespmem:$0x1FB40] =	vst v63  }
0x1e6: {  	_ =	swait.ge [sflag:s30], $0x1400  }
0x1e7: {  	[sflag:s30] =	ssyncset.done $0x0  }
0x1e8: {  	[sflag:s30] =	ssyncadd.s32 $0xFFFFEC00  }
0x1e9: {  	_ =	swait.ge [sflag:s31], $0x1400  }
0x1ea: {  	[sflag:s31] =	ssyncset.done $0x0  }
0x1eb: {  	[sflag:s31] =	ssyncadd.s32 $0xFFFFEC00  }
0x1ec: {  	_ =	swait.ge [sflag:s1], $0x1400  }
0x1ed: {  	[sflag:s1] =	ssyncset.done $0x0  }
0x1ee: {  	[sflag:s1] =	ssyncadd.s32 $0xFFFFEC00  }
0x1ef: {  	_ =	swait.ge [sflag:s0], $0x1400  }
0x1f0: {  	s14 =	sld [smem:$0x7DF]  }
0x1f1: {  	[sflag:s0] =	ssyncset.done $0x0  }
0x1f2: {  	s25 =	sld [smem:$0x7E0];
	[sflag:s0] =	ssyncadd.s32 $0xFFFFEC00  }
0x1f3: {  	[tilespmem:s19], [sflag:$0x1] =	stream.indirect.gather [spmem:s2], $0x40, s14, s17, $0xb8;
	[tilespmem:$0x1FB40] =	vst v63  }
0x1f4: {  	s14 =	sld [smem:$0x7E2]  }
0x1f5: {  	[tilespmem:s12], [sflag:$0x2] =	stream.indirect.gather [spmem:s2], $0x40, s25, s17, $0xb8;
	[tilespmem:$0x1FB40] =	vst v63  }
0x1f6: {  	s25 =	sld [smem:$0x7E3]  }
0x1f7: {  	[tilespmem:s16], [sflag:$0x3] =	stream.indirect.gather [spmem:s2], $0x40, s14, s17, $0xb8;
	[tilespmem:$0x1FB40] =	vst v63  }
0x1f8: {  	_ = 	snop  }
0x1f9: {  	[tilespmem:s20], [sflag:$0x4] =	stream.indirect.gather [spmem:s2], $0x40, s25, s17, $0xb8;
	[tilespmem:$0x1FB40] =	vst v63  }
0x1fa: {  	_ =	swait.ge [sflag:s5], $0x1400  }
0x1fb: {  	[sflag:s5] =	ssyncset.done $0x0  }
0x1fc: {  	[sflag:s5] =	ssyncadd.s32 $0xFFFFEC00  }
0x1fd: {  	_ =	swait.ge [sflag:s7], $0x1400  }
0x1fe: {  	[sflag:s7] =	ssyncset.done $0x0  }
0x1ff: {  	[sflag:s7] =	ssyncadd.s32 $0xFFFFEC00  }
0x200: {  	_ =	swait.ge [sflag:s8], $0x1400  }
0x201: {  	[sflag:s8] =	ssyncset.done $0x0  }
0x202: {  	[sflag:s8] =	ssyncadd.s32 $0xFFFFEC00  }
0x203: {  	_ =	swait.ge [sflag:s24], $0x1400  }
0x204: {  	s14 =	sld [smem:$0x7E4]  }
0x205: {  	[sflag:s24] =	ssyncset.done $0x0  }
0x206: {  	s25 =	sld [smem:$0x7E5];
	[sflag:s24] =	ssyncadd.s32 $0xFFFFEC00  }
0x207: {  	[spmem:s3] =	stream.indirect.scatter.add.f32 [tilespmem:s21], [sflag:$0xD], $0x40, s14, s17, $0xb8;
	[tilespmem:$0x1FB40] =	vst v63  }
0x208: {  	s14 =	sld [smem:$0x7E6]  }
0x209: {  	[spmem:s3] =	stream.indirect.scatter.add.f32 [tilespmem:s22], [sflag:$0xE], $0x40, s25, s17, $0xb8;
	[tilespmem:$0x1FB40] =	vst v63  }
0x20a: {  	s25 =	sld [smem:$0x7E8]  }
0x20b: {  	[spmem:s3] =	stream.indirect.scatter.add.f32 [tilespmem:s23], [sflag:$0xF], $0x40, s14, s17, $0xb8;
	[tilespmem:$0x1FB40] =	vst v63  }
0x20c: {  	_ = 	snop  }
0x20d: {  	[spmem:s3] =	stream.indirect.scatter.add.f32 [tilespmem:s18], [sflag:$0x10], $0x40, s25, s17, $0xb8;
	[tilespmem:$0x1FB40] =	vst v63  }
0x20e: {  	_ =	swait.ge [sflag:s9], $0x1400  }
0x20f: {  	[sflag:s9] =	ssyncset.done $0x0  }
0x210: {  	[sflag:s9] =	ssyncadd.s32 $0xFFFFEC00  }
0x211: {  	_ =	swait.ge [sflag:s10], $0x1400  }
0x212: {  	[sflag:s10] =	ssyncset.done $0x0  }
0x213: {  	[sflag:s10] =	ssyncadd.s32 $0xFFFFEC00  }
0x214: {  	_ =	swait.ge [sflag:s15], $0x1400  }
0x215: {  	[sflag:s15] =	ssyncset.done $0x0  }
0x216: {  	[sflag:s15] =	ssyncadd.s32 $0xFFFFEC00  }
0x217: {  	_ =	swait.ge [sflag:s13], $0x1400  }
0x218: {  	s14 =	sld [smem:$0x7EA]  }
0x219: {  	[sflag:s13] =	ssyncset.done $0x0  }
0x21a: {  	s25 =	sld [smem:$0x7EC];
	[sflag:s13] =	ssyncadd.s32 $0xFFFFEC00  }
0x21b: {  	[tilespmem:s21], [sflag:$0x5] =	stream.indirect.gather [spmem:s2], $0x40, s14, s17, $0xb8;
	[tilespmem:$0x1FB40] =	vst v63  }
0x21c: {  	s14 =	sld [smem:$0x7EE]  }
0x21d: {  	[tilespmem:s22], [sflag:$0x6] =	stream.indirect.gather [spmem:s2], $0x40, s25, s17, $0xb8;
	[tilespmem:$0x1FB40] =	vst v63  }
0x21e: {  	s25 =	sld [smem:$0x7EF]  }
0x21f: {  	[tilespmem:s23], [sflag:$0x7] =	stream.indirect.gather [spmem:s2], $0x40, s14, s17, $0xb8;
	[tilespmem:$0x1FB40] =	vst v63  }
0x220: {  	_ = 	snop  }
0x221: {  	[tilespmem:s18], [sflag:$0x8] =	stream.indirect.gather [spmem:s2], $0x40, s25, s17, $0xb8;
	[tilespmem:$0x1FB40] =	vst v63  }
0x222: {  	_ =	swait.ge [sflag:s11], $0x1400  }
0x223: {  	[sflag:s11] =	ssyncset.done $0x0  }
0x224: {  	[sflag:s11] =	ssyncadd.s32 $0xFFFFEC00  }
0x225: {  	_ =	swait.ge [sflag:s26], $0x1400  }
0x226: {  	[sflag:s26] =	ssyncset.done $0x0  }
0x227: {  	[sflag:s26] =	ssyncadd.s32 $0xFFFFEC00  }
0x228: {  	_ =	swait.ge [sflag:s28], $0x1400  }
0x229: {  	[sflag:s28] =	ssyncset.done $0x0  }
0x22a: {  	[sflag:s28] =	ssyncadd.s32 $0xFFFFEC00  }
0x22b: {  	_ =	swait.ge [sflag:s29], $0x1400  }
0x22c: {  	s14 =	sld [smem:$0x7F0]  }
0x22d: {  	[sflag:s29] =	ssyncset.done $0x0  }
0x22e: {  	s25 =	sld [smem:$0x7F1];
	[sflag:s29] =	ssyncadd.s32 $0xFFFFEC00  }
0x22f: {  	[spmem:s3] =	stream.indirect.scatter.add.f32 [tilespmem:s19], [sflag:$0x9], $0x40, s14, s17, $0xb8;
	[tilespmem:$0x1FB40] =	vst v63  }
0x230: {  	s14 =	sld [smem:$0x7F2]  }
0x231: {  	[spmem:s3] =	stream.indirect.scatter.add.f32 [tilespmem:s12], [sflag:$0xA], $0x40, s25, s17, $0xb8;
	[tilespmem:$0x1FB40] =	vst v63  }
0x232: {  	s25 =	sld [smem:$0x7F3]  }
0x233: {  	[spmem:s3] =	stream.indirect.scatter.add.f32 [tilespmem:s16], [sflag:$0xB], $0x40, s14, s17, $0xb8;
	[tilespmem:$0x1FB40] =	vst v63  }
0x234: {  	_ = 	snop  }
0x235: {  	[spmem:s3] =	stream.indirect.scatter.add.f32 [tilespmem:s20], [sflag:$0xC], $0x40, s25, s17, $0xb8;
	[tilespmem:$0x1FB40] =	vst v63  }
0x236: {  	_ =	swait.ge [sflag:s30], $0x1400  }
0x237: {  	[sflag:s30] =	ssyncset.done $0x0  }
0x238: {  	[sflag:s30] =	ssyncadd.s32 $0xFFFFEC00  }
0x239: {  	_ =	swait.ge [sflag:s31], $0x1400  }
0x23a: {  	[sflag:s31] =	ssyncset.done $0x0  }
0x23b: {  	[sflag:s31] =	ssyncadd.s32 $0xFFFFEC00  }
0x23c: {  	_ =	swait.ge [sflag:s1], $0x1400  }
0x23d: {  	[sflag:s1] =	ssyncset.done $0x0  }
0x23e: {  	[sflag:s1] =	ssyncadd.s32 $0xFFFFEC00  }
0x23f: {  	_ =	swait.ge [sflag:s0], $0x1400  }
0x240: {  	s6 =	sld [smem:$0x7F4]  }
0x241: {  	[sflag:s0] =	ssyncset.done $0x0  }
0x242: {  	s14 =	sld [smem:$0x7F5];
	[sflag:s0] =	ssyncadd.s32 $0xFFFFEC00  }
0x243: {  	[tilespmem:s19], [sflag:$0x1] =	stream.indirect.gather [spmem:s2], $0x40, s6, s17, $0xb8;
	[tilespmem:$0x1FB40] =	vst v63  }
0x244: {  	_ = 	snop  }
0x245: {  	[tilespmem:s12], [sflag:$0x2] =	stream.indirect.gather [spmem:s2], $0x40, s14, s17, $0xb8;
	[tilespmem:$0x1FB40] =	vst v63  }
0x246: {  	_ =	swait.ge [sflag:s5], $0x1400  }
0x247: {  	[sflag:s5] =	ssyncset.done $0x0  }
0x248: {  	[sflag:s5] =	ssyncadd.s32 $0xFFFFEC00  }
0x249: {  	_ =	swait.ge [sflag:s7], $0x1400  }
0x24a: {  	[sflag:s7] =	ssyncset.done $0x0  }
0x24b: {  	[sflag:s7] =	ssyncadd.s32 $0xFFFFEC00  }
0x24c: {  	_ =	swait.ge [sflag:s8], $0x1400  }
0x24d: {  	[sflag:s8] =	ssyncset.done $0x0  }
0x24e: {  	[sflag:s8] =	ssyncadd.s32 $0xFFFFEC00  }
0x24f: {  	_ =	swait.ge [sflag:s24], $0x1400  }
0x250: {  	s16 =	sld [smem:$0x7F6]  }
0x251: {  	[sflag:s24] =	ssyncset.done $0x0  }
0x252: {  	s20 =	sld [smem:$0x7F7];
	[sflag:s24] =	ssyncadd.s32 $0xFFFFEC00  }
0x253: {  	[spmem:s3] =	stream.indirect.scatter.add.f32 [tilespmem:s21], [sflag:$0xD], $0x40, s16, s17, $0xb8;
	[tilespmem:$0x1FB40] =	vst v63  }
0x254: {  	s21 =	sld [smem:$0x7F8]  }
0x255: {  	[spmem:s3] =	stream.indirect.scatter.add.f32 [tilespmem:s22], [sflag:$0xE], $0x40, s20, s17, $0xb8;
	[tilespmem:$0x1FB40] =	vst v63  }
0x256: {  	s22 =	sld [smem:$0x7F9]  }
0x257: {  	[spmem:s3] =	stream.indirect.scatter.add.f32 [tilespmem:s23], [sflag:$0xF], $0x40, s21, s17, $0xb8;
	[tilespmem:$0x1FB40] =	vst v63  }
0x258: {  	_ = 	snop  }
0x259: {  	[spmem:s3] =	stream.indirect.scatter.add.f32 [tilespmem:s18], [sflag:$0x10], $0x40, s22, s17, $0xb8;
	[tilespmem:$0x1FB40] =	vst v63  }
0x25a: {  	_ =	swait.ge [sflag:s9], $0x1400  }
0x25b: {  	[sflag:s9] =	ssyncset.done $0x0  }
0x25c: {  	[sflag:s9] =	ssyncadd.s32 $0xFFFFEC00  }
0x25d: {  	_ =	swait.ge [sflag:s10], $0x1400  }
0x25e: {  	[sflag:s10] =	ssyncset.done $0x0  }
0x25f: {  	[sflag:s10] =	ssyncadd.s32 $0xFFFFEC00  }
0x260: {  	_ =	swait.ge [sflag:s15], $0x1400  }
0x261: {  	[sflag:s15] =	ssyncset.done $0x0  }
0x262: {  	[sflag:s15] =	ssyncadd.s32 $0xFFFFEC00  }
0x263: {  	_ =	swait.ge [sflag:s13], $0x1400  }
0x264: {  	[sflag:s13] =	ssyncset.done $0x0  }
0x265: {  	[sflag:s13] =	ssyncadd.s32 $0xFFFFEC00  }
0x266: {  	_ =	swait.ge [sflag:s11], $0x1400  }
0x267: {  	[sflag:s11] =	ssyncset.done $0x0  }
0x268: {  	[sflag:s11] =	ssyncadd.s32 $0xFFFFEC00  }
0x269: {  	_ =	swait.ge [sflag:s26], $0x1400  }
0x26a: {  	s24 =	sld [smem:$0x7FA]  }
0x26b: {  	[sflag:s26] =	ssyncset.done $0x0  }
0x26c: {  	s25 =	sld [smem:$0x7FB];
	[sflag:s26] =	ssyncadd.s32 $0xFFFFEC00  }
0x26d: {  	[spmem:s3] =	stream.indirect.scatter.add.f32 [tilespmem:s19], [sflag:$0x9], $0x40, s24, s17, $0xb8;
	[tilespmem:$0x1FB40] =	vst v63  }
0x26e: {  	_ = 	snop  }
0x26f: {  	[spmem:s3] =	stream.indirect.scatter.add.f32 [tilespmem:s12], [sflag:$0xA], $0x40, s25, s17, $0xb8;
	[tilespmem:$0x1FB40] =	vst v63  }
0x270: {  	_ =	swait.ge [sflag:s30], $0x1400  }
0x271: {  	[sflag:s30] =	ssyncset.done $0x0  }
0x272: {  	[sflag:s30] =	ssyncadd.s32 $0xFFFFEC00  }
0x273: {  	s6 =	simm.s32 $0x1F4;
	_ =	swait.ge [sflag:s31], $0x1400  }
0x274: {  	s16 =	simm.s32 $0x3E8;
	s4 =	rddreg [dreg:$0x6];
	[sflag:s31] =	ssyncset.done $0x0  }
.LBB2_2:
0x275: {  	[sflag:s31] =	ssyncadd.s32 $0xFFFFEC00  }
0x276: {  	s4 =	sadd.s32 s6, s4;
	s20 =	simm.s32 $0x0;
	s21 =	simm.s32 $0x11  }
0x277: {  	[tilespmem:s20], [sflag:$0x11] =	stream.linear.gather [hbm4b:s4+s20], $0xFA0, $0x38;
	[tilespmem:$0x1FB40] =	vst v63  }
0x278: {  	_ =	swait.ge [sflag:s21], $0xFA0  }
0x279: {  	s19 =	rddreg [dreg:$0x7];
	[sflag:s21] =	ssyncset.done $0x0  }
0x27a: {  	s22 =	simm.s32 $0xFA0;
	[sflag:s21] =	ssyncadd.s32 $0xFFFFF060;
	s4 =	sadd.s32 s6, s19  }
0x27b: {  	[tilespmem:s22], [sflag:$0x11] =	stream.linear.gather [hbm4b:s4+s20], $0xFA0, $0x38;
	[tilespmem:$0x1FB40] =	vst v63  }
0x27c: {  	_ =	swait.ge [sflag:s21], $0xFA0  }
0x27d: {  	[sflag:s21] =	ssyncset.done $0x0  }
0x27e: {  	s19 =	simm.s32 $0x1F40;
	[sflag:s21] =	ssyncadd.s32 $0xFFFFF060  }
0x27f: {  	[tilespmem:s19], [sflag:$0x1] =	stream.indirect.gather [spmem:s2], $0x40, s20, s17, $0xb8;
	[tilespmem:$0x1FB40] =	vst v63  }
0x280: {  	s12 =	simm.s32 $0x3340  }
0x281: {  	[tilespmem:s12], [sflag:$0x2] =	stream.indirect.gather [spmem:s2], $0x40, s17, s17, $0xb8;
	[tilespmem:$0x1FB40] =	vst v63  }
0x282: {  	s21 =	rddreg [dreg:$0x8];
	s20 =	simm.s32 $0x4740  }
0x283: {  	[tilespmem:s20], [sflag:$0x3] =	stream.indirect.gather [spmem:s2], $0x40, s21, s17, $0xb8;
	[tilespmem:$0x1FB40] =	vst v63  }
0x284: {  	s23 =	rddreg [dreg:$0x9];
	s21 =	simm.s32 $0x5B40  }
0x285: {  	[tilespmem:s21], [sflag:$0x4] =	stream.indirect.gather [spmem:s2], $0x40, s23, s17, $0xb8;
	[tilespmem:$0x1FB40] =	vst v63  }
0x286: {  	s24 =	rddreg [dreg:$0xa];
	s23 =	simm.s32 $0x6F40  }
0x287: {  	[tilespmem:s23], [sflag:$0x5] =	stream.indirect.gather [spmem:s2], $0x40, s24, s17, $0xb8;
	[tilespmem:$0x1FB40] =	vst v63  }
0x288: {  	s25 =	rddreg [dreg:$0xb];
	s24 =	simm.s32 $0x8340  }
0x289: {  	[tilespmem:s24], [sflag:$0x6] =	stream.indirect.gather [spmem:s2], $0x40, s25, s17, $0xb8;
	[tilespmem:$0x1FB40] =	vst v63  }
0x28a: {  	s14 =	smov.u32 s16;
	s18 =	rddreg [dreg:$0xc];
	s25 =	simm.s32 $0x9740  }
0x28b: {  	[tilespmem:s25], [sflag:$0x7] =	stream.indirect.gather [spmem:s2], $0x40, s18, s17, $0xb8;
	[tilespmem:$0x1FB40] =	vst v63  }
0x28c: {  	s6 =	smov.u32 s14;
	s14 =	rddreg [dreg:$0xd];
	s18 =	simm.s32 $0xAB40  }
0x28d: {  	[tilespmem:s18], [sflag:$0x8] =	stream.indirect.gather [spmem:s2], $0x40, s14, s17, $0xb8;
	[tilespmem:$0x1FB40] =	vst v63  }
0x28e: {  	_ =	swait.ge [sflag:s11], $0x1400  }
0x28f: {  	[sflag:s11] =	ssyncset.done $0x0  }
0x290: {  	[sflag:s11] =	ssyncadd.s32 $0xFFFFEC00  }
0x291: {  	_ =	swait.ge [sflag:s26], $0x1400  }
0x292: {  	[sflag:s26] =	ssyncset.done $0x0  }
0x293: {  	[sflag:s26] =	ssyncadd.s32 $0xFFFFEC00  }
0x294: {  	_ =	swait.ge [sflag:s28], $0x1400  }
0x295: {  	[sflag:s28] =	ssyncset.done $0x0  }
0x296: {  	[sflag:s28] =	ssyncadd.s32 $0xFFFFEC00  }
0x297: {  	_ =	swait.ge [sflag:s29], $0x1400  }
0x298: {  	[sflag:s29] =	ssyncset.done $0x0  }
0x299: {  	[sflag:s29] =	ssyncadd.s32 $0xFFFFEC00  }
0x29a: {  	[spmem:s3] =	stream.indirect.scatter.add.f32 [tilespmem:s19], [sflag:$0x9], $0x40, s22, s17, $0xb8;
	[tilespmem:$0x1FB40] =	vst v63  }
0x29b: {  	s4 =	rddreg [dreg:$0xe]  }
0x29c: {  	[spmem:s3] =	stream.indirect.scatter.add.f32 [tilespmem:s12], [sflag:$0xA], $0x40, s4, s17, $0xb8;
	[tilespmem:$0x1FB40] =	vst v63  }
0x29d: {  	s14 =	rddreg [dreg:$0xf]  }
0x29e: {  	[spmem:s3] =	stream.indirect.scatter.add.f32 [tilespmem:s20], [sflag:$0xB], $0x40, s14, s17, $0xb8;
	[tilespmem:$0x1FB40] =	vst v63  }
0x29f: {  	s22 =	rddreg [dreg:$0x10]  }
0x2a0: {  	[spmem:s3] =	stream.indirect.scatter.add.f32 [tilespmem:s21], [sflag:$0xC], $0x40, s22, s17, $0xb8;
	[tilespmem:$0x1FB40] =	vst v63  }
0x2a1: {  	_ =	swait.ge [sflag:s30], $0x1400  }
0x2a2: {  	[sflag:s30] =	ssyncset.done $0x0  }
0x2a3: {  	[sflag:s30] =	ssyncadd.s32 $0xFFFFEC00  }
0x2a4: {  	_ =	swait.ge [sflag:s31], $0x1400  }
0x2a5: {  	[sflag:s31] =	ssyncset.done $0x0  }
0x2a6: {  	[sflag:s31] =	ssyncadd.s32 $0xFFFFEC00  }
0x2a7: {  	_ =	swait.ge [sflag:s1], $0x1400  }
0x2a8: {  	[sflag:s1] =	ssyncset.done $0x0  }
0x2a9: {  	[sflag:s1] =	ssyncadd.s32 $0xFFFFEC00  }
0x2aa: {  	_ =	swait.ge [sflag:s0], $0x1400  }
0x2ab: {  	[sflag:s0] =	ssyncset.done $0x0  }
0x2ac: {  	s14 =	rddreg [dreg:$0x11];
	[sflag:s0] =	ssyncadd.s32 $0xFFFFEC00  }
0x2ad: {  	[tilespmem:s19], [sflag:$0x1] =	stream.indirect.gather [spmem:s2], $0x40, s14, s17, $0xb8;
	[tilespmem:$0x1FB40] =	vst v63  }
0x2ae: {  	s22 =	rddreg [dreg:$0x12]  }
0x2af: {  	[tilespmem:s12], [sflag:$0x2] =	stream.indirect.gather [spmem:s2], $0x40, s22, s17, $0xb8;
	[tilespmem:$0x1FB40] =	vst v63  }
0x2b0: {  	s4 =	rddreg [dreg:$0x13]  }
0x2b1: {  	[tilespmem:s20], [sflag:$0x3] =	stream.indirect.gather [spmem:s2], $0x40, s4, s17, $0xb8;
	[tilespmem:$0x1FB40] =	vst v63  }
0x2b2: {  	s22 =	rddreg [dreg:$0x14]  }
0x2b3: {  	[tilespmem:s21], [sflag:$0x4] =	stream.indirect.gather [spmem:s2], $0x40, s22, s17, $0xb8;
	[tilespmem:$0x1FB40] =	vst v63  }
0x2b4: {  	_ =	swait.ge [sflag:s5], $0x1400  }
0x2b5: {  	[sflag:s5] =	ssyncset.done $0x0  }
0x2b6: {  	[sflag:s5] =	ssyncadd.s32 $0xFFFFEC00  }
0x2b7: {  	_ =	swait.ge [sflag:s7], $0x1400  }
0x2b8: {  	[sflag:s7] =	ssyncset.done $0x0  }
0x2b9: {  	[sflag:s7] =	ssyncadd.s32 $0xFFFFEC00  }
0x2ba: {  	_ =	swait.ge [sflag:s8], $0x1400  }
0x2bb: {  	[sflag:s8] =	ssyncset.done $0x0  }
0x2bc: {  	s22 =	simm.s32 $0x8;
	[sflag:s8] =	ssyncadd.s32 $0xFFFFEC00  }
0x2bd: {  	_ =	swait.ge [sflag:s22], $0x1400  }
0x2be: {  	[sflag:s22] =	ssyncset.done $0x0  }
0x2bf: {  	s4 =	rddreg [dreg:$0x15];
	[sflag:s22] =	ssyncadd.s32 $0xFFFFEC00  }
0x2c0: {  	[spmem:s3] =	stream.indirect.scatter.add.f32 [tilespmem:s23], [sflag:$0xD], $0x40, s4, s17, $0xb8;
	[tilespmem:$0x1FB40] =	vst v63  }
0x2c1: {  	s14 =	rddreg [dreg:$0x16]  }
0x2c2: {  	[spmem:s3] =	stream.indirect.scatter.add.f32 [tilespmem:s24], [sflag:$0xE], $0x40, s14, s17, $0xb8;
	[tilespmem:$0x1FB40] =	vst v63  }
0x2c3: {  	s4 =	rddreg [dreg:$0x17]  }
0x2c4: {  	[spmem:s3] =	stream.indirect.scatter.add.f32 [tilespmem:s25], [sflag:$0xF], $0x40, s4, s17, $0xb8;
	[tilespmem:$0x1FB40] =	vst v63  }
0x2c5: {  	s14 =	rddreg [dreg:$0x18]  }
0x2c6: {  	[spmem:s3] =	stream.indirect.scatter.add.f32 [tilespmem:s18], [sflag:$0x10], $0x40, s14, s17, $0xb8;
	[tilespmem:$0x1FB40] =	vst v63  }
0x2c7: {  	_ =	swait.ge [sflag:s9], $0x1400  }
0x2c8: {  	[sflag:s9] =	ssyncset.done $0x0  }
0x2c9: {  	[sflag:s9] =	ssyncadd.s32 $0xFFFFEC00  }
0x2ca: {  	_ =	swait.ge [sflag:s10], $0x1400  }
0x2cb: {  	[sflag:s10] =	ssyncset.done $0x0  }
0x2cc: {  	[sflag:s10] =	ssyncadd.s32 $0xFFFFEC00  }
0x2cd: {  	_ =	swait.ge [sflag:s15], $0x1400  }
0x2ce: {  	[sflag:s15] =	ssyncset.done $0x0  }
0x2cf: {  	[sflag:s15] =	ssyncadd.s32 $0xFFFFEC00  }
0x2d0: {  	_ =	swait.ge [sflag:s13], $0x1400  }
0x2d1: {  	[sflag:s13] =	ssyncset.done $0x0  }
0x2d2: {  	s4 =	rddreg [dreg:$0x19];
	[sflag:s13] =	ssyncadd.s32 $0xFFFFEC00  }
0x2d3: {  	[tilespmem:s23], [sflag:$0x5] =	stream.indirect.gather [spmem:s2], $0x40, s4, s17, $0xb8;
	[tilespmem:$0x1FB40] =	vst v63  }
0x2d4: {  	s14 =	rddreg [dreg:$0x1a]  }
0x2d5: {  	[tilespmem:s24], [sflag:$0x6] =	stream.indirect.gather [spmem:s2], $0x40, s14, s17, $0xb8;
	[tilespmem:$0x1FB40] =	vst v63  }
0x2d6: {  	s4 =	rddreg [dreg:$0x1b]  }
0x2d7: {  	[tilespmem:s25], [sflag:$0x7] =	stream.indirect.gather [spmem:s2], $0x40, s4, s17, $0xb8;
	[tilespmem:$0x1FB40] =	vst v63  }
0x2d8: {  	s14 =	rddreg [dreg:$0x1c]  }
0x2d9: {  	[tilespmem:s18], [sflag:$0x8] =	stream.indirect.gather [spmem:s2], $0x40, s14, s17, $0xb8;
	[tilespmem:$0x1FB40] =	vst v63  }
0x2da: {  	_ =	swait.ge [sflag:s11], $0x1400  }
0x2db: {  	[sflag:s11] =	ssyncset.done $0x0  }
0x2dc: {  	[sflag:s11] =	ssyncadd.s32 $0xFFFFEC00  }
0x2dd: {  	_ =	swait.ge [sflag:s26], $0x1400  }
0x2de: {  	[sflag:s26] =	ssyncset.done $0x0  }
0x2df: {  	[sflag:s26] =	ssyncadd.s32 $0xFFFFEC00  }
0x2e0: {  	_ =	swait.ge [sflag:s28], $0x1400  }
0x2e1: {  	[sflag:s28] =	ssyncset.done $0x0  }
0x2e2: {  	[sflag:s28] =	ssyncadd.s32 $0xFFFFEC00  }
0x2e3: {  	_ =	swait.ge [sflag:s29], $0x1400  }
0x2e4: {  	s4 =	rddreg [dreg:$0x1d];
	[sflag:s29] =	ssyncset.done $0x0  }
0x2e5: {  	s14 =	rddreg [dreg:$0x1e];
	[sflag:s29] =	ssyncadd.s32 $0xFFFFEC00  }
0x2e6: {  	[spmem:s3] =	stream.indirect.scatter.add.f32 [tilespmem:s19], [sflag:$0x9], $0x40, s4, s17, $0xb8;
	[tilespmem:$0x1FB40] =	vst v63  }
0x2e7: {  	s4 =	rddreg [dreg:$0x1f]  }
0x2e8: {  	[spmem:s3] =	stream.indirect.scatter.add.f32 [tilespmem:s12], [sflag:$0xA], $0x40, s14, s17, $0xb8;
	[tilespmem:$0x1FB40] =	vst v63  }
0x2e9: {  	s14 =	sld [smem:$0x7AE]  }
0x2ea: {  	[spmem:s3] =	stream.indirect.scatter.add.f32 [tilespmem:s20], [sflag:$0xB], $0x40, s4, s17, $0xb8;
	[tilespmem:$0x1FB40] =	vst v63  }
0x2eb: {  	_ = 	snop  }
0x2ec: {  	[spmem:s3] =	stream.indirect.scatter.add.f32 [tilespmem:s21], [sflag:$0xC], $0x40, s14, s17, $0xb8;
	[tilespmem:$0x1FB40] =	vst v63  }
0x2ed: {  	_ =	swait.ge [sflag:s30], $0x1400  }
0x2ee: {  	[sflag:s30] =	ssyncset.done $0x0  }
0x2ef: {  	[sflag:s30] =	ssyncadd.s32 $0xFFFFEC00  }
0x2f0: {  	_ =	swait.ge [sflag:s31], $0x1400  }
0x2f1: {  	[sflag:s31] =	ssyncset.done $0x0  }
0x2f2: {  	[sflag:s31] =	ssyncadd.s32 $0xFFFFEC00  }
0x2f3: {  	_ =	swait.ge [sflag:s1], $0x1400  }
0x2f4: {  	[sflag:s1] =	ssyncset.done $0x0  }
0x2f5: {  	[sflag:s1] =	ssyncadd.s32 $0xFFFFEC00  }
0x2f6: {  	_ =	swait.ge [sflag:s0], $0x1400  }
0x2f7: {  	s4 =	sld [smem:$0x7AF]  }
0x2f8: {  	[sflag:s0] =	ssyncset.done $0x0  }
0x2f9: {  	s14 =	sld [smem:$0x7B0];
	[sflag:s0] =	ssyncadd.s32 $0xFFFFEC00  }
0x2fa: {  	[tilespmem:s19], [sflag:$0x1] =	stream.indirect.gather [spmem:s2], $0x40, s4, s17, $0xb8;
	[tilespmem:$0x1FB40] =	vst v63  }
0x2fb: {  	s4 =	sld [smem:$0x7B1]  }
0x2fc: {  	[tilespmem:s12], [sflag:$0x2] =	stream.indirect.gather [spmem:s2], $0x40, s14, s17, $0xb8;
	[tilespmem:$0x1FB40] =	vst v63  }
0x2fd: {  	s14 =	sld [smem:$0x7B2]  }
0x2fe: {  	[tilespmem:s20], [sflag:$0x3] =	stream.indirect.gather [spmem:s2], $0x40, s4, s17, $0xb8;
	[tilespmem:$0x1FB40] =	vst v63  }
0x2ff: {  	_ = 	snop  }
0x300: {  	[tilespmem:s21], [sflag:$0x4] =	stream.indirect.gather [spmem:s2], $0x40, s14, s17, $0xb8;
	[tilespmem:$0x1FB40] =	vst v63  }
0x301: {  	_ =	swait.ge [sflag:s5], $0x1400  }
0x302: {  	[sflag:s5] =	ssyncset.done $0x0  }
0x303: {  	[sflag:s5] =	ssyncadd.s32 $0xFFFFEC00  }
0x304: {  	_ =	swait.ge [sflag:s7], $0x1400  }
0x305: {  	[sflag:s7] =	ssyncset.done $0x0  }
0x306: {  	[sflag:s7] =	ssyncadd.s32 $0xFFFFEC00  }
0x307: {  	_ =	swait.ge [sflag:s8], $0x1400  }
0x308: {  	[sflag:s8] =	ssyncset.done $0x0  }
0x309: {  	[sflag:s8] =	ssyncadd.s32 $0xFFFFEC00  }
0x30a: {  	_ =	swait.ge [sflag:s22], $0x1400  }
0x30b: {  	s4 =	sld [smem:$0x7B3]  }
0x30c: {  	[sflag:s22] =	ssyncset.done $0x0  }
0x30d: {  	s14 =	sld [smem:$0x7B4];
	[sflag:s22] =	ssyncadd.s32 $0xFFFFEC00  }
0x30e: {  	[spmem:s3] =	stream.indirect.scatter.add.f32 [tilespmem:s23], [sflag:$0xD], $0x40, s4, s17, $0xb8;
	[tilespmem:$0x1FB40] =	vst v63  }
0x30f: {  	s4 =	sld [smem:$0x7B5]  }
0x310: {  	[spmem:s3] =	stream.indirect.scatter.add.f32 [tilespmem:s24], [sflag:$0xE], $0x40, s14, s17, $0xb8;
	[tilespmem:$0x1FB40] =	vst v63  }
0x311: {  	s14 =	sld [smem:$0x7B6]  }
0x312: {  	[spmem:s3] =	stream.indirect.scatter.add.f32 [tilespmem:s25], [sflag:$0xF], $0x40, s4, s17, $0xb8;
	[tilespmem:$0x1FB40] =	vst v63  }
0x313: {  	_ = 	snop  }
0x314: {  	[spmem:s3] =	stream.indirect.scatter.add.f32 [tilespmem:s18], [sflag:$0x10], $0x40, s14, s17, $0xb8;
	[tilespmem:$0x1FB40] =	vst v63  }
0x315: {  	_ =	swait.ge [sflag:s9], $0x1400  }
0x316: {  	[sflag:s9] =	ssyncset.done $0x0  }
0x317: {  	[sflag:s9] =	ssyncadd.s32 $0xFFFFEC00  }
0x318: {  	_ =	swait.ge [sflag:s10], $0x1400  }
0x319: {  	[sflag:s10] =	ssyncset.done $0x0  }
0x31a: {  	[sflag:s10] =	ssyncadd.s32 $0xFFFFEC00  }
0x31b: {  	_ =	swait.ge [sflag:s15], $0x1400  }
0x31c: {  	[sflag:s15] =	ssyncset.done $0x0  }
0x31d: {  	[sflag:s15] =	ssyncadd.s32 $0xFFFFEC00  }
0x31e: {  	_ =	swait.ge [sflag:s13], $0x1400  }
0x31f: {  	s4 =	sld [smem:$0x7B7]  }
0x320: {  	[sflag:s13] =	ssyncset.done $0x0  }
0x321: {  	s14 =	sld [smem:$0x7B8];
	[sflag:s13] =	ssyncadd.s32 $0xFFFFEC00  }
0x322: {  	[tilespmem:s23], [sflag:$0x5] =	stream.indirect.gather [spmem:s2], $0x40, s4, s17, $0xb8;
	[tilespmem:$0x1FB40] =	vst v63  }
0x323: {  	s4 =	sld [smem:$0x7B9]  }
0x324: {  	[tilespmem:s24], [sflag:$0x6] =	stream.indirect.gather [spmem:s2], $0x40, s14, s17, $0xb8;
	[tilespmem:$0x1FB40] =	vst v63  }
0x325: {  	s14 =	sld [smem:$0x7BA]  }
0x326: {  	[tilespmem:s25], [sflag:$0x7] =	stream.indirect.gather [spmem:s2], $0x40, s4, s17, $0xb8;
	[tilespmem:$0x1FB40] =	vst v63  }
0x327: {  	_ = 	snop  }
0x328: {  	[tilespmem:s18], [sflag:$0x8] =	stream.indirect.gather [spmem:s2], $0x40, s14, s17, $0xb8;
	[tilespmem:$0x1FB40] =	vst v63  }
0x329: {  	_ =	swait.ge [sflag:s11], $0x1400  }
0x32a: {  	[sflag:s11] =	ssyncset.done $0x0  }
0x32b: {  	[sflag:s11] =	ssyncadd.s32 $0xFFFFEC00  }
0x32c: {  	_ =	swait.ge [sflag:s26], $0x1400  }
0x32d: {  	[sflag:s26] =	ssyncset.done $0x0  }
0x32e: {  	[sflag:s26] =	ssyncadd.s32 $0xFFFFEC00  }
0x32f: {  	_ =	swait.ge [sflag:s28], $0x1400  }
0x330: {  	[sflag:s28] =	ssyncset.done $0x0  }
0x331: {  	[sflag:s28] =	ssyncadd.s32 $0xFFFFEC00  }
0x332: {  	_ =	swait.ge [sflag:s29], $0x1400  }
0x333: {  	s4 =	sld [smem:$0x7BB]  }
0x334: {  	[sflag:s29] =	ssyncset.done $0x0  }
0x335: {  	s14 =	sld [smem:$0x7BC];
	[sflag:s29] =	ssyncadd.s32 $0xFFFFEC00  }
0x336: {  	[spmem:s3] =	stream.indirect.scatter.add.f32 [tilespmem:s19], [sflag:$0x9], $0x40, s4, s17, $0xb8;
	[tilespmem:$0x1FB40] =	vst v63  }
0x337: {  	s4 =	sld [smem:$0x7BD]  }
0x338: {  	[spmem:s3] =	stream.indirect.scatter.add.f32 [tilespmem:s12], [sflag:$0xA], $0x40, s14, s17, $0xb8;
	[tilespmem:$0x1FB40] =	vst v63  }
0x339: {  	s14 =	sld [smem:$0x7BE]  }
0x33a: {  	[spmem:s3] =	stream.indirect.scatter.add.f32 [tilespmem:s20], [sflag:$0xB], $0x40, s4, s17, $0xb8;
	[tilespmem:$0x1FB40] =	vst v63  }
0x33b: {  	_ = 	snop  }
0x33c: {  	[spmem:s3] =	stream.indirect.scatter.add.f32 [tilespmem:s21], [sflag:$0xC], $0x40, s14, s17, $0xb8;
	[tilespmem:$0x1FB40] =	vst v63  }
0x33d: {  	_ =	swait.ge [sflag:s30], $0x1400  }
0x33e: {  	[sflag:s30] =	ssyncset.done $0x0  }
0x33f: {  	[sflag:s30] =	ssyncadd.s32 $0xFFFFEC00  }
0x340: {  	_ =	swait.ge [sflag:s31], $0x1400  }
0x341: {  	[sflag:s31] =	ssyncset.done $0x0  }
0x342: {  	[sflag:s31] =	ssyncadd.s32 $0xFFFFEC00  }
0x343: {  	_ =	swait.ge [sflag:s1], $0x1400  }
0x344: {  	[sflag:s1] =	ssyncset.done $0x0  }
0x345: {  	[sflag:s1] =	ssyncadd.s32 $0xFFFFEC00  }
0x346: {  	_ =	swait.ge [sflag:s0], $0x1400  }
0x347: {  	s4 =	sld [smem:$0x7BF]  }
0x348: {  	[sflag:s0] =	ssyncset.done $0x0  }
0x349: {  	s14 =	sld [smem:$0x7C0];
	[sflag:s0] =	ssyncadd.s32 $0xFFFFEC00  }
0x34a: {  	[tilespmem:s19], [sflag:$0x1] =	stream.indirect.gather [spmem:s2], $0x40, s4, s17, $0xb8;
	[tilespmem:$0x1FB40] =	vst v63  }
0x34b: {  	s4 =	sld [smem:$0x7C1]  }
0x34c: {  	[tilespmem:s12], [sflag:$0x2] =	stream.indirect.gather [spmem:s2], $0x40, s14, s17, $0xb8;
	[tilespmem:$0x1FB40] =	vst v63  }
0x34d: {  	s14 =	sld [smem:$0x7C2]  }
0x34e: {  	[tilespmem:s20], [sflag:$0x3] =	stream.indirect.gather [spmem:s2], $0x40, s4, s17, $0xb8;
	[tilespmem:$0x1FB40] =	vst v63  }
0x34f: {  	_ = 	snop  }
0x350: {  	[tilespmem:s21], [sflag:$0x4] =	stream.indirect.gather [spmem:s2], $0x40, s14, s17, $0xb8;
	[tilespmem:$0x1FB40] =	vst v63  }
0x351: {  	_ =	swait.ge [sflag:s5], $0x1400  }
0x352: {  	[sflag:s5] =	ssyncset.done $0x0  }
0x353: {  	[sflag:s5] =	ssyncadd.s32 $0xFFFFEC00  }
0x354: {  	_ =	swait.ge [sflag:s7], $0x1400  }
0x355: {  	[sflag:s7] =	ssyncset.done $0x0  }
0x356: {  	[sflag:s7] =	ssyncadd.s32 $0xFFFFEC00  }
0x357: {  	_ =	swait.ge [sflag:s8], $0x1400  }
0x358: {  	[sflag:s8] =	ssyncset.done $0x0  }
0x359: {  	[sflag:s8] =	ssyncadd.s32 $0xFFFFEC00  }
0x35a: {  	_ =	swait.ge [sflag:s22], $0x1400  }
0x35b: {  	s4 =	sld [smem:$0x7C3]  }
0x35c: {  	[sflag:s22] =	ssyncset.done $0x0  }
0x35d: {  	s14 =	sld [smem:$0x7C4];
	[sflag:s22] =	ssyncadd.s32 $0xFFFFEC00  }
0x35e: {  	[spmem:s3] =	stream.indirect.scatter.add.f32 [tilespmem:s23], [sflag:$0xD], $0x40, s4, s17, $0xb8;
	[tilespmem:$0x1FB40] =	vst v63  }
0x35f: {  	s4 =	sld [smem:$0x7C5]  }
0x360: {  	[spmem:s3] =	stream.indirect.scatter.add.f32 [tilespmem:s24], [sflag:$0xE], $0x40, s14, s17, $0xb8;
	[tilespmem:$0x1FB40] =	vst v63  }
0x361: {  	s14 =	sld [smem:$0x7C6]  }
0x362: {  	[spmem:s3] =	stream.indirect.scatter.add.f32 [tilespmem:s25], [sflag:$0xF], $0x40, s4, s17, $0xb8;
	[tilespmem:$0x1FB40] =	vst v63  }
0x363: {  	_ = 	snop  }
0x364: {  	[spmem:s3] =	stream.indirect.scatter.add.f32 [tilespmem:s18], [sflag:$0x10], $0x40, s14, s17, $0xb8;
	[tilespmem:$0x1FB40] =	vst v63  }
0x365: {  	_ =	swait.ge [sflag:s9], $0x1400  }
0x366: {  	[sflag:s9] =	ssyncset.done $0x0  }
0x367: {  	[sflag:s9] =	ssyncadd.s32 $0xFFFFEC00  }
0x368: {  	_ =	swait.ge [sflag:s10], $0x1400  }
0x369: {  	[sflag:s10] =	ssyncset.done $0x0  }
0x36a: {  	[sflag:s10] =	ssyncadd.s32 $0xFFFFEC00  }
0x36b: {  	_ =	swait.ge [sflag:s15], $0x1400  }
0x36c: {  	[sflag:s15] =	ssyncset.done $0x0  }
0x36d: {  	[sflag:s15] =	ssyncadd.s32 $0xFFFFEC00  }
0x36e: {  	_ =	swait.ge [sflag:s13], $0x1400  }
0x36f: {  	s4 =	sld [smem:$0x7C7]  }
0x370: {  	[sflag:s13] =	ssyncset.done $0x0  }
0x371: {  	s14 =	sld [smem:$0x7C8];
	[sflag:s13] =	ssyncadd.s32 $0xFFFFEC00  }
0x372: {  	[tilespmem:s23], [sflag:$0x5] =	stream.indirect.gather [spmem:s2], $0x40, s4, s17, $0xb8;
	[tilespmem:$0x1FB40] =	vst v63  }
0x373: {  	s4 =	sld [smem:$0x7C9]  }
0x374: {  	[tilespmem:s24], [sflag:$0x6] =	stream.indirect.gather [spmem:s2], $0x40, s14, s17, $0xb8;
	[tilespmem:$0x1FB40] =	vst v63  }
0x375: {  	s14 =	sld [smem:$0x7CA]  }
0x376: {  	[tilespmem:s25], [sflag:$0x7] =	stream.indirect.gather [spmem:s2], $0x40, s4, s17, $0xb8;
	[tilespmem:$0x1FB40] =	vst v63  }
0x377: {  	_ = 	snop  }
0x378: {  	[tilespmem:s18], [sflag:$0x8] =	stream.indirect.gather [spmem:s2], $0x40, s14, s17, $0xb8;
	[tilespmem:$0x1FB40] =	vst v63  }
0x379: {  	_ =	swait.ge [sflag:s11], $0x1400  }
0x37a: {  	[sflag:s11] =	ssyncset.done $0x0  }
0x37b: {  	[sflag:s11] =	ssyncadd.s32 $0xFFFFEC00  }
0x37c: {  	_ =	swait.ge [sflag:s26], $0x1400  }
0x37d: {  	[sflag:s26] =	ssyncset.done $0x0  }
0x37e: {  	[sflag:s26] =	ssyncadd.s32 $0xFFFFEC00  }
0x37f: {  	_ =	swait.ge [sflag:s28], $0x1400  }
0x380: {  	[sflag:s28] =	ssyncset.done $0x0  }
0x381: {  	[sflag:s28] =	ssyncadd.s32 $0xFFFFEC00  }
0x382: {  	_ =	swait.ge [sflag:s29], $0x1400  }
0x383: {  	s4 =	sld [smem:$0x7CB]  }
0x384: {  	[sflag:s29] =	ssyncset.done $0x0  }
0x385: {  	s14 =	sld [smem:$0x7CC];
	[sflag:s29] =	ssyncadd.s32 $0xFFFFEC00  }
0x386: {  	[spmem:s3] =	stream.indirect.scatter.add.f32 [tilespmem:s19], [sflag:$0x9], $0x40, s4, s17, $0xb8;
	[tilespmem:$0x1FB40] =	vst v63  }
0x387: {  	s4 =	sld [smem:$0x7CD]  }
0x388: {  	[spmem:s3] =	stream.indirect.scatter.add.f32 [tilespmem:s12], [sflag:$0xA], $0x40, s14, s17, $0xb8;
	[tilespmem:$0x1FB40] =	vst v63  }
0x389: {  	s14 =	sld [smem:$0x7CE]  }
0x38a: {  	[spmem:s3] =	stream.indirect.scatter.add.f32 [tilespmem:s20], [sflag:$0xB], $0x40, s4, s17, $0xb8;
	[tilespmem:$0x1FB40] =	vst v63  }
0x38b: {  	_ = 	snop  }
0x38c: {  	[spmem:s3] =	stream.indirect.scatter.add.f32 [tilespmem:s21], [sflag:$0xC], $0x40, s14, s17, $0xb8;
	[tilespmem:$0x1FB40] =	vst v63  }
0x38d: {  	_ =	swait.ge [sflag:s30], $0x1400  }
0x38e: {  	[sflag:s30] =	ssyncset.done $0x0  }
0x38f: {  	[sflag:s30] =	ssyncadd.s32 $0xFFFFEC00  }
0x390: {  	_ =	swait.ge [sflag:s31], $0x1400  }
0x391: {  	[sflag:s31] =	ssyncset.done $0x0  }
0x392: {  	[sflag:s31] =	ssyncadd.s32 $0xFFFFEC00  }
0x393: {  	_ =	swait.ge [sflag:s1], $0x1400  }
0x394: {  	[sflag:s1] =	ssyncset.done $0x0  }
0x395: {  	[sflag:s1] =	ssyncadd.s32 $0xFFFFEC00  }
0x396: {  	_ =	swait.ge [sflag:s0], $0x1400  }
0x397: {  	s4 =	sld [smem:$0x7CF]  }
0x398: {  	[sflag:s0] =	ssyncset.done $0x0  }
0x399: {  	s14 =	sld [smem:$0x7D0];
	[sflag:s0] =	ssyncadd.s32 $0xFFFFEC00  }
0x39a: {  	[tilespmem:s19], [sflag:$0x1] =	stream.indirect.gather [spmem:s2], $0x40, s4, s17, $0xb8;
	[tilespmem:$0x1FB40] =	vst v63  }
0x39b: {  	s4 =	sld [smem:$0x7D1]  }
0x39c: {  	[tilespmem:s12], [sflag:$0x2] =	stream.indirect.gather [spmem:s2], $0x40, s14, s17, $0xb8;
	[tilespmem:$0x1FB40] =	vst v63  }
0x39d: {  	s14 =	sld [smem:$0x7D2]  }
0x39e: {  	[tilespmem:s20], [sflag:$0x3] =	stream.indirect.gather [spmem:s2], $0x40, s4, s17, $0xb8;
	[tilespmem:$0x1FB40] =	vst v63  }
0x39f: {  	_ = 	snop  }
0x3a0: {  	[tilespmem:s21], [sflag:$0x4] =	stream.indirect.gather [spmem:s2], $0x40, s14, s17, $0xb8;
	[tilespmem:$0x1FB40] =	vst v63  }
0x3a1: {  	_ =	swait.ge [sflag:s5], $0x1400  }
0x3a2: {  	[sflag:s5] =	ssyncset.done $0x0  }
0x3a3: {  	[sflag:s5] =	ssyncadd.s32 $0xFFFFEC00  }
0x3a4: {  	_ =	swait.ge [sflag:s7], $0x1400  }
0x3a5: {  	[sflag:s7] =	ssyncset.done $0x0  }
0x3a6: {  	[sflag:s7] =	ssyncadd.s32 $0xFFFFEC00  }
0x3a7: {  	_ =	swait.ge [sflag:s8], $0x1400  }
0x3a8: {  	[sflag:s8] =	ssyncset.done $0x0  }
0x3a9: {  	[sflag:s8] =	ssyncadd.s32 $0xFFFFEC00  }
0x3aa: {  	_ =	swait.ge [sflag:s22], $0x1400  }
0x3ab: {  	s4 =	sld [smem:$0x7D3]  }
0x3ac: {  	[sflag:s22] =	ssyncset.done $0x0  }
0x3ad: {  	s14 =	sld [smem:$0x7D4];
	[sflag:s22] =	ssyncadd.s32 $0xFFFFEC00  }
0x3ae: {  	[spmem:s3] =	stream.indirect.scatter.add.f32 [tilespmem:s23], [sflag:$0xD], $0x40, s4, s17, $0xb8;
	[tilespmem:$0x1FB40] =	vst v63  }
0x3af: {  	s4 =	sld [smem:$0x7D5]  }
0x3b0: {  	[spmem:s3] =	stream.indirect.scatter.add.f32 [tilespmem:s24], [sflag:$0xE], $0x40, s14, s17, $0xb8;
	[tilespmem:$0x1FB40] =	vst v63  }
0x3b1: {  	s14 =	sld [smem:$0x7D6]  }
0x3b2: {  	[spmem:s3] =	stream.indirect.scatter.add.f32 [tilespmem:s25], [sflag:$0xF], $0x40, s4, s17, $0xb8;
	[tilespmem:$0x1FB40] =	vst v63  }
0x3b3: {  	_ = 	snop  }
0x3b4: {  	[spmem:s3] =	stream.indirect.scatter.add.f32 [tilespmem:s18], [sflag:$0x10], $0x40, s14, s17, $0xb8;
	[tilespmem:$0x1FB40] =	vst v63  }
0x3b5: {  	_ =	swait.ge [sflag:s9], $0x1400  }
0x3b6: {  	[sflag:s9] =	ssyncset.done $0x0  }
0x3b7: {  	[sflag:s9] =	ssyncadd.s32 $0xFFFFEC00  }
0x3b8: {  	_ =	swait.ge [sflag:s10], $0x1400  }
0x3b9: {  	[sflag:s10] =	ssyncset.done $0x0  }
0x3ba: {  	[sflag:s10] =	ssyncadd.s32 $0xFFFFEC00  }
0x3bb: {  	_ =	swait.ge [sflag:s15], $0x1400  }
0x3bc: {  	[sflag:s15] =	ssyncset.done $0x0  }
0x3bd: {  	[sflag:s15] =	ssyncadd.s32 $0xFFFFEC00  }
0x3be: {  	_ =	swait.ge [sflag:s13], $0x1400  }
0x3bf: {  	s4 =	sld [smem:$0x7D7]  }
0x3c0: {  	[sflag:s13] =	ssyncset.done $0x0  }
0x3c1: {  	s14 =	sld [smem:$0x7D8];
	[sflag:s13] =	ssyncadd.s32 $0xFFFFEC00  }
0x3c2: {  	[tilespmem:s23], [sflag:$0x5] =	stream.indirect.gather [spmem:s2], $0x40, s4, s17, $0xb8;
	[tilespmem:$0x1FB40] =	vst v63  }
0x3c3: {  	s4 =	sld [smem:$0x7D9]  }
0x3c4: {  	[tilespmem:s24], [sflag:$0x6] =	stream.indirect.gather [spmem:s2], $0x40, s14, s17, $0xb8;
	[tilespmem:$0x1FB40] =	vst v63  }
0x3c5: {  	s14 =	sld [smem:$0x7DA]  }
0x3c6: {  	[tilespmem:s25], [sflag:$0x7] =	stream.indirect.gather [spmem:s2], $0x40, s4, s17, $0xb8;
	[tilespmem:$0x1FB40] =	vst v63  }
0x3c7: {  	_ = 	snop  }
0x3c8: {  	[tilespmem:s18], [sflag:$0x8] =	stream.indirect.gather [spmem:s2], $0x40, s14, s17, $0xb8;
	[tilespmem:$0x1FB40] =	vst v63  }
0x3c9: {  	_ =	swait.ge [sflag:s11], $0x1400  }
0x3ca: {  	[sflag:s11] =	ssyncset.done $0x0  }
0x3cb: {  	[sflag:s11] =	ssyncadd.s32 $0xFFFFEC00  }
0x3cc: {  	_ =	swait.ge [sflag:s26], $0x1400  }
0x3cd: {  	[sflag:s26] =	ssyncset.done $0x0  }
0x3ce: {  	[sflag:s26] =	ssyncadd.s32 $0xFFFFEC00  }
0x3cf: {  	_ =	swait.ge [sflag:s28], $0x1400  }
0x3d0: {  	[sflag:s28] =	ssyncset.done $0x0  }
0x3d1: {  	[sflag:s28] =	ssyncadd.s32 $0xFFFFEC00  }
0x3d2: {  	_ =	swait.ge [sflag:s29], $0x1400  }
0x3d3: {  	s4 =	sld [smem:$0x7DB]  }
0x3d4: {  	[sflag:s29] =	ssyncset.done $0x0  }
0x3d5: {  	s14 =	sld [smem:$0x7DC];
	[sflag:s29] =	ssyncadd.s32 $0xFFFFEC00  }
0x3d6: {  	[spmem:s3] =	stream.indirect.scatter.add.f32 [tilespmem:s19], [sflag:$0x9], $0x40, s4, s17, $0xb8;
	[tilespmem:$0x1FB40] =	vst v63  }
0x3d7: {  	s4 =	sld [smem:$0x7DD]  }
0x3d8: {  	[spmem:s3] =	stream.indirect.scatter.add.f32 [tilespmem:s12], [sflag:$0xA], $0x40, s14, s17, $0xb8;
	[tilespmem:$0x1FB40] =	vst v63  }
0x3d9: {  	s14 =	sld [smem:$0x7DE]  }
0x3da: {  	[spmem:s3] =	stream.indirect.scatter.add.f32 [tilespmem:s20], [sflag:$0xB], $0x40, s4, s17, $0xb8;
	[tilespmem:$0x1FB40] =	vst v63  }
0x3db: {  	_ = 	snop  }
0x3dc: {  	[spmem:s3] =	stream.indirect.scatter.add.f32 [tilespmem:s21], [sflag:$0xC], $0x40, s14, s17, $0xb8;
	[tilespmem:$0x1FB40] =	vst v63  }
0x3dd: {  	_ =	swait.ge [sflag:s30], $0x1400  }
0x3de: {  	[sflag:s30] =	ssyncset.done $0x0  }
0x3df: {  	[sflag:s30] =	ssyncadd.s32 $0xFFFFEC00  }
0x3e0: {  	_ =	swait.ge [sflag:s31], $0x1400  }
0x3e1: {  	[sflag:s31] =	ssyncset.done $0x0  }
0x3e2: {  	[sflag:s31] =	ssyncadd.s32 $0xFFFFEC00  }
0x3e3: {  	_ =	swait.ge [sflag:s1], $0x1400  }
0x3e4: {  	[sflag:s1] =	ssyncset.done $0x0  }
0x3e5: {  	[sflag:s1] =	ssyncadd.s32 $0xFFFFEC00  }
0x3e6: {  	_ =	swait.ge [sflag:s0], $0x1400  }
0x3e7: {  	s4 =	sld [smem:$0x7DF]  }
0x3e8: {  	[sflag:s0] =	ssyncset.done $0x0  }
0x3e9: {  	s14 =	sld [smem:$0x7E0];
	[sflag:s0] =	ssyncadd.s32 $0xFFFFEC00  }
0x3ea: {  	[tilespmem:s19], [sflag:$0x1] =	stream.indirect.gather [spmem:s2], $0x40, s4, s17, $0xb8;
	[tilespmem:$0x1FB40] =	vst v63  }
0x3eb: {  	s4 =	sld [smem:$0x7E2]  }
0x3ec: {  	[tilespmem:s12], [sflag:$0x2] =	stream.indirect.gather [spmem:s2], $0x40, s14, s17, $0xb8;
	[tilespmem:$0x1FB40] =	vst v63  }
0x3ed: {  	s14 =	sld [smem:$0x7E3]  }
0x3ee: {  	[tilespmem:s20], [sflag:$0x3] =	stream.indirect.gather [spmem:s2], $0x40, s4, s17, $0xb8;
	[tilespmem:$0x1FB40] =	vst v63  }
0x3ef: {  	_ = 	snop  }
0x3f0: {  	[tilespmem:s21], [sflag:$0x4] =	stream.indirect.gather [spmem:s2], $0x40, s14, s17, $0xb8;
	[tilespmem:$0x1FB40] =	vst v63  }
0x3f1: {  	_ =	swait.ge [sflag:s5], $0x1400  }
0x3f2: {  	[sflag:s5] =	ssyncset.done $0x0  }
0x3f3: {  	[sflag:s5] =	ssyncadd.s32 $0xFFFFEC00  }
0x3f4: {  	_ =	swait.ge [sflag:s7], $0x1400  }
0x3f5: {  	[sflag:s7] =	ssyncset.done $0x0  }
0x3f6: {  	[sflag:s7] =	ssyncadd.s32 $0xFFFFEC00  }
0x3f7: {  	_ =	swait.ge [sflag:s8], $0x1400  }
0x3f8: {  	[sflag:s8] =	ssyncset.done $0x0  }
0x3f9: {  	[sflag:s8] =	ssyncadd.s32 $0xFFFFEC00  }
0x3fa: {  	_ =	swait.ge [sflag:s22], $0x1400  }
0x3fb: {  	s4 =	sld [smem:$0x7E4]  }
0x3fc: {  	[sflag:s22] =	ssyncset.done $0x0  }
0x3fd: {  	s14 =	sld [smem:$0x7E5];
	[sflag:s22] =	ssyncadd.s32 $0xFFFFEC00  }
0x3fe: {  	[spmem:s3] =	stream.indirect.scatter.add.f32 [tilespmem:s23], [sflag:$0xD], $0x40, s4, s17, $0xb8;
	[tilespmem:$0x1FB40] =	vst v63  }
0x3ff: {  	s4 =	sld [smem:$0x7E6]  }
0x400: {  	[spmem:s3] =	stream.indirect.scatter.add.f32 [tilespmem:s24], [sflag:$0xE], $0x40, s14, s17, $0xb8;
	[tilespmem:$0x1FB40] =	vst v63  }
0x401: {  	s14 =	sld [smem:$0x7E8]  }
0x402: {  	[spmem:s3] =	stream.indirect.scatter.add.f32 [tilespmem:s25], [sflag:$0xF], $0x40, s4, s17, $0xb8;
	[tilespmem:$0x1FB40] =	vst v63  }
0x403: {  	_ = 	snop  }
0x404: {  	[spmem:s3] =	stream.indirect.scatter.add.f32 [tilespmem:s18], [sflag:$0x10], $0x40, s14, s17, $0xb8;
	[tilespmem:$0x1FB40] =	vst v63  }
0x405: {  	_ =	swait.ge [sflag:s9], $0x1400  }
0x406: {  	[sflag:s9] =	ssyncset.done $0x0  }
0x407: {  	[sflag:s9] =	ssyncadd.s32 $0xFFFFEC00  }
0x408: {  	_ =	swait.ge [sflag:s10], $0x1400  }
0x409: {  	[sflag:s10] =	ssyncset.done $0x0  }
0x40a: {  	[sflag:s10] =	ssyncadd.s32 $0xFFFFEC00  }
0x40b: {  	_ =	swait.ge [sflag:s15], $0x1400  }
0x40c: {  	[sflag:s15] =	ssyncset.done $0x0  }
0x40d: {  	[sflag:s15] =	ssyncadd.s32 $0xFFFFEC00  }
0x40e: {  	_ =	swait.ge [sflag:s13], $0x1400  }
0x40f: {  	s4 =	sld [smem:$0x7EA]  }
0x410: {  	[sflag:s13] =	ssyncset.done $0x0  }
0x411: {  	s14 =	sld [smem:$0x7EC];
	[sflag:s13] =	ssyncadd.s32 $0xFFFFEC00  }
0x412: {  	[tilespmem:s23], [sflag:$0x5] =	stream.indirect.gather [spmem:s2], $0x40, s4, s17, $0xb8;
	[tilespmem:$0x1FB40] =	vst v63  }
0x413: {  	s4 =	sld [smem:$0x7EE]  }
0x414: {  	[tilespmem:s24], [sflag:$0x6] =	stream.indirect.gather [spmem:s2], $0x40, s14, s17, $0xb8;
	[tilespmem:$0x1FB40] =	vst v63  }
0x415: {  	s14 =	sld [smem:$0x7EF]  }
0x416: {  	[tilespmem:s25], [sflag:$0x7] =	stream.indirect.gather [spmem:s2], $0x40, s4, s17, $0xb8;
	[tilespmem:$0x1FB40] =	vst v63  }
0x417: {  	_ = 	snop  }
0x418: {  	[tilespmem:s18], [sflag:$0x8] =	stream.indirect.gather [spmem:s2], $0x40, s14, s17, $0xb8;
	[tilespmem:$0x1FB40] =	vst v63  }
0x419: {  	_ =	swait.ge [sflag:s11], $0x1400  }
0x41a: {  	[sflag:s11] =	ssyncset.done $0x0  }
0x41b: {  	[sflag:s11] =	ssyncadd.s32 $0xFFFFEC00  }
0x41c: {  	_ =	swait.ge [sflag:s26], $0x1400  }
0x41d: {  	[sflag:s26] =	ssyncset.done $0x0  }
0x41e: {  	[sflag:s26] =	ssyncadd.s32 $0xFFFFEC00  }
0x41f: {  	_ =	swait.ge [sflag:s28], $0x1400  }
0x420: {  	[sflag:s28] =	ssyncset.done $0x0  }
0x421: {  	[sflag:s28] =	ssyncadd.s32 $0xFFFFEC00  }
0x422: {  	_ =	swait.ge [sflag:s29], $0x1400  }
0x423: {  	s4 =	sld [smem:$0x7F0]  }
0x424: {  	[sflag:s29] =	ssyncset.done $0x0  }
0x425: {  	s14 =	sld [smem:$0x7F1];
	[sflag:s29] =	ssyncadd.s32 $0xFFFFEC00  }
0x426: {  	[spmem:s3] =	stream.indirect.scatter.add.f32 [tilespmem:s19], [sflag:$0x9], $0x40, s4, s17, $0xb8;
	[tilespmem:$0x1FB40] =	vst v63  }
0x427: {  	s4 =	sld [smem:$0x7F2]  }
0x428: {  	[spmem:s3] =	stream.indirect.scatter.add.f32 [tilespmem:s12], [sflag:$0xA], $0x40, s14, s17, $0xb8;
	[tilespmem:$0x1FB40] =	vst v63  }
0x429: {  	s14 =	sld [smem:$0x7F3]  }
0x42a: {  	[spmem:s3] =	stream.indirect.scatter.add.f32 [tilespmem:s20], [sflag:$0xB], $0x40, s4, s17, $0xb8;
	[tilespmem:$0x1FB40] =	vst v63  }
0x42b: {  	_ = 	snop  }
0x42c: {  	[spmem:s3] =	stream.indirect.scatter.add.f32 [tilespmem:s21], [sflag:$0xC], $0x40, s14, s17, $0xb8;
	[tilespmem:$0x1FB40] =	vst v63  }
0x42d: {  	_ =	swait.ge [sflag:s30], $0x1400  }
0x42e: {  	[sflag:s30] =	ssyncset.done $0x0  }
0x42f: {  	[sflag:s30] =	ssyncadd.s32 $0xFFFFEC00  }
0x430: {  	_ =	swait.ge [sflag:s31], $0x1400  }
0x431: {  	[sflag:s31] =	ssyncset.done $0x0  }
0x432: {  	[sflag:s31] =	ssyncadd.s32 $0xFFFFEC00  }
0x433: {  	_ =	swait.ge [sflag:s1], $0x1400  }
0x434: {  	[sflag:s1] =	ssyncset.done $0x0  }
0x435: {  	[sflag:s1] =	ssyncadd.s32 $0xFFFFEC00  }
0x436: {  	_ =	swait.ge [sflag:s0], $0x1400  }
0x437: {  	s20 =	sld [smem:$0x7F4]  }
0x438: {  	[sflag:s0] =	ssyncset.done $0x0  }
0x439: {  	s21 =	sld [smem:$0x7F5];
	[sflag:s0] =	ssyncadd.s32 $0xFFFFEC00  }
0x43a: {  	[tilespmem:s19], [sflag:$0x1] =	stream.indirect.gather [spmem:s2], $0x40, s20, s17, $0xb8;
	[tilespmem:$0x1FB40] =	vst v63  }
0x43b: {  	_ = 	snop  }
0x43c: {  	[tilespmem:s12], [sflag:$0x2] =	stream.indirect.gather [spmem:s2], $0x40, s21, s17, $0xb8;
	[tilespmem:$0x1FB40] =	vst v63  }
0x43d: {  	_ =	swait.ge [sflag:s5], $0x1400  }
0x43e: {  	[sflag:s5] =	ssyncset.done $0x0  }
0x43f: {  	[sflag:s5] =	ssyncadd.s32 $0xFFFFEC00  }
0x440: {  	_ =	swait.ge [sflag:s7], $0x1400  }
0x441: {  	[sflag:s7] =	ssyncset.done $0x0  }
0x442: {  	[sflag:s7] =	ssyncadd.s32 $0xFFFFEC00  }
0x443: {  	_ =	swait.ge [sflag:s8], $0x1400  }
0x444: {  	[sflag:s8] =	ssyncset.done $0x0  }
0x445: {  	[sflag:s8] =	ssyncadd.s32 $0xFFFFEC00  }
0x446: {  	_ =	swait.ge [sflag:s22], $0x1400  }
0x447: {  	s20 =	sld [smem:$0x7F6]  }
0x448: {  	[sflag:s22] =	ssyncset.done $0x0  }
0x449: {  	s21 =	sld [smem:$0x7F7];
	[sflag:s22] =	ssyncadd.s32 $0xFFFFEC00  }
0x44a: {  	[spmem:s3] =	stream.indirect.scatter.add.f32 [tilespmem:s23], [sflag:$0xD], $0x40, s20, s17, $0xb8;
	[tilespmem:$0x1FB40] =	vst v63  }
0x44b: {  	s22 =	sld [smem:$0x7F8]  }
0x44c: {  	[spmem:s3] =	stream.indirect.scatter.add.f32 [tilespmem:s24], [sflag:$0xE], $0x40, s21, s17, $0xb8;
	[tilespmem:$0x1FB40] =	vst v63  }
0x44d: {  	s23 =	sld [smem:$0x7F9]  }
0x44e: {  	[spmem:s3] =	stream.indirect.scatter.add.f32 [tilespmem:s25], [sflag:$0xF], $0x40, s22, s17, $0xb8;
	[tilespmem:$0x1FB40] =	vst v63  }
0x44f: {  	_ = 	snop  }
0x450: {  	[spmem:s3] =	stream.indirect.scatter.add.f32 [tilespmem:s18], [sflag:$0x10], $0x40, s23, s17, $0xb8;
	[tilespmem:$0x1FB40] =	vst v63  }
0x451: {  	_ =	swait.ge [sflag:s9], $0x1400  }
0x452: {  	[sflag:s9] =	ssyncset.done $0x0  }
0x453: {  	[sflag:s9] =	ssyncadd.s32 $0xFFFFEC00  }
0x454: {  	_ =	swait.ge [sflag:s10], $0x1400  }
0x455: {  	[sflag:s10] =	ssyncset.done $0x0  }
0x456: {  	[sflag:s10] =	ssyncadd.s32 $0xFFFFEC00  }
0x457: {  	_ =	swait.ge [sflag:s15], $0x1400  }
0x458: {  	[sflag:s15] =	ssyncset.done $0x0  }
0x459: {  	[sflag:s15] =	ssyncadd.s32 $0xFFFFEC00  }
0x45a: {  	_ =	swait.ge [sflag:s13], $0x1400  }
0x45b: {  	[sflag:s13] =	ssyncset.done $0x0  }
0x45c: {  	[sflag:s13] =	ssyncadd.s32 $0xFFFFEC00  }
0x45d: {  	_ =	swait.ge [sflag:s11], $0x1400  }
0x45e: {  	[sflag:s11] =	ssyncset.done $0x0  }
0x45f: {  	[sflag:s11] =	ssyncadd.s32 $0xFFFFEC00  }
0x460: {  	_ =	swait.ge [sflag:s26], $0x1400  }
0x461: {  	s24 =	sld [smem:$0x7FA]  }
0x462: {  	[sflag:s26] =	ssyncset.done $0x0  }
0x463: {  	s25 =	sld [smem:$0x7FB];
	[sflag:s26] =	ssyncadd.s32 $0xFFFFEC00  }
0x464: {  	[spmem:s3] =	stream.indirect.scatter.add.f32 [tilespmem:s19], [sflag:$0x9], $0x40, s24, s17, $0xb8;
	[tilespmem:$0x1FB40] =	vst v63  }
0x465: {  	p0 =	sne.s32 s16, $0x7D0  }
0x466: {  	[spmem:s3] =	stream.indirect.scatter.add.f32 [tilespmem:s12], [sflag:$0xA], $0x40, s25, s17, $0xb8;
	[tilespmem:$0x1FB40] =	vst v63  }
.Ltmp0:
0x467: {  	_ =	swait.ge [sflag:s30], $0x1400;
	(pc) =	sbr.rel @p0 .LBB2_2-.Ltmp0, $4  }
0x468: {  	[sflag:s30] =	ssyncset.done $0x0  }
0x469: {  	[sflag:s30] =	ssyncadd.s32 $0xFFFFEC00  }
0x46a: {  	_ =	swait.ge [sflag:s31], $0x1400  }
0x46b: {  	s16 =	sadd.s32 $0x1F4, s16;
	s4 =	rddreg [dreg:$0x6];
	[sflag:s31] =	ssyncset.done $0x0  }
0x46c: {  	[sflag:s31] =	ssyncadd.s32 $0xFFFFEC00  }
0x46d: {  	s4 =	sadd.s32 s6, s4;
	s14 =	simm.s32 $0x0;
	s16 =	simm.s32 $0x11  }
0x46e: {  	[tilespmem:s14], [sflag:$0x11] =	stream.linear.gather [hbm4b:s4+s14], $0xFA0, $0x38;
	[tilespmem:$0x1FB40] =	vst v63  }
0x46f: {  	_ =	swait.ge [sflag:s16], $0xFA0  }
0x470: {  	s21 =	rddreg [dreg:$0x7];
	[sflag:s16] =	ssyncset.done $0x0  }
0x471: {  	s20 =	simm.s32 $0xFA0;
	[sflag:s16] =	ssyncadd.s32 $0xFFFFF060;
	s4 =	sadd.s32 s6, s21  }
0x472: {  	[tilespmem:s20], [sflag:$0x11] =	stream.linear.gather [hbm4b:s4+s14], $0xFA0, $0x38;
	[tilespmem:$0x1FB40] =	vst v63  }
0x473: {  	_ =	swait.ge [sflag:s16], $0xFA0  }
0x474: {  	[sflag:s16] =	ssyncset.done $0x0  }
0x475: {  	s19 =	simm.s32 $0x1F40;
	[sflag:s16] =	ssyncadd.s32 $0xFFFFF060  }
0x476: {  	[tilespmem:s19], [sflag:$0x1] =	stream.indirect.gather [spmem:s2], $0x40, s14, s17, $0xb8;
	[tilespmem:$0x1FB40] =	vst v63  }
0x477: {  	s12 =	simm.s32 $0x3340  }
0x478: {  	[tilespmem:s12], [sflag:$0x2] =	stream.indirect.gather [spmem:s2], $0x40, s17, s17, $0xb8;
	[tilespmem:$0x1FB40] =	vst v63  }
0x479: {  	s22 =	rddreg [dreg:$0x8];
	s14 =	simm.s32 $0x4740  }
0x47a: {  	[tilespmem:s14], [sflag:$0x3] =	stream.indirect.gather [spmem:s2], $0x40, s22, s17, $0xb8;
	[tilespmem:$0x1FB40] =	vst v63  }
0x47b: {  	s21 =	simm.s32 $0x5B40;
	s23 =	rddreg [dreg:$0x9]  }
0x47c: {  	[tilespmem:s21], [sflag:$0x4] =	stream.indirect.gather [spmem:s2], $0x40, s23, s17, $0xb8;
	[tilespmem:$0x1FB40] =	vst v63  }
0x47d: {  	s24 =	rddreg [dreg:$0xa];
	s22 =	simm.s32 $0x6F40  }
0x47e: {  	[tilespmem:s22], [sflag:$0x5] =	stream.indirect.gather [spmem:s2], $0x40, s24, s17, $0xb8;
	[tilespmem:$0x1FB40] =	vst v63  }
0x47f: {  	s25 =	rddreg [dreg:$0xb];
	s23 =	simm.s32 $0x8340  }
0x480: {  	[tilespmem:s23], [sflag:$0x6] =	stream.indirect.gather [spmem:s2], $0x40, s25, s17, $0xb8;
	[tilespmem:$0x1FB40] =	vst v63  }
0x481: {  	s18 =	rddreg [dreg:$0xc];
	s24 =	simm.s32 $0x9740  }
0x482: {  	[tilespmem:s24], [sflag:$0x7] =	stream.indirect.gather [spmem:s2], $0x40, s18, s17, $0xb8;
	[tilespmem:$0x1FB40] =	vst v63  }
0x483: {  	s25 =	rddreg [dreg:$0xd];
	s18 =	simm.s32 $0xAB40  }
0x484: {  	[tilespmem:s18], [sflag:$0x8] =	stream.indirect.gather [spmem:s2], $0x40, s25, s17, $0xb8;
	[tilespmem:$0x1FB40] =	vst v63  }
0x485: {  	_ =	swait.ge [sflag:s11], $0x1400  }
0x486: {  	[sflag:s11] =	ssyncset.done $0x0  }
0x487: {  	[sflag:s11] =	ssyncadd.s32 $0xFFFFEC00  }
0x488: {  	_ =	swait.ge [sflag:s26], $0x1400  }
0x489: {  	[sflag:s26] =	ssyncset.done $0x0  }
0x48a: {  	[sflag:s26] =	ssyncadd.s32 $0xFFFFEC00  }
0x48b: {  	_ =	swait.ge [sflag:s28], $0x1400  }
0x48c: {  	[sflag:s28] =	ssyncset.done $0x0  }
0x48d: {  	[sflag:s28] =	ssyncadd.s32 $0xFFFFEC00  }
0x48e: {  	_ =	swait.ge [sflag:s29], $0x1400  }
0x48f: {  	[sflag:s29] =	ssyncset.done $0x0  }
0x490: {  	[sflag:s29] =	ssyncadd.s32 $0xFFFFEC00  }
0x491: {  	[spmem:s3] =	stream.indirect.scatter.add.f32 [tilespmem:s19], [sflag:$0x9], $0x40, s20, s17, $0xb8;
	[tilespmem:$0x1FB40] =	vst v63  }
0x492: {  	s6 =	rddreg [dreg:$0xe]  }
0x493: {  	[spmem:s3] =	stream.indirect.scatter.add.f32 [tilespmem:s12], [sflag:$0xA], $0x40, s6, s17, $0xb8;
	[tilespmem:$0x1FB40] =	vst v63  }
0x494: {  	s20 =	rddreg [dreg:$0xf]  }
0x495: {  	[spmem:s3] =	stream.indirect.scatter.add.f32 [tilespmem:s14], [sflag:$0xB], $0x40, s20, s17, $0xb8;
	[tilespmem:$0x1FB40] =	vst v63  }
0x496: {  	s25 =	rddreg [dreg:$0x10]  }
0x497: {  	[spmem:s3] =	stream.indirect.scatter.add.f32 [tilespmem:s21], [sflag:$0xC], $0x40, s25, s17, $0xb8;
	[tilespmem:$0x1FB40] =	vst v63  }
0x498: {  	_ =	swait.ge [sflag:s30], $0x1400  }
0x499: {  	[sflag:s30] =	ssyncset.done $0x0  }
0x49a: {  	[sflag:s30] =	ssyncadd.s32 $0xFFFFEC00  }
0x49b: {  	_ =	swait.ge [sflag:s31], $0x1400  }
0x49c: {  	[sflag:s31] =	ssyncset.done $0x0  }
0x49d: {  	[sflag:s31] =	ssyncadd.s32 $0xFFFFEC00  }
0x49e: {  	_ =	swait.ge [sflag:s1], $0x1400  }
0x49f: {  	[sflag:s1] =	ssyncset.done $0x0  }
0x4a0: {  	[sflag:s1] =	ssyncadd.s32 $0xFFFFEC00  }
0x4a1: {  	_ =	swait.ge [sflag:s0], $0x1400  }
0x4a2: {  	[sflag:s0] =	ssyncset.done $0x0  }
0x4a3: {  	s20 =	rddreg [dreg:$0x11];
	[sflag:s0] =	ssyncadd.s32 $0xFFFFEC00  }
0x4a4: {  	[tilespmem:s19], [sflag:$0x1] =	stream.indirect.gather [spmem:s2], $0x40, s20, s17, $0xb8;
	[tilespmem:$0x1FB40] =	vst v63  }
0x4a5: {  	s25 =	rddreg [dreg:$0x12]  }
0x4a6: {  	[tilespmem:s12], [sflag:$0x2] =	stream.indirect.gather [spmem:s2], $0x40, s25, s17, $0xb8;
	[tilespmem:$0x1FB40] =	vst v63  }
0x4a7: {  	s20 =	rddreg [dreg:$0x13]  }
0x4a8: {  	[tilespmem:s14], [sflag:$0x3] =	stream.indirect.gather [spmem:s2], $0x40, s20, s17, $0xb8;
	[tilespmem:$0x1FB40] =	vst v63  }
0x4a9: {  	s25 =	rddreg [dreg:$0x14]  }
0x4aa: {  	[tilespmem:s21], [sflag:$0x4] =	stream.indirect.gather [spmem:s2], $0x40, s25, s17, $0xb8;
	[tilespmem:$0x1FB40] =	vst v63  }
0x4ab: {  	_ =	swait.ge [sflag:s5], $0x1400  }
0x4ac: {  	[sflag:s5] =	ssyncset.done $0x0  }
0x4ad: {  	[sflag:s5] =	ssyncadd.s32 $0xFFFFEC00  }
0x4ae: {  	_ =	swait.ge [sflag:s7], $0x1400  }
0x4af: {  	[sflag:s7] =	ssyncset.done $0x0  }
0x4b0: {  	[sflag:s7] =	ssyncadd.s32 $0xFFFFEC00  }
0x4b1: {  	_ =	swait.ge [sflag:s8], $0x1400  }
0x4b2: {  	[sflag:s8] =	ssyncset.done $0x0  }
0x4b3: {  	s25 =	simm.s32 $0x8;
	[sflag:s8] =	ssyncadd.s32 $0xFFFFEC00  }
0x4b4: {  	_ =	swait.ge [sflag:s25], $0x1400  }
0x4b5: {  	[sflag:s25] =	ssyncset.done $0x0  }
0x4b6: {  	s6 =	rddreg [dreg:$0x15];
	[sflag:s25] =	ssyncadd.s32 $0xFFFFEC00  }
0x4b7: {  	[spmem:s3] =	stream.indirect.scatter.add.f32 [tilespmem:s22], [sflag:$0xD], $0x40, s6, s17, $0xb8;
	[tilespmem:$0x1FB40] =	vst v63  }
0x4b8: {  	s20 =	rddreg [dreg:$0x16]  }
0x4b9: {  	[spmem:s3] =	stream.indirect.scatter.add.f32 [tilespmem:s23], [sflag:$0xE], $0x40, s20, s17, $0xb8;
	[tilespmem:$0x1FB40] =	vst v63  }
0x4ba: {  	s4 =	rddreg [dreg:$0x17]  }
0x4bb: {  	[spmem:s3] =	stream.indirect.scatter.add.f32 [tilespmem:s24], [sflag:$0xF], $0x40, s4, s17, $0xb8;
	[tilespmem:$0x1FB40] =	vst v63  }
0x4bc: {  	s20 =	rddreg [dreg:$0x18]  }
0x4bd: {  	[spmem:s3] =	stream.indirect.scatter.add.f32 [tilespmem:s18], [sflag:$0x10], $0x40, s20, s17, $0xb8;
	[tilespmem:$0x1FB40] =	vst v63  }
0x4be: {  	_ =	swait.ge [sflag:s9], $0x1400  }
0x4bf: {  	[sflag:s9] =	ssyncset.done $0x0  }
0x4c0: {  	[sflag:s9] =	ssyncadd.s32 $0xFFFFEC00  }
0x4c1: {  	_ =	swait.ge [sflag:s10], $0x1400  }
0x4c2: {  	[sflag:s10] =	ssyncset.done $0x0  }
0x4c3: {  	[sflag:s10] =	ssyncadd.s32 $0xFFFFEC00  }
0x4c4: {  	_ =	swait.ge [sflag:s15], $0x1400  }
0x4c5: {  	[sflag:s15] =	ssyncset.done $0x0  }
0x4c6: {  	[sflag:s15] =	ssyncadd.s32 $0xFFFFEC00  }
0x4c7: {  	_ =	swait.ge [sflag:s13], $0x1400  }
0x4c8: {  	[sflag:s13] =	ssyncset.done $0x0  }
0x4c9: {  	s6 =	rddreg [dreg:$0x19];
	[sflag:s13] =	ssyncadd.s32 $0xFFFFEC00  }
0x4ca: {  	[tilespmem:s22], [sflag:$0x5] =	stream.indirect.gather [spmem:s2], $0x40, s6, s17, $0xb8;
	[tilespmem:$0x1FB40] =	vst v63  }
0x4cb: {  	s20 =	rddreg [dreg:$0x1a]  }
0x4cc: {  	[tilespmem:s23], [sflag:$0x6] =	stream.indirect.gather [spmem:s2], $0x40, s20, s17, $0xb8;
	[tilespmem:$0x1FB40] =	vst v63  }
0x4cd: {  	s4 =	rddreg [dreg:$0x1b]  }
0x4ce: {  	[tilespmem:s24], [sflag:$0x7] =	stream.indirect.gather [spmem:s2], $0x40, s4, s17, $0xb8;
	[tilespmem:$0x1FB40] =	vst v63  }
0x4cf: {  	s20 =	rddreg [dreg:$0x1c]  }
0x4d0: {  	[tilespmem:s18], [sflag:$0x8] =	stream.indirect.gather [spmem:s2], $0x40, s20, s17, $0xb8;
	[tilespmem:$0x1FB40] =	vst v63  }
0x4d1: {  	_ =	swait.ge [sflag:s11], $0x1400  }
0x4d2: {  	[sflag:s11] =	ssyncset.done $0x0  }
0x4d3: {  	[sflag:s11] =	ssyncadd.s32 $0xFFFFEC00  }
0x4d4: {  	_ =	swait.ge [sflag:s26], $0x1400  }
0x4d5: {  	[sflag:s26] =	ssyncset.done $0x0  }
0x4d6: {  	[sflag:s26] =	ssyncadd.s32 $0xFFFFEC00  }
0x4d7: {  	_ =	swait.ge [sflag:s28], $0x1400  }
0x4d8: {  	[sflag:s28] =	ssyncset.done $0x0  }
0x4d9: {  	[sflag:s28] =	ssyncadd.s32 $0xFFFFEC00  }
0x4da: {  	_ =	swait.ge [sflag:s29], $0x1400  }
0x4db: {  	s6 =	rddreg [dreg:$0x1d];
	[sflag:s29] =	ssyncset.done $0x0  }
0x4dc: {  	s20 =	rddreg [dreg:$0x1e];
	[sflag:s29] =	ssyncadd.s32 $0xFFFFEC00  }
0x4dd: {  	[spmem:s3] =	stream.indirect.scatter.add.f32 [tilespmem:s19], [sflag:$0x9], $0x40, s6, s17, $0xb8;
	[tilespmem:$0x1FB40] =	vst v63  }
0x4de: {  	s4 =	rddreg [dreg:$0x1f]  }
0x4df: {  	[spmem:s3] =	stream.indirect.scatter.add.f32 [tilespmem:s12], [sflag:$0xA], $0x40, s20, s17, $0xb8;
	[tilespmem:$0x1FB40] =	vst v63  }
0x4e0: {  	s20 =	sld [smem:$0x7AE]  }
0x4e1: {  	[spmem:s3] =	stream.indirect.scatter.add.f32 [tilespmem:s14], [sflag:$0xB], $0x40, s4, s17, $0xb8;
	[tilespmem:$0x1FB40] =	vst v63  }
0x4e2: {  	_ = 	snop  }
0x4e3: {  	[spmem:s3] =	stream.indirect.scatter.add.f32 [tilespmem:s21], [sflag:$0xC], $0x40, s20, s17, $0xb8;
	[tilespmem:$0x1FB40] =	vst v63  }
0x4e4: {  	_ =	swait.ge [sflag:s30], $0x1400  }
0x4e5: {  	[sflag:s30] =	ssyncset.done $0x0  }
0x4e6: {  	[sflag:s30] =	ssyncadd.s32 $0xFFFFEC00  }
0x4e7: {  	_ =	swait.ge [sflag:s31], $0x1400  }
0x4e8: {  	[sflag:s31] =	ssyncset.done $0x0  }
0x4e9: {  	[sflag:s31] =	ssyncadd.s32 $0xFFFFEC00  }
0x4ea: {  	_ =	swait.ge [sflag:s1], $0x1400  }
0x4eb: {  	[sflag:s1] =	ssyncset.done $0x0  }
0x4ec: {  	[sflag:s1] =	ssyncadd.s32 $0xFFFFEC00  }
0x4ed: {  	_ =	swait.ge [sflag:s0], $0x1400  }
0x4ee: {  	s6 =	sld [smem:$0x7AF]  }
0x4ef: {  	[sflag:s0] =	ssyncset.done $0x0  }
0x4f0: {  	s20 =	sld [smem:$0x7B0];
	[sflag:s0] =	ssyncadd.s32 $0xFFFFEC00  }
0x4f1: {  	[tilespmem:s19], [sflag:$0x1] =	stream.indirect.gather [spmem:s2], $0x40, s6, s17, $0xb8;
	[tilespmem:$0x1FB40] =	vst v63  }
0x4f2: {  	s4 =	sld [smem:$0x7B1]  }
0x4f3: {  	[tilespmem:s12], [sflag:$0x2] =	stream.indirect.gather [spmem:s2], $0x40, s20, s17, $0xb8;
	[tilespmem:$0x1FB40] =	vst v63  }
0x4f4: {  	s20 =	sld [smem:$0x7B2]  }
0x4f5: {  	[tilespmem:s14], [sflag:$0x3] =	stream.indirect.gather [spmem:s2], $0x40, s4, s17, $0xb8;
	[tilespmem:$0x1FB40] =	vst v63  }
0x4f6: {  	_ = 	snop  }
0x4f7: {  	[tilespmem:s21], [sflag:$0x4] =	stream.indirect.gather [spmem:s2], $0x40, s20, s17, $0xb8;
	[tilespmem:$0x1FB40] =	vst v63  }
0x4f8: {  	_ =	swait.ge [sflag:s5], $0x1400  }
0x4f9: {  	[sflag:s5] =	ssyncset.done $0x0  }
0x4fa: {  	[sflag:s5] =	ssyncadd.s32 $0xFFFFEC00  }
0x4fb: {  	_ =	swait.ge [sflag:s7], $0x1400  }
0x4fc: {  	[sflag:s7] =	ssyncset.done $0x0  }
0x4fd: {  	[sflag:s7] =	ssyncadd.s32 $0xFFFFEC00  }
0x4fe: {  	_ =	swait.ge [sflag:s8], $0x1400  }
0x4ff: {  	[sflag:s8] =	ssyncset.done $0x0  }
0x500: {  	[sflag:s8] =	ssyncadd.s32 $0xFFFFEC00  }
0x501: {  	_ =	swait.ge [sflag:s25], $0x1400  }
0x502: {  	s6 =	sld [smem:$0x7B3]  }
0x503: {  	[sflag:s25] =	ssyncset.done $0x0  }
0x504: {  	s20 =	sld [smem:$0x7B4];
	[sflag:s25] =	ssyncadd.s32 $0xFFFFEC00  }
0x505: {  	[spmem:s3] =	stream.indirect.scatter.add.f32 [tilespmem:s22], [sflag:$0xD], $0x40, s6, s17, $0xb8;
	[tilespmem:$0x1FB40] =	vst v63  }
0x506: {  	s4 =	sld [smem:$0x7B5]  }
0x507: {  	[spmem:s3] =	stream.indirect.scatter.add.f32 [tilespmem:s23], [sflag:$0xE], $0x40, s20, s17, $0xb8;
	[tilespmem:$0x1FB40] =	vst v63  }
0x508: {  	s20 =	sld [smem:$0x7B6]  }
0x509: {  	[spmem:s3] =	stream.indirect.scatter.add.f32 [tilespmem:s24], [sflag:$0xF], $0x40, s4, s17, $0xb8;
	[tilespmem:$0x1FB40] =	vst v63  }
0x50a: {  	_ = 	snop  }
0x50b: {  	[spmem:s3] =	stream.indirect.scatter.add.f32 [tilespmem:s18], [sflag:$0x10], $0x40, s20, s17, $0xb8;
	[tilespmem:$0x1FB40] =	vst v63  }
0x50c: {  	_ =	swait.ge [sflag:s9], $0x1400  }
0x50d: {  	[sflag:s9] =	ssyncset.done $0x0  }
0x50e: {  	[sflag:s9] =	ssyncadd.s32 $0xFFFFEC00  }
0x50f: {  	_ =	swait.ge [sflag:s10], $0x1400  }
0x510: {  	[sflag:s10] =	ssyncset.done $0x0  }
0x511: {  	[sflag:s10] =	ssyncadd.s32 $0xFFFFEC00  }
0x512: {  	_ =	swait.ge [sflag:s15], $0x1400  }
0x513: {  	[sflag:s15] =	ssyncset.done $0x0  }
0x514: {  	[sflag:s15] =	ssyncadd.s32 $0xFFFFEC00  }
0x515: {  	_ =	swait.ge [sflag:s13], $0x1400  }
0x516: {  	s6 =	sld [smem:$0x7B7]  }
0x517: {  	[sflag:s13] =	ssyncset.done $0x0  }
0x518: {  	s20 =	sld [smem:$0x7B8];
	[sflag:s13] =	ssyncadd.s32 $0xFFFFEC00  }
0x519: {  	[tilespmem:s22], [sflag:$0x5] =	stream.indirect.gather [spmem:s2], $0x40, s6, s17, $0xb8;
	[tilespmem:$0x1FB40] =	vst v63  }
0x51a: {  	s4 =	sld [smem:$0x7B9]  }
0x51b: {  	[tilespmem:s23], [sflag:$0x6] =	stream.indirect.gather [spmem:s2], $0x40, s20, s17, $0xb8;
	[tilespmem:$0x1FB40] =	vst v63  }
0x51c: {  	s20 =	sld [smem:$0x7BA]  }
0x51d: {  	[tilespmem:s24], [sflag:$0x7] =	stream.indirect.gather [spmem:s2], $0x40, s4, s17, $0xb8;
	[tilespmem:$0x1FB40] =	vst v63  }
0x51e: {  	_ = 	snop  }
0x51f: {  	[tilespmem:s18], [sflag:$0x8] =	stream.indirect.gather [spmem:s2], $0x40, s20, s17, $0xb8;
	[tilespmem:$0x1FB40] =	vst v63  }
0x520: {  	_ =	swait.ge [sflag:s11], $0x1400  }
0x521: {  	[sflag:s11] =	ssyncset.done $0x0  }
0x522: {  	[sflag:s11] =	ssyncadd.s32 $0xFFFFEC00  }
0x523: {  	_ =	swait.ge [sflag:s26], $0x1400  }
0x524: {  	[sflag:s26] =	ssyncset.done $0x0  }
0x525: {  	[sflag:s26] =	ssyncadd.s32 $0xFFFFEC00  }
0x526: {  	_ =	swait.ge [sflag:s28], $0x1400  }
0x527: {  	[sflag:s28] =	ssyncset.done $0x0  }
0x528: {  	[sflag:s28] =	ssyncadd.s32 $0xFFFFEC00  }
0x529: {  	_ =	swait.ge [sflag:s29], $0x1400  }
0x52a: {  	s6 =	sld [smem:$0x7BB]  }
0x52b: {  	[sflag:s29] =	ssyncset.done $0x0  }
0x52c: {  	s20 =	sld [smem:$0x7BC];
	[sflag:s29] =	ssyncadd.s32 $0xFFFFEC00  }
0x52d: {  	[spmem:s3] =	stream.indirect.scatter.add.f32 [tilespmem:s19], [sflag:$0x9], $0x40, s6, s17, $0xb8;
	[tilespmem:$0x1FB40] =	vst v63  }
0x52e: {  	s4 =	sld [smem:$0x7BD]  }
0x52f: {  	[spmem:s3] =	stream.indirect.scatter.add.f32 [tilespmem:s12], [sflag:$0xA], $0x40, s20, s17, $0xb8;
	[tilespmem:$0x1FB40] =	vst v63  }
0x530: {  	s20 =	sld [smem:$0x7BE]  }
0x531: {  	[spmem:s3] =	stream.indirect.scatter.add.f32 [tilespmem:s14], [sflag:$0xB], $0x40, s4, s17, $0xb8;
	[tilespmem:$0x1FB40] =	vst v63  }
0x532: {  	_ = 	snop  }
0x533: {  	[spmem:s3] =	stream.indirect.scatter.add.f32 [tilespmem:s21], [sflag:$0xC], $0x40, s20, s17, $0xb8;
	[tilespmem:$0x1FB40] =	vst v63  }
0x534: {  	_ =	swait.ge [sflag:s30], $0x1400  }
0x535: {  	[sflag:s30] =	ssyncset.done $0x0  }
0x536: {  	[sflag:s30] =	ssyncadd.s32 $0xFFFFEC00  }
0x537: {  	_ =	swait.ge [sflag:s31], $0x1400  }
0x538: {  	[sflag:s31] =	ssyncset.done $0x0  }
0x539: {  	[sflag:s31] =	ssyncadd.s32 $0xFFFFEC00  }
0x53a: {  	_ =	swait.ge [sflag:s1], $0x1400  }
0x53b: {  	[sflag:s1] =	ssyncset.done $0x0  }
0x53c: {  	[sflag:s1] =	ssyncadd.s32 $0xFFFFEC00  }
0x53d: {  	_ =	swait.ge [sflag:s0], $0x1400  }
0x53e: {  	s6 =	sld [smem:$0x7BF]  }
0x53f: {  	[sflag:s0] =	ssyncset.done $0x0  }
0x540: {  	s20 =	sld [smem:$0x7C0];
	[sflag:s0] =	ssyncadd.s32 $0xFFFFEC00  }
0x541: {  	[tilespmem:s19], [sflag:$0x1] =	stream.indirect.gather [spmem:s2], $0x40, s6, s17, $0xb8;
	[tilespmem:$0x1FB40] =	vst v63  }
0x542: {  	s4 =	sld [smem:$0x7C1]  }
0x543: {  	[tilespmem:s12], [sflag:$0x2] =	stream.indirect.gather [spmem:s2], $0x40, s20, s17, $0xb8;
	[tilespmem:$0x1FB40] =	vst v63  }
0x544: {  	s20 =	sld [smem:$0x7C2]  }
0x545: {  	[tilespmem:s14], [sflag:$0x3] =	stream.indirect.gather [spmem:s2], $0x40, s4, s17, $0xb8;
	[tilespmem:$0x1FB40] =	vst v63  }
0x546: {  	_ = 	snop  }
0x547: {  	[tilespmem:s21], [sflag:$0x4] =	stream.indirect.gather [spmem:s2], $0x40, s20, s17, $0xb8;
	[tilespmem:$0x1FB40] =	vst v63  }
0x548: {  	_ =	swait.ge [sflag:s5], $0x1400  }
0x549: {  	[sflag:s5] =	ssyncset.done $0x0  }
0x54a: {  	[sflag:s5] =	ssyncadd.s32 $0xFFFFEC00  }
0x54b: {  	_ =	swait.ge [sflag:s7], $0x1400  }
0x54c: {  	[sflag:s7] =	ssyncset.done $0x0  }
0x54d: {  	[sflag:s7] =	ssyncadd.s32 $0xFFFFEC00  }
0x54e: {  	_ =	swait.ge [sflag:s8], $0x1400  }
0x54f: {  	[sflag:s8] =	ssyncset.done $0x0  }
0x550: {  	[sflag:s8] =	ssyncadd.s32 $0xFFFFEC00  }
0x551: {  	_ =	swait.ge [sflag:s25], $0x1400  }
0x552: {  	s6 =	sld [smem:$0x7C3]  }
0x553: {  	[sflag:s25] =	ssyncset.done $0x0  }
0x554: {  	s20 =	sld [smem:$0x7C4];
	[sflag:s25] =	ssyncadd.s32 $0xFFFFEC00  }
0x555: {  	[spmem:s3] =	stream.indirect.scatter.add.f32 [tilespmem:s22], [sflag:$0xD], $0x40, s6, s17, $0xb8;
	[tilespmem:$0x1FB40] =	vst v63  }
0x556: {  	s4 =	sld [smem:$0x7C5]  }
0x557: {  	[spmem:s3] =	stream.indirect.scatter.add.f32 [tilespmem:s23], [sflag:$0xE], $0x40, s20, s17, $0xb8;
	[tilespmem:$0x1FB40] =	vst v63  }
0x558: {  	s20 =	sld [smem:$0x7C6]  }
0x559: {  	[spmem:s3] =	stream.indirect.scatter.add.f32 [tilespmem:s24], [sflag:$0xF], $0x40, s4, s17, $0xb8;
	[tilespmem:$0x1FB40] =	vst v63  }
0x55a: {  	_ = 	snop  }
0x55b: {  	[spmem:s3] =	stream.indirect.scatter.add.f32 [tilespmem:s18], [sflag:$0x10], $0x40, s20, s17, $0xb8;
	[tilespmem:$0x1FB40] =	vst v63  }
0x55c: {  	_ =	swait.ge [sflag:s9], $0x1400  }
0x55d: {  	[sflag:s9] =	ssyncset.done $0x0  }
0x55e: {  	[sflag:s9] =	ssyncadd.s32 $0xFFFFEC00  }
0x55f: {  	_ =	swait.ge [sflag:s10], $0x1400  }
0x560: {  	[sflag:s10] =	ssyncset.done $0x0  }
0x561: {  	[sflag:s10] =	ssyncadd.s32 $0xFFFFEC00  }
0x562: {  	_ =	swait.ge [sflag:s15], $0x1400  }
0x563: {  	[sflag:s15] =	ssyncset.done $0x0  }
0x564: {  	[sflag:s15] =	ssyncadd.s32 $0xFFFFEC00  }
0x565: {  	_ =	swait.ge [sflag:s13], $0x1400  }
0x566: {  	s6 =	sld [smem:$0x7C7]  }
0x567: {  	[sflag:s13] =	ssyncset.done $0x0  }
0x568: {  	s20 =	sld [smem:$0x7C8];
	[sflag:s13] =	ssyncadd.s32 $0xFFFFEC00  }
0x569: {  	[tilespmem:s22], [sflag:$0x5] =	stream.indirect.gather [spmem:s2], $0x40, s6, s17, $0xb8;
	[tilespmem:$0x1FB40] =	vst v63  }
0x56a: {  	s4 =	sld [smem:$0x7C9]  }
0x56b: {  	[tilespmem:s23], [sflag:$0x6] =	stream.indirect.gather [spmem:s2], $0x40, s20, s17, $0xb8;
	[tilespmem:$0x1FB40] =	vst v63  }
0x56c: {  	s20 =	sld [smem:$0x7CA]  }
0x56d: {  	[tilespmem:s24], [sflag:$0x7] =	stream.indirect.gather [spmem:s2], $0x40, s4, s17, $0xb8;
	[tilespmem:$0x1FB40] =	vst v63  }
0x56e: {  	_ = 	snop  }
0x56f: {  	[tilespmem:s18], [sflag:$0x8] =	stream.indirect.gather [spmem:s2], $0x40, s20, s17, $0xb8;
	[tilespmem:$0x1FB40] =	vst v63  }
0x570: {  	_ =	swait.ge [sflag:s11], $0x1400  }
0x571: {  	[sflag:s11] =	ssyncset.done $0x0  }
0x572: {  	[sflag:s11] =	ssyncadd.s32 $0xFFFFEC00  }
0x573: {  	_ =	swait.ge [sflag:s26], $0x1400  }
0x574: {  	[sflag:s26] =	ssyncset.done $0x0  }
0x575: {  	[sflag:s26] =	ssyncadd.s32 $0xFFFFEC00  }
0x576: {  	_ =	swait.ge [sflag:s28], $0x1400  }
0x577: {  	[sflag:s28] =	ssyncset.done $0x0  }
0x578: {  	[sflag:s28] =	ssyncadd.s32 $0xFFFFEC00  }
0x579: {  	_ =	swait.ge [sflag:s29], $0x1400  }
0x57a: {  	s6 =	sld [smem:$0x7CB]  }
0x57b: {  	[sflag:s29] =	ssyncset.done $0x0  }
0x57c: {  	s20 =	sld [smem:$0x7CC];
	[sflag:s29] =	ssyncadd.s32 $0xFFFFEC00  }
0x57d: {  	[spmem:s3] =	stream.indirect.scatter.add.f32 [tilespmem:s19], [sflag:$0x9], $0x40, s6, s17, $0xb8;
	[tilespmem:$0x1FB40] =	vst v63  }
0x57e: {  	s4 =	sld [smem:$0x7CD]  }
0x57f: {  	[spmem:s3] =	stream.indirect.scatter.add.f32 [tilespmem:s12], [sflag:$0xA], $0x40, s20, s17, $0xb8;
	[tilespmem:$0x1FB40] =	vst v63  }
0x580: {  	s20 =	sld [smem:$0x7CE]  }
0x581: {  	[spmem:s3] =	stream.indirect.scatter.add.f32 [tilespmem:s14], [sflag:$0xB], $0x40, s4, s17, $0xb8;
	[tilespmem:$0x1FB40] =	vst v63  }
0x582: {  	_ = 	snop  }
0x583: {  	[spmem:s3] =	stream.indirect.scatter.add.f32 [tilespmem:s21], [sflag:$0xC], $0x40, s20, s17, $0xb8;
	[tilespmem:$0x1FB40] =	vst v63  }
0x584: {  	_ =	swait.ge [sflag:s30], $0x1400  }
0x585: {  	[sflag:s30] =	ssyncset.done $0x0  }
0x586: {  	[sflag:s30] =	ssyncadd.s32 $0xFFFFEC00  }
0x587: {  	_ =	swait.ge [sflag:s31], $0x1400  }
0x588: {  	[sflag:s31] =	ssyncset.done $0x0  }
0x589: {  	[sflag:s31] =	ssyncadd.s32 $0xFFFFEC00  }
0x58a: {  	_ =	swait.ge [sflag:s1], $0x1400  }
0x58b: {  	[sflag:s1] =	ssyncset.done $0x0  }
0x58c: {  	[sflag:s1] =	ssyncadd.s32 $0xFFFFEC00  }
0x58d: {  	_ =	swait.ge [sflag:s0], $0x1400  }
0x58e: {  	s6 =	sld [smem:$0x7CF]  }
0x58f: {  	[sflag:s0] =	ssyncset.done $0x0  }
0x590: {  	s20 =	sld [smem:$0x7D0];
	[sflag:s0] =	ssyncadd.s32 $0xFFFFEC00  }
0x591: {  	[tilespmem:s19], [sflag:$0x1] =	stream.indirect.gather [spmem:s2], $0x40, s6, s17, $0xb8;
	[tilespmem:$0x1FB40] =	vst v63  }
0x592: {  	s4 =	sld [smem:$0x7D1]  }
0x593: {  	[tilespmem:s12], [sflag:$0x2] =	stream.indirect.gather [spmem:s2], $0x40, s20, s17, $0xb8;
	[tilespmem:$0x1FB40] =	vst v63  }
0x594: {  	s20 =	sld [smem:$0x7D2]  }
0x595: {  	[tilespmem:s14], [sflag:$0x3] =	stream.indirect.gather [spmem:s2], $0x40, s4, s17, $0xb8;
	[tilespmem:$0x1FB40] =	vst v63  }
0x596: {  	_ = 	snop  }
0x597: {  	[tilespmem:s21], [sflag:$0x4] =	stream.indirect.gather [spmem:s2], $0x40, s20, s17, $0xb8;
	[tilespmem:$0x1FB40] =	vst v63  }
0x598: {  	_ =	swait.ge [sflag:s5], $0x1400  }
0x599: {  	[sflag:s5] =	ssyncset.done $0x0  }
0x59a: {  	[sflag:s5] =	ssyncadd.s32 $0xFFFFEC00  }
0x59b: {  	_ =	swait.ge [sflag:s7], $0x1400  }
0x59c: {  	[sflag:s7] =	ssyncset.done $0x0  }
0x59d: {  	[sflag:s7] =	ssyncadd.s32 $0xFFFFEC00  }
0x59e: {  	_ =	swait.ge [sflag:s8], $0x1400  }
0x59f: {  	[sflag:s8] =	ssyncset.done $0x0  }
0x5a0: {  	[sflag:s8] =	ssyncadd.s32 $0xFFFFEC00  }
0x5a1: {  	_ =	swait.ge [sflag:s25], $0x1400  }
0x5a2: {  	s6 =	sld [smem:$0x7D3]  }
0x5a3: {  	[sflag:s25] =	ssyncset.done $0x0  }
0x5a4: {  	s20 =	sld [smem:$0x7D4];
	[sflag:s25] =	ssyncadd.s32 $0xFFFFEC00  }
0x5a5: {  	[spmem:s3] =	stream.indirect.scatter.add.f32 [tilespmem:s22], [sflag:$0xD], $0x40, s6, s17, $0xb8;
	[tilespmem:$0x1FB40] =	vst v63  }
0x5a6: {  	s4 =	sld [smem:$0x7D5]  }
0x5a7: {  	[spmem:s3] =	stream.indirect.scatter.add.f32 [tilespmem:s23], [sflag:$0xE], $0x40, s20, s17, $0xb8;
	[tilespmem:$0x1FB40] =	vst v63  }
0x5a8: {  	s20 =	sld [smem:$0x7D6]  }
0x5a9: {  	[spmem:s3] =	stream.indirect.scatter.add.f32 [tilespmem:s24], [sflag:$0xF], $0x40, s4, s17, $0xb8;
	[tilespmem:$0x1FB40] =	vst v63  }
0x5aa: {  	_ = 	snop  }
0x5ab: {  	[spmem:s3] =	stream.indirect.scatter.add.f32 [tilespmem:s18], [sflag:$0x10], $0x40, s20, s17, $0xb8;
	[tilespmem:$0x1FB40] =	vst v63  }
0x5ac: {  	_ =	swait.ge [sflag:s9], $0x1400  }
0x5ad: {  	[sflag:s9] =	ssyncset.done $0x0  }
0x5ae: {  	[sflag:s9] =	ssyncadd.s32 $0xFFFFEC00  }
0x5af: {  	_ =	swait.ge [sflag:s10], $0x1400  }
0x5b0: {  	[sflag:s10] =	ssyncset.done $0x0  }
0x5b1: {  	[sflag:s10] =	ssyncadd.s32 $0xFFFFEC00  }
0x5b2: {  	_ =	swait.ge [sflag:s15], $0x1400  }
0x5b3: {  	[sflag:s15] =	ssyncset.done $0x0  }
0x5b4: {  	[sflag:s15] =	ssyncadd.s32 $0xFFFFEC00  }
0x5b5: {  	_ =	swait.ge [sflag:s13], $0x1400  }
0x5b6: {  	s6 =	sld [smem:$0x7D7]  }
0x5b7: {  	[sflag:s13] =	ssyncset.done $0x0  }
0x5b8: {  	s20 =	sld [smem:$0x7D8];
	[sflag:s13] =	ssyncadd.s32 $0xFFFFEC00  }
0x5b9: {  	[tilespmem:s22], [sflag:$0x5] =	stream.indirect.gather [spmem:s2], $0x40, s6, s17, $0xb8;
	[tilespmem:$0x1FB40] =	vst v63  }
0x5ba: {  	s4 =	sld [smem:$0x7D9]  }
0x5bb: {  	[tilespmem:s23], [sflag:$0x6] =	stream.indirect.gather [spmem:s2], $0x40, s20, s17, $0xb8;
	[tilespmem:$0x1FB40] =	vst v63  }
0x5bc: {  	s20 =	sld [smem:$0x7DA]  }
0x5bd: {  	[tilespmem:s24], [sflag:$0x7] =	stream.indirect.gather [spmem:s2], $0x40, s4, s17, $0xb8;
	[tilespmem:$0x1FB40] =	vst v63  }
0x5be: {  	_ = 	snop  }
0x5bf: {  	[tilespmem:s18], [sflag:$0x8] =	stream.indirect.gather [spmem:s2], $0x40, s20, s17, $0xb8;
	[tilespmem:$0x1FB40] =	vst v63  }
0x5c0: {  	_ =	swait.ge [sflag:s11], $0x1400  }
0x5c1: {  	[sflag:s11] =	ssyncset.done $0x0  }
0x5c2: {  	[sflag:s11] =	ssyncadd.s32 $0xFFFFEC00  }
0x5c3: {  	_ =	swait.ge [sflag:s26], $0x1400  }
0x5c4: {  	[sflag:s26] =	ssyncset.done $0x0  }
0x5c5: {  	[sflag:s26] =	ssyncadd.s32 $0xFFFFEC00  }
0x5c6: {  	_ =	swait.ge [sflag:s28], $0x1400  }
0x5c7: {  	[sflag:s28] =	ssyncset.done $0x0  }
0x5c8: {  	[sflag:s28] =	ssyncadd.s32 $0xFFFFEC00  }
0x5c9: {  	_ =	swait.ge [sflag:s29], $0x1400  }
0x5ca: {  	s6 =	sld [smem:$0x7DB]  }
0x5cb: {  	[sflag:s29] =	ssyncset.done $0x0  }
0x5cc: {  	s20 =	sld [smem:$0x7DC];
	[sflag:s29] =	ssyncadd.s32 $0xFFFFEC00  }
0x5cd: {  	[spmem:s3] =	stream.indirect.scatter.add.f32 [tilespmem:s19], [sflag:$0x9], $0x40, s6, s17, $0xb8;
	[tilespmem:$0x1FB40] =	vst v63  }
0x5ce: {  	s4 =	sld [smem:$0x7DD]  }
0x5cf: {  	[spmem:s3] =	stream.indirect.scatter.add.f32 [tilespmem:s12], [sflag:$0xA], $0x40, s20, s17, $0xb8;
	[tilespmem:$0x1FB40] =	vst v63  }
0x5d0: {  	s20 =	sld [smem:$0x7DE]  }
0x5d1: {  	[spmem:s3] =	stream.indirect.scatter.add.f32 [tilespmem:s14], [sflag:$0xB], $0x40, s4, s17, $0xb8;
	[tilespmem:$0x1FB40] =	vst v63  }
0x5d2: {  	_ = 	snop  }
0x5d3: {  	[spmem:s3] =	stream.indirect.scatter.add.f32 [tilespmem:s21], [sflag:$0xC], $0x40, s20, s17, $0xb8;
	[tilespmem:$0x1FB40] =	vst v63  }
0x5d4: {  	_ =	swait.ge [sflag:s30], $0x1400  }
0x5d5: {  	[sflag:s30] =	ssyncset.done $0x0  }
0x5d6: {  	[sflag:s30] =	ssyncadd.s32 $0xFFFFEC00  }
0x5d7: {  	_ =	swait.ge [sflag:s31], $0x1400  }
0x5d8: {  	[sflag:s31] =	ssyncset.done $0x0  }
0x5d9: {  	[sflag:s31] =	ssyncadd.s32 $0xFFFFEC00  }
0x5da: {  	_ =	swait.ge [sflag:s1], $0x1400  }
0x5db: {  	[sflag:s1] =	ssyncset.done $0x0  }
0x5dc: {  	[sflag:s1] =	ssyncadd.s32 $0xFFFFEC00  }
0x5dd: {  	_ =	swait.ge [sflag:s0], $0x1400  }
0x5de: {  	s6 =	sld [smem:$0x7DF]  }
0x5df: {  	[sflag:s0] =	ssyncset.done $0x0  }
0x5e0: {  	s20 =	sld [smem:$0x7E0];
	[sflag:s0] =	ssyncadd.s32 $0xFFFFEC00  }
0x5e1: {  	[tilespmem:s19], [sflag:$0x1] =	stream.indirect.gather [spmem:s2], $0x40, s6, s17, $0xb8;
	[tilespmem:$0x1FB40] =	vst v63  }
0x5e2: {  	s4 =	sld [smem:$0x7E2]  }
0x5e3: {  	[tilespmem:s12], [sflag:$0x2] =	stream.indirect.gather [spmem:s2], $0x40, s20, s17, $0xb8;
	[tilespmem:$0x1FB40] =	vst v63  }
0x5e4: {  	s20 =	sld [smem:$0x7E3]  }
0x5e5: {  	[tilespmem:s14], [sflag:$0x3] =	stream.indirect.gather [spmem:s2], $0x40, s4, s17, $0xb8;
	[tilespmem:$0x1FB40] =	vst v63  }
0x5e6: {  	_ = 	snop  }
0x5e7: {  	[tilespmem:s21], [sflag:$0x4] =	stream.indirect.gather [spmem:s2], $0x40, s20, s17, $0xb8;
	[tilespmem:$0x1FB40] =	vst v63  }
0x5e8: {  	_ =	swait.ge [sflag:s5], $0x1400  }
0x5e9: {  	[sflag:s5] =	ssyncset.done $0x0  }
0x5ea: {  	[sflag:s5] =	ssyncadd.s32 $0xFFFFEC00  }
0x5eb: {  	_ =	swait.ge [sflag:s7], $0x1400  }
0x5ec: {  	[sflag:s7] =	ssyncset.done $0x0  }
0x5ed: {  	[sflag:s7] =	ssyncadd.s32 $0xFFFFEC00  }
0x5ee: {  	_ =	swait.ge [sflag:s8], $0x1400  }
0x5ef: {  	[sflag:s8] =	ssyncset.done $0x0  }
0x5f0: {  	[sflag:s8] =	ssyncadd.s32 $0xFFFFEC00  }
0x5f1: {  	_ =	swait.ge [sflag:s25], $0x1400  }
0x5f2: {  	s6 =	sld [smem:$0x7E4]  }
0x5f3: {  	[sflag:s25] =	ssyncset.done $0x0  }
0x5f4: {  	s20 =	sld [smem:$0x7E5];
	[sflag:s25] =	ssyncadd.s32 $0xFFFFEC00  }
0x5f5: {  	[spmem:s3] =	stream.indirect.scatter.add.f32 [tilespmem:s22], [sflag:$0xD], $0x40, s6, s17, $0xb8;
	[tilespmem:$0x1FB40] =	vst v63  }
0x5f6: {  	s4 =	sld [smem:$0x7E6]  }
0x5f7: {  	[spmem:s3] =	stream.indirect.scatter.add.f32 [tilespmem:s23], [sflag:$0xE], $0x40, s20, s17, $0xb8;
	[tilespmem:$0x1FB40] =	vst v63  }
0x5f8: {  	s20 =	sld [smem:$0x7E8]  }
0x5f9: {  	[spmem:s3] =	stream.indirect.scatter.add.f32 [tilespmem:s24], [sflag:$0xF], $0x40, s4, s17, $0xb8;
	[tilespmem:$0x1FB40] =	vst v63  }
0x5fa: {  	_ = 	snop  }
0x5fb: {  	[spmem:s3] =	stream.indirect.scatter.add.f32 [tilespmem:s18], [sflag:$0x10], $0x40, s20, s17, $0xb8;
	[tilespmem:$0x1FB40] =	vst v63  }
0x5fc: {  	_ =	swait.ge [sflag:s9], $0x1400  }
0x5fd: {  	[sflag:s9] =	ssyncset.done $0x0  }
0x5fe: {  	[sflag:s9] =	ssyncadd.s32 $0xFFFFEC00  }
0x5ff: {  	_ =	swait.ge [sflag:s10], $0x1400  }
0x600: {  	[sflag:s10] =	ssyncset.done $0x0  }
0x601: {  	[sflag:s10] =	ssyncadd.s32 $0xFFFFEC00  }
0x602: {  	_ =	swait.ge [sflag:s15], $0x1400  }
0x603: {  	[sflag:s15] =	ssyncset.done $0x0  }
0x604: {  	[sflag:s15] =	ssyncadd.s32 $0xFFFFEC00  }
0x605: {  	_ =	swait.ge [sflag:s13], $0x1400  }
0x606: {  	s6 =	sld [smem:$0x7EA]  }
0x607: {  	[sflag:s13] =	ssyncset.done $0x0  }
0x608: {  	s20 =	sld [smem:$0x7EC];
	[sflag:s13] =	ssyncadd.s32 $0xFFFFEC00  }
0x609: {  	[tilespmem:s22], [sflag:$0x5] =	stream.indirect.gather [spmem:s2], $0x40, s6, s17, $0xb8;
	[tilespmem:$0x1FB40] =	vst v63  }
0x60a: {  	s4 =	sld [smem:$0x7EE]  }
0x60b: {  	[tilespmem:s23], [sflag:$0x6] =	stream.indirect.gather [spmem:s2], $0x40, s20, s17, $0xb8;
	[tilespmem:$0x1FB40] =	vst v63  }
0x60c: {  	s20 =	sld [smem:$0x7EF]  }
0x60d: {  	[tilespmem:s24], [sflag:$0x7] =	stream.indirect.gather [spmem:s2], $0x40, s4, s17, $0xb8;
	[tilespmem:$0x1FB40] =	vst v63  }
0x60e: {  	_ = 	snop  }
0x60f: {  	[tilespmem:s18], [sflag:$0x8] =	stream.indirect.gather [spmem:s2], $0x40, s20, s17, $0xb8;
	[tilespmem:$0x1FB40] =	vst v63  }
0x610: {  	_ =	swait.ge [sflag:s11], $0x1400  }
0x611: {  	[sflag:s11] =	ssyncset.done $0x0  }
0x612: {  	[sflag:s11] =	ssyncadd.s32 $0xFFFFEC00  }
0x613: {  	_ =	swait.ge [sflag:s26], $0x1400  }
0x614: {  	[sflag:s26] =	ssyncset.done $0x0  }
0x615: {  	[sflag:s26] =	ssyncadd.s32 $0xFFFFEC00  }
0x616: {  	_ =	swait.ge [sflag:s28], $0x1400  }
0x617: {  	[sflag:s28] =	ssyncset.done $0x0  }
0x618: {  	[sflag:s28] =	ssyncadd.s32 $0xFFFFEC00  }
0x619: {  	_ =	swait.ge [sflag:s29], $0x1400  }
0x61a: {  	s6 =	sld [smem:$0x7F0]  }
0x61b: {  	[sflag:s29] =	ssyncset.done $0x0  }
0x61c: {  	s20 =	sld [smem:$0x7F1];
	[sflag:s29] =	ssyncadd.s32 $0xFFFFEC00  }
0x61d: {  	[spmem:s3] =	stream.indirect.scatter.add.f32 [tilespmem:s19], [sflag:$0x9], $0x40, s6, s17, $0xb8;
	[tilespmem:$0x1FB40] =	vst v63  }
0x61e: {  	s4 =	sld [smem:$0x7F2]  }
0x61f: {  	[spmem:s3] =	stream.indirect.scatter.add.f32 [tilespmem:s12], [sflag:$0xA], $0x40, s20, s17, $0xb8;
	[tilespmem:$0x1FB40] =	vst v63  }
0x620: {  	s20 =	sld [smem:$0x7F3]  }
0x621: {  	[spmem:s3] =	stream.indirect.scatter.add.f32 [tilespmem:s14], [sflag:$0xB], $0x40, s4, s17, $0xb8;
	[tilespmem:$0x1FB40] =	vst v63  }
0x622: {  	_ = 	snop  }
0x623: {  	[spmem:s3] =	stream.indirect.scatter.add.f32 [tilespmem:s21], [sflag:$0xC], $0x40, s20, s17, $0xb8;
	[tilespmem:$0x1FB40] =	vst v63  }
0x624: {  	_ =	swait.ge [sflag:s30], $0x1400  }
0x625: {  	[sflag:s30] =	ssyncset.done $0x0  }
0x626: {  	[sflag:s30] =	ssyncadd.s32 $0xFFFFEC00  }
0x627: {  	_ =	swait.ge [sflag:s31], $0x1400  }
0x628: {  	[sflag:s31] =	ssyncset.done $0x0  }
0x629: {  	[sflag:s31] =	ssyncadd.s32 $0xFFFFEC00  }
0x62a: {  	_ =	swait.ge [sflag:s1], $0x1400  }
0x62b: {  	[sflag:s1] =	ssyncset.done $0x0  }
0x62c: {  	[sflag:s1] =	ssyncadd.s32 $0xFFFFEC00  }
0x62d: {  	_ =	swait.ge [sflag:s0], $0x1400  }
0x62e: {  	s6 =	sld [smem:$0x7F4]  }
0x62f: {  	[sflag:s0] =	ssyncset.done $0x0  }
0x630: {  	s14 =	sld [smem:$0x7F5];
	[sflag:s0] =	ssyncadd.s32 $0xFFFFEC00  }
0x631: {  	[tilespmem:s19], [sflag:$0x1] =	stream.indirect.gather [spmem:s2], $0x40, s6, s17, $0xb8;
	[tilespmem:$0x1FB40] =	vst v63  }
0x632: {  	_ = 	snop  }
0x633: {  	[tilespmem:s12], [sflag:$0x2] =	stream.indirect.gather [spmem:s2], $0x40, s14, s17, $0xb8;
	[tilespmem:$0x1FB40] =	vst v63  }
0x634: {  	_ =	swait.ge [sflag:s5], $0x1400  }
0x635: {  	[sflag:s5] =	ssyncset.done $0x0  }
0x636: {  	[sflag:s5] =	ssyncadd.s32 $0xFFFFEC00  }
0x637: {  	_ =	swait.ge [sflag:s7], $0x1400  }
0x638: {  	[sflag:s7] =	ssyncset.done $0x0  }
0x639: {  	[sflag:s7] =	ssyncadd.s32 $0xFFFFEC00  }
0x63a: {  	_ =	swait.ge [sflag:s8], $0x1400  }
0x63b: {  	[sflag:s8] =	ssyncset.done $0x0  }
0x63c: {  	[sflag:s8] =	ssyncadd.s32 $0xFFFFEC00  }
0x63d: {  	_ =	swait.ge [sflag:s25], $0x1400  }
0x63e: {  	s20 =	sld [smem:$0x7F6]  }
0x63f: {  	[sflag:s25] =	ssyncset.done $0x0  }
0x640: {  	s21 =	sld [smem:$0x7F7];
	[sflag:s25] =	ssyncadd.s32 $0xFFFFEC00  }
0x641: {  	[spmem:s3] =	stream.indirect.scatter.add.f32 [tilespmem:s22], [sflag:$0xD], $0x40, s20, s17, $0xb8;
	[tilespmem:$0x1FB40] =	vst v63  }
0x642: {  	s14 =	sld [smem:$0x7F8]  }
0x643: {  	[spmem:s3] =	stream.indirect.scatter.add.f32 [tilespmem:s23], [sflag:$0xE], $0x40, s21, s17, $0xb8;
	[tilespmem:$0x1FB40] =	vst v63  }
0x644: {  	s20 =	sld [smem:$0x7F9]  }
0x645: {  	[spmem:s3] =	stream.indirect.scatter.add.f32 [tilespmem:s24], [sflag:$0xF], $0x40, s14, s17, $0xb8;
	[tilespmem:$0x1FB40] =	vst v63  }
0x646: {  	_ = 	snop  }
0x647: {  	[spmem:s3] =	stream.indirect.scatter.add.f32 [tilespmem:s18], [sflag:$0x10], $0x40, s20, s17, $0xb8;
	[tilespmem:$0x1FB40] =	vst v63  }
0x648: {  	_ =	swait.ge [sflag:s9], $0x1400  }
0x649: {  	[sflag:s9] =	ssyncset.done $0x0  }
0x64a: {  	[sflag:s9] =	ssyncadd.s32 $0xFFFFEC00  }
0x64b: {  	_ =	swait.ge [sflag:s10], $0x1400  }
0x64c: {  	[sflag:s10] =	ssyncset.done $0x0  }
0x64d: {  	[sflag:s10] =	ssyncadd.s32 $0xFFFFEC00  }
0x64e: {  	_ =	swait.ge [sflag:s15], $0x1400  }
0x64f: {  	[sflag:s15] =	ssyncset.done $0x0  }
0x650: {  	[sflag:s15] =	ssyncadd.s32 $0xFFFFEC00  }
0x651: {  	_ =	swait.ge [sflag:s13], $0x1400  }
0x652: {  	[sflag:s13] =	ssyncset.done $0x0  }
0x653: {  	[sflag:s13] =	ssyncadd.s32 $0xFFFFEC00  }
0x654: {  	_ =	swait.ge [sflag:s11], $0x1400  }
0x655: {  	[sflag:s11] =	ssyncset.done $0x0  }
0x656: {  	[sflag:s11] =	ssyncadd.s32 $0xFFFFEC00  }
0x657: {  	_ =	swait.ge [sflag:s26], $0x1400  }
0x658: {  	s21 =	sld [smem:$0x7FA]  }
0x659: {  	[sflag:s26] =	ssyncset.done $0x0  }
0x65a: {  	s22 =	sld [smem:$0x7FB];
	[sflag:s26] =	ssyncadd.s32 $0xFFFFEC00  }
0x65b: {  	[spmem:s3] =	stream.indirect.scatter.add.f32 [tilespmem:s19], [sflag:$0x9], $0x40, s21, s17, $0xb8;
	[tilespmem:$0x1FB40] =	vst v63  }
0x65c: {  	_ = 	snop  }
0x65d: {  	[spmem:s3] =	stream.indirect.scatter.add.f32 [tilespmem:s12], [sflag:$0xA], $0x40, s22, s17, $0xb8;
	[tilespmem:$0x1FB40] =	vst v63  }
0x65e: {  	_ =	swait.ge [sflag:s30], $0x1400  }
0x65f: {  	[sflag:s30] =	ssyncset.done $0x0  }
0x660: {  	[sflag:s30] =	ssyncadd.s32 $0xFFFFEC00  }
0x661: {  	_ =	swait.ge [sflag:s31], $0x1400  }
0x662: {  	[sflag:s31] =	ssyncset.done $0x0  }
0x663: {  	[sflag:s31] =	ssyncadd.s32 $0xFFFFEC00  }
0x664: {  	[bflag:$0x0] =	sbarrier.arrive $0xFFFF  }
0x665: {  	s14 =	sld [smem:$0x7FC]  }
0x666: {  	s23 =	sld [smem:$0x7E9]  }
0x667: {  	s20 =	sld [smem:$0x7FD];
	_ =	sdelay $0x2  }
0x668: {  	[hbm:s23@s13], [sflag:s14] =	dma.strided [spmem:s20@s25], $0x13C0, s11, $0x8   }
0x669: {  	_ =	swait.ge [sflag:s16], $0x13C0  }
0x66a: {  	s24 =	sld [smem:$0x7AD]  }
0x66b: {  	s25 =	sld [smem:$0x7EB];
	_ =	sdelay $0x1  }
0x66c: {  	s6 =	sadd.s32 $0x1, s24  }
0x66d: {  	p0 =	sne.s32 s6, s25  }
.Ltmp1:
0x66e: {  	_ = 	snop;
	(pc) =	sbr.rel @p0 .LBB2_1-.Ltmp1, $3  }
0x66f: {  	_ =	sdelay $0x1  }
0x670: {  	[sflag:s16] =	ssyncset.done $0x0  }
0x671: {  	[sflag:s16] =	ssyncadd.s32 $0xFFFFEC40  }
0x672: {  	_ =	sfence.sel $0x180000  }
0x673: {  	[bflag:$0x0] =	sbarrier.arrive $0xFFFF  }
0x674: {  	_ =	strace $0x9000004A  }
0x675: {  	s0 =	stileid.u32;
	[bflag:$0x2] =	sbarrier.arrive $0xFFFF  }
0x676: {  	p0 =	sne.s32 s0, $0x0;
	s0 =	rddreg [dreg:$0x5]  }
0x677: {  	s0 =	sadd.s32 @!p0 $0x100000, s0  }
0x678: {  	[sflag:s0] =	ssyncadd.tile.s32 @!p0 $0x1;
	_ =	shalt  }
.Lfunc_end2:
_tile_overlayer_lowered:
.L_overlay_start_2:
0x679: {  	(tag) =	ssettag $0x2  }
0x67a: {  	s0 =	rddreg [dreg:$0x0];
	s2 =	stileid.u32  }
0x67b: {  	s1 =	rddreg [dreg:$0x1];
	p0 =	sne.s32 s2, $0x0  }
0x67c: {  	s3 =	rddreg [dreg:$0x2];
	[bflag:$0x3] =	sbarrier.arrive $0xFFFF;
	s2 =	simm.s32 @!p0 $0x1C11  }
0x67d: {  	[timem:s3], [sflag:s2] =	dma.local @!p0 [hbm:s0], s1  }
0x67e: {  	s0 =	simm.s32 @!p0 $0x11  }
0x67f: {  	_ =	swait.ge @!p0 [sflag:s0], s1  }
0x680: {  	s1 =	ssub.s32 @!p0 $0x0, s1;
	[sflag:s0] =	ssyncset.done @!p0 $0x0  }
0x681: {  	[sflag:s0] =	ssyncadd.s32 @!p0 s1  }
0x682: {  	[bflag:$0x3] =	sbarrier.arrive $0xFFFF  }
0x683: {  	_ =	shalt  }

</sc_bundles>
